<compile_context>
chip_gen: v7x
topology: tpu7x:2x2x1
jax: 0.10.2.dev20260603
libtpu: 0.0.44.dev20260713+nightly
codegen_flags: <defaults>
</compile_context>

<pallas_src>
import functools

import jax
import jax.numpy as jnp
from jax import lax
from jax.experimental import pallas as pl
from jax.experimental.pallas import tpu as pltpu
from jax.experimental.pallas import tpu_sc as plsc

N = 10000
E = 320000
TWO_E = 2 * E
H = 128
SCH = 1024
NSC = TWO_E // SCH
TE = 1024

_BASE = 624


def _tile_start(s):
    return 8 * (78 * s + jnp.minimum(s, 2))


def _mesh():
    return plsc.VectorSubcoreMesh(
        core_axis_name="c", subcore_axis_name="s",
        num_cores=2, num_subcores=16)

_F32 = jnp.float32


def _mm(x, w):
    return lax.dot_general(x, w, (((1,), (0,)), ((), ())),
                           preferred_element_type=_F32)


def _mmT(x, y):
    return lax.dot_general(x, y, (((0,), (0,)), ((), ())),
                           preferred_element_type=_F32)


def _sc_main(nid2, pnid2, er, nr):
    out_type = (
        jax.ShapeDtypeStruct((TWO_E, H), _F32),
        jax.ShapeDtypeStruct((N, H), _F32),
        jax.ShapeDtypeStruct((N, H), _F32),
        jax.ShapeDtypeStruct((N, H), _F32),
    )
    scratch = [
        pltpu.VMEM((8, 128), jnp.int32),
        pltpu.VMEM((8, 128), jnp.int32),
        pltpu.VMEM((256, H), _F32),
        pltpu.VMEM_SHARED((N, H), _F32),
        pltpu.SemaphoreType.DMA,
    ]

    @functools.partial(pl.kernel, out_type=out_type, mesh=_mesh(),
                       scratch_types=scratch)
    def k(nid_h, pnid_h, er_h, nr_h, p_h, es_h, ns_h, deg_h,
          idx_v, pidx_v, buf_v, acc_sh, sem):
        c = lax.axis_index("c")
        s = lax.axis_index("s")
        zeros16 = jnp.zeros((16,), _F32)
        ones16 = jnp.ones((16,), _F32)
        start = _tile_start(s)
        nck = jnp.where(s < 1, NSC // 16 + 1, NSC // 16)

        def fill_buf(val16, nrows):
            def frow(r, _):
                for l in range(H // 16):
                    buf_v[r, pl.ds(l * 16, 16)] = val16
                return 0
            lax.fori_loop(0, nrows, frow, 0)

        def zero_acc():
            pltpu.sync_copy(buf_v, acc_sh.at[pl.ds(start, 256)])
            pltpu.sync_copy(buf_v, acc_sh.at[pl.ds(start + 256, 256)])
            pltpu.sync_copy(buf_v.at[pl.ds(0, _BASE - 512)],
                            acc_sh.at[pl.ds(start + 512, _BASE - 512)])

            @pl.when(s < 2)
            def _():
                pltpu.sync_copy(buf_v.at[pl.ds(0, 8)],
                                acc_sh.at[pl.ds(start + _BASE, 8)])

        def copy_acc_out(dst_h):
            pltpu.sync_copy(acc_sh.at[pl.ds(start, _BASE)],
                            dst_h.at[pl.ds(start, _BASE)])

            @pl.when(s < 2)
            def _():
                pltpu.sync_copy(acc_sh.at[pl.ds(start + _BASE, 8)],
                                dst_h.at[pl.ds(start + _BASE, 8)])

        fill_buf(zeros16, 256)
        zero_acc()

        @pl.when(c == 0)
        def _():
            plsc.subcore_barrier()
            fill_buf(ones16, 128)

            def dchunk(kk, _):
                sc = s + kk * 16
                pltpu.sync_copy(nid_h.at[pl.ds(sc * 8, 8)], idx_v)
                for j in range(8):
                    pltpu.sync_copy(buf_v.at[pl.ds(0, 128)],
                                    acc_sh.at[idx_v.at[j]], add=True)
                return 0

            lax.fori_loop(0, nck, dchunk, 0)
            plsc.subcore_barrier()
            copy_acc_out(deg_h)
            fill_buf(zeros16, 128)
            plsc.subcore_barrier()
            zero_acc()

        plsc.subcore_barrier()

        def chunk(kk, _):
            sc = s + kk * 16
            g0 = sc * 8
            pltpu.sync_copy(nid_h.at[pl.ds(g0, 8)], idx_v)

            @pl.when(c == 0)
            def _():
                for q in range(4):
                    row0 = sc * SCH + q * 256
                    pltpu.sync_copy(er_h.at[pl.ds(row0, 256)], buf_v)
                    for j in range(2):
                        pltpu.sync_copy(
                            buf_v.at[pl.ds(j * 128, 128)],
                            acc_sh.at[idx_v.at[q * 2 + j]], add=True)

            @pl.when(c == 1)
            def _():
                pltpu.sync_copy(pnid_h.at[pl.ds(g0, 8)], pidx_v)
                for q in range(4):
                    row0 = sc * SCH + q * 256
                    d0 = pltpu.async_copy(nr_h.at[pidx_v.at[q * 2]],
                                          buf_v.at[pl.ds(0, 128)], sem)
                    d1 = pltpu.async_copy(nr_h.at[pidx_v.at[q * 2 + 1]],
                                          buf_v.at[pl.ds(128, 128)], sem)
                    d0.wait()
                    d1.wait()
                    pltpu.sync_copy(buf_v, p_h.at[pl.ds(row0, 256)])
                    for j in range(2):
                        pltpu.sync_copy(
                            buf_v.at[pl.ds(j * 128, 128)],
                            acc_sh.at[idx_v.at[q * 2 + j]], add=True)
            return 0

        lax.fori_loop(0, nck, chunk, 0)
        plsc.subcore_barrier()

        @pl.when(c == 0)
        def _():
            copy_acc_out(es_h)

        @pl.when(c == 1)
        def _():
            copy_acc_out(ns_h)

    return k(nid2, pnid2, er, nr)


def _sc_aux(nid2, s_tbl):
    out_type = jax.ShapeDtypeStruct((TWO_E, H), _F32)
    scratch = [
        pltpu.VMEM((8, 128), jnp.int32),
        pltpu.VMEM((256, H), _F32),
        pltpu.SemaphoreType.DMA,
    ]

    @functools.partial(pl.kernel, out_type=out_type, mesh=_mesh(),
                       scratch_types=scratch)
    def k(nid_h, s_h, sa_h, idx_v, ebuf_v, sem):
        c = lax.axis_index("c")
        s = lax.axis_index("s")
        wid = c * 16 + s

        nck = jnp.where(wid < NSC - 32 * (NSC // 32), NSC // 32 + 1,
                        NSC // 32)

        def chunk(kk, _):
            sc = wid + kk * 32
            g0 = sc * 8
            pltpu.sync_copy(nid_h.at[pl.ds(g0, 8)], idx_v)
            for q in range(4):
                row0 = sc * SCH + q * 256
                d0 = pltpu.async_copy(s_h.at[idx_v.at[q * 2]],
                                      ebuf_v.at[pl.ds(0, 128)], sem)
                d1 = pltpu.async_copy(s_h.at[idx_v.at[q * 2 + 1]],
                                      ebuf_v.at[pl.ds(128, 128)], sem)
                d0.wait()
                d1.wait()
                pltpu.sync_copy(ebuf_v, sa_h.at[pl.ds(row0, 256)])
            return 0

        lax.fori_loop(0, nck, chunk, 0)

    return k(nid2, s_tbl)


def _ks_body(nr_ref, degn_ref, s_ref):
    s_ref[...] = degn_ref[...] * nr_ref[...]


def _ks(nr, degn):
    return pl.pallas_call(
        _ks_body,
        out_shape=jax.ShapeDtypeStruct((N, H), _F32),
    )(nr, degn)


def _k0_body(er_ref, p_ref, c11_ref, c13_ref):
    i = pl.program_id(0)
    er = er_ref[...]
    c11 = _mmT(er, er)
    c13 = _mmT(er, p_ref[...])

    @pl.when(i == 0)
    def _():
        c11_ref[...] = c11
        c13_ref[...] = c13

    @pl.when(i != 0)
    def _():
        c11_ref[...] += c11
        c13_ref[...] += c13


def _k0(er, p):
    return pl.pallas_call(
        _k0_body,
        grid=(TWO_E // TE,),
        in_specs=[pl.BlockSpec((TE, H), lambda i: (i, 0)),
                  pl.BlockSpec((TE, H), lambda i: (i, 0))],
        out_specs=[pl.BlockSpec((H, H), lambda i: (0, 0)),
                   pl.BlockSpec((H, H), lambda i: (0, 0))],
        out_shape=[jax.ShapeDtypeStruct((H, H), _F32),
                   jax.ShapeDtypeStruct((H, H), _F32)],
    )(er, p)


def _k1_body(c11_ref, c13_ref, es_ref, ns_ref, nr_ref, degn_ref,
             wa_ref, wb_ref, wc_ref, g1_ref, b1_ref,
             scale1_ref, shift1_ref):
    deg = degn_ref[...]
    nr = nr_ref[...]
    es = es_ref[...]
    ns = ns_ref[...]
    d1nr = deg * nr
    d2nr = deg * d1nr
    n = jnp.float32(TWO_E)

    wa = wa_ref[...]
    wb = wb_ref[...]
    wc = wc_ref[...]

    ey_es = jnp.sum(es, axis=0, keepdims=True)
    ey_d2 = jnp.sum(d2nr, axis=0, keepdims=True)
    ey_d1 = jnp.sum(d1nr, axis=0, keepdims=True)
    mu1 = (_mm(ey_es, wa) + _mm(ey_d2, wb) + _mm(ey_d1, wc)) / n

    u11 = c11_ref[...]
    u13 = c13_ref[...]
    u12 = _mmT(deg * es, nr)
    u22 = _mmT(deg * d2nr, nr)
    u23 = _mmT(d1nr, ns)
    u33 = _mmT(d1nr, nr)

    mt = _mm(u11, wa) + _mm(u12, wb) + _mm(u13, wc)
    mm_ = _mmT(u12, wa) + _mm(u22, wb) + _mm(u23, wc)
    mb = _mmT(u13, wa) + _mmT(u23, wb) + _mm(u33, wc)
    eh2 = (jnp.sum(wa * mt, axis=0, keepdims=True)
           + jnp.sum(wb * mm_, axis=0, keepdims=True)
           + jnp.sum(wc * mb, axis=0, keepdims=True)) / n

    var1 = eh2 - mu1 * mu1
    isig = lax.rsqrt(var1 + 1e-5)
    g1 = g1_ref[...]
    scale1_ref[...] = isig * g1
    shift1_ref[...] = b1_ref[...] - mu1 * isig * g1


def _k1(c11, c13, es, ns, nr, degn, wa, wb, wc, g1, b1):
    return pl.pallas_call(
        _k1_body,
        out_shape=[jax.ShapeDtypeStruct((1, 2 * H), _F32),
                   jax.ShapeDtypeStruct((1, 2 * H), _F32)],
    )(c11, c13, es, ns, nr, degn, wa, wb, wc, g1, b1)


def _k2_body(er_ref, sa_ref, p_ref, sc1_ref, sh1_ref,
             wa_ref, wb_ref, wc_ref, w2_ref,
             h2_ref, s2_ref, q2_ref):
    i = pl.program_id(0)
    h1 = (_mm(er_ref[...], wa_ref[...]) + _mm(sa_ref[...], wb_ref[...])
          + _mm(p_ref[...], wc_ref[...]))
    x = jnp.maximum(h1 * sc1_ref[...] + sh1_ref[...], 0.0)
    h2 = _mm(x, w2_ref[...])
    h2_ref[...] = h2.astype(jnp.bfloat16)

    se = jnp.sum(h2, axis=0, keepdims=True)
    qe = jnp.sum(h2 * h2, axis=0, keepdims=True)

    @pl.when(i == 0)
    def _():
        s2_ref[...] = se
        q2_ref[...] = qe

    @pl.when(i != 0)
    def _():
        s2_ref[...] += se
        q2_ref[...] += qe


def _k2(er, sa, p, scale1, shift1, wa, wb, wc, w2):
    full = lambda r, c: pl.BlockSpec((r, c), lambda i: (0, 0))
    row = lambda: pl.BlockSpec((TE, H), lambda i: (i, 0))
    return pl.pallas_call(
        _k2_body,
        grid=(TWO_E // TE,),
        in_specs=[row(), row(), row(),
                  full(1, 2 * H), full(1, 2 * H),
                  full(H, 2 * H), full(H, 2 * H), full(H, 2 * H),
                  full(2 * H, H)],
        out_specs=[pl.BlockSpec((TE, H), lambda i: (i, 0)),
                   pl.BlockSpec((1, H), lambda i: (0, 0)),
                   pl.BlockSpec((1, H), lambda i: (0, 0))],
        out_shape=[jax.ShapeDtypeStruct((TWO_E, H), jnp.bfloat16),
                   jax.ShapeDtypeStruct((1, H), _F32),
                   jax.ShapeDtypeStruct((1, H), _F32)],
    )(er, sa, p, scale1, shift1, wa, wb, wc, w2)


def _k3_body(h2_ref, s2_ref, q2_ref, g2_ref, b2_ref, out_ref):
    n = jnp.float32(TWO_E)
    mu = s2_ref[...] / n
    var = q2_ref[...] / n - mu * mu
    sc = lax.rsqrt(var + 1e-5) * g2_ref[...]
    sh = b2_ref[...] - mu * sc
    out_ref[...] = jnp.maximum(h2_ref[...].astype(_F32) * sc + sh, 0.0)


def _k3(h2, s2, q2, g2, b2):
    full = lambda r, c: pl.BlockSpec((r, c), lambda i: (0, 0))
    return pl.pallas_call(
        _k3_body,
        grid=(TWO_E // TE,),
        in_specs=[pl.BlockSpec((TE, H), lambda i: (i, 0)),
                  full(1, H), full(1, H), full(1, H), full(1, H)],
        out_specs=pl.BlockSpec((TE, H), lambda i: (i, 0)),
        out_shape=jax.ShapeDtypeStruct((TWO_E, H), _F32),
    )(h2, s2, q2, g2, b2)


def _k4_body(nr_ref, es_ref, ns_ref, degn_ref,
             v0_ref, v1_ref, v23_ref, v3_ref,
             g1_ref, b1_ref, w2_ref, g2_ref, b2_ref, out_ref):
    deg = degn_ref[...]
    nr = nr_ref[...]
    d2nr = deg * deg * nr
    z1 = (_mm(nr, v0_ref[...]) + _mm(es_ref[...], v1_ref[...])
          + _mm(d2nr, v23_ref[...]) + _mm(ns_ref[...], v3_ref[...]))
    m1 = jnp.mean(z1, axis=0, keepdims=True)
    v1 = jnp.mean((z1 - m1) * (z1 - m1), axis=0, keepdims=True)
    x = jnp.maximum((z1 - m1) * lax.rsqrt(v1 + 1e-5) * g1_ref[...]
                    + b1_ref[...], 0.0)
    z2 = _mm(x, w2_ref[...])
    m2 = jnp.mean(z2, axis=0, keepdims=True)
    v2 = jnp.mean((z2 - m2) * (z2 - m2), axis=0, keepdims=True)
    out_ref[...] = jnp.maximum((z2 - m2) * lax.rsqrt(v2 + 1e-5) * g2_ref[...]
                               + b2_ref[...], 0.0)


def _k4(nr, es, ns, degn, v0, v1, v23, v3, g1, b1, w2, g2, b2):
    return pl.pallas_call(
        _k4_body,
        out_shape=jax.ShapeDtypeStruct((N, H), _F32),
    )(nr, es, ns, degn, v0, v1, v23, v3, g1, b1, w2, g2, b2)


def kernel(node_rep, edge_rep, edge_index,
           node_W1, node_g1, node_b1, node_W2, node_g2, node_b2,
           edge_W1, edge_g1, edge_b1, edge_W2, edge_g2, edge_b2):
    u = edge_index[0].astype(jnp.int32)
    v = edge_index[1].astype(jnp.int32)
    nid2 = jnp.stack([u, v], axis=1).reshape(TWO_E // 128, 128)
    pnid2 = jnp.stack([v, u], axis=1).reshape(TWO_E // 128, 128)

    p_rows, es, ns, deg128 = _sc_main(nid2, pnid2, edge_rep, node_rep)
    degn = deg128[:, 0:1]
    s_tbl = _ks(node_rep, degn)
    sa_rows = _sc_aux(nid2, s_tbl)
    c11, c13 = _k0(edge_rep, p_rows)

    w1a = edge_W1[:H]
    w1bc = edge_W1[H:2 * H] + edge_W1[2 * H:]
    w1c = edge_W1[2 * H:]
    g1 = edge_g1.reshape(1, 2 * H)
    b1 = edge_b1.reshape(1, 2 * H)
    g2 = edge_g2.reshape(1, H)
    b2 = edge_b2.reshape(1, H)

    scale1, shift1 = _k1(c11, c13, es, ns, node_rep, degn,
                         w1a, w1bc, w1c, g1, b1)
    h2, s2, q2 = _k2(edge_rep, sa_rows, p_rows, scale1, shift1,
                     w1a, w1bc, w1c, edge_W2)
    edge_out = _k3(h2, s2, q2, g2, b2)

    nv0 = node_W1[:H]
    nv1 = node_W1[H:2 * H]
    nv23 = node_W1[2 * H:3 * H] + node_W1[3 * H:]
    nv3 = node_W1[3 * H:]
    node_out = _k4(node_rep, es, ns, degn, nv0, nv1, nv23, nv3,
                   node_g1.reshape(1, 2 * H), node_b1.reshape(1, 2 * H),
                   node_W2, node_g2.reshape(1, H), node_b2.reshape(1, H))
    return (node_out, edge_out)

# --- scband reference (transcript-rebuilt; emitter-appended) ---
"""Pipeline reference for scband-edge-node-50869592655557 (READ-ONLY COPY).

The authoritative reference and input builder live on the scoring server;
editing this copy changes nothing except your own understanding.
"""

import jax, jax.numpy as jnp
import numpy as np

HID = 128
N_NODES = 10000
N_EDGES = 320000

def _bn(x, g, b):
    m = jnp.mean(x, axis=0)
    v = jnp.var(x, axis=0)
    return (x - m) / jnp.sqrt(v + 1e-5) * g + b

def _mlp(x, W1, g1, b1, W2, g2, b2):
    h = jax.nn.relu(_bn(x @ W1, g1, b1))
    return jax.nn.relu(_bn(h @ W2, g2, b2))

def setup_inputs(seed: int = 0) -> dict:
    key = jax.random.key(seed)
    ks = jax.random.split(key, 12)
    h = HID
    inp = {}
    inp['node_rep'] = jax.random.normal(ks[0], (N_NODES, h), dtype=jnp.float32)
    inp['edge_rep'] = jax.random.normal(ks[1], (2 * N_EDGES, h), dtype=jnp.float32)
    inp['edge_index'] = jax.random.randint(ks[2], (2, N_EDGES), 0, N_NODES, dtype=jnp.int64 if jax.config.read('jax_enable_x64') else jnp.int32)
    # node_mlp: Linear(4h -> 2h, no bias), BN(2h), ReLU, Linear(2h -> h, no bias), BN(h), ReLU
    inp['node_W1'] = jax.random.normal(ks[3], (4 * h, 2 * h), dtype=jnp.float32) * 0.05
    inp['node_g1'] = jnp.ones((2 * h,), dtype=jnp.float32)
    inp['node_b1'] = jnp.zeros((2 * h,), dtype=jnp.float32)
    inp['node_W2'] = jax.random.normal(ks[4], (2 * h, h), dtype=jnp.float32) * 0.05
    inp['node_g2'] = jnp.ones((h,), dtype=jnp.float32)
    inp['node_b2'] = jnp.zeros((h,), dtype=jnp.float32)
    # edge_mlp: Linear(3h -> 2h, no bias), BN(2h), ReLU, Linear(2h -> h, no bias), BN(h), ReLU
    inp['edge_W1'] = jax.random.normal(ks[5], (3 * h, 2 * h), dtype=jnp.float32) * 0.05
    inp['edge_g1'] = jnp.ones((2 * h,), dtype=jnp.float32)
    inp['edge_b1'] = jnp.zeros((2 * h,), dtype=jnp.float32)
    inp['edge_W2'] = jax.random.normal(ks[6], (2 * h, h), dtype=jnp.float32) * 0.05
    inp['edge_g2'] = jnp.ones((h,), dtype=jnp.float32)
    inp['edge_b2'] = jnp.zeros((h,), dtype=jnp.float32)
    return inp

def reference(node_rep, edge_rep, edge_index, node_W1, node_g1, node_b1, node_W2, node_g2, node_b2, edge_W1, edge_g1, edge_b1, edge_W2, edge_g2, edge_b2):
    N = node_rep.shape[0]
    E = edge_index.shape[1]
    u = edge_index[0]
    v = edge_index[1]
    # order-1 edge ptensor row -> node id: rows (2e, 2e+1) carry atoms (u_e, v_e)
    nid = jnp.stack([u, v], axis=1).reshape(-1)          # [2E]
    eid = jnp.repeat(jnp.arange(E), 2)                    # [2E]
    # gather 0 -> 1 (node to edge subgraph, broadcast onto atoms)
    A = jnp.take(node_rep, nid, axis=0)                   # [2E, h]
    # gather 1 -> 1 between intersecting edge subgraphs (2 linmaps => 2h channels)
    S = jax.ops.segment_sum(A, nid, num_segments=N)       # [N, h] sum over all edge-rows at node w
    T = A[0::2] + A[1::2]                                 # [E, h] per-edge atom sum (self map2)
    block1 = jnp.take(S, nid, axis=0)                     # identity-map accumulation
    block2 = jnp.take(S, nid, axis=0) - A + jnp.take(T, eid, axis=0)  # sum-broadcast map
    node2edge = jnp.concatenate([block1, block2], axis=-1)  # [2E, 2h]
    # cat_channels(edge_rep, node2edge)
    edge_new = jnp.concatenate([edge_rep, node2edge], axis=-1)  # [2E, 3h]
    # gather 1 -> 0 (edge subgraph to trivial node subgraph)
    edge2node = jax.ops.segment_sum(edge_new, nid, num_segments=N)  # [N, 3h]
    edge_out = _mlp(edge_new, edge_W1, edge_g1, edge_b1, edge_W2, edge_g2, edge_b2)  # [2E, h]
    node_out = _mlp(jnp.concatenate([node_rep, edge2node], axis=-1), node_W1, node_g1, node_b1, node_W2, node_g2, node_b2)  # [N, h]
    return (node_out, edge_out)

if __name__ == "__main__":
    import jax
    _d = setup_inputs()
    print(jax.jit(kernel)(*tuple(_d.values())))

</pallas_src>

<mosaic_0001>
#map = affine_map<(d0, d1) -> (0, 0)>
module attributes {stable_mosaic.version = 14 : i64} {
  func.func @k(%arg0: i32, %arg1: i32, %arg2: memref<5000x128xi32, #tpu.memory_space<hbm>>, %arg3: memref<10000x128xf32, #tpu.memory_space<hbm>>, %arg4: memref<640000x128xf32, #tpu.memory_space<hbm>>, %arg5: memref<8x128xi32, #tpu.memory_space<vmem>>, %arg6: memref<256x128xf32, #tpu.memory_space<vmem>>, %arg7: memref<!tpu.dma_semaphore, #tpu.memory_space<semaphore_mem>>) attributes {dimension_semantics = [#tpu.dimension_semantics<core_parallel>, #tpu.dimension_semantics<subcore_parallel>], iteration_bounds = array<i64: 2, 16>, scalar_prefetch = 0 : i64, scratch_operands = 3 : i64, tpu.core_type = #tpu.core_type<sc_vector_subcore>, window_params = [{transform_indices = #map}, {transform_indices = #map}, {transform_indices = #map}]} {
    %mul3A = arith.constant 16 : i32
    %mul3A_0 = arith.muli %arg0, %mul3A : i32
    %add3A = arith.addi %mul3A_0, %arg1 : i32
    %lt3A = arith.constant 17 : i32
    %lt3A_1 = arith.cmpi slt, %add3A, %lt3A : i32
    %jit3A = arith.constant 20 : i32
    %jit3A_2 = arith.constant 19 : i32
    %select_n3A = arith.select %lt3A_1, %jit3A, %jit3A_2 : i32
    %while3A = arith.constant 0 : i32
    %while3A_3 = arith.constant 0 : i32
    %while3A_4 = arith.subi %select_n3A, %while3A : i32
    %while3A_5 = arith.addi %while3A, %while3A_4 : i32
    %while3A_6 = arith.constant 1 : i32
    %while3A_7 = arith.divsi %while3A_4, %while3A_6 : i32
    %while3A_8 = arith.muli %while3A_7, %while3A_6 : i32
    %while3A_9 = arith.addi %while3A, %while3A_8 : i32
    %while3A_10 = arith.constant 1 : i32
    %while3A_11 = scf.for %while3A_14 = %while3A to %while3A_9 step %while3A_10 iter_args(%while3A_15 = %while3A_3) -> (i32)  : i32 {
      %mul3A_16 = arith.constant 32 : i32
      %mul3A_17 = arith.muli %while3A_14, %mul3A_16 : i32
      %add3A_18 = arith.addi %add3A, %mul3A_17 : i32
      %mul3A_19 = arith.constant 8 : i32
      %mul3A_20 = arith.muli %add3A_18, %mul3A_19 : i32
      "tpu.region"() ({
        %run_scoped3A = tpu.sem_alloc : memref<!tpu.dma_semaphore, #tpu.memory_space<semaphore_mem>>
        %dma_start3A_196 = arith.constant 0 : i32
        %dma_start3A_197 = tpu.memref_slice %arg2[%mul3A_20, %dma_start3A_196] : memref<5000x128xi32, #tpu.memory_space<hbm>> -> memref<8x128xi32, #tpu.memory_space<hbm>>
        %dma_start3A_198 = arith.constant 0 : i32
        %dma_start3A_199 = tpu.memref_slice %arg2[%mul3A_20, %dma_start3A_198] : memref<5000x128xi32, #tpu.memory_space<hbm>> -> memref<8x128xi32, #tpu.memory_space<hbm>>
        tpu.enqueue_dma source(%dma_start3A_199 : memref<8x128xi32, #tpu.memory_space<hbm>>) target(%arg5 : memref<8x128xi32, #tpu.memory_space<vmem>>) target_semaphore(%run_scoped3A : memref<!tpu.dma_semaphore, #tpu.memory_space<semaphore_mem>>)
        %dma_wait3A_200 = arith.constant 0 : i32
        %dma_wait3A_201 = tpu.memref_slice %arg2[%mul3A_20, %dma_wait3A_200] : memref<5000x128xi32, #tpu.memory_space<hbm>> -> memref<8x128xi32, #tpu.memory_space<hbm>>
        %dma_wait3A_202 = arith.constant 0 : i32
        %dma_wait3A_203 = tpu.memref_slice %arg2[%mul3A_20, %dma_wait3A_202] : memref<5000x128xi32, #tpu.memory_space<hbm>> -> memref<8x128xi32, #tpu.memory_space<hbm>>
        tpu.wait_dma2 semaphore(%run_scoped3A : memref<!tpu.dma_semaphore, #tpu.memory_space<semaphore_mem>>) src(%dma_wait3A_203 : memref<8x128xi32, #tpu.memory_space<hbm>>) dst(%arg5 : memref<8x128xi32, #tpu.memory_space<vmem>>)
        tpu.yield
      }) : () -> ()
      %mul3A_21 = arith.constant 1024 : i32
      %mul3A_22 = arith.muli %add3A_18, %mul3A_21 : i32
      %add3A_23 = arith.constant 0 : i32
      %add3A_24 = arith.addi %mul3A_22, %add3A_23 : i32
      %dma_start3A = arith.constant 0 : i32
      %dma_start3A_25 = arith.constant 0 : i32
      %dma_start3A_26 = arith.constant 0 : i32
      %dma_start3A_27 = tpu.memref_slice %arg6[%dma_start3A_25, %dma_start3A_26] : memref<256x128xf32, #tpu.memory_space<vmem>> -> memref<128x128xf32, #tpu.memory_space<vmem>>
      %dma_start3A_28 = arith.constant 0 : i32
      %dma_start3A_29 = tpu.memref_slice %arg5[%dma_start3A, %dma_start3A_28] : memref<8x128xi32, #tpu.memory_space<vmem>> -> memref<1x128xi32, #tpu.memory_space<vmem>>
      %dma_start3A_30 = tpu.memref_squeeze %dma_start3A_29 : memref<1x128xi32, #tpu.memory_space<vmem>> -> memref<128xi32, #tpu.memory_space<vmem>>
      %dma_start3A_31 = arith.constant 0 : i32
      %dma_start3A_32 = arith.constant 0 : i32
      %dma_start3A_33 = tpu.memref_slice %arg3[%dma_start3A_31, %dma_start3A_32] : memref<10000x128xf32, #tpu.memory_space<hbm>> -> memref<10000x128xf32, #tpu.memory_space<hbm>>
      tpu.enqueue_indirect_dma source(%dma_start3A_33 : memref<10000x128xf32, #tpu.memory_space<hbm>>) target(%dma_start3A_27 : memref<128x128xf32, #tpu.memory_space<vmem>>) offsets(%dma_start3A_30 : memref<128xi32, #tpu.memory_space<vmem>>) semaphore(%arg7 : memref<!tpu.dma_semaphore, #tpu.memory_space<semaphore_mem>>)
      %dma_start3A_34 = arith.constant 1 : i32
      %dma_start3A_35 = arith.constant 128 : i32
      %dma_start3A_36 = arith.constant 0 : i32
      %dma_start3A_37 = tpu.memref_slice %arg6[%dma_start3A_35, %dma_start3A_36] : memref<256x128xf32, #tpu.memory_space<vmem>> -> memref<128x128xf32, #tpu.memory_space<vmem>>
      %dma_start3A_38 = arith.constant 0 : i32
      %dma_start3A_39 = tpu.memref_slice %arg5[%dma_start3A_34, %dma_start3A_38] : memref<8x128xi32, #tpu.memory_space<vmem>> -> memref<1x128xi32, #tpu.memory_space<vmem>>
      %dma_start3A_40 = tpu.memref_squeeze %dma_start3A_39 : memref<1x128xi32, #tpu.memory_space<vmem>> -> memref<128xi32, #tpu.memory_space<vmem>>
      %dma_start3A_41 = arith.constant 0 : i32
      %dma_start3A_42 = arith.constant 0 : i32
      %dma_start3A_43 = tpu.memref_slice %arg3[%dma_start3A_41, %dma_start3A_42] : memref<10000x128xf32, #tpu.memory_space<hbm>> -> memref<10000x128xf32, #tpu.memory_space<hbm>>
      tpu.enqueue_indirect_dma source(%dma_start3A_43 : memref<10000x128xf32, #tpu.memory_space<hbm>>) target(%dma_start3A_37 : memref<128x128xf32, #tpu.memory_space<vmem>>) offsets(%dma_start3A_40 : memref<128xi32, #tpu.memory_space<vmem>>) semaphore(%arg7 : memref<!tpu.dma_semaphore, #tpu.memory_space<semaphore_mem>>)
      %dma_wait3A = arith.constant 0 : i32
      %dma_wait3A_44 = arith.constant 0 : i32
      %dma_wait3A_45 = arith.constant 0 : i32
      %dma_wait3A_46 = tpu.memref_slice %arg6[%dma_wait3A_44, %dma_wait3A_45] : memref<256x128xf32, #tpu.memory_space<vmem>> -> memref<128x128xf32, #tpu.memory_space<vmem>>
      %dma_wait3A_47 = arith.constant 0 : i32
      %dma_wait3A_48 = tpu.memref_slice %arg5[%dma_wait3A, %dma_wait3A_47] : memref<8x128xi32, #tpu.memory_space<vmem>> -> memref<1x128xi32, #tpu.memory_space<vmem>>
      %dma_wait3A_49 = tpu.memref_squeeze %dma_wait3A_48 : memref<1x128xi32, #tpu.memory_space<vmem>> -> memref<128xi32, #tpu.memory_space<vmem>>
      %dma_wait3A_50 = arith.constant 0 : i32
      %dma_wait3A_51 = arith.constant 0 : i32
      %dma_wait3A_52 = tpu.memref_slice %arg3[%dma_wait3A_50, %dma_wait3A_51] : memref<10000x128xf32, #tpu.memory_space<hbm>> -> memref<10000x128xf32, #tpu.memory_space<hbm>>
      tpu.wait_indirect_dma semaphore(%arg7 : memref<!tpu.dma_semaphore, #tpu.memory_space<semaphore_mem>>) src(%dma_wait3A_52 : memref<10000x128xf32, #tpu.memory_space<hbm>>) dst(%dma_wait3A_46 : memref<128x128xf32, #tpu.memory_space<vmem>>)
      %dma_wait3A_53 = arith.constant 1 : i32
      %dma_wait3A_54 = arith.constant 128 : i32
      %dma_wait3A_55 = arith.constant 0 : i32
      %dma_wait3A_56 = tpu.memref_slice %arg6[%dma_wait3A_54, %dma_wait3A_55] : memref<256x128xf32, #tpu.memory_space<vmem>> -> memref<128x128xf32, #tpu.memory_space<vmem>>
      %dma_wait3A_57 = arith.constant 0 : i32
      %dma_wait3A_58 = tpu.memref_slice %arg5[%dma_wait3A_53, %dma_wait3A_57] : memref<8x128xi32, #tpu.memory_space<vmem>> -> memref<1x128xi32, #tpu.memory_space<vmem>>
      %dma_wait3A_59 = tpu.memref_squeeze %dma_wait3A_58 : memref<1x128xi32, #tpu.memory_space<vmem>> -> memref<128xi32, #tpu.memory_space<vmem>>
      %dma_wait3A_60 = arith.constant 0 : i32
      %dma_wait3A_61 = arith.constant 0 : i32
      %dma_wait3A_62 = tpu.memref_slice %arg3[%dma_wait3A_60, %dma_wait3A_61] : memref<10000x128xf32, #tpu.memory_space<hbm>> -> memref<10000x128xf32, #tpu.memory_space<hbm>>
      tpu.wait_indirect_dma semaphore(%arg7 : memref<!tpu.dma_semaphore, #tpu.memory_space<semaphore_mem>>) src(%dma_wait3A_62 : memref<10000x128xf32, #tpu.memory_space<hbm>>) dst(%dma_wait3A_56 : memref<128x128xf32, #tpu.memory_space<vmem>>)
      "tpu.region"() ({
        %run_scoped3A = tpu.sem_alloc : memref<!tpu.dma_semaphore, #tpu.memory_space<semaphore_mem>>
        %dma_start3A_196 = arith.constant 0 : i32
        %dma_start3A_197 = tpu.memref_slice %arg4[%add3A_24, %dma_start3A_196] : memref<640000x128xf32, #tpu.memory_space<hbm>> -> memref<256x128xf32, #tpu.memory_space<hbm>>
        %dma_start3A_198 = arith.constant 0 : i32
        %dma_start3A_199 = tpu.memref_slice %arg4[%add3A_24, %dma_start3A_198] : memref<640000x128xf32, #tpu.memory_space<hbm>> -> memref<256x128xf32, #tpu.memory_space<hbm>>
        tpu.enqueue_dma source(%arg6 : memref<256x128xf32, #tpu.memory_space<vmem>>) target(%dma_start3A_199 : memref<256x128xf32, #tpu.memory_space<hbm>>) target_semaphore(%run_scoped3A : memref<!tpu.dma_semaphore, #tpu.memory_space<semaphore_mem>>)
        %dma_wait3A_200 = arith.constant 0 : i32
        %dma_wait3A_201 = tpu.memref_slice %arg4[%add3A_24, %dma_wait3A_200] : memref<640000x128xf32, #tpu.memory_space<hbm>> -> memref<256x128xf32, #tpu.memory_space<hbm>>
        %dma_wait3A_202 = arith.constant 0 : i32
        %dma_wait3A_203 = tpu.memref_slice %arg4[%add3A_24, %dma_wait3A_202] : memref<640000x128xf32, #tpu.memory_space<hbm>> -> memref<256x128xf32, #tpu.memory_space<hbm>>
        tpu.wait_dma2 semaphore(%run_scoped3A : memref<!tpu.dma_semaphore, #tpu.memory_space<semaphore_mem>>) src(%arg6 : memref<256x128xf32, #tpu.memory_space<vmem>>) dst(%dma_wait3A_203 : memref<256x128xf32, #tpu.memory_space<hbm>>)
        tpu.yield
      }) : () -> ()
      %mul3A_63 = arith.constant 1024 : i32
      %mul3A_64 = arith.muli %add3A_18, %mul3A_63 : i32
      %add3A_65 = arith.constant 256 : i32
      %add3A_66 = arith.addi %mul3A_64, %add3A_65 : i32
      %dma_start3A_67 = arith.constant 2 : i32
      %dma_start3A_68 = arith.constant 0 : i32
      %dma_start3A_69 = arith.constant 0 : i32
      %dma_start3A_70 = tpu.memref_slice %arg6[%dma_start3A_68, %dma_start3A_69] : memref<256x128xf32, #tpu.memory_space<vmem>> -> memref<128x128xf32, #tpu.memory_space<vmem>>
      %dma_start3A_71 = arith.constant 0 : i32
      %dma_start3A_72 = tpu.memref_slice %arg5[%dma_start3A_67, %dma_start3A_71] : memref<8x128xi32, #tpu.memory_space<vmem>> -> memref<1x128xi32, #tpu.memory_space<vmem>>
      %dma_start3A_73 = tpu.memref_squeeze %dma_start3A_72 : memref<1x128xi32, #tpu.memory_space<vmem>> -> memref<128xi32, #tpu.memory_space<vmem>>
      %dma_start3A_74 = arith.constant 0 : i32
      %dma_start3A_75 = arith.constant 0 : i32
      %dma_start3A_76 = tpu.memref_slice %arg3[%dma_start3A_74, %dma_start3A_75] : memref<10000x128xf32, #tpu.memory_space<hbm>> -> memref<10000x128xf32, #tpu.memory_space<hbm>>
      tpu.enqueue_indirect_dma source(%dma_start3A_76 : memref<10000x128xf32, #tpu.memory_space<hbm>>) target(%dma_start3A_70 : memref<128x128xf32, #tpu.memory_space<vmem>>) offsets(%dma_start3A_73 : memref<128xi32, #tpu.memory_space<vmem>>) semaphore(%arg7 : memref<!tpu.dma_semaphore, #tpu.memory_space<semaphore_mem>>)
      %dma_start3A_77 = arith.constant 3 : i32
      %dma_start3A_78 = arith.constant 128 : i32
      %dma_start3A_79 = arith.constant 0 : i32
      %dma_start3A_80 = tpu.memref_slice %arg6[%dma_start3A_78, %dma_start3A_79] : memref<256x128xf32, #tpu.memory_space<vmem>> -> memref<128x128xf32, #tpu.memory_space<vmem>>
      %dma_start3A_81 = arith.constant 0 : i32
      %dma_start3A_82 = tpu.memref_slice %arg5[%dma_start3A_77, %dma_start3A_81] : memref<8x128xi32, #tpu.memory_space<vmem>> -> memref<1x128xi32, #tpu.memory_space<vmem>>
      %dma_start3A_83 = tpu.memref_squeeze %dma_start3A_82 : memref<1x128xi32, #tpu.memory_space<vmem>> -> memref<128xi32, #tpu.memory_space<vmem>>
      %dma_start3A_84 = arith.constant 0 : i32
      %dma_start3A_85 = arith.constant 0 : i32
      %dma_start3A_86 = tpu.memref_slice %arg3[%dma_start3A_84, %dma_start3A_85] : memref<10000x128xf32, #tpu.memory_space<hbm>> -> memref<10000x128xf32, #tpu.memory_space<hbm>>
      tpu.enqueue_indirect_dma source(%dma_start3A_86 : memref<10000x128xf32, #tpu.memory_space<hbm>>) target(%dma_start3A_80 : memref<128x128xf32, #tpu.memory_space<vmem>>) offsets(%dma_start3A_83 : memref<128xi32, #tpu.memory_space<vmem>>) semaphore(%arg7 : memref<!tpu.dma_semaphore, #tpu.memory_space<semaphore_mem>>)
      %dma_wait3A_87 = arith.constant 2 : i32
      %dma_wait3A_88 = arith.constant 0 : i32
      %dma_wait3A_89 = arith.constant 0 : i32
      %dma_wait3A_90 = tpu.memref_slice %arg6[%dma_wait3A_88, %dma_wait3A_89] : memref<256x128xf32, #tpu.memory_space<vmem>> -> memref<128x128xf32, #tpu.memory_space<vmem>>
      %dma_wait3A_91 = arith.constant 0 : i32
      %dma_wait3A_92 = tpu.memref_slice %arg5[%dma_wait3A_87, %dma_wait3A_91] : memref<8x128xi32, #tpu.memory_space<vmem>> -> memref<1x128xi32, #tpu.memory_space<vmem>>
      %dma_wait3A_93 = tpu.memref_squeeze %dma_wait3A_92 : memref<1x128xi32, #tpu.memory_space<vmem>> -> memref<128xi32, #tpu.memory_space<vmem>>
      %dma_wait3A_94 = arith.constant 0 : i32
      %dma_wait3A_95 = arith.constant 0 : i32
      %dma_wait3A_96 = tpu.memref_slice %arg3[%dma_wait3A_94, %dma_wait3A_95] : memref<10000x128xf32, #tpu.memory_space<hbm>> -> memref<10000x128xf32, #tpu.memory_space<hbm>>
      tpu.wait_indirect_dma semaphore(%arg7 : memref<!tpu.dma_semaphore, #tpu.memory_space<semaphore_mem>>) src(%dma_wait3A_96 : memref<10000x128xf32, #tpu.memory_space<hbm>>) dst(%dma_wait3A_90 : memref<128x128xf32, #tpu.memory_space<vmem>>)
      %dma_wait3A_97 = arith.constant 3 : i32
      %dma_wait3A_98 = arith.constant 128 : i32
      %dma_wait3A_99 = arith.constant 0 : i32
      %dma_wait3A_100 = tpu.memref_slice %arg6[%dma_wait3A_98, %dma_wait3A_99] : memref<256x128xf32, #tpu.memory_space<vmem>> -> memref<128x128xf32, #tpu.memory_space<vmem>>
      %dma_wait3A_101 = arith.constant 0 : i32
      %dma_wait3A_102 = tpu.memref_slice %arg5[%dma_wait3A_97, %dma_wait3A_101] : memref<8x128xi32, #tpu.memory_space<vmem>> -> memref<1x128xi32, #tpu.memory_space<vmem>>
      %dma_wait3A_103 = tpu.memref_squeeze %dma_wait3A_102 : memref<1x128xi32, #tpu.memory_space<vmem>> -> memref<128xi32, #tpu.memory_space<vmem>>
      %dma_wait3A_104 = arith.constant 0 : i32
      %dma_wait3A_105 = arith.constant 0 : i32
      %dma_wait3A_106 = tpu.memref_slice %arg3[%dma_wait3A_104, %dma_wait3A_105] : memref<10000x128xf32, #tpu.memory_space<hbm>> -> memref<10000x128xf32, #tpu.memory_space<hbm>>
      tpu.wait_indirect_dma semaphore(%arg7 : memref<!tpu.dma_semaphore, #tpu.memory_space<semaphore_mem>>) src(%dma_wait3A_106 : memref<10000x128xf32, #tpu.memory_space<hbm>>) dst(%dma_wait3A_100 : memref<128x128xf32, #tpu.memory_space<vmem>>)
      "tpu.region"() ({
        %run_scoped3A = tpu.sem_alloc : memref<!tpu.dma_semaphore, #tpu.memory_space<semaphore_mem>>
        %dma_start3A_196 = arith.constant 0 : i32
        %dma_start3A_197 = tpu.memref_slice %arg4[%add3A_66, %dma_start3A_196] : memref<640000x128xf32, #tpu.memory_space<hbm>> -> memref<256x128xf32, #tpu.memory_space<hbm>>
        %dma_start3A_198 = arith.constant 0 : i32
        %dma_start3A_199 = tpu.memref_slice %arg4[%add3A_66, %dma_start3A_198] : memref<640000x128xf32, #tpu.memory_space<hbm>> -> memref<256x128xf32, #tpu.memory_space<hbm>>
        tpu.enqueue_dma source(%arg6 : memref<256x128xf32, #tpu.memory_space<vmem>>) target(%dma_start3A_199 : memref<256x128xf32, #tpu.memory_space<hbm>>) target_semaphore(%run_scoped3A : memref<!tpu.dma_semaphore, #tpu.memory_space<semaphore_mem>>)
        %dma_wait3A_200 = arith.constant 0 : i32
        %dma_wait3A_201 = tpu.memref_slice %arg4[%add3A_66, %dma_wait3A_200] : memref<640000x128xf32, #tpu.memory_space<hbm>> -> memref<256x128xf32, #tpu.memory_space<hbm>>
        %dma_wait3A_202 = arith.constant 0 : i32
        %dma_wait3A_203 = tpu.memref_slice %arg4[%add3A_66, %dma_wait3A_202] : memref<640000x128xf32, #tpu.memory_space<hbm>> -> memref<256x128xf32, #tpu.memory_space<hbm>>
        tpu.wait_dma2 semaphore(%run_scoped3A : memref<!tpu.dma_semaphore, #tpu.memory_space<semaphore_mem>>) src(%arg6 : memref<256x128xf32, #tpu.memory_space<vmem>>) dst(%dma_wait3A_203 : memref<256x128xf32, #tpu.memory_space<hbm>>)
        tpu.yield
      }) : () -> ()
      %mul3A_107 = arith.constant 1024 : i32
      %mul3A_108 = arith.muli %add3A_18, %mul3A_107 : i32
      %add3A_109 = arith.constant 512 : i32
      %add3A_110 = arith.addi %mul3A_108, %add3A_109 : i32
      %dma_start3A_111 = arith.constant 4 : i32
      %dma_start3A_112 = arith.constant 0 : i32
      %dma_start3A_113 = arith.constant 0 : i32
      %dma_start3A_114 = tpu.memref_slice %arg6[%dma_start3A_112, %dma_start3A_113] : memref<256x128xf32, #tpu.memory_space<vmem>> -> memref<128x128xf32, #tpu.memory_space<vmem>>
      %dma_start3A_115 = arith.constant 0 : i32
      %dma_start3A_116 = tpu.memref_slice %arg5[%dma_start3A_111, %dma_start3A_115] : memref<8x128xi32, #tpu.memory_space<vmem>> -> memref<1x128xi32, #tpu.memory_space<vmem>>
      %dma_start3A_117 = tpu.memref_squeeze %dma_start3A_116 : memref<1x128xi32, #tpu.memory_space<vmem>> -> memref<128xi32, #tpu.memory_space<vmem>>
      %dma_start3A_118 = arith.constant 0 : i32
      %dma_start3A_119 = arith.constant 0 : i32
      %dma_start3A_120 = tpu.memref_slice %arg3[%dma_start3A_118, %dma_start3A_119] : memref<10000x128xf32, #tpu.memory_space<hbm>> -> memref<10000x128xf32, #tpu.memory_space<hbm>>
      tpu.enqueue_indirect_dma source(%dma_start3A_120 : memref<10000x128xf32, #tpu.memory_space<hbm>>) target(%dma_start3A_114 : memref<128x128xf32, #tpu.memory_space<vmem>>) offsets(%dma_start3A_117 : memref<128xi32, #tpu.memory_space<vmem>>) semaphore(%arg7 : memref<!tpu.dma_semaphore, #tpu.memory_space<semaphore_mem>>)
      %dma_start3A_121 = arith.constant 5 : i32
      %dma_start3A_122 = arith.constant 128 : i32
      %dma_start3A_123 = arith.constant 0 : i32
      %dma_start3A_124 = tpu.memref_slice %arg6[%dma_start3A_122, %dma_start3A_123] : memref<256x128xf32, #tpu.memory_space<vmem>> -> memref<128x128xf32, #tpu.memory_space<vmem>>
      %dma_start3A_125 = arith.constant 0 : i32
      %dma_start3A_126 = tpu.memref_slice %arg5[%dma_start3A_121, %dma_start3A_125] : memref<8x128xi32, #tpu.memory_space<vmem>> -> memref<1x128xi32, #tpu.memory_space<vmem>>
      %dma_start3A_127 = tpu.memref_squeeze %dma_start3A_126 : memref<1x128xi32, #tpu.memory_space<vmem>> -> memref<128xi32, #tpu.memory_space<vmem>>
      %dma_start3A_128 = arith.constant 0 : i32
      %dma_start3A_129 = arith.constant 0 : i32
      %dma_start3A_130 = tpu.memref_slice %arg3[%dma_start3A_128, %dma_start3A_129] : memref<10000x128xf32, #tpu.memory_space<hbm>> -> memref<10000x128xf32, #tpu.memory_space<hbm>>
      tpu.enqueue_indirect_dma source(%dma_start3A_130 : memref<10000x128xf32, #tpu.memory_space<hbm>>) target(%dma_start3A_124 : memref<128x128xf32, #tpu.memory_space<vmem>>) offsets(%dma_start3A_127 : memref<128xi32, #tpu.memory_space<vmem>>) semaphore(%arg7 : memref<!tpu.dma_semaphore, #tpu.memory_space<semaphore_mem>>)
      %dma_wait3A_131 = arith.constant 4 : i32
      %dma_wait3A_132 = arith.constant 0 : i32
      %dma_wait3A_133 = arith.constant 0 : i32
      %dma_wait3A_134 = tpu.memref_slice %arg6[%dma_wait3A_132, %dma_wait3A_133] : memref<256x128xf32, #tpu.memory_space<vmem>> -> memref<128x128xf32, #tpu.memory_space<vmem>>
      %dma_wait3A_135 = arith.constant 0 : i32
      %dma_wait3A_136 = tpu.memref_slice %arg5[%dma_wait3A_131, %dma_wait3A_135] : memref<8x128xi32, #tpu.memory_space<vmem>> -> memref<1x128xi32, #tpu.memory_space<vmem>>
      %dma_wait3A_137 = tpu.memref_squeeze %dma_wait3A_136 : memref<1x128xi32, #tpu.memory_space<vmem>> -> memref<128xi32, #tpu.memory_space<vmem>>
      %dma_wait3A_138 = arith.constant 0 : i32
      %dma_wait3A_139 = arith.constant 0 : i32
      %dma_wait3A_140 = tpu.memref_slice %arg3[%dma_wait3A_138, %dma_wait3A_139] : memref<10000x128xf32, #tpu.memory_space<hbm>> -> memref<10000x128xf32, #tpu.memory_space<hbm>>
      tpu.wait_indirect_dma semaphore(%arg7 : memref<!tpu.dma_semaphore, #tpu.memory_space<semaphore_mem>>) src(%dma_wait3A_140 : memref<10000x128xf32, #tpu.memory_space<hbm>>) dst(%dma_wait3A_134 : memref<128x128xf32, #tpu.memory_space<vmem>>)
      %dma_wait3A_141 = arith.constant 5 : i32
      %dma_wait3A_142 = arith.constant 128 : i32
      %dma_wait3A_143 = arith.constant 0 : i32
      %dma_wait3A_144 = tpu.memref_slice %arg6[%dma_wait3A_142, %dma_wait3A_143] : memref<256x128xf32, #tpu.memory_space<vmem>> -> memref<128x128xf32, #tpu.memory_space<vmem>>
      %dma_wait3A_145 = arith.constant 0 : i32
      %dma_wait3A_146 = tpu.memref_slice %arg5[%dma_wait3A_141, %dma_wait3A_145] : memref<8x128xi32, #tpu.memory_space<vmem>> -> memref<1x128xi32, #tpu.memory_space<vmem>>
      %dma_wait3A_147 = tpu.memref_squeeze %dma_wait3A_146 : memref<1x128xi32, #tpu.memory_space<vmem>> -> memref<128xi32, #tpu.memory_space<vmem>>
      %dma_wait3A_148 = arith.constant 0 : i32
      %dma_wait3A_149 = arith.constant 0 : i32
      %dma_wait3A_150 = tpu.memref_slice %arg3[%dma_wait3A_148, %dma_wait3A_149] : memref<10000x128xf32, #tpu.memory_space<hbm>> -> memref<10000x128xf32, #tpu.memory_space<hbm>>
      tpu.wait_indirect_dma semaphore(%arg7 : memref<!tpu.dma_semaphore, #tpu.memory_space<semaphore_mem>>) src(%dma_wait3A_150 : memref<10000x128xf32, #tpu.memory_space<hbm>>) dst(%dma_wait3A_144 : memref<128x128xf32, #tpu.memory_space<vmem>>)
      "tpu.region"() ({
        %run_scoped3A = tpu.sem_alloc : memref<!tpu.dma_semaphore, #tpu.memory_space<semaphore_mem>>
        %dma_start3A_196 = arith.constant 0 : i32
        %dma_start3A_197 = tpu.memref_slice %arg4[%add3A_110, %dma_start3A_196] : memref<640000x128xf32, #tpu.memory_space<hbm>> -> memref<256x128xf32, #tpu.memory_space<hbm>>
        %dma_start3A_198 = arith.constant 0 : i32
        %dma_start3A_199 = tpu.memref_slice %arg4[%add3A_110, %dma_start3A_198] : memref<640000x128xf32, #tpu.memory_space<hbm>> -> memref<256x128xf32, #tpu.memory_space<hbm>>
        tpu.enqueue_dma source(%arg6 : memref<256x128xf32, #tpu.memory_space<vmem>>) target(%dma_start3A_199 : memref<256x128xf32, #tpu.memory_space<hbm>>) target_semaphore(%run_scoped3A : memref<!tpu.dma_semaphore, #tpu.memory_space<semaphore_mem>>)
        %dma_wait3A_200 = arith.constant 0 : i32
        %dma_wait3A_201 = tpu.memref_slice %arg4[%add3A_110, %dma_wait3A_200] : memref<640000x128xf32, #tpu.memory_space<hbm>> -> memref<256x128xf32, #tpu.memory_space<hbm>>
        %dma_wait3A_202 = arith.constant 0 : i32
        %dma_wait3A_203 = tpu.memref_slice %arg4[%add3A_110, %dma_wait3A_202] : memref<640000x128xf32, #tpu.memory_space<hbm>> -> memref<256x128xf32, #tpu.memory_space<hbm>>
        tpu.wait_dma2 semaphore(%run_scoped3A : memref<!tpu.dma_semaphore, #tpu.memory_space<semaphore_mem>>) src(%arg6 : memref<256x128xf32, #tpu.memory_space<vmem>>) dst(%dma_wait3A_203 : memref<256x128xf32, #tpu.memory_space<hbm>>)
        tpu.yield
      }) : () -> ()
      %mul3A_151 = arith.constant 1024 : i32
      %mul3A_152 = arith.muli %add3A_18, %mul3A_151 : i32
      %add3A_153 = arith.constant 768 : i32
      %add3A_154 = arith.addi %mul3A_152, %add3A_153 : i32
      %dma_start3A_155 = arith.constant 6 : i32
      %dma_start3A_156 = arith.constant 0 : i32
      %dma_start3A_157 = arith.constant 0 : i32
      %dma_start3A_158 = tpu.memref_slice %arg6[%dma_start3A_156, %dma_start3A_157] : memref<256x128xf32, #tpu.memory_space<vmem>> -> memref<128x128xf32, #tpu.memory_space<vmem>>
      %dma_start3A_159 = arith.constant 0 : i32
      %dma_start3A_160 = tpu.memref_slice %arg5[%dma_start3A_155, %dma_start3A_159] : memref<8x128xi32, #tpu.memory_space<vmem>> -> memref<1x128xi32, #tpu.memory_space<vmem>>
      %dma_start3A_161 = tpu.memref_squeeze %dma_start3A_160 : memref<1x128xi32, #tpu.memory_space<vmem>> -> memref<128xi32, #tpu.memory_space<vmem>>
      %dma_start3A_162 = arith.constant 0 : i32
      %dma_start3A_163 = arith.constant 0 : i32
      %dma_start3A_164 = tpu.memref_slice %arg3[%dma_start3A_162, %dma_start3A_163] : memref<10000x128xf32, #tpu.memory_space<hbm>> -> memref<10000x128xf32, #tpu.memory_space<hbm>>
      tpu.enqueue_indirect_dma source(%dma_start3A_164 : memref<10000x128xf32, #tpu.memory_space<hbm>>) target(%dma_start3A_158 : memref<128x128xf32, #tpu.memory_space<vmem>>) offsets(%dma_start3A_161 : memref<128xi32, #tpu.memory_space<vmem>>) semaphore(%arg7 : memref<!tpu.dma_semaphore, #tpu.memory_space<semaphore_mem>>)
      %dma_start3A_165 = arith.constant 7 : i32
      %dma_start3A_166 = arith.constant 128 : i32
      %dma_start3A_167 = arith.constant 0 : i32
      %dma_start3A_168 = tpu.memref_slice %arg6[%dma_start3A_166, %dma_start3A_167] : memref<256x128xf32, #tpu.memory_space<vmem>> -> memref<128x128xf32, #tpu.memory_space<vmem>>
      %dma_start3A_169 = arith.constant 0 : i32
      %dma_start3A_170 = tpu.memref_slice %arg5[%dma_start3A_165, %dma_start3A_169] : memref<8x128xi32, #tpu.memory_space<vmem>> -> memref<1x128xi32, #tpu.memory_space<vmem>>
      %dma_start3A_171 = tpu.memref_squeeze %dma_start3A_170 : memref<1x128xi32, #tpu.memory_space<vmem>> -> memref<128xi32, #tpu.memory_space<vmem>>
      %dma_start3A_172 = arith.constant 0 : i32
      %dma_start3A_173 = arith.constant 0 : i32
      %dma_start3A_174 = tpu.memref_slice %arg3[%dma_start3A_172, %dma_start3A_173] : memref<10000x128xf32, #tpu.memory_space<hbm>> -> memref<10000x128xf32, #tpu.memory_space<hbm>>
      tpu.enqueue_indirect_dma source(%dma_start3A_174 : memref<10000x128xf32, #tpu.memory_space<hbm>>) target(%dma_start3A_168 : memref<128x128xf32, #tpu.memory_space<vmem>>) offsets(%dma_start3A_171 : memref<128xi32, #tpu.memory_space<vmem>>) semaphore(%arg7 : memref<!tpu.dma_semaphore, #tpu.memory_space<semaphore_mem>>)
      %dma_wait3A_175 = arith.constant 6 : i32
      %dma_wait3A_176 = arith.constant 0 : i32
      %dma_wait3A_177 = arith.constant 0 : i32
      %dma_wait3A_178 = tpu.memref_slice %arg6[%dma_wait3A_176, %dma_wait3A_177] : memref<256x128xf32, #tpu.memory_space<vmem>> -> memref<128x128xf32, #tpu.memory_space<vmem>>
      %dma_wait3A_179 = arith.constant 0 : i32
      %dma_wait3A_180 = tpu.memref_slice %arg5[%dma_wait3A_175, %dma_wait3A_179] : memref<8x128xi32, #tpu.memory_space<vmem>> -> memref<1x128xi32, #tpu.memory_space<vmem>>
      %dma_wait3A_181 = tpu.memref_squeeze %dma_wait3A_180 : memref<1x128xi32, #tpu.memory_space<vmem>> -> memref<128xi32, #tpu.memory_space<vmem>>
      %dma_wait3A_182 = arith.constant 0 : i32
      %dma_wait3A_183 = arith.constant 0 : i32
      %dma_wait3A_184 = tpu.memref_slice %arg3[%dma_wait3A_182, %dma_wait3A_183] : memref<10000x128xf32, #tpu.memory_space<hbm>> -> memref<10000x128xf32, #tpu.memory_space<hbm>>
      tpu.wait_indirect_dma semaphore(%arg7 : memref<!tpu.dma_semaphore, #tpu.memory_space<semaphore_mem>>) src(%dma_wait3A_184 : memref<10000x128xf32, #tpu.memory_space<hbm>>) dst(%dma_wait3A_178 : memref<128x128xf32, #tpu.memory_space<vmem>>)
      %dma_wait3A_185 = arith.constant 7 : i32
      %dma_wait3A_186 = arith.constant 128 : i32
      %dma_wait3A_187 = arith.constant 0 : i32
      %dma_wait3A_188 = tpu.memref_slice %arg6[%dma_wait3A_186, %dma_wait3A_187] : memref<256x128xf32, #tpu.memory_space<vmem>> -> memref<128x128xf32, #tpu.memory_space<vmem>>
      %dma_wait3A_189 = arith.constant 0 : i32
      %dma_wait3A_190 = tpu.memref_slice %arg5[%dma_wait3A_185, %dma_wait3A_189] : memref<8x128xi32, #tpu.memory_space<vmem>> -> memref<1x128xi32, #tpu.memory_space<vmem>>
      %dma_wait3A_191 = tpu.memref_squeeze %dma_wait3A_190 : memref<1x128xi32, #tpu.memory_space<vmem>> -> memref<128xi32, #tpu.memory_space<vmem>>
      %dma_wait3A_192 = arith.constant 0 : i32
      %dma_wait3A_193 = arith.constant 0 : i32
      %dma_wait3A_194 = tpu.memref_slice %arg3[%dma_wait3A_192, %dma_wait3A_193] : memref<10000x128xf32, #tpu.memory_space<hbm>> -> memref<10000x128xf32, #tpu.memory_space<hbm>>
      tpu.wait_indirect_dma semaphore(%arg7 : memref<!tpu.dma_semaphore, #tpu.memory_space<semaphore_mem>>) src(%dma_wait3A_194 : memref<10000x128xf32, #tpu.memory_space<hbm>>) dst(%dma_wait3A_188 : memref<128x128xf32, #tpu.memory_space<vmem>>)
      "tpu.region"() ({
        %run_scoped3A = tpu.sem_alloc : memref<!tpu.dma_semaphore, #tpu.memory_space<semaphore_mem>>
        %dma_start3A_196 = arith.constant 0 : i32
        %dma_start3A_197 = tpu.memref_slice %arg4[%add3A_154, %dma_start3A_196] : memref<640000x128xf32, #tpu.memory_space<hbm>> -> memref<256x128xf32, #tpu.memory_space<hbm>>
        %dma_start3A_198 = arith.constant 0 : i32
        %dma_start3A_199 = tpu.memref_slice %arg4[%add3A_154, %dma_start3A_198] : memref<640000x128xf32, #tpu.memory_space<hbm>> -> memref<256x128xf32, #tpu.memory_space<hbm>>
        tpu.enqueue_dma source(%arg6 : memref<256x128xf32, #tpu.memory_space<vmem>>) target(%dma_start3A_199 : memref<256x128xf32, #tpu.memory_space<hbm>>) target_semaphore(%run_scoped3A : memref<!tpu.dma_semaphore, #tpu.memory_space<semaphore_mem>>)
        %dma_wait3A_200 = arith.constant 0 : i32
        %dma_wait3A_201 = tpu.memref_slice %arg4[%add3A_154, %dma_wait3A_200] : memref<640000x128xf32, #tpu.memory_space<hbm>> -> memref<256x128xf32, #tpu.memory_space<hbm>>
        %dma_wait3A_202 = arith.constant 0 : i32
        %dma_wait3A_203 = tpu.memref_slice %arg4[%add3A_154, %dma_wait3A_202] : memref<640000x128xf32, #tpu.memory_space<hbm>> -> memref<256x128xf32, #tpu.memory_space<hbm>>
        tpu.wait_dma2 semaphore(%run_scoped3A : memref<!tpu.dma_semaphore, #tpu.memory_space<semaphore_mem>>) src(%arg6 : memref<256x128xf32, #tpu.memory_space<vmem>>) dst(%dma_wait3A_203 : memref<256x128xf32, #tpu.memory_space<hbm>>)
        tpu.yield
      }) : () -> ()
      %while3A_195 = arith.constant 0 : i32
      scf.yield %while3A_195 : i32
    }
    %while3A_12 = arith.constant 1 : i32
    %while3A_13 = scf.for %while3A_14 = %while3A_9 to %while3A_5 step %while3A_12 iter_args(%while3A_15 = %while3A_11) -> (i32)  : i32 {
      %mul3A_16 = arith.constant 32 : i32
      %mul3A_17 = arith.muli %while3A_14, %mul3A_16 : i32
      %add3A_18 = arith.addi %add3A, %mul3A_17 : i32
      %mul3A_19 = arith.constant 8 : i32
      %mul3A_20 = arith.muli %add3A_18, %mul3A_19 : i32
      "tpu.region"() ({
        %run_scoped3A = tpu.sem_alloc : memref<!tpu.dma_semaphore, #tpu.memory_space<semaphore_mem>>
        %dma_start3A_196 = arith.constant 0 : i32
        %dma_start3A_197 = tpu.memref_slice %arg2[%mul3A_20, %dma_start3A_196] : memref<5000x128xi32, #tpu.memory_space<hbm>> -> memref<8x128xi32, #tpu.memory_space<hbm>>
        %dma_start3A_198 = arith.constant 0 : i32
        %dma_start3A_199 = tpu.memref_slice %arg2[%mul3A_20, %dma_start3A_198] : memref<5000x128xi32, #tpu.memory_space<hbm>> -> memref<8x128xi32, #tpu.memory_space<hbm>>
        tpu.enqueue_dma source(%dma_start3A_199 : memref<8x128xi32, #tpu.memory_space<hbm>>) target(%arg5 : memref<8x128xi32, #tpu.memory_space<vmem>>) target_semaphore(%run_scoped3A : memref<!tpu.dma_semaphore, #tpu.memory_space<semaphore_mem>>)
        %dma_wait3A_200 = arith.constant 0 : i32
        %dma_wait3A_201 = tpu.memref_slice %arg2[%mul3A_20, %dma_wait3A_200] : memref<5000x128xi32, #tpu.memory_space<hbm>> -> memref<8x128xi32, #tpu.memory_space<hbm>>
        %dma_wait3A_202 = arith.constant 0 : i32
        %dma_wait3A_203 = tpu.memref_slice %arg2[%mul3A_20, %dma_wait3A_202] : memref<5000x128xi32, #tpu.memory_space<hbm>> -> memref<8x128xi32, #tpu.memory_space<hbm>>
        tpu.wait_dma2 semaphore(%run_scoped3A : memref<!tpu.dma_semaphore, #tpu.memory_space<semaphore_mem>>) src(%dma_wait3A_203 : memref<8x128xi32, #tpu.memory_space<hbm>>) dst(%arg5 : memref<8x128xi32, #tpu.memory_space<vmem>>)
        tpu.yield
      }) : () -> ()
      %mul3A_21 = arith.constant 1024 : i32
      %mul3A_22 = arith.muli %add3A_18, %mul3A_21 : i32
      %add3A_23 = arith.constant 0 : i32
      %add3A_24 = arith.addi %mul3A_22, %add3A_23 : i32
      %dma_start3A = arith.constant 0 : i32
      %dma_start3A_25 = arith.constant 0 : i32
      %dma_start3A_26 = arith.constant 0 : i32
      %dma_start3A_27 = tpu.memref_slice %arg6[%dma_start3A_25, %dma_start3A_26] : memref<256x128xf32, #tpu.memory_space<vmem>> -> memref<128x128xf32, #tpu.memory_space<vmem>>
      %dma_start3A_28 = arith.constant 0 : i32
      %dma_start3A_29 = tpu.memref_slice %arg5[%dma_start3A, %dma_start3A_28] : memref<8x128xi32, #tpu.memory_space<vmem>> -> memref<1x128xi32, #tpu.memory_space<vmem>>
      %dma_start3A_30 = tpu.memref_squeeze %dma_start3A_29 : memref<1x128xi32, #tpu.memory_space<vmem>> -> memref<128xi32, #tpu.memory_space<vmem>>
      %dma_start3A_31 = arith.constant 0 : i32
      %dma_start3A_32 = arith.constant 0 : i32
      %dma_start3A_33 = tpu.memref_slice %arg3[%dma_start3A_31, %dma_start3A_32] : memref<10000x128xf32, #tpu.memory_space<hbm>> -> memref<10000x128xf32, #tpu.memory_space<hbm>>
      tpu.enqueue_indirect_dma source(%dma_start3A_33 : memref<10000x128xf32, #tpu.memory_space<hbm>>) target(%dma_start3A_27 : memref<128x128xf32, #tpu.memory_space<vmem>>) offsets(%dma_start3A_30 : memref<128xi32, #tpu.memory_space<vmem>>) semaphore(%arg7 : memref<!tpu.dma_semaphore, #tpu.memory_space<semaphore_mem>>)
      %dma_start3A_34 = arith.constant 1 : i32
      %dma_start3A_35 = arith.constant 128 : i32
      %dma_start3A_36 = arith.constant 0 : i32
      %dma_start3A_37 = tpu.memref_slice %arg6[%dma_start3A_35, %dma_start3A_36] : memref<256x128xf32, #tpu.memory_space<vmem>> -> memref<128x128xf32, #tpu.memory_space<vmem>>
      %dma_start3A_38 = arith.constant 0 : i32
      %dma_start3A_39 = tpu.memref_slice %arg5[%dma_start3A_34, %dma_start3A_38] : memref<8x128xi32, #tpu.memory_space<vmem>> -> memref<1x128xi32, #tpu.memory_space<vmem>>
      %dma_start3A_40 = tpu.memref_squeeze %dma_start3A_39 : memref<1x128xi32, #tpu.memory_space<vmem>> -> memref<128xi32, #tpu.memory_space<vmem>>
      %dma_start3A_41 = arith.constant 0 : i32
      %dma_start3A_42 = arith.constant 0 : i32
      %dma_start3A_43 = tpu.memref_slice %arg3[%dma_start3A_41, %dma_start3A_42] : memref<10000x128xf32, #tpu.memory_space<hbm>> -> memref<10000x128xf32, #tpu.memory_space<hbm>>
      tpu.enqueue_indirect_dma source(%dma_start3A_43 : memref<10000x128xf32, #tpu.memory_space<hbm>>) target(%dma_start3A_37 : memref<128x128xf32, #tpu.memory_space<vmem>>) offsets(%dma_start3A_40 : memref<128xi32, #tpu.memory_space<vmem>>) semaphore(%arg7 : memref<!tpu.dma_semaphore, #tpu.memory_space<semaphore_mem>>)
      %dma_wait3A = arith.constant 0 : i32
      %dma_wait3A_44 = arith.constant 0 : i32
      %dma_wait3A_45 = arith.constant 0 : i32
      %dma_wait3A_46 = tpu.memref_slice %arg6[%dma_wait3A_44, %dma_wait3A_45] : memref<256x128xf32, #tpu.memory_space<vmem>> -> memref<128x128xf32, #tpu.memory_space<vmem>>
      %dma_wait3A_47 = arith.constant 0 : i32
      %dma_wait3A_48 = tpu.memref_slice %arg5[%dma_wait3A, %dma_wait3A_47] : memref<8x128xi32, #tpu.memory_space<vmem>> -> memref<1x128xi32, #tpu.memory_space<vmem>>
      %dma_wait3A_49 = tpu.memref_squeeze %dma_wait3A_48 : memref<1x128xi32, #tpu.memory_space<vmem>> -> memref<128xi32, #tpu.memory_space<vmem>>
      %dma_wait3A_50 = arith.constant 0 : i32
      %dma_wait3A_51 = arith.constant 0 : i32
      %dma_wait3A_52 = tpu.memref_slice %arg3[%dma_wait3A_50, %dma_wait3A_51] : memref<10000x128xf32, #tpu.memory_space<hbm>> -> memref<10000x128xf32, #tpu.memory_space<hbm>>
      tpu.wait_indirect_dma semaphore(%arg7 : memref<!tpu.dma_semaphore, #tpu.memory_space<semaphore_mem>>) src(%dma_wait3A_52 : memref<10000x128xf32, #tpu.memory_space<hbm>>) dst(%dma_wait3A_46 : memref<128x128xf32, #tpu.memory_space<vmem>>)
      %dma_wait3A_53 = arith.constant 1 : i32
      %dma_wait3A_54 = arith.constant 128 : i32
      %dma_wait3A_55 = arith.constant 0 : i32
      %dma_wait3A_56 = tpu.memref_slice %arg6[%dma_wait3A_54, %dma_wait3A_55] : memref<256x128xf32, #tpu.memory_space<vmem>> -> memref<128x128xf32, #tpu.memory_space<vmem>>
      %dma_wait3A_57 = arith.constant 0 : i32
      %dma_wait3A_58 = tpu.memref_slice %arg5[%dma_wait3A_53, %dma_wait3A_57] : memref<8x128xi32, #tpu.memory_space<vmem>> -> memref<1x128xi32, #tpu.memory_space<vmem>>
      %dma_wait3A_59 = tpu.memref_squeeze %dma_wait3A_58 : memref<1x128xi32, #tpu.memory_space<vmem>> -> memref<128xi32, #tpu.memory_space<vmem>>
      %dma_wait3A_60 = arith.constant 0 : i32
      %dma_wait3A_61 = arith.constant 0 : i32
      %dma_wait3A_62 = tpu.memref_slice %arg3[%dma_wait3A_60, %dma_wait3A_61] : memref<10000x128xf32, #tpu.memory_space<hbm>> -> memref<10000x128xf32, #tpu.memory_space<hbm>>
      tpu.wait_indirect_dma semaphore(%arg7 : memref<!tpu.dma_semaphore, #tpu.memory_space<semaphore_mem>>) src(%dma_wait3A_62 : memref<10000x128xf32, #tpu.memory_space<hbm>>) dst(%dma_wait3A_56 : memref<128x128xf32, #tpu.memory_space<vmem>>)
      "tpu.region"() ({
        %run_scoped3A = tpu.sem_alloc : memref<!tpu.dma_semaphore, #tpu.memory_space<semaphore_mem>>
        %dma_start3A_196 = arith.constant 0 : i32
        %dma_start3A_197 = tpu.memref_slice %arg4[%add3A_24, %dma_start3A_196] : memref<640000x128xf32, #tpu.memory_space<hbm>> -> memref<256x128xf32, #tpu.memory_space<hbm>>
        %dma_start3A_198 = arith.constant 0 : i32
        %dma_start3A_199 = tpu.memref_slice %arg4[%add3A_24, %dma_start3A_198] : memref<640000x128xf32, #tpu.memory_space<hbm>> -> memref<256x128xf32, #tpu.memory_space<hbm>>
        tpu.enqueue_dma source(%arg6 : memref<256x128xf32, #tpu.memory_space<vmem>>) target(%dma_start3A_199 : memref<256x128xf32, #tpu.memory_space<hbm>>) target_semaphore(%run_scoped3A : memref<!tpu.dma_semaphore, #tpu.memory_space<semaphore_mem>>)
        %dma_wait3A_200 = arith.constant 0 : i32
        %dma_wait3A_201 = tpu.memref_slice %arg4[%add3A_24, %dma_wait3A_200] : memref<640000x128xf32, #tpu.memory_space<hbm>> -> memref<256x128xf32, #tpu.memory_space<hbm>>
        %dma_wait3A_202 = arith.constant 0 : i32
        %dma_wait3A_203 = tpu.memref_slice %arg4[%add3A_24, %dma_wait3A_202] : memref<640000x128xf32, #tpu.memory_space<hbm>> -> memref<256x128xf32, #tpu.memory_space<hbm>>
        tpu.wait_dma2 semaphore(%run_scoped3A : memref<!tpu.dma_semaphore, #tpu.memory_space<semaphore_mem>>) src(%arg6 : memref<256x128xf32, #tpu.memory_space<vmem>>) dst(%dma_wait3A_203 : memref<256x128xf32, #tpu.memory_space<hbm>>)
        tpu.yield
      }) : () -> ()
      %mul3A_63 = arith.constant 1024 : i32
      %mul3A_64 = arith.muli %add3A_18, %mul3A_63 : i32
      %add3A_65 = arith.constant 256 : i32
      %add3A_66 = arith.addi %mul3A_64, %add3A_65 : i32
      %dma_start3A_67 = arith.constant 2 : i32
      %dma_start3A_68 = arith.constant 0 : i32
      %dma_start3A_69 = arith.constant 0 : i32
      %dma_start3A_70 = tpu.memref_slice %arg6[%dma_start3A_68, %dma_start3A_69] : memref<256x128xf32, #tpu.memory_space<vmem>> -> memref<128x128xf32, #tpu.memory_space<vmem>>
      %dma_start3A_71 = arith.constant 0 : i32
      %dma_start3A_72 = tpu.memref_slice %arg5[%dma_start3A_67, %dma_start3A_71] : memref<8x128xi32, #tpu.memory_space<vmem>> -> memref<1x128xi32, #tpu.memory_space<vmem>>
      %dma_start3A_73 = tpu.memref_squeeze %dma_start3A_72 : memref<1x128xi32, #tpu.memory_space<vmem>> -> memref<128xi32, #tpu.memory_space<vmem>>
      %dma_start3A_74 = arith.constant 0 : i32
      %dma_start3A_75 = arith.constant 0 : i32
      %dma_start3A_76 = tpu.memref_slice %arg3[%dma_start3A_74, %dma_start3A_75] : memref<10000x128xf32, #tpu.memory_space<hbm>> -> memref<10000x128xf32, #tpu.memory_space<hbm>>
      tpu.enqueue_indirect_dma source(%dma_start3A_76 : memref<10000x128xf32, #tpu.memory_space<hbm>>) target(%dma_start3A_70 : memref<128x128xf32, #tpu.memory_space<vmem>>) offsets(%dma_start3A_73 : memref<128xi32, #tpu.memory_space<vmem>>) semaphore(%arg7 : memref<!tpu.dma_semaphore, #tpu.memory_space<semaphore_mem>>)
      %dma_start3A_77 = arith.constant 3 : i32
      %dma_start3A_78 = arith.constant 128 : i32
      %dma_start3A_79 = arith.constant 0 : i32
      %dma_start3A_80 = tpu.memref_slice %arg6[%dma_start3A_78, %dma_start3A_79] : memref<256x128xf32, #tpu.memory_space<vmem>> -> memref<128x128xf32, #tpu.memory_space<vmem>>
      %dma_start3A_81 = arith.constant 0 : i32
      %dma_start3A_82 = tpu.memref_slice %arg5[%dma_start3A_77, %dma_start3A_81] : memref<8x128xi32, #tpu.memory_space<vmem>> -> memref<1x128xi32, #tpu.memory_space<vmem>>
      %dma_start3A_83 = tpu.memref_squeeze %dma_start3A_82 : memref<1x128xi32, #tpu.memory_space<vmem>> -> memref<128xi32, #tpu.memory_space<vmem>>
      %dma_start3A_84 = arith.constant 0 : i32
      %dma_start3A_85 = arith.constant 0 : i32
      %dma_start3A_86 = tpu.memref_slice %arg3[%dma_start3A_84, %dma_start3A_85] : memref<10000x128xf32, #tpu.memory_space<hbm>> -> memref<10000x128xf32, #tpu.memory_space<hbm>>
      tpu.enqueue_indirect_dma source(%dma_start3A_86 : memref<10000x128xf32, #tpu.memory_space<hbm>>) target(%dma_start3A_80 : memref<128x128xf32, #tpu.memory_space<vmem>>) offsets(%dma_start3A_83 : memref<128xi32, #tpu.memory_space<vmem>>) semaphore(%arg7 : memref<!tpu.dma_semaphore, #tpu.memory_space<semaphore_mem>>)
      %dma_wait3A_87 = arith.constant 2 : i32
      %dma_wait3A_88 = arith.constant 0 : i32
      %dma_wait3A_89 = arith.constant 0 : i32
      %dma_wait3A_90 = tpu.memref_slice %arg6[%dma_wait3A_88, %dma_wait3A_89] : memref<256x128xf32, #tpu.memory_space<vmem>> -> memref<128x128xf32, #tpu.memory_space<vmem>>
      %dma_wait3A_91 = arith.constant 0 : i32
      %dma_wait3A_92 = tpu.memref_slice %arg5[%dma_wait3A_87, %dma_wait3A_91] : memref<8x128xi32, #tpu.memory_space<vmem>> -> memref<1x128xi32, #tpu.memory_space<vmem>>
      %dma_wait3A_93 = tpu.memref_squeeze %dma_wait3A_92 : memref<1x128xi32, #tpu.memory_space<vmem>> -> memref<128xi32, #tpu.memory_space<vmem>>
      %dma_wait3A_94 = arith.constant 0 : i32
      %dma_wait3A_95 = arith.constant 0 : i32
      %dma_wait3A_96 = tpu.memref_slice %arg3[%dma_wait3A_94, %dma_wait3A_95] : memref<10000x128xf32, #tpu.memory_space<hbm>> -> memref<10000x128xf32, #tpu.memory_space<hbm>>
      tpu.wait_indirect_dma semaphore(%arg7 : memref<!tpu.dma_semaphore, #tpu.memory_space<semaphore_mem>>) src(%dma_wait3A_96 : memref<10000x128xf32, #tpu.memory_space<hbm>>) dst(%dma_wait3A_90 : memref<128x128xf32, #tpu.memory_space<vmem>>)
      %dma_wait3A_97 = arith.constant 3 : i32
      %dma_wait3A_98 = arith.constant 128 : i32
      %dma_wait3A_99 = arith.constant 0 : i32
      %dma_wait3A_100 = tpu.memref_slice %arg6[%dma_wait3A_98, %dma_wait3A_99] : memref<256x128xf32, #tpu.memory_space<vmem>> -> memref<128x128xf32, #tpu.memory_space<vmem>>
      %dma_wait3A_101 = arith.constant 0 : i32
      %dma_wait3A_102 = tpu.memref_slice %arg5[%dma_wait3A_97, %dma_wait3A_101] : memref<8x128xi32, #tpu.memory_space<vmem>> -> memref<1x128xi32, #tpu.memory_space<vmem>>
      %dma_wait3A_103 = tpu.memref_squeeze %dma_wait3A_102 : memref<1x128xi32, #tpu.memory_space<vmem>> -> memref<128xi32, #tpu.memory_space<vmem>>
      %dma_wait3A_104 = arith.constant 0 : i32
      %dma_wait3A_105 = arith.constant 0 : i32
      %dma_wait3A_106 = tpu.memref_slice %arg3[%dma_wait3A_104, %dma_wait3A_105] : memref<10000x128xf32, #tpu.memory_space<hbm>> -> memref<10000x128xf32, #tpu.memory_space<hbm>>
      tpu.wait_indirect_dma semaphore(%arg7 : memref<!tpu.dma_semaphore, #tpu.memory_space<semaphore_mem>>) src(%dma_wait3A_106 : memref<10000x128xf32, #tpu.memory_space<hbm>>) dst(%dma_wait3A_100 : memref<128x128xf32, #tpu.memory_space<vmem>>)
      "tpu.region"() ({
        %run_scoped3A = tpu.sem_alloc : memref<!tpu.dma_semaphore, #tpu.memory_space<semaphore_mem>>
        %dma_start3A_196 = arith.constant 0 : i32
        %dma_start3A_197 = tpu.memref_slice %arg4[%add3A_66, %dma_start3A_196] : memref<640000x128xf32, #tpu.memory_space<hbm>> -> memref<256x128xf32, #tpu.memory_space<hbm>>
        %dma_start3A_198 = arith.constant 0 : i32
        %dma_start3A_199 = tpu.memref_slice %arg4[%add3A_66, %dma_start3A_198] : memref<640000x128xf32, #tpu.memory_space<hbm>> -> memref<256x128xf32, #tpu.memory_space<hbm>>
        tpu.enqueue_dma source(%arg6 : memref<256x128xf32, #tpu.memory_space<vmem>>) target(%dma_start3A_199 : memref<256x128xf32, #tpu.memory_space<hbm>>) target_semaphore(%run_scoped3A : memref<!tpu.dma_semaphore, #tpu.memory_space<semaphore_mem>>)
        %dma_wait3A_200 = arith.constant 0 : i32
        %dma_wait3A_201 = tpu.memref_slice %arg4[%add3A_66, %dma_wait3A_200] : memref<640000x128xf32, #tpu.memory_space<hbm>> -> memref<256x128xf32, #tpu.memory_space<hbm>>
        %dma_wait3A_202 = arith.constant 0 : i32
        %dma_wait3A_203 = tpu.memref_slice %arg4[%add3A_66, %dma_wait3A_202] : memref<640000x128xf32, #tpu.memory_space<hbm>> -> memref<256x128xf32, #tpu.memory_space<hbm>>
        tpu.wait_dma2 semaphore(%run_scoped3A : memref<!tpu.dma_semaphore, #tpu.memory_space<semaphore_mem>>) src(%arg6 : memref<256x128xf32, #tpu.memory_space<vmem>>) dst(%dma_wait3A_203 : memref<256x128xf32, #tpu.memory_space<hbm>>)
        tpu.yield
      }) : () -> ()
      %mul3A_107 = arith.constant 1024 : i32
      %mul3A_108 = arith.muli %add3A_18, %mul3A_107 : i32
      %add3A_109 = arith.constant 512 : i32
      %add3A_110 = arith.addi %mul3A_108, %add3A_109 : i32
      %dma_start3A_111 = arith.constant 4 : i32
      %dma_start3A_112 = arith.constant 0 : i32
      %dma_start3A_113 = arith.constant 0 : i32
      %dma_start3A_114 = tpu.memref_slice %arg6[%dma_start3A_112, %dma_start3A_113] : memref<256x128xf32, #tpu.memory_space<vmem>> -> memref<128x128xf32, #tpu.memory_space<vmem>>
      %dma_start3A_115 = arith.constant 0 : i32
      %dma_start3A_116 = tpu.memref_slice %arg5[%dma_start3A_111, %dma_start3A_115] : memref<8x128xi32, #tpu.memory_space<vmem>> -> memref<1x128xi32, #tpu.memory_space<vmem>>
      %dma_start3A_117 = tpu.memref_squeeze %dma_start3A_116 : memref<1x128xi32, #tpu.memory_space<vmem>> -> memref<128xi32, #tpu.memory_space<vmem>>
      %dma_start3A_118 = arith.constant 0 : i32
      %dma_start3A_119 = arith.constant 0 : i32
      %dma_start3A_120 = tpu.memref_slice %arg3[%dma_start3A_118, %dma_start3A_119] : memref<10000x128xf32, #tpu.memory_space<hbm>> -> memref<10000x128xf32, #tpu.memory_space<hbm>>
      tpu.enqueue_indirect_dma source(%dma_start3A_120 : memref<10000x128xf32, #tpu.memory_space<hbm>>) target(%dma_start3A_114 : memref<128x128xf32, #tpu.memory_space<vmem>>) offsets(%dma_start3A_117 : memref<128xi32, #tpu.memory_space<vmem>>) semaphore(%arg7 : memref<!tpu.dma_semaphore, #tpu.memory_space<semaphore_mem>>)
      %dma_start3A_121 = arith.constant 5 : i32
      %dma_start3A_122 = arith.constant 128 : i32
      %dma_start3A_123 = arith.constant 0 : i32
      %dma_start3A_124 = tpu.memref_slice %arg6[%dma_start3A_122, %dma_start3A_123] : memref<256x128xf32, #tpu.memory_space<vmem>> -> memref<128x128xf32, #tpu.memory_space<vmem>>
      %dma_start3A_125 = arith.constant 0 : i32
      %dma_start3A_126 = tpu.memref_slice %arg5[%dma_start3A_121, %dma_start3A_125] : memref<8x128xi32, #tpu.memory_space<vmem>> -> memref<1x128xi32, #tpu.memory_space<vmem>>
      %dma_start3A_127 = tpu.memref_squeeze %dma_start3A_126 : memref<1x128xi32, #tpu.memory_space<vmem>> -> memref<128xi32, #tpu.memory_space<vmem>>
      %dma_start3A_128 = arith.constant 0 : i32
      %dma_start3A_129 = arith.constant 0 : i32
      %dma_start3A_130 = tpu.memref_slice %arg3[%dma_start3A_128, %dma_start3A_129] : memref<10000x128xf32, #tpu.memory_space<hbm>> -> memref<10000x128xf32, #tpu.memory_space<hbm>>
      tpu.enqueue_indirect_dma source(%dma_start3A_130 : memref<10000x128xf32, #tpu.memory_space<hbm>>) target(%dma_start3A_124 : memref<128x128xf32, #tpu.memory_space<vmem>>) offsets(%dma_start3A_127 : memref<128xi32, #tpu.memory_space<vmem>>) semaphore(%arg7 : memref<!tpu.dma_semaphore, #tpu.memory_space<semaphore_mem>>)
      %dma_wait3A_131 = arith.constant 4 : i32
      %dma_wait3A_132 = arith.constant 0 : i32
      %dma_wait3A_133 = arith.constant 0 : i32
      %dma_wait3A_134 = tpu.memref_slice %arg6[%dma_wait3A_132, %dma_wait3A_133] : memref<256x128xf32, #tpu.memory_space<vmem>> -> memref<128x128xf32, #tpu.memory_space<vmem>>
      %dma_wait3A_135 = arith.constant 0 : i32
      %dma_wait3A_136 = tpu.memref_slice %arg5[%dma_wait3A_131, %dma_wait3A_135] : memref<8x128xi32, #tpu.memory_space<vmem>> -> memref<1x128xi32, #tpu.memory_space<vmem>>
      %dma_wait3A_137 = tpu.memref_squeeze %dma_wait3A_136 : memref<1x128xi32, #tpu.memory_space<vmem>> -> memref<128xi32, #tpu.memory_space<vmem>>
      %dma_wait3A_138 = arith.constant 0 : i32
      %dma_wait3A_139 = arith.constant 0 : i32
      %dma_wait3A_140 = tpu.memref_slice %arg3[%dma_wait3A_138, %dma_wait3A_139] : memref<10000x128xf32, #tpu.memory_space<hbm>> -> memref<10000x128xf32, #tpu.memory_space<hbm>>
      tpu.wait_indirect_dma semaphore(%arg7 : memref<!tpu.dma_semaphore, #tpu.memory_space<semaphore_mem>>) src(%dma_wait3A_140 : memref<10000x128xf32, #tpu.memory_space<hbm>>) dst(%dma_wait3A_134 : memref<128x128xf32, #tpu.memory_space<vmem>>)
      %dma_wait3A_141 = arith.constant 5 : i32
      %dma_wait3A_142 = arith.constant 128 : i32
      %dma_wait3A_143 = arith.constant 0 : i32
      %dma_wait3A_144 = tpu.memref_slice %arg6[%dma_wait3A_142, %dma_wait3A_143] : memref<256x128xf32, #tpu.memory_space<vmem>> -> memref<128x128xf32, #tpu.memory_space<vmem>>
      %dma_wait3A_145 = arith.constant 0 : i32
      %dma_wait3A_146 = tpu.memref_slice %arg5[%dma_wait3A_141, %dma_wait3A_145] : memref<8x128xi32, #tpu.memory_space<vmem>> -> memref<1x128xi32, #tpu.memory_space<vmem>>
      %dma_wait3A_147 = tpu.memref_squeeze %dma_wait3A_146 : memref<1x128xi32, #tpu.memory_space<vmem>> -> memref<128xi32, #tpu.memory_space<vmem>>
      %dma_wait3A_148 = arith.constant 0 : i32
      %dma_wait3A_149 = arith.constant 0 : i32
      %dma_wait3A_150 = tpu.memref_slice %arg3[%dma_wait3A_148, %dma_wait3A_149] : memref<10000x128xf32, #tpu.memory_space<hbm>> -> memref<10000x128xf32, #tpu.memory_space<hbm>>
      tpu.wait_indirect_dma semaphore(%arg7 : memref<!tpu.dma_semaphore, #tpu.memory_space<semaphore_mem>>) src(%dma_wait3A_150 : memref<10000x128xf32, #tpu.memory_space<hbm>>) dst(%dma_wait3A_144 : memref<128x128xf32, #tpu.memory_space<vmem>>)
      "tpu.region"() ({
        %run_scoped3A = tpu.sem_alloc : memref<!tpu.dma_semaphore, #tpu.memory_space<semaphore_mem>>
        %dma_start3A_196 = arith.constant 0 : i32
        %dma_start3A_197 = tpu.memref_slice %arg4[%add3A_110, %dma_start3A_196] : memref<640000x128xf32, #tpu.memory_space<hbm>> -> memref<256x128xf32, #tpu.memory_space<hbm>>
        %dma_start3A_198 = arith.constant 0 : i32
        %dma_start3A_199 = tpu.memref_slice %arg4[%add3A_110, %dma_start3A_198] : memref<640000x128xf32, #tpu.memory_space<hbm>> -> memref<256x128xf32, #tpu.memory_space<hbm>>
        tpu.enqueue_dma source(%arg6 : memref<256x128xf32, #tpu.memory_space<vmem>>) target(%dma_start3A_199 : memref<256x128xf32, #tpu.memory_space<hbm>>) target_semaphore(%run_scoped3A : memref<!tpu.dma_semaphore, #tpu.memory_space<semaphore_mem>>)
        %dma_wait3A_200 = arith.constant 0 : i32
        %dma_wait3A_201 = tpu.memref_slice %arg4[%add3A_110, %dma_wait3A_200] : memref<640000x128xf32, #tpu.memory_space<hbm>> -> memref<256x128xf32, #tpu.memory_space<hbm>>
        %dma_wait3A_202 = arith.constant 0 : i32
        %dma_wait3A_203 = tpu.memref_slice %arg4[%add3A_110, %dma_wait3A_202] : memref<640000x128xf32, #tpu.memory_space<hbm>> -> memref<256x128xf32, #tpu.memory_space<hbm>>
        tpu.wait_dma2 semaphore(%run_scoped3A : memref<!tpu.dma_semaphore, #tpu.memory_space<semaphore_mem>>) src(%arg6 : memref<256x128xf32, #tpu.memory_space<vmem>>) dst(%dma_wait3A_203 : memref<256x128xf32, #tpu.memory_space<hbm>>)
        tpu.yield
      }) : () -> ()
      %mul3A_151 = arith.constant 1024 : i32
      %mul3A_152 = arith.muli %add3A_18, %mul3A_151 : i32
      %add3A_153 = arith.constant 768 : i32
      %add3A_154 = arith.addi %mul3A_152, %add3A_153 : i32
      %dma_start3A_155 = arith.constant 6 : i32
      %dma_start3A_156 = arith.constant 0 : i32
      %dma_start3A_157 = arith.constant 0 : i32
      %dma_start3A_158 = tpu.memref_slice %arg6[%dma_start3A_156, %dma_start3A_157] : memref<256x128xf32, #tpu.memory_space<vmem>> -> memref<128x128xf32, #tpu.memory_space<vmem>>
      %dma_start3A_159 = arith.constant 0 : i32
      %dma_start3A_160 = tpu.memref_slice %arg5[%dma_start3A_155, %dma_start3A_159] : memref<8x128xi32, #tpu.memory_space<vmem>> -> memref<1x128xi32, #tpu.memory_space<vmem>>
      %dma_start3A_161 = tpu.memref_squeeze %dma_start3A_160 : memref<1x128xi32, #tpu.memory_space<vmem>> -> memref<128xi32, #tpu.memory_space<vmem>>
      %dma_start3A_162 = arith.constant 0 : i32
      %dma_start3A_163 = arith.constant 0 : i32
      %dma_start3A_164 = tpu.memref_slice %arg3[%dma_start3A_162, %dma_start3A_163] : memref<10000x128xf32, #tpu.memory_space<hbm>> -> memref<10000x128xf32, #tpu.memory_space<hbm>>
      tpu.enqueue_indirect_dma source(%dma_start3A_164 : memref<10000x128xf32, #tpu.memory_space<hbm>>) target(%dma_start3A_158 : memref<128x128xf32, #tpu.memory_space<vmem>>) offsets(%dma_start3A_161 : memref<128xi32, #tpu.memory_space<vmem>>) semaphore(%arg7 : memref<!tpu.dma_semaphore, #tpu.memory_space<semaphore_mem>>)
      %dma_start3A_165 = arith.constant 7 : i32
      %dma_start3A_166 = arith.constant 128 : i32
      %dma_start3A_167 = arith.constant 0 : i32
      %dma_start3A_168 = tpu.memref_slice %arg6[%dma_start3A_166, %dma_start3A_167] : memref<256x128xf32, #tpu.memory_space<vmem>> -> memref<128x128xf32, #tpu.memory_space<vmem>>
      %dma_start3A_169 = arith.constant 0 : i32
      %dma_start3A_170 = tpu.memref_slice %arg5[%dma_start3A_165, %dma_start3A_169] : memref<8x128xi32, #tpu.memory_space<vmem>> -> memref<1x128xi32, #tpu.memory_space<vmem>>
      %dma_start3A_171 = tpu.memref_squeeze %dma_start3A_170 : memref<1x128xi32, #tpu.memory_space<vmem>> -> memref<128xi32, #tpu.memory_space<vmem>>
      %dma_start3A_172 = arith.constant 0 : i32
      %dma_start3A_173 = arith.constant 0 : i32
      %dma_start3A_174 = tpu.memref_slice %arg3[%dma_start3A_172, %dma_start3A_173] : memref<10000x128xf32, #tpu.memory_space<hbm>> -> memref<10000x128xf32, #tpu.memory_space<hbm>>
      tpu.enqueue_indirect_dma source(%dma_start3A_174 : memref<10000x128xf32, #tpu.memory_space<hbm>>) target(%dma_start3A_168 : memref<128x128xf32, #tpu.memory_space<vmem>>) offsets(%dma_start3A_171 : memref<128xi32, #tpu.memory_space<vmem>>) semaphore(%arg7 : memref<!tpu.dma_semaphore, #tpu.memory_space<semaphore_mem>>)
      %dma_wait3A_175 = arith.constant 6 : i32
      %dma_wait3A_176 = arith.constant 0 : i32
      %dma_wait3A_177 = arith.constant 0 : i32
      %dma_wait3A_178 = tpu.memref_slice %arg6[%dma_wait3A_176, %dma_wait3A_177] : memref<256x128xf32, #tpu.memory_space<vmem>> -> memref<128x128xf32, #tpu.memory_space<vmem>>
      %dma_wait3A_179 = arith.constant 0 : i32
      %dma_wait3A_180 = tpu.memref_slice %arg5[%dma_wait3A_175, %dma_wait3A_179] : memref<8x128xi32, #tpu.memory_space<vmem>> -> memref<1x128xi32, #tpu.memory_space<vmem>>
      %dma_wait3A_181 = tpu.memref_squeeze %dma_wait3A_180 : memref<1x128xi32, #tpu.memory_space<vmem>> -> memref<128xi32, #tpu.memory_space<vmem>>
      %dma_wait3A_182 = arith.constant 0 : i32
      %dma_wait3A_183 = arith.constant 0 : i32
      %dma_wait3A_184 = tpu.memref_slice %arg3[%dma_wait3A_182, %dma_wait3A_183] : memref<10000x128xf32, #tpu.memory_space<hbm>> -> memref<10000x128xf32, #tpu.memory_space<hbm>>
      tpu.wait_indirect_dma semaphore(%arg7 : memref<!tpu.dma_semaphore, #tpu.memory_space<semaphore_mem>>) src(%dma_wait3A_184 : memref<10000x128xf32, #tpu.memory_space<hbm>>) dst(%dma_wait3A_178 : memref<128x128xf32, #tpu.memory_space<vmem>>)
      %dma_wait3A_185 = arith.constant 7 : i32
      %dma_wait3A_186 = arith.constant 128 : i32
      %dma_wait3A_187 = arith.constant 0 : i32
      %dma_wait3A_188 = tpu.memref_slice %arg6[%dma_wait3A_186, %dma_wait3A_187] : memref<256x128xf32, #tpu.memory_space<vmem>> -> memref<128x128xf32, #tpu.memory_space<vmem>>
      %dma_wait3A_189 = arith.constant 0 : i32
      %dma_wait3A_190 = tpu.memref_slice %arg5[%dma_wait3A_185, %dma_wait3A_189] : memref<8x128xi32, #tpu.memory_space<vmem>> -> memref<1x128xi32, #tpu.memory_space<vmem>>
      %dma_wait3A_191 = tpu.memref_squeeze %dma_wait3A_190 : memref<1x128xi32, #tpu.memory_space<vmem>> -> memref<128xi32, #tpu.memory_space<vmem>>
      %dma_wait3A_192 = arith.constant 0 : i32
      %dma_wait3A_193 = arith.constant 0 : i32
      %dma_wait3A_194 = tpu.memref_slice %arg3[%dma_wait3A_192, %dma_wait3A_193] : memref<10000x128xf32, #tpu.memory_space<hbm>> -> memref<10000x128xf32, #tpu.memory_space<hbm>>
      tpu.wait_indirect_dma semaphore(%arg7 : memref<!tpu.dma_semaphore, #tpu.memory_space<semaphore_mem>>) src(%dma_wait3A_194 : memref<10000x128xf32, #tpu.memory_space<hbm>>) dst(%dma_wait3A_188 : memref<128x128xf32, #tpu.memory_space<vmem>>)
      "tpu.region"() ({
        %run_scoped3A = tpu.sem_alloc : memref<!tpu.dma_semaphore, #tpu.memory_space<semaphore_mem>>
        %dma_start3A_196 = arith.constant 0 : i32
        %dma_start3A_197 = tpu.memref_slice %arg4[%add3A_154, %dma_start3A_196] : memref<640000x128xf32, #tpu.memory_space<hbm>> -> memref<256x128xf32, #tpu.memory_space<hbm>>
        %dma_start3A_198 = arith.constant 0 : i32
        %dma_start3A_199 = tpu.memref_slice %arg4[%add3A_154, %dma_start3A_198] : memref<640000x128xf32, #tpu.memory_space<hbm>> -> memref<256x128xf32, #tpu.memory_space<hbm>>
        tpu.enqueue_dma source(%arg6 : memref<256x128xf32, #tpu.memory_space<vmem>>) target(%dma_start3A_199 : memref<256x128xf32, #tpu.memory_space<hbm>>) target_semaphore(%run_scoped3A : memref<!tpu.dma_semaphore, #tpu.memory_space<semaphore_mem>>)
        %dma_wait3A_200 = arith.constant 0 : i32
        %dma_wait3A_201 = tpu.memref_slice %arg4[%add3A_154, %dma_wait3A_200] : memref<640000x128xf32, #tpu.memory_space<hbm>> -> memref<256x128xf32, #tpu.memory_space<hbm>>
        %dma_wait3A_202 = arith.constant 0 : i32
        %dma_wait3A_203 = tpu.memref_slice %arg4[%add3A_154, %dma_wait3A_202] : memref<640000x128xf32, #tpu.memory_space<hbm>> -> memref<256x128xf32, #tpu.memory_space<hbm>>
        tpu.wait_dma2 semaphore(%run_scoped3A : memref<!tpu.dma_semaphore, #tpu.memory_space<semaphore_mem>>) src(%arg6 : memref<256x128xf32, #tpu.memory_space<vmem>>) dst(%dma_wait3A_203 : memref<256x128xf32, #tpu.memory_space<hbm>>)
        tpu.yield
      }) : () -> ()
      %while3A_195 = arith.constant 0 : i32
      scf.yield %while3A_195 : i32
    }
    return
  }
}

#map = affine_map<(d0, d1) -> (0, 0)>
module attributes {stable_mosaic.version = 14 : i64} {
  func.func @k(%arg0: i32, %arg1: i32, %arg2: memref<5000x128xi32, #tpu.memory_space<hbm>>, %arg3: memref<5000x128xi32, #tpu.memory_space<hbm>>, %arg4: memref<640000x128xf32, #tpu.memory_space<hbm>>, %arg5: memref<10000x128xf32, #tpu.memory_space<hbm>>, %arg6: memref<640000x128xf32, #tpu.memory_space<hbm>>, %arg7: memref<10000x128xf32, #tpu.memory_space<hbm>>, %arg8: memref<10000x128xf32, #tpu.memory_space<hbm>>, %arg9: memref<10000x128xf32, #tpu.memory_space<hbm>>, %arg10: memref<8x128xi32, #tpu.memory_space<vmem>>, %arg11: memref<8x128xi32, #tpu.memory_space<vmem>>, %arg12: memref<256x128xf32, #tpu.memory_space<vmem>>, %arg13: memref<10000x128xf32, #tpu.memory_space<vmem_shared>>, %arg14: memref<!tpu.dma_semaphore, #tpu.memory_space<semaphore_mem>>) attributes {dimension_semantics = [#tpu.dimension_semantics<core_parallel>, #tpu.dimension_semantics<subcore_parallel>], iteration_bounds = array<i64: 2, 16>, scalar_prefetch = 0 : i64, scratch_operands = 5 : i64, tpu.core_type = #tpu.core_type<sc_vector_subcore>, window_params = [{transform_indices = #map}, {transform_indices = #map}, {transform_indices = #map}, {transform_indices = #map}, {transform_indices = #map}, {transform_indices = #map}, {transform_indices = #map}, {transform_indices = #map}]} {
    %broadcast_in_dim3A = arith.constant 0.000000e+00 : f32
    %broadcast_in_dim3A_0 = vector.broadcast %broadcast_in_dim3A : f32 to vector<16xf32>
    %broadcast_in_dim3A_1 = arith.constant 1.000000e+00 : f32
    %broadcast_in_dim3A_2 = vector.broadcast %broadcast_in_dim3A_1 : f32 to vector<16xf32>
    %mul3A = arith.constant 78 : i32
    %mul3A_3 = arith.muli %mul3A, %arg1 : i32
    %min3A = arith.constant 2 : i32
    %min3A_4 = arith.minsi %arg1, %min3A : i32
    %add3A = arith.addi %mul3A_3, %min3A_4 : i32
    %mul3A_5 = arith.constant 8 : i32
    %mul3A_6 = arith.muli %mul3A_5, %add3A : i32
    %lt3A = arith.constant 1 : i32
    %lt3A_7 = arith.cmpi slt, %arg1, %lt3A : i32
    %jit3A = arith.constant 40 : i32
    %jit3A_8 = arith.constant 39 : i32
    %select_n3A = arith.select %lt3A_7, %jit3A, %jit3A_8 : i32
    %scan3A = arith.constant 0 : i32
    %scan3A_9 = arith.constant 0 : i32
    %scan3A_10 = arith.constant 256 : i32
    %scan3A_11 = arith.addi %scan3A_9, %scan3A_10 : i32
    %scan3A_12 = arith.constant 1 : i32
    %scan3A_13 = scf.for %scan3A_48 = %scan3A_9 to %scan3A_11 step %scan3A_12 iter_args(%scan3A_49 = %scan3A) -> (i32)  : i32 {
      %swap3A = arith.index_cast %scan3A_48 : i32 to index
      %swap3A_50 = arith.constant 0 : index
      %swap3A_51 = tpu.vector_load %arg12[%swap3A, %swap3A_50] {strides = array<i32>} : memref<256x128xf32, #tpu.memory_space<vmem>>, vector<1x16xf32>,
      %swap3A_52 = vector.shape_cast %swap3A_51 : vector<1x16xf32> to vector<16xf32>
      %swap3A_53 = vector.shape_cast %broadcast_in_dim3A_0 : vector<16xf32> to vector<1x16xf32>
      tpu.vector_store %arg12[%swap3A, %swap3A_50], %swap3A_53 {strides = array<i32>} : memref<256x128xf32, #tpu.memory_space<vmem>>, vector<1x16xf32>,
      %swap3A_54 = arith.index_cast %scan3A_48 : i32 to index
      %swap3A_55 = arith.constant 16 : index
      %swap3A_56 = tpu.vector_load %arg12[%swap3A_54, %swap3A_55] {strides = array<i32>} : memref<256x128xf32, #tpu.memory_space<vmem>>, vector<1x16xf32>,
      %swap3A_57 = vector.shape_cast %swap3A_56 : vector<1x16xf32> to vector<16xf32>
      %swap3A_58 = vector.shape_cast %broadcast_in_dim3A_0 : vector<16xf32> to vector<1x16xf32>
      tpu.vector_store %arg12[%swap3A_54, %swap3A_55], %swap3A_58 {strides = array<i32>} : memref<256x128xf32, #tpu.memory_space<vmem>>, vector<1x16xf32>,
      %swap3A_59 = arith.index_cast %scan3A_48 : i32 to index
      %swap3A_60 = arith.constant 32 : index
      %swap3A_61 = tpu.vector_load %arg12[%swap3A_59, %swap3A_60] {strides = array<i32>} : memref<256x128xf32, #tpu.memory_space<vmem>>, vector<1x16xf32>,
      %swap3A_62 = vector.shape_cast %swap3A_61 : vector<1x16xf32> to vector<16xf32>
      %swap3A_63 = vector.shape_cast %broadcast_in_dim3A_0 : vector<16xf32> to vector<1x16xf32>
      tpu.vector_store %arg12[%swap3A_59, %swap3A_60], %swap3A_63 {strides = array<i32>} : memref<256x128xf32, #tpu.memory_space<vmem>>, vector<1x16xf32>,
      %swap3A_64 = arith.index_cast %scan3A_48 : i32 to index
      %swap3A_65 = arith.constant 48 : index
      %swap3A_66 = tpu.vector_load %arg12[%swap3A_64, %swap3A_65] {strides = array<i32>} : memref<256x128xf32, #tpu.memory_space<vmem>>, vector<1x16xf32>,
      %swap3A_67 = vector.shape_cast %swap3A_66 : vector<1x16xf32> to vector<16xf32>
      %swap3A_68 = vector.shape_cast %broadcast_in_dim3A_0 : vector<16xf32> to vector<1x16xf32>
      tpu.vector_store %arg12[%swap3A_64, %swap3A_65], %swap3A_68 {strides = array<i32>} : memref<256x128xf32, #tpu.memory_space<vmem>>, vector<1x16xf32>,
      %swap3A_69 = arith.index_cast %scan3A_48 : i32 to index
      %swap3A_70 = arith.constant 64 : index
      %swap3A_71 = tpu.vector_load %arg12[%swap3A_69, %swap3A_70] {strides = array<i32>} : memref<256x128xf32, #tpu.memory_space<vmem>>, vector<1x16xf32>,
      %swap3A_72 = vector.shape_cast %swap3A_71 : vector<1x16xf32> to vector<16xf32>
      %swap3A_73 = vector.shape_cast %broadcast_in_dim3A_0 : vector<16xf32> to vector<1x16xf32>
      tpu.vector_store %arg12[%swap3A_69, %swap3A_70], %swap3A_73 {strides = array<i32>} : memref<256x128xf32, #tpu.memory_space<vmem>>, vector<1x16xf32>,
      %swap3A_74 = arith.index_cast %scan3A_48 : i32 to index
      %swap3A_75 = arith.constant 80 : index
      %swap3A_76 = tpu.vector_load %arg12[%swap3A_74, %swap3A_75] {strides = array<i32>} : memref<256x128xf32, #tpu.memory_space<vmem>>, vector<1x16xf32>,
      %swap3A_77 = vector.shape_cast %swap3A_76 : vector<1x16xf32> to vector<16xf32>
      %swap3A_78 = vector.shape_cast %broadcast_in_dim3A_0 : vector<16xf32> to vector<1x16xf32>
      tpu.vector_store %arg12[%swap3A_74, %swap3A_75], %swap3A_78 {strides = array<i32>} : memref<256x128xf32, #tpu.memory_space<vmem>>, vector<1x16xf32>,
      %swap3A_79 = arith.index_cast %scan3A_48 : i32 to index
      %swap3A_80 = arith.constant 96 : index
      %swap3A_81 = tpu.vector_load %arg12[%swap3A_79, %swap3A_80] {strides = array<i32>} : memref<256x128xf32, #tpu.memory_space<vmem>>, vector<1x16xf32>,
      %swap3A_82 = vector.shape_cast %swap3A_81 : vector<1x16xf32> to vector<16xf32>
      %swap3A_83 = vector.shape_cast %broadcast_in_dim3A_0 : vector<16xf32> to vector<1x16xf32>
      tpu.vector_store %arg12[%swap3A_79, %swap3A_80], %swap3A_83 {strides = array<i32>} : memref<256x128xf32, #tpu.memory_space<vmem>>, vector<1x16xf32>,
      %swap3A_84 = arith.index_cast %scan3A_48 : i32 to index
      %swap3A_85 = arith.constant 112 : index
      %swap3A_86 = tpu.vector_load %arg12[%swap3A_84, %swap3A_85] {strides = array<i32>} : memref<256x128xf32, #tpu.memory_space<vmem>>, vector<1x16xf32>,
      %swap3A_87 = vector.shape_cast %swap3A_86 : vector<1x16xf32> to vector<16xf32>
      %swap3A_88 = vector.shape_cast %broadcast_in_dim3A_0 : vector<16xf32> to vector<1x16xf32>
      tpu.vector_store %arg12[%swap3A_84, %swap3A_85], %swap3A_88 {strides = array<i32>} : memref<256x128xf32, #tpu.memory_space<vmem>>, vector<1x16xf32>,
      %scan3A_89 = arith.constant 0 : i32
      scf.yield %scan3A_89 : i32
    }
    %scan3A_14 = arith.constant 256 : i32
    "tpu.region"() ({
      %run_scoped3A = tpu.sem_alloc : memref<!tpu.dma_semaphore, #tpu.memory_space<semaphore_mem>>
      %dma_start3A = arith.constant 0 : i32
      %dma_start3A_48 = tpu.memref_slice %arg13[%mul3A_6, %dma_start3A] : memref<10000x128xf32, #tpu.memory_space<vmem_shared>> -> memref<256x128xf32, #tpu.memory_space<vmem_shared>>
      %dma_start3A_49 = arith.constant 0 : i32
      %dma_start3A_50 = tpu.memref_slice %arg13[%mul3A_6, %dma_start3A_49] : memref<10000x128xf32, #tpu.memory_space<vmem_shared>> -> memref<256x128xf32, #tpu.memory_space<vmem_shared>>
      tpu.enqueue_dma source(%arg12 : memref<256x128xf32, #tpu.memory_space<vmem>>) target(%dma_start3A_50 : memref<256x128xf32, #tpu.memory_space<vmem_shared>>) target_semaphore(%run_scoped3A : memref<!tpu.dma_semaphore, #tpu.memory_space<semaphore_mem>>)
      %dma_wait3A = arith.constant 0 : i32
      %dma_wait3A_51 = tpu.memref_slice %arg13[%mul3A_6, %dma_wait3A] : memref<10000x128xf32, #tpu.memory_space<vmem_shared>> -> memref<256x128xf32, #tpu.memory_space<vmem_shared>>
      %dma_wait3A_52 = arith.constant 0 : i32
      %dma_wait3A_53 = tpu.memref_slice %arg13[%mul3A_6, %dma_wait3A_52] : memref<10000x128xf32, #tpu.memory_space<vmem_shared>> -> memref<256x128xf32, #tpu.memory_space<vmem_shared>>
      tpu.wait_dma2 semaphore(%run_scoped3A : memref<!tpu.dma_semaphore, #tpu.memory_space<semaphore_mem>>) src(%arg12 : memref<256x128xf32, #tpu.memory_space<vmem>>) dst(%dma_wait3A_53 : memref<256x128xf32, #tpu.memory_space<vmem_shared>>)
      tpu.yield
    }) : () -> ()
    %add3A_15 = arith.constant 256 : i32
    %add3A_16 = arith.addi %mul3A_6, %add3A_15 : i32
    "tpu.region"() ({
      %run_scoped3A = tpu.sem_alloc : memref<!tpu.dma_semaphore, #tpu.memory_space<semaphore_mem>>
      %dma_start3A = arith.constant 0 : i32
      %dma_start3A_48 = tpu.memref_slice %arg13[%add3A_16, %dma_start3A] : memref<10000x128xf32, #tpu.memory_space<vmem_shared>> -> memref<256x128xf32, #tpu.memory_space<vmem_shared>>
      %dma_start3A_49 = arith.constant 0 : i32
      %dma_start3A_50 = tpu.memref_slice %arg13[%add3A_16, %dma_start3A_49] : memref<10000x128xf32, #tpu.memory_space<vmem_shared>> -> memref<256x128xf32, #tpu.memory_space<vmem_shared>>
      tpu.enqueue_dma source(%arg12 : memref<256x128xf32, #tpu.memory_space<vmem>>) target(%dma_start3A_50 : memref<256x128xf32, #tpu.memory_space<vmem_shared>>) target_semaphore(%run_scoped3A : memref<!tpu.dma_semaphore, #tpu.memory_space<semaphore_mem>>)
      %dma_wait3A = arith.constant 0 : i32
      %dma_wait3A_51 = tpu.memref_slice %arg13[%add3A_16, %dma_wait3A] : memref<10000x128xf32, #tpu.memory_space<vmem_shared>> -> memref<256x128xf32, #tpu.memory_space<vmem_shared>>
      %dma_wait3A_52 = arith.constant 0 : i32
      %dma_wait3A_53 = tpu.memref_slice %arg13[%add3A_16, %dma_wait3A_52] : memref<10000x128xf32, #tpu.memory_space<vmem_shared>> -> memref<256x128xf32, #tpu.memory_space<vmem_shared>>
      tpu.wait_dma2 semaphore(%run_scoped3A : memref<!tpu.dma_semaphore, #tpu.memory_space<semaphore_mem>>) src(%arg12 : memref<256x128xf32, #tpu.memory_space<vmem>>) dst(%dma_wait3A_53 : memref<256x128xf32, #tpu.memory_space<vmem_shared>>)
      tpu.yield
    }) : () -> ()
    %add3A_17 = arith.constant 512 : i32
    %add3A_18 = arith.addi %mul3A_6, %add3A_17 : i32
    "tpu.region"() ({
      %run_scoped3A = tpu.sem_alloc : memref<!tpu.dma_semaphore, #tpu.memory_space<semaphore_mem>>
      %dma_start3A = arith.constant 0 : i32
      %dma_start3A_48 = arith.constant 0 : i32
      %dma_start3A_49 = tpu.memref_slice %arg12[%dma_start3A, %dma_start3A_48] : memref<256x128xf32, #tpu.memory_space<vmem>> -> memref<112x128xf32, #tpu.memory_space<vmem>>
      %dma_start3A_50 = arith.constant 0 : i32
      %dma_start3A_51 = tpu.memref_slice %arg13[%add3A_18, %dma_start3A_50] : memref<10000x128xf32, #tpu.memory_space<vmem_shared>> -> memref<112x128xf32, #tpu.memory_space<vmem_shared>>
      %dma_start3A_52 = arith.constant 0 : i32
      %dma_start3A_53 = tpu.memref_slice %arg13[%add3A_18, %dma_start3A_52] : memref<10000x128xf32, #tpu.memory_space<vmem_shared>> -> memref<112x128xf32, #tpu.memory_space<vmem_shared>>
      %dma_start3A_54 = arith.constant 0 : i32
      %dma_start3A_55 = arith.constant 0 : i32
      %dma_start3A_56 = tpu.memref_slice %arg12[%dma_start3A_54, %dma_start3A_55] : memref<256x128xf32, #tpu.memory_space<vmem>> -> memref<112x128xf32, #tpu.memory_space<vmem>>
      tpu.enqueue_dma source(%dma_start3A_56 : memref<112x128xf32, #tpu.memory_space<vmem>>) target(%dma_start3A_53 : memref<112x128xf32, #tpu.memory_space<vmem_shared>>) target_semaphore(%run_scoped3A : memref<!tpu.dma_semaphore, #tpu.memory_space<semaphore_mem>>)
      %dma_wait3A = arith.constant 0 : i32
      %dma_wait3A_57 = arith.constant 0 : i32
      %dma_wait3A_58 = tpu.memref_slice %arg12[%dma_wait3A, %dma_wait3A_57] : memref<256x128xf32, #tpu.memory_space<vmem>> -> memref<112x128xf32, #tpu.memory_space<vmem>>
      %dma_wait3A_59 = arith.constant 0 : i32
      %dma_wait3A_60 = tpu.memref_slice %arg13[%add3A_18, %dma_wait3A_59] : memref<10000x128xf32, #tpu.memory_space<vmem_shared>> -> memref<112x128xf32, #tpu.memory_space<vmem_shared>>
      %dma_wait3A_61 = arith.constant 0 : i32
      %dma_wait3A_62 = tpu.memref_slice %arg13[%add3A_18, %dma_wait3A_61] : memref<10000x128xf32, #tpu.memory_space<vmem_shared>> -> memref<112x128xf32, #tpu.memory_space<vmem_shared>>
      %dma_wait3A_63 = arith.constant 0 : i32
      %dma_wait3A_64 = arith.constant 0 : i32
      %dma_wait3A_65 = tpu.memref_slice %arg12[%dma_wait3A_63, %dma_wait3A_64] : memref<256x128xf32, #tpu.memory_space<vmem>> -> memref<112x128xf32, #tpu.memory_space<vmem>>
      tpu.wait_dma2 semaphore(%run_scoped3A : memref<!tpu.dma_semaphore, #tpu.memory_space<semaphore_mem>>) src(%dma_wait3A_65 : memref<112x128xf32, #tpu.memory_space<vmem>>) dst(%dma_wait3A_62 : memref<112x128xf32, #tpu.memory_space<vmem_shared>>)
      tpu.yield
    }) : () -> ()
    %lt3A_19 = arith.constant 2 : i32
    %lt3A_20 = arith.cmpi slt, %arg1, %lt3A_19 : i32
    %convert_element_type3A = arith.extui %lt3A_20 : i1 to i32
    %cond3A = arith.constant 0 : i32
    %cond3A_21 = arith.cmpi ne, %convert_element_type3A, %cond3A : i32
    scf.if %cond3A_21 {
      %add3A_48 = arith.constant 624 : i32
      %add3A_49 = arith.addi %mul3A_6, %add3A_48 : i32
      "tpu.region"() ({
        %run_scoped3A = tpu.sem_alloc : memref<!tpu.dma_semaphore, #tpu.memory_space<semaphore_mem>>
        %dma_start3A = arith.constant 0 : i32
        %dma_start3A_50 = arith.constant 0 : i32
        %dma_start3A_51 = tpu.memref_slice %arg12[%dma_start3A, %dma_start3A_50] : memref<256x128xf32, #tpu.memory_space<vmem>> -> memref<8x128xf32, #tpu.memory_space<vmem>>
        %dma_start3A_52 = arith.constant 0 : i32
        %dma_start3A_53 = tpu.memref_slice %arg13[%add3A_49, %dma_start3A_52] : memref<10000x128xf32, #tpu.memory_space<vmem_shared>> -> memref<8x128xf32, #tpu.memory_space<vmem_shared>>
        %dma_start3A_54 = arith.constant 0 : i32
        %dma_start3A_55 = tpu.memref_slice %arg13[%add3A_49, %dma_start3A_54] : memref<10000x128xf32, #tpu.memory_space<vmem_shared>> -> memref<8x128xf32, #tpu.memory_space<vmem_shared>>
        %dma_start3A_56 = arith.constant 0 : i32
        %dma_start3A_57 = arith.constant 0 : i32
        %dma_start3A_58 = tpu.memref_slice %arg12[%dma_start3A_56, %dma_start3A_57] : memref<256x128xf32, #tpu.memory_space<vmem>> -> memref<8x128xf32, #tpu.memory_space<vmem>>
        tpu.enqueue_dma source(%dma_start3A_58 : memref<8x128xf32, #tpu.memory_space<vmem>>) target(%dma_start3A_55 : memref<8x128xf32, #tpu.memory_space<vmem_shared>>) target_semaphore(%run_scoped3A : memref<!tpu.dma_semaphore, #tpu.memory_space<semaphore_mem>>)
        %dma_wait3A = arith.constant 0 : i32
        %dma_wait3A_59 = arith.constant 0 : i32
        %dma_wait3A_60 = tpu.memref_slice %arg12[%dma_wait3A, %dma_wait3A_59] : memref<256x128xf32, #tpu.memory_space<vmem>> -> memref<8x128xf32, #tpu.memory_space<vmem>>
        %dma_wait3A_61 = arith.constant 0 : i32
        %dma_wait3A_62 = tpu.memref_slice %arg13[%add3A_49, %dma_wait3A_61] : memref<10000x128xf32, #tpu.memory_space<vmem_shared>> -> memref<8x128xf32, #tpu.memory_space<vmem_shared>>
        %dma_wait3A_63 = arith.constant 0 : i32
        %dma_wait3A_64 = tpu.memref_slice %arg13[%add3A_49, %dma_wait3A_63] : memref<10000x128xf32, #tpu.memory_space<vmem_shared>> -> memref<8x128xf32, #tpu.memory_space<vmem_shared>>
        %dma_wait3A_65 = arith.constant 0 : i32
        %dma_wait3A_66 = arith.constant 0 : i32
        %dma_wait3A_67 = tpu.memref_slice %arg12[%dma_wait3A_65, %dma_wait3A_66] : memref<256x128xf32, #tpu.memory_space<vmem>> -> memref<8x128xf32, #tpu.memory_space<vmem>>
        tpu.wait_dma2 semaphore(%run_scoped3A : memref<!tpu.dma_semaphore, #tpu.memory_space<semaphore_mem>>) src(%dma_wait3A_67 : memref<8x128xf32, #tpu.memory_space<vmem>>) dst(%dma_wait3A_64 : memref<8x128xf32, #tpu.memory_space<vmem_shared>>)
        tpu.yield
      }) : () -> ()
    } else {
    }
    %eq3A = arith.constant 0 : i32
    %eq3A_22 = arith.cmpi eq, %arg0, %eq3A : i32
    %convert_element_type3A_23 = arith.extui %eq3A_22 : i1 to i32
    %cond3A_24 = arith.constant 0 : i32
    %cond3A_25 = arith.cmpi ne, %convert_element_type3A_23, %cond3A_24 : i32
    scf.if %cond3A_25 {
      %barrier3A_48 = arith.constant 0 : index
      tpu.barrier barrier_id(%barrier3A_48)
      %scan3A_49 = arith.constant 0 : i32
      %scan3A_50 = arith.constant 0 : i32
      %scan3A_51 = arith.constant 128 : i32
      %scan3A_52 = arith.addi %scan3A_50, %scan3A_51 : i32
      %scan3A_53 = arith.constant 1 : i32
      %scan3A_54 = scf.for %scan3A_91 = %scan3A_50 to %scan3A_52 step %scan3A_53 iter_args(%scan3A_92 = %scan3A_49) -> (i32)  : i32 {
        %swap3A = arith.index_cast %scan3A_91 : i32 to index
        %swap3A_93 = arith.constant 0 : index
        %swap3A_94 = tpu.vector_load %arg12[%swap3A, %swap3A_93] {strides = array<i32>} : memref<256x128xf32, #tpu.memory_space<vmem>>, vector<1x16xf32>,
        %swap3A_95 = vector.shape_cast %swap3A_94 : vector<1x16xf32> to vector<16xf32>
        %swap3A_96 = vector.shape_cast %broadcast_in_dim3A_2 : vector<16xf32> to vector<1x16xf32>
        tpu.vector_store %arg12[%swap3A, %swap3A_93], %swap3A_96 {strides = array<i32>} : memref<256x128xf32, #tpu.memory_space<vmem>>, vector<1x16xf32>,
        %swap3A_97 = arith.index_cast %scan3A_91 : i32 to index
        %swap3A_98 = arith.constant 16 : index
        %swap3A_99 = tpu.vector_load %arg12[%swap3A_97, %swap3A_98] {strides = array<i32>} : memref<256x128xf32, #tpu.memory_space<vmem>>, vector<1x16xf32>,
        %swap3A_100 = vector.shape_cast %swap3A_99 : vector<1x16xf32> to vector<16xf32>
        %swap3A_101 = vector.shape_cast %broadcast_in_dim3A_2 : vector<16xf32> to vector<1x16xf32>
        tpu.vector_store %arg12[%swap3A_97, %swap3A_98], %swap3A_101 {strides = array<i32>} : memref<256x128xf32, #tpu.memory_space<vmem>>, vector<1x16xf32>,
        %swap3A_102 = arith.index_cast %scan3A_91 : i32 to index
        %swap3A_103 = arith.constant 32 : index
        %swap3A_104 = tpu.vector_load %arg12[%swap3A_102, %swap3A_103] {strides = array<i32>} : memref<256x128xf32, #tpu.memory_space<vmem>>, vector<1x16xf32>,
        %swap3A_105 = vector.shape_cast %swap3A_104 : vector<1x16xf32> to vector<16xf32>
        %swap3A_106 = vector.shape_cast %broadcast_in_dim3A_2 : vector<16xf32> to vector<1x16xf32>
        tpu.vector_store %arg12[%swap3A_102, %swap3A_103], %swap3A_106 {strides = array<i32>} : memref<256x128xf32, #tpu.memory_space<vmem>>, vector<1x16xf32>,
        %swap3A_107 = arith.index_cast %scan3A_91 : i32 to index
        %swap3A_108 = arith.constant 48 : index
        %swap3A_109 = tpu.vector_load %arg12[%swap3A_107, %swap3A_108] {strides = array<i32>} : memref<256x128xf32, #tpu.memory_space<vmem>>, vector<1x16xf32>,
        %swap3A_110 = vector.shape_cast %swap3A_109 : vector<1x16xf32> to vector<16xf32>
        %swap3A_111 = vector.shape_cast %broadcast_in_dim3A_2 : vector<16xf32> to vector<1x16xf32>
        tpu.vector_store %arg12[%swap3A_107, %swap3A_108], %swap3A_111 {strides = array<i32>} : memref<256x128xf32, #tpu.memory_space<vmem>>, vector<1x16xf32>,
        %swap3A_112 = arith.index_cast %scan3A_91 : i32 to index
        %swap3A_113 = arith.constant 64 : index
        %swap3A_114 = tpu.vector_load %arg12[%swap3A_112, %swap3A_113] {strides = array<i32>} : memref<256x128xf32, #tpu.memory_space<vmem>>, vector<1x16xf32>,
        %swap3A_115 = vector.shape_cast %swap3A_114 : vector<1x16xf32> to vector<16xf32>
        %swap3A_116 = vector.shape_cast %broadcast_in_dim3A_2 : vector<16xf32> to vector<1x16xf32>
        tpu.vector_store %arg12[%swap3A_112, %swap3A_113], %swap3A_116 {strides = array<i32>} : memref<256x128xf32, #tpu.memory_space<vmem>>, vector<1x16xf32>,
        %swap3A_117 = arith.index_cast %scan3A_91 : i32 to index
        %swap3A_118 = arith.constant 80 : index
        %swap3A_119 = tpu.vector_load %arg12[%swap3A_117, %swap3A_118] {strides = array<i32>} : memref<256x128xf32, #tpu.memory_space<vmem>>, vector<1x16xf32>,
        %swap3A_120 = vector.shape_cast %swap3A_119 : vector<1x16xf32> to vector<16xf32>
        %swap3A_121 = vector.shape_cast %broadcast_in_dim3A_2 : vector<16xf32> to vector<1x16xf32>
        tpu.vector_store %arg12[%swap3A_117, %swap3A_118], %swap3A_121 {strides = array<i32>} : memref<256x128xf32, #tpu.memory_space<vmem>>, vector<1x16xf32>,
        %swap3A_122 = arith.index_cast %scan3A_91 : i32 to index
        %swap3A_123 = arith.constant 96 : index
        %swap3A_124 = tpu.vector_load %arg12[%swap3A_122, %swap3A_123] {strides = array<i32>} : memref<256x128xf32, #tpu.memory_space<vmem>>, vector<1x16xf32>,
        %swap3A_125 = vector.shape_cast %swap3A_124 : vector<1x16xf32> to vector<16xf32>
        %swap3A_126 = vector.shape_cast %broadcast_in_dim3A_2 : vector<16xf32> to vector<1x16xf32>
        tpu.vector_store %arg12[%swap3A_122, %swap3A_123], %swap3A_126 {strides = array<i32>} : memref<256x128xf32, #tpu.memory_space<vmem>>, vector<1x16xf32>,
        %swap3A_127 = arith.index_cast %scan3A_91 : i32 to index
        %swap3A_128 = arith.constant 112 : index
        %swap3A_129 = tpu.vector_load %arg12[%swap3A_127, %swap3A_128] {strides = array<i32>} : memref<256x128xf32, #tpu.memory_space<vmem>>, vector<1x16xf32>,
        %swap3A_130 = vector.shape_cast %swap3A_129 : vector<1x16xf32> to vector<16xf32>
        %swap3A_131 = vector.shape_cast %broadcast_in_dim3A_2 : vector<16xf32> to vector<1x16xf32>
        tpu.vector_store %arg12[%swap3A_127, %swap3A_128], %swap3A_131 {strides = array<i32>} : memref<256x128xf32, #tpu.memory_space<vmem>>, vector<1x16xf32>,
        %scan3A_132 = arith.constant 0 : i32
        scf.yield %scan3A_132 : i32
      }
      %scan3A_55 = arith.constant 128 : i32
      %while3A_56 = arith.constant 0 : i32
      %while3A_57 = arith.constant 0 : i32
      %while3A_58 = arith.subi %select_n3A, %while3A_56 : i32
      %while3A_59 = arith.addi %while3A_56, %while3A_58 : i32
      %while3A_60 = arith.constant 1 : i32
      %while3A_61 = arith.divsi %while3A_58, %while3A_60 : i32
      %while3A_62 = arith.muli %while3A_61, %while3A_60 : i32
      %while3A_63 = arith.addi %while3A_56, %while3A_62 : i32
      %while3A_64 = arith.constant 1 : i32
      %while3A_65 = scf.for %while3A_91 = %while3A_56 to %while3A_63 step %while3A_64 iter_args(%while3A_92 = %while3A_57) -> (i32)  : i32 {
        %mul3A_93 = arith.constant 16 : i32
        %mul3A_94 = arith.muli %while3A_91, %mul3A_93 : i32
        %add3A_95 = arith.addi %arg1, %mul3A_94 : i32
        %mul3A_96 = arith.constant 8 : i32
        %mul3A_97 = arith.muli %add3A_95, %mul3A_96 : i32
        "tpu.region"() ({
          %run_scoped3A_106 = tpu.sem_alloc : memref<!tpu.dma_semaphore, #tpu.memory_space<semaphore_mem>>
          %dma_start3A = arith.constant 0 : i32
          %dma_start3A_107 = tpu.memref_slice %arg2[%mul3A_97, %dma_start3A] : memref<5000x128xi32, #tpu.memory_space<hbm>> -> memref<8x128xi32, #tpu.memory_space<hbm>>
          %dma_start3A_108 = arith.constant 0 : i32
          %dma_start3A_109 = tpu.memref_slice %arg2[%mul3A_97, %dma_start3A_108] : memref<5000x128xi32, #tpu.memory_space<hbm>> -> memref<8x128xi32, #tpu.memory_space<hbm>>
          tpu.enqueue_dma source(%dma_start3A_109 : memref<8x128xi32, #tpu.memory_space<hbm>>) target(%arg10 : memref<8x128xi32, #tpu.memory_space<vmem>>) target_semaphore(%run_scoped3A_106 : memref<!tpu.dma_semaphore, #tpu.memory_space<semaphore_mem>>)
          %dma_wait3A = arith.constant 0 : i32
          %dma_wait3A_110 = tpu.memref_slice %arg2[%mul3A_97, %dma_wait3A] : memref<5000x128xi32, #tpu.memory_space<hbm>> -> memref<8x128xi32, #tpu.memory_space<hbm>>
          %dma_wait3A_111 = arith.constant 0 : i32
          %dma_wait3A_112 = tpu.memref_slice %arg2[%mul3A_97, %dma_wait3A_111] : memref<5000x128xi32, #tpu.memory_space<hbm>> -> memref<8x128xi32, #tpu.memory_space<hbm>>
          tpu.wait_dma2 semaphore(%run_scoped3A_106 : memref<!tpu.dma_semaphore, #tpu.memory_space<semaphore_mem>>) src(%dma_wait3A_112 : memref<8x128xi32, #tpu.memory_space<hbm>>) dst(%arg10 : memref<8x128xi32, #tpu.memory_space<vmem>>)
          tpu.yield
        }) : () -> ()
        %run_scoped3A = arith.constant 0 : i32
        "tpu.region"() ({
          %run_scoped3A_106 = tpu.sem_alloc : memref<!tpu.dma_semaphore, #tpu.memory_space<semaphore_mem>>
          %dma_start3A = arith.constant 0 : i32
          %dma_start3A_107 = arith.constant 0 : i32
          %dma_start3A_108 = tpu.memref_slice %arg12[%dma_start3A, %dma_start3A_107] : memref<256x128xf32, #tpu.memory_space<vmem>> -> memref<128x128xf32, #tpu.memory_space<vmem>>
          %dma_start3A_109 = arith.constant 0 : i32
          %dma_start3A_110 = tpu.memref_slice %arg10[%run_scoped3A, %dma_start3A_109] : memref<8x128xi32, #tpu.memory_space<vmem>> -> memref<1x128xi32, #tpu.memory_space<vmem>>
          %dma_start3A_111 = tpu.memref_squeeze %dma_start3A_110 : memref<1x128xi32, #tpu.memory_space<vmem>> -> memref<128xi32, #tpu.memory_space<vmem>>
          %dma_start3A_112 = arith.constant 0 : i32
          %dma_start3A_113 = arith.constant 0 : i32
          %dma_start3A_114 = tpu.memref_slice %arg13[%dma_start3A_112, %dma_start3A_113] : memref<10000x128xf32, #tpu.memory_space<vmem_shared>> -> memref<10000x128xf32, #tpu.memory_space<vmem_shared>>
          tpu.enqueue_indirect_dma source(%dma_start3A_108 : memref<128x128xf32, #tpu.memory_space<vmem>>) target(%dma_start3A_114 : memref<10000x128xf32, #tpu.memory_space<vmem_shared>>) offsets(%dma_start3A_111 : memref<128xi32, #tpu.memory_space<vmem>>) semaphore(%run_scoped3A_106 : memref<!tpu.dma_semaphore, #tpu.memory_space<semaphore_mem>>) {add = true}
          %dma_wait3A = arith.constant 0 : i32
          %dma_wait3A_115 = arith.constant 0 : i32
          %dma_wait3A_116 = tpu.memref_slice %arg12[%dma_wait3A, %dma_wait3A_115] : memref<256x128xf32, #tpu.memory_space<vmem>> -> memref<128x128xf32, #tpu.memory_space<vmem>>
          %dma_wait3A_117 = arith.constant 0 : i32
          %dma_wait3A_118 = tpu.memref_slice %arg10[%run_scoped3A, %dma_wait3A_117] : memref<8x128xi32, #tpu.memory_space<vmem>> -> memref<1x128xi32, #tpu.memory_space<vmem>>
          %dma_wait3A_119 = tpu.memref_squeeze %dma_wait3A_118 : memref<1x128xi32, #tpu.memory_space<vmem>> -> memref<128xi32, #tpu.memory_space<vmem>>
          %dma_wait3A_120 = arith.constant 0 : i32
          %dma_wait3A_121 = arith.constant 0 : i32
          %dma_wait3A_122 = tpu.memref_slice %arg13[%dma_wait3A_120, %dma_wait3A_121] : memref<10000x128xf32, #tpu.memory_space<vmem_shared>> -> memref<10000x128xf32, #tpu.memory_space<vmem_shared>>
          tpu.wait_indirect_dma semaphore(%run_scoped3A_106 : memref<!tpu.dma_semaphore, #tpu.memory_space<semaphore_mem>>) src(%dma_wait3A_116 : memref<128x128xf32, #tpu.memory_space<vmem>>) dst(%dma_wait3A_122 : memref<10000x128xf32, #tpu.memory_space<vmem_shared>>)
          tpu.yield
        }) : () -> ()
        %run_scoped3A_98 = arith.constant 1 : i32
        "tpu.region"() ({
          %run_scoped3A_106 = tpu.sem_alloc : memref<!tpu.dma_semaphore, #tpu.memory_space<semaphore_mem>>
          %dma_start3A = arith.constant 0 : i32
          %dma_start3A_107 = arith.constant 0 : i32
          %dma_start3A_108 = tpu.memref_slice %arg12[%dma_start3A, %dma_start3A_107] : memref<256x128xf32, #tpu.memory_space<vmem>> -> memref<128x128xf32, #tpu.memory_space<vmem>>
          %dma_start3A_109 = arith.constant 0 : i32
          %dma_start3A_110 = tpu.memref_slice %arg10[%run_scoped3A_98, %dma_start3A_109] : memref<8x128xi32, #tpu.memory_space<vmem>> -> memref<1x128xi32, #tpu.memory_space<vmem>>
          %dma_start3A_111 = tpu.memref_squeeze %dma_start3A_110 : memref<1x128xi32, #tpu.memory_space<vmem>> -> memref<128xi32, #tpu.memory_space<vmem>>
          %dma_start3A_112 = arith.constant 0 : i32
          %dma_start3A_113 = arith.constant 0 : i32
          %dma_start3A_114 = tpu.memref_slice %arg13[%dma_start3A_112, %dma_start3A_113] : memref<10000x128xf32, #tpu.memory_space<vmem_shared>> -> memref<10000x128xf32, #tpu.memory_space<vmem_shared>>
          tpu.enqueue_indirect_dma source(%dma_start3A_108 : memref<128x128xf32, #tpu.memory_space<vmem>>) target(%dma_start3A_114 : memref<10000x128xf32, #tpu.memory_space<vmem_shared>>) offsets(%dma_start3A_111 : memref<128xi32, #tpu.memory_space<vmem>>) semaphore(%run_scoped3A_106 : memref<!tpu.dma_semaphore, #tpu.memory_space<semaphore_mem>>) {add = true}
          %dma_wait3A = arith.constant 0 : i32
          %dma_wait3A_115 = arith.constant 0 : i32
          %dma_wait3A_116 = tpu.memref_slice %arg12[%dma_wait3A, %dma_wait3A_115] : memref<256x128xf32, #tpu.memory_space<vmem>> -> memref<128x128xf32, #tpu.memory_space<vmem>>
          %dma_wait3A_117 = arith.constant 0 : i32
          %dma_wait3A_118 = tpu.memref_slice %arg10[%run_scoped3A_98, %dma_wait3A_117] : memref<8x128xi32, #tpu.memory_space<vmem>> -> memref<1x128xi32, #tpu.memory_space<vmem>>
          %dma_wait3A_119 = tpu.memref_squeeze %dma_wait3A_118 : memref<1x128xi32, #tpu.memory_space<vmem>> -> memref<128xi32, #tpu.memory_space<vmem>>
          %dma_wait3A_120 = arith.constant 0 : i32
          %dma_wait3A_121 = arith.constant 0 : i32
          %dma_wait3A_122 = tpu.memref_slice %arg13[%dma_wait3A_120, %dma_wait3A_121] : memref<10000x128xf32, #tpu.memory_space<vmem_shared>> -> memref<10000x128xf32, #tpu.memory_space<vmem_shared>>
          tpu.wait_indirect_dma semaphore(%run_scoped3A_106 : memref<!tpu.dma_semaphore, #tpu.memory_space<semaphore_mem>>) src(%dma_wait3A_116 : memref<128x128xf32, #tpu.memory_space<vmem>>) dst(%dma_wait3A_122 : memref<10000x128xf32, #tpu.memory_space<vmem_shared>>)
          tpu.yield
        }) : () -> ()
        %run_scoped3A_99 = arith.constant 2 : i32
        "tpu.region"() ({
          %run_scoped3A_106 = tpu.sem_alloc : memref<!tpu.dma_semaphore, #tpu.memory_space<semaphore_mem>>
          %dma_start3A = arith.constant 0 : i32
          %dma_start3A_107 = arith.constant 0 : i32
          %dma_start3A_108 = tpu.memref_slice %arg12[%dma_start3A, %dma_start3A_107] : memref<256x128xf32, #tpu.memory_space<vmem>> -> memref<128x128xf32, #tpu.memory_space<vmem>>
          %dma_start3A_109 = arith.constant 0 : i32
          %dma_start3A_110 = tpu.memref_slice %arg10[%run_scoped3A_99, %dma_start3A_109] : memref<8x128xi32, #tpu.memory_space<vmem>> -> memref<1x128xi32, #tpu.memory_space<vmem>>
          %dma_start3A_111 = tpu.memref_squeeze %dma_start3A_110 : memref<1x128xi32, #tpu.memory_space<vmem>> -> memref<128xi32, #tpu.memory_space<vmem>>
          %dma_start3A_112 = arith.constant 0 : i32
          %dma_start3A_113 = arith.constant 0 : i32
          %dma_start3A_114 = tpu.memref_slice %arg13[%dma_start3A_112, %dma_start3A_113] : memref<10000x128xf32, #tpu.memory_space<vmem_shared>> -> memref<10000x128xf32, #tpu.memory_space<vmem_shared>>
          tpu.enqueue_indirect_dma source(%dma_start3A_108 : memref<128x128xf32, #tpu.memory_space<vmem>>) target(%dma_start3A_114 : memref<10000x128xf32, #tpu.memory_space<vmem_shared>>) offsets(%dma_start3A_111 : memref<128xi32, #tpu.memory_space<vmem>>) semaphore(%run_scoped3A_106 : memref<!tpu.dma_semaphore, #tpu.memory_space<semaphore_mem>>) {add = true}
          %dma_wait3A = arith.constant 0 : i32
          %dma_wait3A_115 = arith.constant 0 : i32
          %dma_wait3A_116 = tpu.memref_slice %arg12[%dma_wait3A, %dma_wait3A_115] : memref<256x128xf32, #tpu.memory_space<vmem>> -> memref<128x128xf32, #tpu.memory_space<vmem>>
          %dma_wait3A_117 = arith.constant 0 : i32
          %dma_wait3A_118 = tpu.memref_slice %arg10[%run_scoped3A_99, %dma_wait3A_117] : memref<8x128xi32, #tpu.memory_space<vmem>> -> memref<1x128xi32, #tpu.memory_space<vmem>>
          %dma_wait3A_119 = tpu.memref_squeeze %dma_wait3A_118 : memref<1x128xi32, #tpu.memory_space<vmem>> -> memref<128xi32, #tpu.memory_space<vmem>>
          %dma_wait3A_120 = arith.constant 0 : i32
          %dma_wait3A_121 = arith.constant 0 : i32
          %dma_wait3A_122 = tpu.memref_slice %arg13[%dma_wait3A_120, %dma_wait3A_121] : memref<10000x128xf32, #tpu.memory_space<vmem_shared>> -> memref<10000x128xf32, #tpu.memory_space<vmem_shared>>
          tpu.wait_indirect_dma semaphore(%run_scoped3A_106 : memref<!tpu.dma_semaphore, #tpu.memory_space<semaphore_mem>>) src(%dma_wait3A_116 : memref<128x128xf32, #tpu.memory_space<vmem>>) dst(%dma_wait3A_122 : memref<10000x128xf32, #tpu.memory_space<vmem_shared>>)
          tpu.yield
        }) : () -> ()
        %run_scoped3A_100 = arith.constant 3 : i32
        "tpu.region"() ({
          %run_scoped3A_106 = tpu.sem_alloc : memref<!tpu.dma_semaphore, #tpu.memory_space<semaphore_mem>>
          %dma_start3A = arith.constant 0 : i32
          %dma_start3A_107 = arith.constant 0 : i32
          %dma_start3A_108 = tpu.memref_slice %arg12[%dma_start3A, %dma_start3A_107] : memref<256x128xf32, #tpu.memory_space<vmem>> -> memref<128x128xf32, #tpu.memory_space<vmem>>
          %dma_start3A_109 = arith.constant 0 : i32
          %dma_start3A_110 = tpu.memref_slice %arg10[%run_scoped3A_100, %dma_start3A_109] : memref<8x128xi32, #tpu.memory_space<vmem>> -> memref<1x128xi32, #tpu.memory_space<vmem>>
          %dma_start3A_111 = tpu.memref_squeeze %dma_start3A_110 : memref<1x128xi32, #tpu.memory_space<vmem>> -> memref<128xi32, #tpu.memory_space<vmem>>
          %dma_start3A_112 = arith.constant 0 : i32
          %dma_start3A_113 = arith.constant 0 : i32
          %dma_start3A_114 = tpu.memref_slice %arg13[%dma_start3A_112, %dma_start3A_113] : memref<10000x128xf32, #tpu.memory_space<vmem_shared>> -> memref<10000x128xf32, #tpu.memory_space<vmem_shared>>
          tpu.enqueue_indirect_dma source(%dma_start3A_108 : memref<128x128xf32, #tpu.memory_space<vmem>>) target(%dma_start3A_114 : memref<10000x128xf32, #tpu.memory_space<vmem_shared>>) offsets(%dma_start3A_111 : memref<128xi32, #tpu.memory_space<vmem>>) semaphore(%run_scoped3A_106 : memref<!tpu.dma_semaphore, #tpu.memory_space<semaphore_mem>>) {add = true}
          %dma_wait3A = arith.constant 0 : i32
          %dma_wait3A_115 = arith.constant 0 : i32
          %dma_wait3A_116 = tpu.memref_slice %arg12[%dma_wait3A, %dma_wait3A_115] : memref<256x128xf32, #tpu.memory_space<vmem>> -> memref<128x128xf32, #tpu.memory_space<vmem>>
          %dma_wait3A_117 = arith.constant 0 : i32
          %dma_wait3A_118 = tpu.memref_slice %arg10[%run_scoped3A_100, %dma_wait3A_117] : memref<8x128xi32, #tpu.memory_space<vmem>> -> memref<1x128xi32, #tpu.memory_space<vmem>>
          %dma_wait3A_119 = tpu.memref_squeeze %dma_wait3A_118 : memref<1x128xi32, #tpu.memory_space<vmem>> -> memref<128xi32, #tpu.memory_space<vmem>>
          %dma_wait3A_120 = arith.constant 0 : i32
          %dma_wait3A_121 = arith.constant 0 : i32
          %dma_wait3A_122 = tpu.memref_slice %arg13[%dma_wait3A_120, %dma_wait3A_121] : memref<10000x128xf32, #tpu.memory_space<vmem_shared>> -> memref<10000x128xf32, #tpu.memory_space<vmem_shared>>
          tpu.wait_indirect_dma semaphore(%run_scoped3A_106 : memref<!tpu.dma_semaphore, #tpu.memory_space<semaphore_mem>>) src(%dma_wait3A_116 : memref<128x128xf32, #tpu.memory_space<vmem>>) dst(%dma_wait3A_122 : memref<10000x128xf32, #tpu.memory_space<vmem_shared>>)
          tpu.yield
        }) : () -> ()
        %run_scoped3A_101 = arith.constant 4 : i32
        "tpu.region"() ({
          %run_scoped3A_106 = tpu.sem_alloc : memref<!tpu.dma_semaphore, #tpu.memory_space<semaphore_mem>>
          %dma_start3A = arith.constant 0 : i32
          %dma_start3A_107 = arith.constant 0 : i32
          %dma_start3A_108 = tpu.memref_slice %arg12[%dma_start3A, %dma_start3A_107] : memref<256x128xf32, #tpu.memory_space<vmem>> -> memref<128x128xf32, #tpu.memory_space<vmem>>
          %dma_start3A_109 = arith.constant 0 : i32
          %dma_start3A_110 = tpu.memref_slice %arg10[%run_scoped3A_101, %dma_start3A_109] : memref<8x128xi32, #tpu.memory_space<vmem>> -> memref<1x128xi32, #tpu.memory_space<vmem>>
          %dma_start3A_111 = tpu.memref_squeeze %dma_start3A_110 : memref<1x128xi32, #tpu.memory_space<vmem>> -> memref<128xi32, #tpu.memory_space<vmem>>
          %dma_start3A_112 = arith.constant 0 : i32
          %dma_start3A_113 = arith.constant 0 : i32
          %dma_start3A_114 = tpu.memref_slice %arg13[%dma_start3A_112, %dma_start3A_113] : memref<10000x128xf32, #tpu.memory_space<vmem_shared>> -> memref<10000x128xf32, #tpu.memory_space<vmem_shared>>
          tpu.enqueue_indirect_dma source(%dma_start3A_108 : memref<128x128xf32, #tpu.memory_space<vmem>>) target(%dma_start3A_114 : memref<10000x128xf32, #tpu.memory_space<vmem_shared>>) offsets(%dma_start3A_111 : memref<128xi32, #tpu.memory_space<vmem>>) semaphore(%run_scoped3A_106 : memref<!tpu.dma_semaphore, #tpu.memory_space<semaphore_mem>>) {add = true}
          %dma_wait3A = arith.constant 0 : i32
          %dma_wait3A_115 = arith.constant 0 : i32
          %dma_wait3A_116 = tpu.memref_slice %arg12[%dma_wait3A, %dma_wait3A_115] : memref<256x128xf32, #tpu.memory_space<vmem>> -> memref<128x128xf32, #tpu.memory_space<vmem>>
          %dma_wait3A_117 = arith.constant 0 : i32
          %dma_wait3A_118 = tpu.memref_slice %arg10[%run_scoped3A_101, %dma_wait3A_117] : memref<8x128xi32, #tpu.memory_space<vmem>> -> memref<1x128xi32, #tpu.memory_space<vmem>>
          %dma_wait3A_119 = tpu.memref_squeeze %dma_wait3A_118 : memref<1x128xi32, #tpu.memory_space<vmem>> -> memref<128xi32, #tpu.memory_space<vmem>>
          %dma_wait3A_120 = arith.constant 0 : i32
          %dma_wait3A_121 = arith.constant 0 : i32
          %dma_wait3A_122 = tpu.memref_slice %arg13[%dma_wait3A_120, %dma_wait3A_121] : memref<10000x128xf32, #tpu.memory_space<vmem_shared>> -> memref<10000x128xf32, #tpu.memory_space<vmem_shared>>
          tpu.wait_indirect_dma semaphore(%run_scoped3A_106 : memref<!tpu.dma_semaphore, #tpu.memory_space<semaphore_mem>>) src(%dma_wait3A_116 : memref<128x128xf32, #tpu.memory_space<vmem>>) dst(%dma_wait3A_122 : memref<10000x128xf32, #tpu.memory_space<vmem_shared>>)
          tpu.yield
        }) : () -> ()
        %run_scoped3A_102 = arith.constant 5 : i32
        "tpu.region"() ({
          %run_scoped3A_106 = tpu.sem_alloc : memref<!tpu.dma_semaphore, #tpu.memory_space<semaphore_mem>>
          %dma_start3A = arith.constant 0 : i32
          %dma_start3A_107 = arith.constant 0 : i32
          %dma_start3A_108 = tpu.memref_slice %arg12[%dma_start3A, %dma_start3A_107] : memref<256x128xf32, #tpu.memory_space<vmem>> -> memref<128x128xf32, #tpu.memory_space<vmem>>
          %dma_start3A_109 = arith.constant 0 : i32
          %dma_start3A_110 = tpu.memref_slice %arg10[%run_scoped3A_102, %dma_start3A_109] : memref<8x128xi32, #tpu.memory_space<vmem>> -> memref<1x128xi32, #tpu.memory_space<vmem>>
          %dma_start3A_111 = tpu.memref_squeeze %dma_start3A_110 : memref<1x128xi32, #tpu.memory_space<vmem>> -> memref<128xi32, #tpu.memory_space<vmem>>
          %dma_start3A_112 = arith.constant 0 : i32
          %dma_start3A_113 = arith.constant 0 : i32
          %dma_start3A_114 = tpu.memref_slice %arg13[%dma_start3A_112, %dma_start3A_113] : memref<10000x128xf32, #tpu.memory_space<vmem_shared>> -> memref<10000x128xf32, #tpu.memory_space<vmem_shared>>
          tpu.enqueue_indirect_dma source(%dma_start3A_108 : memref<128x128xf32, #tpu.memory_space<vmem>>) target(%dma_start3A_114 : memref<10000x128xf32, #tpu.memory_space<vmem_shared>>) offsets(%dma_start3A_111 : memref<128xi32, #tpu.memory_space<vmem>>) semaphore(%run_scoped3A_106 : memref<!tpu.dma_semaphore, #tpu.memory_space<semaphore_mem>>) {add = true}
          %dma_wait3A = arith.constant 0 : i32
          %dma_wait3A_115 = arith.constant 0 : i32
          %dma_wait3A_116 = tpu.memref_slice %arg12[%dma_wait3A, %dma_wait3A_115] : memref<256x128xf32, #tpu.memory_space<vmem>> -> memref<128x128xf32, #tpu.memory_space<vmem>>
          %dma_wait3A_117 = arith.constant 0 : i32
          %dma_wait3A_118 = tpu.memref_slice %arg10[%run_scoped3A_102, %dma_wait3A_117] : memref<8x128xi32, #tpu.memory_space<vmem>> -> memref<1x128xi32, #tpu.memory_space<vmem>>
          %dma_wait3A_119 = tpu.memref_squeeze %dma_wait3A_118 : memref<1x128xi32, #tpu.memory_space<vmem>> -> memref<128xi32, #tpu.memory_space<vmem>>
          %dma_wait3A_120 = arith.constant 0 : i32
          %dma_wait3A_121 = arith.constant 0 : i32
          %dma_wait3A_122 = tpu.memref_slice %arg13[%dma_wait3A_120, %dma_wait3A_121] : memref<10000x128xf32, #tpu.memory_space<vmem_shared>> -> memref<10000x128xf32, #tpu.memory_space<vmem_shared>>
          tpu.wait_indirect_dma semaphore(%run_scoped3A_106 : memref<!tpu.dma_semaphore, #tpu.memory_space<semaphore_mem>>) src(%dma_wait3A_116 : memref<128x128xf32, #tpu.memory_space<vmem>>) dst(%dma_wait3A_122 : memref<10000x128xf32, #tpu.memory_space<vmem_shared>>)
          tpu.yield
        }) : () -> ()
        %run_scoped3A_103 = arith.constant 6 : i32
        "tpu.region"() ({
          %run_scoped3A_106 = tpu.sem_alloc : memref<!tpu.dma_semaphore, #tpu.memory_space<semaphore_mem>>
          %dma_start3A = arith.constant 0 : i32
          %dma_start3A_107 = arith.constant 0 : i32
          %dma_start3A_108 = tpu.memref_slice %arg12[%dma_start3A, %dma_start3A_107] : memref<256x128xf32, #tpu.memory_space<vmem>> -> memref<128x128xf32, #tpu.memory_space<vmem>>
          %dma_start3A_109 = arith.constant 0 : i32
          %dma_start3A_110 = tpu.memref_slice %arg10[%run_scoped3A_103, %dma_start3A_109] : memref<8x128xi32, #tpu.memory_space<vmem>> -> memref<1x128xi32, #tpu.memory_space<vmem>>
          %dma_start3A_111 = tpu.memref_squeeze %dma_start3A_110 : memref<1x128xi32, #tpu.memory_space<vmem>> -> memref<128xi32, #tpu.memory_space<vmem>>
          %dma_start3A_112 = arith.constant 0 : i32
          %dma_start3A_113 = arith.constant 0 : i32
          %dma_start3A_114 = tpu.memref_slice %arg13[%dma_start3A_112, %dma_start3A_113] : memref<10000x128xf32, #tpu.memory_space<vmem_shared>> -> memref<10000x128xf32, #tpu.memory_space<vmem_shared>>
          tpu.enqueue_indirect_dma source(%dma_start3A_108 : memref<128x128xf32, #tpu.memory_space<vmem>>) target(%dma_start3A_114 : memref<10000x128xf32, #tpu.memory_space<vmem_shared>>) offsets(%dma_start3A_111 : memref<128xi32, #tpu.memory_space<vmem>>) semaphore(%run_scoped3A_106 : memref<!tpu.dma_semaphore, #tpu.memory_space<semaphore_mem>>) {add = true}
          %dma_wait3A = arith.constant 0 : i32
          %dma_wait3A_115 = arith.constant 0 : i32
          %dma_wait3A_116 = tpu.memref_slice %arg12[%dma_wait3A, %dma_wait3A_115] : memref<256x128xf32, #tpu.memory_space<vmem>> -> memref<128x128xf32, #tpu.memory_space<vmem>>
          %dma_wait3A_117 = arith.constant 0 : i32
          %dma_wait3A_118 = tpu.memref_slice %arg10[%run_scoped3A_103, %dma_wait3A_117] : memref<8x128xi32, #tpu.memory_space<vmem>> -> memref<1x128xi32, #tpu.memory_space<vmem>>
          %dma_wait3A_119 = tpu.memref_squeeze %dma_wait3A_118 : memref<1x128xi32, #tpu.memory_space<vmem>> -> memref<128xi32, #tpu.memory_space<vmem>>
          %dma_wait3A_120 = arith.constant 0 : i32
          %dma_wait3A_121 = arith.constant 0 : i32
          %dma_wait3A_122 = tpu.memref_slice %arg13[%dma_wait3A_120, %dma_wait3A_121] : memref<10000x128xf32, #tpu.memory_space<vmem_shared>> -> memref<10000x128xf32, #tpu.memory_space<vmem_shared>>
          tpu.wait_indirect_dma semaphore(%run_scoped3A_106 : memref<!tpu.dma_semaphore, #tpu.memory_space<semaphore_mem>>) src(%dma_wait3A_116 : memref<128x128xf32, #tpu.memory_space<vmem>>) dst(%dma_wait3A_122 : memref<10000x128xf32, #tpu.memory_space<vmem_shared>>)
          tpu.yield
        }) : () -> ()
        %run_scoped3A_104 = arith.constant 7 : i32
        "tpu.region"() ({
          %run_scoped3A_106 = tpu.sem_alloc : memref<!tpu.dma_semaphore, #tpu.memory_space<semaphore_mem>>
          %dma_start3A = arith.constant 0 : i32
          %dma_start3A_107 = arith.constant 0 : i32
          %dma_start3A_108 = tpu.memref_slice %arg12[%dma_start3A, %dma_start3A_107] : memref<256x128xf32, #tpu.memory_space<vmem>> -> memref<128x128xf32, #tpu.memory_space<vmem>>
          %dma_start3A_109 = arith.constant 0 : i32
          %dma_start3A_110 = tpu.memref_slice %arg10[%run_scoped3A_104, %dma_start3A_109] : memref<8x128xi32, #tpu.memory_space<vmem>> -> memref<1x128xi32, #tpu.memory_space<vmem>>
          %dma_start3A_111 = tpu.memref_squeeze %dma_start3A_110 : memref<1x128xi32, #tpu.memory_space<vmem>> -> memref<128xi32, #tpu.memory_space<vmem>>
          %dma_start3A_112 = arith.constant 0 : i32
          %dma_start3A_113 = arith.constant 0 : i32
          %dma_start3A_114 = tpu.memref_slice %arg13[%dma_start3A_112, %dma_start3A_113] : memref<10000x128xf32, #tpu.memory_space<vmem_shared>> -> memref<10000x128xf32, #tpu.memory_space<vmem_shared>>
          tpu.enqueue_indirect_dma source(%dma_start3A_108 : memref<128x128xf32, #tpu.memory_space<vmem>>) target(%dma_start3A_114 : memref<10000x128xf32, #tpu.memory_space<vmem_shared>>) offsets(%dma_start3A_111 : memref<128xi32, #tpu.memory_space<vmem>>) semaphore(%run_scoped3A_106 : memref<!tpu.dma_semaphore, #tpu.memory_space<semaphore_mem>>) {add = true}
          %dma_wait3A = arith.constant 0 : i32
          %dma_wait3A_115 = arith.constant 0 : i32
          %dma_wait3A_116 = tpu.memref_slice %arg12[%dma_wait3A, %dma_wait3A_115] : memref<256x128xf32, #tpu.memory_space<vmem>> -> memref<128x128xf32, #tpu.memory_space<vmem>>
          %dma_wait3A_117 = arith.constant 0 : i32
          %dma_wait3A_118 = tpu.memref_slice %arg10[%run_scoped3A_104, %dma_wait3A_117] : memref<8x128xi32, #tpu.memory_space<vmem>> -> memref<1x128xi32, #tpu.memory_space<vmem>>
          %dma_wait3A_119 = tpu.memref_squeeze %dma_wait3A_118 : memref<1x128xi32, #tpu.memory_space<vmem>> -> memref<128xi32, #tpu.memory_space<vmem>>
          %dma_wait3A_120 = arith.constant 0 : i32
          %dma_wait3A_121 = arith.constant 0 : i32
          %dma_wait3A_122 = tpu.memref_slice %arg13[%dma_wait3A_120, %dma_wait3A_121] : memref<10000x128xf32, #tpu.memory_space<vmem_shared>> -> memref<10000x128xf32, #tpu.memory_space<vmem_shared>>
          tpu.wait_indirect_dma semaphore(%run_scoped3A_106 : memref<!tpu.dma_semaphore, #tpu.memory_space<semaphore_mem>>) src(%dma_wait3A_116 : memref<128x128xf32, #tpu.memory_space<vmem>>) dst(%dma_wait3A_122 : memref<10000x128xf32, #tpu.memory_space<vmem_shared>>)
          tpu.yield
        }) : () -> ()
        %while3A_105 = arith.constant 0 : i32
        scf.yield %while3A_105 : i32
      }
      %while3A_66 = arith.constant 1 : i32
      %while3A_67 = scf.for %while3A_91 = %while3A_63 to %while3A_59 step %while3A_66 iter_args(%while3A_92 = %while3A_65) -> (i32)  : i32 {
        %mul3A_93 = arith.constant 16 : i32
        %mul3A_94 = arith.muli %while3A_91, %mul3A_93 : i32
        %add3A_95 = arith.addi %arg1, %mul3A_94 : i32
        %mul3A_96 = arith.constant 8 : i32
        %mul3A_97 = arith.muli %add3A_95, %mul3A_96 : i32
        "tpu.region"() ({
          %run_scoped3A_106 = tpu.sem_alloc : memref<!tpu.dma_semaphore, #tpu.memory_space<semaphore_mem>>
          %dma_start3A = arith.constant 0 : i32
          %dma_start3A_107 = tpu.memref_slice %arg2[%mul3A_97, %dma_start3A] : memref<5000x128xi32, #tpu.memory_space<hbm>> -> memref<8x128xi32, #tpu.memory_space<hbm>>
          %dma_start3A_108 = arith.constant 0 : i32
          %dma_start3A_109 = tpu.memref_slice %arg2[%mul3A_97, %dma_start3A_108] : memref<5000x128xi32, #tpu.memory_space<hbm>> -> memref<8x128xi32, #tpu.memory_space<hbm>>
          tpu.enqueue_dma source(%dma_start3A_109 : memref<8x128xi32, #tpu.memory_space<hbm>>) target(%arg10 : memref<8x128xi32, #tpu.memory_space<vmem>>) target_semaphore(%run_scoped3A_106 : memref<!tpu.dma_semaphore, #tpu.memory_space<semaphore_mem>>)
          %dma_wait3A = arith.constant 0 : i32
          %dma_wait3A_110 = tpu.memref_slice %arg2[%mul3A_97, %dma_wait3A] : memref<5000x128xi32, #tpu.memory_space<hbm>> -> memref<8x128xi32, #tpu.memory_space<hbm>>
          %dma_wait3A_111 = arith.constant 0 : i32
          %dma_wait3A_112 = tpu.memref_slice %arg2[%mul3A_97, %dma_wait3A_111] : memref<5000x128xi32, #tpu.memory_space<hbm>> -> memref<8x128xi32, #tpu.memory_space<hbm>>
          tpu.wait_dma2 semaphore(%run_scoped3A_106 : memref<!tpu.dma_semaphore, #tpu.memory_space<semaphore_mem>>) src(%dma_wait3A_112 : memref<8x128xi32, #tpu.memory_space<hbm>>) dst(%arg10 : memref<8x128xi32, #tpu.memory_space<vmem>>)
          tpu.yield
        }) : () -> ()
        %run_scoped3A = arith.constant 0 : i32
        "tpu.region"() ({
          %run_scoped3A_106 = tpu.sem_alloc : memref<!tpu.dma_semaphore, #tpu.memory_space<semaphore_mem>>
          %dma_start3A = arith.constant 0 : i32
          %dma_start3A_107 = arith.constant 0 : i32
          %dma_start3A_108 = tpu.memref_slice %arg12[%dma_start3A, %dma_start3A_107] : memref<256x128xf32, #tpu.memory_space<vmem>> -> memref<128x128xf32, #tpu.memory_space<vmem>>
          %dma_start3A_109 = arith.constant 0 : i32
          %dma_start3A_110 = tpu.memref_slice %arg10[%run_scoped3A, %dma_start3A_109] : memref<8x128xi32, #tpu.memory_space<vmem>> -> memref<1x128xi32, #tpu.memory_space<vmem>>
          %dma_start3A_111 = tpu.memref_squeeze %dma_start3A_110 : memref<1x128xi32, #tpu.memory_space<vmem>> -> memref<128xi32, #tpu.memory_space<vmem>>
          %dma_start3A_112 = arith.constant 0 : i32
          %dma_start3A_113 = arith.constant 0 : i32
          %dma_start3A_114 = tpu.memref_slice %arg13[%dma_start3A_112, %dma_start3A_113] : memref<10000x128xf32, #tpu.memory_space<vmem_shared>> -> memref<10000x128xf32, #tpu.memory_space<vmem_shared>>
          tpu.enqueue_indirect_dma source(%dma_start3A_108 : memref<128x128xf32, #tpu.memory_space<vmem>>) target(%dma_start3A_114 : memref<10000x128xf32, #tpu.memory_space<vmem_shared>>) offsets(%dma_start3A_111 : memref<128xi32, #tpu.memory_space<vmem>>) semaphore(%run_scoped3A_106 : memref<!tpu.dma_semaphore, #tpu.memory_space<semaphore_mem>>) {add = true}
          %dma_wait3A = arith.constant 0 : i32
          %dma_wait3A_115 = arith.constant 0 : i32
          %dma_wait3A_116 = tpu.memref_slice %arg12[%dma_wait3A, %dma_wait3A_115] : memref<256x128xf32, #tpu.memory_space<vmem>> -> memref<128x128xf32, #tpu.memory_space<vmem>>
          %dma_wait3A_117 = arith.constant 0 : i32
          %dma_wait3A_118 = tpu.memref_slice %arg10[%run_scoped3A, %dma_wait3A_117] : memref<8x128xi32, #tpu.memory_space<vmem>> -> memref<1x128xi32, #tpu.memory_space<vmem>>
          %dma_wait3A_119 = tpu.memref_squeeze %dma_wait3A_118 : memref<1x128xi32, #tpu.memory_space<vmem>> -> memref<128xi32, #tpu.memory_space<vmem>>
          %dma_wait3A_120 = arith.constant 0 : i32
          %dma_wait3A_121 = arith.constant 0 : i32
          %dma_wait3A_122 = tpu.memref_slice %arg13[%dma_wait3A_120, %dma_wait3A_121] : memref<10000x128xf32, #tpu.memory_space<vmem_shared>> -> memref<10000x128xf32, #tpu.memory_space<vmem_shared>>
          tpu.wait_indirect_dma semaphore(%run_scoped3A_106 : memref<!tpu.dma_semaphore, #tpu.memory_space<semaphore_mem>>) src(%dma_wait3A_116 : memref<128x128xf32, #tpu.memory_space<vmem>>) dst(%dma_wait3A_122 : memref<10000x128xf32, #tpu.memory_space<vmem_shared>>)
          tpu.yield
        }) : () -> ()
        %run_scoped3A_98 = arith.constant 1 : i32
        "tpu.region"() ({
          %run_scoped3A_106 = tpu.sem_alloc : memref<!tpu.dma_semaphore, #tpu.memory_space<semaphore_mem>>
          %dma_start3A = arith.constant 0 : i32
          %dma_start3A_107 = arith.constant 0 : i32
          %dma_start3A_108 = tpu.memref_slice %arg12[%dma_start3A, %dma_start3A_107] : memref<256x128xf32, #tpu.memory_space<vmem>> -> memref<128x128xf32, #tpu.memory_space<vmem>>
          %dma_start3A_109 = arith.constant 0 : i32
          %dma_start3A_110 = tpu.memref_slice %arg10[%run_scoped3A_98, %dma_start3A_109] : memref<8x128xi32, #tpu.memory_space<vmem>> -> memref<1x128xi32, #tpu.memory_space<vmem>>
          %dma_start3A_111 = tpu.memref_squeeze %dma_start3A_110 : memref<1x128xi32, #tpu.memory_space<vmem>> -> memref<128xi32, #tpu.memory_space<vmem>>
          %dma_start3A_112 = arith.constant 0 : i32
          %dma_start3A_113 = arith.constant 0 : i32
          %dma_start3A_114 = tpu.memref_slice %arg13[%dma_start3A_112, %dma_start3A_113] : memref<10000x128xf32, #tpu.memory_space<vmem_shared>> -> memref<10000x128xf32, #tpu.memory_space<vmem_shared>>
          tpu.enqueue_indirect_dma source(%dma_start3A_108 : memref<128x128xf32, #tpu.memory_space<vmem>>) target(%dma_start3A_114 : memref<10000x128xf32, #tpu.memory_space<vmem_shared>>) offsets(%dma_start3A_111 : memref<128xi32, #tpu.memory_space<vmem>>) semaphore(%run_scoped3A_106 : memref<!tpu.dma_semaphore, #tpu.memory_space<semaphore_mem>>) {add = true}
          %dma_wait3A = arith.constant 0 : i32
          %dma_wait3A_115 = arith.constant 0 : i32
          %dma_wait3A_116 = tpu.memref_slice %arg12[%dma_wait3A, %dma_wait3A_115] : memref<256x128xf32, #tpu.memory_space<vmem>> -> memref<128x128xf32, #tpu.memory_space<vmem>>
          %dma_wait3A_117 = arith.constant 0 : i32
          %dma_wait3A_118 = tpu.memref_slice %arg10[%run_scoped3A_98, %dma_wait3A_117] : memref<8x128xi32, #tpu.memory_space<vmem>> -> memref<1x128xi32, #tpu.memory_space<vmem>>
          %dma_wait3A_119 = tpu.memref_squeeze %dma_wait3A_118 : memref<1x128xi32, #tpu.memory_space<vmem>> -> memref<128xi32, #tpu.memory_space<vmem>>
          %dma_wait3A_120 = arith.constant 0 : i32
          %dma_wait3A_121 = arith.constant 0 : i32
          %dma_wait3A_122 = tpu.memref_slice %arg13[%dma_wait3A_120, %dma_wait3A_121] : memref<10000x128xf32, #tpu.memory_space<vmem_shared>> -> memref<10000x128xf32, #tpu.memory_space<vmem_shared>>
          tpu.wait_indirect_dma semaphore(%run_scoped3A_106 : memref<!tpu.dma_semaphore, #tpu.memory_space<semaphore_mem>>) src(%dma_wait3A_116 : memref<128x128xf32, #tpu.memory_space<vmem>>) dst(%dma_wait3A_122 : memref<10000x128xf32, #tpu.memory_space<vmem_shared>>)
          tpu.yield
        }) : () -> ()
        %run_scoped3A_99 = arith.constant 2 : i32
        "tpu.region"() ({
          %run_scoped3A_106 = tpu.sem_alloc : memref<!tpu.dma_semaphore, #tpu.memory_space<semaphore_mem>>
          %dma_start3A = arith.constant 0 : i32
          %dma_start3A_107 = arith.constant 0 : i32
          %dma_start3A_108 = tpu.memref_slice %arg12[%dma_start3A, %dma_start3A_107] : memref<256x128xf32, #tpu.memory_space<vmem>> -> memref<128x128xf32, #tpu.memory_space<vmem>>
          %dma_start3A_109 = arith.constant 0 : i32
          %dma_start3A_110 = tpu.memref_slice %arg10[%run_scoped3A_99, %dma_start3A_109] : memref<8x128xi32, #tpu.memory_space<vmem>> -> memref<1x128xi32, #tpu.memory_space<vmem>>
          %dma_start3A_111 = tpu.memref_squeeze %dma_start3A_110 : memref<1x128xi32, #tpu.memory_space<vmem>> -> memref<128xi32, #tpu.memory_space<vmem>>
          %dma_start3A_112 = arith.constant 0 : i32
          %dma_start3A_113 = arith.constant 0 : i32
          %dma_start3A_114 = tpu.memref_slice %arg13[%dma_start3A_112, %dma_start3A_113] : memref<10000x128xf32, #tpu.memory_space<vmem_shared>> -> memref<10000x128xf32, #tpu.memory_space<vmem_shared>>
          tpu.enqueue_indirect_dma source(%dma_start3A_108 : memref<128x128xf32, #tpu.memory_space<vmem>>) target(%dma_start3A_114 : memref<10000x128xf32, #tpu.memory_space<vmem_shared>>) offsets(%dma_start3A_111 : memref<128xi32, #tpu.memory_space<vmem>>) semaphore(%run_scoped3A_106 : memref<!tpu.dma_semaphore, #tpu.memory_space<semaphore_mem>>) {add = true}
          %dma_wait3A = arith.constant 0 : i32
          %dma_wait3A_115 = arith.constant 0 : i32
          %dma_wait3A_116 = tpu.memref_slice %arg12[%dma_wait3A, %dma_wait3A_115] : memref<256x128xf32, #tpu.memory_space<vmem>> -> memref<128x128xf32, #tpu.memory_space<vmem>>
          %dma_wait3A_117 = arith.constant 0 : i32
          %dma_wait3A_118 = tpu.memref_slice %arg10[%run_scoped3A_99, %dma_wait3A_117] : memref<8x128xi32, #tpu.memory_space<vmem>> -> memref<1x128xi32, #tpu.memory_space<vmem>>
          %dma_wait3A_119 = tpu.memref_squeeze %dma_wait3A_118 : memref<1x128xi32, #tpu.memory_space<vmem>> -> memref<128xi32, #tpu.memory_space<vmem>>
          %dma_wait3A_120 = arith.constant 0 : i32
          %dma_wait3A_121 = arith.constant 0 : i32
          %dma_wait3A_122 = tpu.memref_slice %arg13[%dma_wait3A_120, %dma_wait3A_121] : memref<10000x128xf32, #tpu.memory_space<vmem_shared>> -> memref<10000x128xf32, #tpu.memory_space<vmem_shared>>
          tpu.wait_indirect_dma semaphore(%run_scoped3A_106 : memref<!tpu.dma_semaphore, #tpu.memory_space<semaphore_mem>>) src(%dma_wait3A_116 : memref<128x128xf32, #tpu.memory_space<vmem>>) dst(%dma_wait3A_122 : memref<10000x128xf32, #tpu.memory_space<vmem_shared>>)
          tpu.yield
        }) : () -> ()
        %run_scoped3A_100 = arith.constant 3 : i32
        "tpu.region"() ({
          %run_scoped3A_106 = tpu.sem_alloc : memref<!tpu.dma_semaphore, #tpu.memory_space<semaphore_mem>>
          %dma_start3A = arith.constant 0 : i32
          %dma_start3A_107 = arith.constant 0 : i32
          %dma_start3A_108 = tpu.memref_slice %arg12[%dma_start3A, %dma_start3A_107] : memref<256x128xf32, #tpu.memory_space<vmem>> -> memref<128x128xf32, #tpu.memory_space<vmem>>
          %dma_start3A_109 = arith.constant 0 : i32
          %dma_start3A_110 = tpu.memref_slice %arg10[%run_scoped3A_100, %dma_start3A_109] : memref<8x128xi32, #tpu.memory_space<vmem>> -> memref<1x128xi32, #tpu.memory_space<vmem>>
          %dma_start3A_111 = tpu.memref_squeeze %dma_start3A_110 : memref<1x128xi32, #tpu.memory_space<vmem>> -> memref<128xi32, #tpu.memory_space<vmem>>
          %dma_start3A_112 = arith.constant 0 : i32
          %dma_start3A_113 = arith.constant 0 : i32
          %dma_start3A_114 = tpu.memref_slice %arg13[%dma_start3A_112, %dma_start3A_113] : memref<10000x128xf32, #tpu.memory_space<vmem_shared>> -> memref<10000x128xf32, #tpu.memory_space<vmem_shared>>
          tpu.enqueue_indirect_dma source(%dma_start3A_108 : memref<128x128xf32, #tpu.memory_space<vmem>>) target(%dma_start3A_114 : memref<10000x128xf32, #tpu.memory_space<vmem_shared>>) offsets(%dma_start3A_111 : memref<128xi32, #tpu.memory_space<vmem>>) semaphore(%run_scoped3A_106 : memref<!tpu.dma_semaphore, #tpu.memory_space<semaphore_mem>>) {add = true}
          %dma_wait3A = arith.constant 0 : i32
          %dma_wait3A_115 = arith.constant 0 : i32
          %dma_wait3A_116 = tpu.memref_slice %arg12[%dma_wait3A, %dma_wait3A_115] : memref<256x128xf32, #tpu.memory_space<vmem>> -> memref<128x128xf32, #tpu.memory_space<vmem>>
          %dma_wait3A_117 = arith.constant 0 : i32
          %dma_wait3A_118 = tpu.memref_slice %arg10[%run_scoped3A_100, %dma_wait3A_117] : memref<8x128xi32, #tpu.memory_space<vmem>> -> memref<1x128xi32, #tpu.memory_space<vmem>>
          %dma_wait3A_119 = tpu.memref_squeeze %dma_wait3A_118 : memref<1x128xi32, #tpu.memory_space<vmem>> -> memref<128xi32, #tpu.memory_space<vmem>>
          %dma_wait3A_120 = arith.constant 0 : i32
          %dma_wait3A_121 = arith.constant 0 : i32
          %dma_wait3A_122 = tpu.memref_slice %arg13[%dma_wait3A_120, %dma_wait3A_121] : memref<10000x128xf32, #tpu.memory_space<vmem_shared>> -> memref<10000x128xf32, #tpu.memory_space<vmem_shared>>
          tpu.wait_indirect_dma semaphore(%run_scoped3A_106 : memref<!tpu.dma_semaphore, #tpu.memory_space<semaphore_mem>>) src(%dma_wait3A_116 : memref<128x128xf32, #tpu.memory_space<vmem>>) dst(%dma_wait3A_122 : memref<10000x128xf32, #tpu.memory_space<vmem_shared>>)
          tpu.yield
        }) : () -> ()
        %run_scoped3A_101 = arith.constant 4 : i32
        "tpu.region"() ({
          %run_scoped3A_106 = tpu.sem_alloc : memref<!tpu.dma_semaphore, #tpu.memory_space<semaphore_mem>>
          %dma_start3A = arith.constant 0 : i32
          %dma_start3A_107 = arith.constant 0 : i32
          %dma_start3A_108 = tpu.memref_slice %arg12[%dma_start3A, %dma_start3A_107] : memref<256x128xf32, #tpu.memory_space<vmem>> -> memref<128x128xf32, #tpu.memory_space<vmem>>
          %dma_start3A_109 = arith.constant 0 : i32
          %dma_start3A_110 = tpu.memref_slice %arg10[%run_scoped3A_101, %dma_start3A_109] : memref<8x128xi32, #tpu.memory_space<vmem>> -> memref<1x128xi32, #tpu.memory_space<vmem>>
          %dma_start3A_111 = tpu.memref_squeeze %dma_start3A_110 : memref<1x128xi32, #tpu.memory_space<vmem>> -> memref<128xi32, #tpu.memory_space<vmem>>
          %dma_start3A_112 = arith.constant 0 : i32
          %dma_start3A_113 = arith.constant 0 : i32
          %dma_start3A_114 = tpu.memref_slice %arg13[%dma_start3A_112, %dma_start3A_113] : memref<10000x128xf32, #tpu.memory_space<vmem_shared>> -> memref<10000x128xf32, #tpu.memory_space<vmem_shared>>
          tpu.enqueue_indirect_dma source(%dma_start3A_108 : memref<128x128xf32, #tpu.memory_space<vmem>>) target(%dma_start3A_114 : memref<10000x128xf32, #tpu.memory_space<vmem_shared>>) offsets(%dma_start3A_111 : memref<128xi32, #tpu.memory_space<vmem>>) semaphore(%run_scoped3A_106 : memref<!tpu.dma_semaphore, #tpu.memory_space<semaphore_mem>>) {add = true}
          %dma_wait3A = arith.constant 0 : i32
          %dma_wait3A_115 = arith.constant 0 : i32
          %dma_wait3A_116 = tpu.memref_slice %arg12[%dma_wait3A, %dma_wait3A_115] : memref<256x128xf32, #tpu.memory_space<vmem>> -> memref<128x128xf32, #tpu.memory_space<vmem>>
          %dma_wait3A_117 = arith.constant 0 : i32
          %dma_wait3A_118 = tpu.memref_slice %arg10[%run_scoped3A_101, %dma_wait3A_117] : memref<8x128xi32, #tpu.memory_space<vmem>> -> memref<1x128xi32, #tpu.memory_space<vmem>>
          %dma_wait3A_119 = tpu.memref_squeeze %dma_wait3A_118 : memref<1x128xi32, #tpu.memory_space<vmem>> -> memref<128xi32, #tpu.memory_space<vmem>>
          %dma_wait3A_120 = arith.constant 0 : i32
          %dma_wait3A_121 = arith.constant 0 : i32
          %dma_wait3A_122 = tpu.memref_slice %arg13[%dma_wait3A_120, %dma_wait3A_121] : memref<10000x128xf32, #tpu.memory_space<vmem_shared>> -> memref<10000x128xf32, #tpu.memory_space<vmem_shared>>
          tpu.wait_indirect_dma semaphore(%run_scoped3A_106 : memref<!tpu.dma_semaphore, #tpu.memory_space<semaphore_mem>>) src(%dma_wait3A_116 : memref<128x128xf32, #tpu.memory_space<vmem>>) dst(%dma_wait3A_122 : memref<10000x128xf32, #tpu.memory_space<vmem_shared>>)
          tpu.yield
        }) : () -> ()
        %run_scoped3A_102 = arith.constant 5 : i32
        "tpu.region"() ({
          %run_scoped3A_106 = tpu.sem_alloc : memref<!tpu.dma_semaphore, #tpu.memory_space<semaphore_mem>>
          %dma_start3A = arith.constant 0 : i32
          %dma_start3A_107 = arith.constant 0 : i32
          %dma_start3A_108 = tpu.memref_slice %arg12[%dma_start3A, %dma_start3A_107] : memref<256x128xf32, #tpu.memory_space<vmem>> -> memref<128x128xf32, #tpu.memory_space<vmem>>
          %dma_start3A_109 = arith.constant 0 : i32
          %dma_start3A_110 = tpu.memref_slice %arg10[%run_scoped3A_102, %dma_start3A_109] : memref<8x128xi32, #tpu.memory_space<vmem>> -> memref<1x128xi32, #tpu.memory_space<vmem>>
          %dma_start3A_111 = tpu.memref_squeeze %dma_start3A_110 : memref<1x128xi32, #tpu.memory_space<vmem>> -> memref<128xi32, #tpu.memory_space<vmem>>
          %dma_start3A_112 = arith.constant 0 : i32
          %dma_start3A_113 = arith.constant 0 : i32
          %dma_start3A_114 = tpu.memref_slice %arg13[%dma_start3A_112, %dma_start3A_113] : memref<10000x128xf32, #tpu.memory_space<vmem_shared>> -> memref<10000x128xf32, #tpu.memory_space<vmem_shared>>
          tpu.enqueue_indirect_dma source(%dma_start3A_108 : memref<128x128xf32, #tpu.memory_space<vmem>>) target(%dma_start3A_114 : memref<10000x128xf32, #tpu.memory_space<vmem_shared>>) offsets(%dma_start3A_111 : memref<128xi32, #tpu.memory_space<vmem>>) semaphore(%run_scoped3A_106 : memref<!tpu.dma_semaphore, #tpu.memory_space<semaphore_mem>>) {add = true}
          %dma_wait3A = arith.constant 0 : i32
          %dma_wait3A_115 = arith.constant 0 : i32
          %dma_wait3A_116 = tpu.memref_slice %arg12[%dma_wait3A, %dma_wait3A_115] : memref<256x128xf32, #tpu.memory_space<vmem>> -> memref<128x128xf32, #tpu.memory_space<vmem>>
          %dma_wait3A_117 = arith.constant 0 : i32
          %dma_wait3A_118 = tpu.memref_slice %arg10[%run_scoped3A_102, %dma_wait3A_117] : memref<8x128xi32, #tpu.memory_space<vmem>> -> memref<1x128xi32, #tpu.memory_space<vmem>>
          %dma_wait3A_119 = tpu.memref_squeeze %dma_wait3A_118 : memref<1x128xi32, #tpu.memory_space<vmem>> -> memref<128xi32, #tpu.memory_space<vmem>>
          %dma_wait3A_120 = arith.constant 0 : i32
          %dma_wait3A_121 = arith.constant 0 : i32
          %dma_wait3A_122 = tpu.memref_slice %arg13[%dma_wait3A_120, %dma_wait3A_121] : memref<10000x128xf32, #tpu.memory_space<vmem_shared>> -> memref<10000x128xf32, #tpu.memory_space<vmem_shared>>
          tpu.wait_indirect_dma semaphore(%run_scoped3A_106 : memref<!tpu.dma_semaphore, #tpu.memory_space<semaphore_mem>>) src(%dma_wait3A_116 : memref<128x128xf32, #tpu.memory_space<vmem>>) dst(%dma_wait3A_122 : memref<10000x128xf32, #tpu.memory_space<vmem_shared>>)
          tpu.yield
        }) : () -> ()
        %run_scoped3A_103 = arith.constant 6 : i32
        "tpu.region"() ({
          %run_scoped3A_106 = tpu.sem_alloc : memref<!tpu.dma_semaphore, #tpu.memory_space<semaphore_mem>>
          %dma_start3A = arith.constant 0 : i32
          %dma_start3A_107 = arith.constant 0 : i32
          %dma_start3A_108 = tpu.memref_slice %arg12[%dma_start3A, %dma_start3A_107] : memref<256x128xf32, #tpu.memory_space<vmem>> -> memref<128x128xf32, #tpu.memory_space<vmem>>
          %dma_start3A_109 = arith.constant 0 : i32
          %dma_start3A_110 = tpu.memref_slice %arg10[%run_scoped3A_103, %dma_start3A_109] : memref<8x128xi32, #tpu.memory_space<vmem>> -> memref<1x128xi32, #tpu.memory_space<vmem>>
          %dma_start3A_111 = tpu.memref_squeeze %dma_start3A_110 : memref<1x128xi32, #tpu.memory_space<vmem>> -> memref<128xi32, #tpu.memory_space<vmem>>
          %dma_start3A_112 = arith.constant 0 : i32
          %dma_start3A_113 = arith.constant 0 : i32
          %dma_start3A_114 = tpu.memref_slice %arg13[%dma_start3A_112, %dma_start3A_113] : memref<10000x128xf32, #tpu.memory_space<vmem_shared>> -> memref<10000x128xf32, #tpu.memory_space<vmem_shared>>
          tpu.enqueue_indirect_dma source(%dma_start3A_108 : memref<128x128xf32, #tpu.memory_space<vmem>>) target(%dma_start3A_114 : memref<10000x128xf32, #tpu.memory_space<vmem_shared>>) offsets(%dma_start3A_111 : memref<128xi32, #tpu.memory_space<vmem>>) semaphore(%run_scoped3A_106 : memref<!tpu.dma_semaphore, #tpu.memory_space<semaphore_mem>>) {add = true}
          %dma_wait3A = arith.constant 0 : i32
          %dma_wait3A_115 = arith.constant 0 : i32
          %dma_wait3A_116 = tpu.memref_slice %arg12[%dma_wait3A, %dma_wait3A_115] : memref<256x128xf32, #tpu.memory_space<vmem>> -> memref<128x128xf32, #tpu.memory_space<vmem>>
          %dma_wait3A_117 = arith.constant 0 : i32
          %dma_wait3A_118 = tpu.memref_slice %arg10[%run_scoped3A_103, %dma_wait3A_117] : memref<8x128xi32, #tpu.memory_space<vmem>> -> memref<1x128xi32, #tpu.memory_space<vmem>>
          %dma_wait3A_119 = tpu.memref_squeeze %dma_wait3A_118 : memref<1x128xi32, #tpu.memory_space<vmem>> -> memref<128xi32, #tpu.memory_space<vmem>>
          %dma_wait3A_120 = arith.constant 0 : i32
          %dma_wait3A_121 = arith.constant 0 : i32
          %dma_wait3A_122 = tpu.memref_slice %arg13[%dma_wait3A_120, %dma_wait3A_121] : memref<10000x128xf32, #tpu.memory_space<vmem_shared>> -> memref<10000x128xf32, #tpu.memory_space<vmem_shared>>
          tpu.wait_indirect_dma semaphore(%run_scoped3A_106 : memref<!tpu.dma_semaphore, #tpu.memory_space<semaphore_mem>>) src(%dma_wait3A_116 : memref<128x128xf32, #tpu.memory_space<vmem>>) dst(%dma_wait3A_122 : memref<10000x128xf32, #tpu.memory_space<vmem_shared>>)
          tpu.yield
        }) : () -> ()
        %run_scoped3A_104 = arith.constant 7 : i32
        "tpu.region"() ({
          %run_scoped3A_106 = tpu.sem_alloc : memref<!tpu.dma_semaphore, #tpu.memory_space<semaphore_mem>>
          %dma_start3A = arith.constant 0 : i32
          %dma_start3A_107 = arith.constant 0 : i32
          %dma_start3A_108 = tpu.memref_slice %arg12[%dma_start3A, %dma_start3A_107] : memref<256x128xf32, #tpu.memory_space<vmem>> -> memref<128x128xf32, #tpu.memory_space<vmem>>
          %dma_start3A_109 = arith.constant 0 : i32
          %dma_start3A_110 = tpu.memref_slice %arg10[%run_scoped3A_104, %dma_start3A_109] : memref<8x128xi32, #tpu.memory_space<vmem>> -> memref<1x128xi32, #tpu.memory_space<vmem>>
          %dma_start3A_111 = tpu.memref_squeeze %dma_start3A_110 : memref<1x128xi32, #tpu.memory_space<vmem>> -> memref<128xi32, #tpu.memory_space<vmem>>
          %dma_start3A_112 = arith.constant 0 : i32
          %dma_start3A_113 = arith.constant 0 : i32
          %dma_start3A_114 = tpu.memref_slice %arg13[%dma_start3A_112, %dma_start3A_113] : memref<10000x128xf32, #tpu.memory_space<vmem_shared>> -> memref<10000x128xf32, #tpu.memory_space<vmem_shared>>
          tpu.enqueue_indirect_dma source(%dma_start3A_108 : memref<128x128xf32, #tpu.memory_space<vmem>>) target(%dma_start3A_114 : memref<10000x128xf32, #tpu.memory_space<vmem_shared>>) offsets(%dma_start3A_111 : memref<128xi32, #tpu.memory_space<vmem>>) semaphore(%run_scoped3A_106 : memref<!tpu.dma_semaphore, #tpu.memory_space<semaphore_mem>>) {add = true}
          %dma_wait3A = arith.constant 0 : i32
          %dma_wait3A_115 = arith.constant 0 : i32
          %dma_wait3A_116 = tpu.memref_slice %arg12[%dma_wait3A, %dma_wait3A_115] : memref<256x128xf32, #tpu.memory_space<vmem>> -> memref<128x128xf32, #tpu.memory_space<vmem>>
          %dma_wait3A_117 = arith.constant 0 : i32
          %dma_wait3A_118 = tpu.memref_slice %arg10[%run_scoped3A_104, %dma_wait3A_117] : memref<8x128xi32, #tpu.memory_space<vmem>> -> memref<1x128xi32, #tpu.memory_space<vmem>>
          %dma_wait3A_119 = tpu.memref_squeeze %dma_wait3A_118 : memref<1x128xi32, #tpu.memory_space<vmem>> -> memref<128xi32, #tpu.memory_space<vmem>>
          %dma_wait3A_120 = arith.constant 0 : i32
          %dma_wait3A_121 = arith.constant 0 : i32
          %dma_wait3A_122 = tpu.memref_slice %arg13[%dma_wait3A_120, %dma_wait3A_121] : memref<10000x128xf32, #tpu.memory_space<vmem_shared>> -> memref<10000x128xf32, #tpu.memory_space<vmem_shared>>
          tpu.wait_indirect_dma semaphore(%run_scoped3A_106 : memref<!tpu.dma_semaphore, #tpu.memory_space<semaphore_mem>>) src(%dma_wait3A_116 : memref<128x128xf32, #tpu.memory_space<vmem>>) dst(%dma_wait3A_122 : memref<10000x128xf32, #tpu.memory_space<vmem_shared>>)
          tpu.yield
        }) : () -> ()
        %while3A_105 = arith.constant 0 : i32
        scf.yield %while3A_105 : i32
      }
      %barrier3A_68 = arith.constant 0 : index
      tpu.barrier barrier_id(%barrier3A_68)
      "tpu.region"() ({
        %run_scoped3A = tpu.sem_alloc : memref<!tpu.dma_semaphore, #tpu.memory_space<semaphore_mem>>
        %dma_start3A = arith.constant 0 : i32
        %dma_start3A_91 = tpu.memref_slice %arg9[%mul3A_6, %dma_start3A] : memref<10000x128xf32, #tpu.memory_space<hbm>> -> memref<624x128xf32, #tpu.memory_space<hbm>>
        %dma_start3A_92 = arith.constant 0 : i32
        %dma_start3A_93 = tpu.memref_slice %arg13[%mul3A_6, %dma_start3A_92] : memref<10000x128xf32, #tpu.memory_space<vmem_shared>> -> memref<624x128xf32, #tpu.memory_space<vmem_shared>>
        tpu.enqueue_dma source(%dma_start3A_93 : memref<624x128xf32, #tpu.memory_space<vmem_shared>>) target(%dma_start3A_91 : memref<624x128xf32, #tpu.memory_space<hbm>>) target_semaphore(%run_scoped3A : memref<!tpu.dma_semaphore, #tpu.memory_space<semaphore_mem>>)
        %dma_wait3A = arith.constant 0 : i32
        %dma_wait3A_94 = tpu.memref_slice %arg9[%mul3A_6, %dma_wait3A] : memref<10000x128xf32, #tpu.memory_space<hbm>> -> memref<624x128xf32, #tpu.memory_space<hbm>>
        %dma_wait3A_95 = arith.constant 0 : i32
        %dma_wait3A_96 = tpu.memref_slice %arg13[%mul3A_6, %dma_wait3A_95] : memref<10000x128xf32, #tpu.memory_space<vmem_shared>> -> memref<624x128xf32, #tpu.memory_space<vmem_shared>>
        tpu.wait_dma2 semaphore(%run_scoped3A : memref<!tpu.dma_semaphore, #tpu.memory_space<semaphore_mem>>) src(%dma_wait3A_96 : memref<624x128xf32, #tpu.memory_space<vmem_shared>>) dst(%dma_wait3A_94 : memref<624x128xf32, #tpu.memory_space<hbm>>)
        tpu.yield
      }) : () -> ()
      %lt3A_69 = arith.constant 2 : i32
      %lt3A_70 = arith.cmpi slt, %arg1, %lt3A_69 : i32
      %convert_element_type3A_71 = arith.extui %lt3A_70 : i1 to i32
      %cond3A_72 = arith.constant 0 : i32
      %cond3A_73 = arith.cmpi ne, %convert_element_type3A_71, %cond3A_72 : i32
      scf.if %cond3A_73 {
        %add3A_91 = arith.constant 624 : i32
        %add3A_92 = arith.addi %mul3A_6, %add3A_91 : i32
        %add3A_93 = arith.constant 624 : i32
        %add3A_94 = arith.addi %mul3A_6, %add3A_93 : i32
        "tpu.region"() ({
          %run_scoped3A = tpu.sem_alloc : memref<!tpu.dma_semaphore, #tpu.memory_space<semaphore_mem>>
          %dma_start3A = arith.constant 0 : i32
          %dma_start3A_95 = tpu.memref_slice %arg9[%add3A_94, %dma_start3A] : memref<10000x128xf32, #tpu.memory_space<hbm>> -> memref<8x128xf32, #tpu.memory_space<hbm>>
          %dma_start3A_96 = arith.constant 0 : i32
          %dma_start3A_97 = tpu.memref_slice %arg13[%add3A_92, %dma_start3A_96] : memref<10000x128xf32, #tpu.memory_space<vmem_shared>> -> memref<8x128xf32, #tpu.memory_space<vmem_shared>>
          tpu.enqueue_dma source(%dma_start3A_97 : memref<8x128xf32, #tpu.memory_space<vmem_shared>>) target(%dma_start3A_95 : memref<8x128xf32, #tpu.memory_space<hbm>>) target_semaphore(%run_scoped3A : memref<!tpu.dma_semaphore, #tpu.memory_space<semaphore_mem>>)
          %dma_wait3A = arith.constant 0 : i32
          %dma_wait3A_98 = tpu.memref_slice %arg9[%add3A_94, %dma_wait3A] : memref<10000x128xf32, #tpu.memory_space<hbm>> -> memref<8x128xf32, #tpu.memory_space<hbm>>
          %dma_wait3A_99 = arith.constant 0 : i32
          %dma_wait3A_100 = tpu.memref_slice %arg13[%add3A_92, %dma_wait3A_99] : memref<10000x128xf32, #tpu.memory_space<vmem_shared>> -> memref<8x128xf32, #tpu.memory_space<vmem_shared>>
          tpu.wait_dma2 semaphore(%run_scoped3A : memref<!tpu.dma_semaphore, #tpu.memory_space<semaphore_mem>>) src(%dma_wait3A_100 : memref<8x128xf32, #tpu.memory_space<vmem_shared>>) dst(%dma_wait3A_98 : memref<8x128xf32, #tpu.memory_space<hbm>>)
          tpu.yield
        }) : () -> ()
      } else {
      }
      %scan3A_74 = arith.constant 0 : i32
      %scan3A_75 = arith.constant 0 : i32
      %scan3A_76 = arith.constant 128 : i32
      %scan3A_77 = arith.addi %scan3A_75, %scan3A_76 : i32
      %scan3A_78 = arith.constant 1 : i32
      %scan3A_79 = scf.for %scan3A_91 = %scan3A_75 to %scan3A_77 step %scan3A_78 iter_args(%scan3A_92 = %scan3A_74) -> (i32)  : i32 {
        %swap3A = arith.index_cast %scan3A_91 : i32 to index
        %swap3A_93 = arith.constant 0 : index
        %swap3A_94 = tpu.vector_load %arg12[%swap3A, %swap3A_93] {strides = array<i32>} : memref<256x128xf32, #tpu.memory_space<vmem>>, vector<1x16xf32>,
        %swap3A_95 = vector.shape_cast %swap3A_94 : vector<1x16xf32> to vector<16xf32>
        %swap3A_96 = vector.shape_cast %broadcast_in_dim3A_0 : vector<16xf32> to vector<1x16xf32>
        tpu.vector_store %arg12[%swap3A, %swap3A_93], %swap3A_96 {strides = array<i32>} : memref<256x128xf32, #tpu.memory_space<vmem>>, vector<1x16xf32>,
        %swap3A_97 = arith.index_cast %scan3A_91 : i32 to index
        %swap3A_98 = arith.constant 16 : index
        %swap3A_99 = tpu.vector_load %arg12[%swap3A_97, %swap3A_98] {strides = array<i32>} : memref<256x128xf32, #tpu.memory_space<vmem>>, vector<1x16xf32>,
        %swap3A_100 = vector.shape_cast %swap3A_99 : vector<1x16xf32> to vector<16xf32>
        %swap3A_101 = vector.shape_cast %broadcast_in_dim3A_0 : vector<16xf32> to vector<1x16xf32>
        tpu.vector_store %arg12[%swap3A_97, %swap3A_98], %swap3A_101 {strides = array<i32>} : memref<256x128xf32, #tpu.memory_space<vmem>>, vector<1x16xf32>,
        %swap3A_102 = arith.index_cast %scan3A_91 : i32 to index
        %swap3A_103 = arith.constant 32 : index
        %swap3A_104 = tpu.vector_load %arg12[%swap3A_102, %swap3A_103] {strides = array<i32>} : memref<256x128xf32, #tpu.memory_space<vmem>>, vector<1x16xf32>,
        %swap3A_105 = vector.shape_cast %swap3A_104 : vector<1x16xf32> to vector<16xf32>
        %swap3A_106 = vector.shape_cast %broadcast_in_dim3A_0 : vector<16xf32> to vector<1x16xf32>
        tpu.vector_store %arg12[%swap3A_102, %swap3A_103], %swap3A_106 {strides = array<i32>} : memref<256x128xf32, #tpu.memory_space<vmem>>, vector<1x16xf32>,
        %swap3A_107 = arith.index_cast %scan3A_91 : i32 to index
        %swap3A_108 = arith.constant 48 : index
        %swap3A_109 = tpu.vector_load %arg12[%swap3A_107, %swap3A_108] {strides = array<i32>} : memref<256x128xf32, #tpu.memory_space<vmem>>, vector<1x16xf32>,
        %swap3A_110 = vector.shape_cast %swap3A_109 : vector<1x16xf32> to vector<16xf32>
        %swap3A_111 = vector.shape_cast %broadcast_in_dim3A_0 : vector<16xf32> to vector<1x16xf32>
        tpu.vector_store %arg12[%swap3A_107, %swap3A_108], %swap3A_111 {strides = array<i32>} : memref<256x128xf32, #tpu.memory_space<vmem>>, vector<1x16xf32>,
        %swap3A_112 = arith.index_cast %scan3A_91 : i32 to index
        %swap3A_113 = arith.constant 64 : index
        %swap3A_114 = tpu.vector_load %arg12[%swap3A_112, %swap3A_113] {strides = array<i32>} : memref<256x128xf32, #tpu.memory_space<vmem>>, vector<1x16xf32>,
        %swap3A_115 = vector.shape_cast %swap3A_114 : vector<1x16xf32> to vector<16xf32>
        %swap3A_116 = vector.shape_cast %broadcast_in_dim3A_0 : vector<16xf32> to vector<1x16xf32>
        tpu.vector_store %arg12[%swap3A_112, %swap3A_113], %swap3A_116 {strides = array<i32>} : memref<256x128xf32, #tpu.memory_space<vmem>>, vector<1x16xf32>,
        %swap3A_117 = arith.index_cast %scan3A_91 : i32 to index
        %swap3A_118 = arith.constant 80 : index
        %swap3A_119 = tpu.vector_load %arg12[%swap3A_117, %swap3A_118] {strides = array<i32>} : memref<256x128xf32, #tpu.memory_space<vmem>>, vector<1x16xf32>,
        %swap3A_120 = vector.shape_cast %swap3A_119 : vector<1x16xf32> to vector<16xf32>
        %swap3A_121 = vector.shape_cast %broadcast_in_dim3A_0 : vector<16xf32> to vector<1x16xf32>
        tpu.vector_store %arg12[%swap3A_117, %swap3A_118], %swap3A_121 {strides = array<i32>} : memref<256x128xf32, #tpu.memory_space<vmem>>, vector<1x16xf32>,
        %swap3A_122 = arith.index_cast %scan3A_91 : i32 to index
        %swap3A_123 = arith.constant 96 : index
        %swap3A_124 = tpu.vector_load %arg12[%swap3A_122, %swap3A_123] {strides = array<i32>} : memref<256x128xf32, #tpu.memory_space<vmem>>, vector<1x16xf32>,
        %swap3A_125 = vector.shape_cast %swap3A_124 : vector<1x16xf32> to vector<16xf32>
        %swap3A_126 = vector.shape_cast %broadcast_in_dim3A_0 : vector<16xf32> to vector<1x16xf32>
        tpu.vector_store %arg12[%swap3A_122, %swap3A_123], %swap3A_126 {strides = array<i32>} : memref<256x128xf32, #tpu.memory_space<vmem>>, vector<1x16xf32>,
        %swap3A_127 = arith.index_cast %scan3A_91 : i32 to index
        %swap3A_128 = arith.constant 112 : index
        %swap3A_129 = tpu.vector_load %arg12[%swap3A_127, %swap3A_128] {strides = array<i32>} : memref<256x128xf32, #tpu.memory_space<vmem>>, vector<1x16xf32>,
        %swap3A_130 = vector.shape_cast %swap3A_129 : vector<1x16xf32> to vector<16xf32>
        %swap3A_131 = vector.shape_cast %broadcast_in_dim3A_0 : vector<16xf32> to vector<1x16xf32>
        tpu.vector_store %arg12[%swap3A_127, %swap3A_128], %swap3A_131 {strides = array<i32>} : memref<256x128xf32, #tpu.memory_space<vmem>>, vector<1x16xf32>,
        %scan3A_132 = arith.constant 0 : i32
        scf.yield %scan3A_132 : i32
      }
      %scan3A_80 = arith.constant 128 : i32
      %barrier3A_81 = arith.constant 0 : index
      tpu.barrier barrier_id(%barrier3A_81)
      "tpu.region"() ({
        %run_scoped3A = tpu.sem_alloc : memref<!tpu.dma_semaphore, #tpu.memory_space<semaphore_mem>>
        %dma_start3A = arith.constant 0 : i32
        %dma_start3A_91 = tpu.memref_slice %arg13[%mul3A_6, %dma_start3A] : memref<10000x128xf32, #tpu.memory_space<vmem_shared>> -> memref<256x128xf32, #tpu.memory_space<vmem_shared>>
        %dma_start3A_92 = arith.constant 0 : i32
        %dma_start3A_93 = tpu.memref_slice %arg13[%mul3A_6, %dma_start3A_92] : memref<10000x128xf32, #tpu.memory_space<vmem_shared>> -> memref<256x128xf32, #tpu.memory_space<vmem_shared>>
        tpu.enqueue_dma source(%arg12 : memref<256x128xf32, #tpu.memory_space<vmem>>) target(%dma_start3A_93 : memref<256x128xf32, #tpu.memory_space<vmem_shared>>) target_semaphore(%run_scoped3A : memref<!tpu.dma_semaphore, #tpu.memory_space<semaphore_mem>>)
        %dma_wait3A = arith.constant 0 : i32
        %dma_wait3A_94 = tpu.memref_slice %arg13[%mul3A_6, %dma_wait3A] : memref<10000x128xf32, #tpu.memory_space<vmem_shared>> -> memref<256x128xf32, #tpu.memory_space<vmem_shared>>
        %dma_wait3A_95 = arith.constant 0 : i32
        %dma_wait3A_96 = tpu.memref_slice %arg13[%mul3A_6, %dma_wait3A_95] : memref<10000x128xf32, #tpu.memory_space<vmem_shared>> -> memref<256x128xf32, #tpu.memory_space<vmem_shared>>
        tpu.wait_dma2 semaphore(%run_scoped3A : memref<!tpu.dma_semaphore, #tpu.memory_space<semaphore_mem>>) src(%arg12 : memref<256x128xf32, #tpu.memory_space<vmem>>) dst(%dma_wait3A_96 : memref<256x128xf32, #tpu.memory_space<vmem_shared>>)
        tpu.yield
      }) : () -> ()
      %add3A_82 = arith.constant 256 : i32
      %add3A_83 = arith.addi %mul3A_6, %add3A_82 : i32
      "tpu.region"() ({
        %run_scoped3A = tpu.sem_alloc : memref<!tpu.dma_semaphore, #tpu.memory_space<semaphore_mem>>
        %dma_start3A = arith.constant 0 : i32
        %dma_start3A_91 = tpu.memref_slice %arg13[%add3A_83, %dma_start3A] : memref<10000x128xf32, #tpu.memory_space<vmem_shared>> -> memref<256x128xf32, #tpu.memory_space<vmem_shared>>
        %dma_start3A_92 = arith.constant 0 : i32
        %dma_start3A_93 = tpu.memref_slice %arg13[%add3A_83, %dma_start3A_92] : memref<10000x128xf32, #tpu.memory_space<vmem_shared>> -> memref<256x128xf32, #tpu.memory_space<vmem_shared>>
        tpu.enqueue_dma source(%arg12 : memref<256x128xf32, #tpu.memory_space<vmem>>) target(%dma_start3A_93 : memref<256x128xf32, #tpu.memory_space<vmem_shared>>) target_semaphore(%run_scoped3A : memref<!tpu.dma_semaphore, #tpu.memory_space<semaphore_mem>>)
        %dma_wait3A = arith.constant 0 : i32
        %dma_wait3A_94 = tpu.memref_slice %arg13[%add3A_83, %dma_wait3A] : memref<10000x128xf32, #tpu.memory_space<vmem_shared>> -> memref<256x128xf32, #tpu.memory_space<vmem_shared>>
        %dma_wait3A_95 = arith.constant 0 : i32
        %dma_wait3A_96 = tpu.memref_slice %arg13[%add3A_83, %dma_wait3A_95] : memref<10000x128xf32, #tpu.memory_space<vmem_shared>> -> memref<256x128xf32, #tpu.memory_space<vmem_shared>>
        tpu.wait_dma2 semaphore(%run_scoped3A : memref<!tpu.dma_semaphore, #tpu.memory_space<semaphore_mem>>) src(%arg12 : memref<256x128xf32, #tpu.memory_space<vmem>>) dst(%dma_wait3A_96 : memref<256x128xf32, #tpu.memory_space<vmem_shared>>)
        tpu.yield
      }) : () -> ()
      %add3A_84 = arith.constant 512 : i32
      %add3A_85 = arith.addi %mul3A_6, %add3A_84 : i32
      "tpu.region"() ({
        %run_scoped3A = tpu.sem_alloc : memref<!tpu.dma_semaphore, #tpu.memory_space<semaphore_mem>>
        %dma_start3A = arith.constant 0 : i32
        %dma_start3A_91 = arith.constant 0 : i32
        %dma_start3A_92 = tpu.memref_slice %arg12[%dma_start3A, %dma_start3A_91] : memref<256x128xf32, #tpu.memory_space<vmem>> -> memref<112x128xf32, #tpu.memory_space<vmem>>
        %dma_start3A_93 = arith.constant 0 : i32
        %dma_start3A_94 = tpu.memref_slice %arg13[%add3A_85, %dma_start3A_93] : memref<10000x128xf32, #tpu.memory_space<vmem_shared>> -> memref<112x128xf32, #tpu.memory_space<vmem_shared>>
        %dma_start3A_95 = arith.constant 0 : i32
        %dma_start3A_96 = tpu.memref_slice %arg13[%add3A_85, %dma_start3A_95] : memref<10000x128xf32, #tpu.memory_space<vmem_shared>> -> memref<112x128xf32, #tpu.memory_space<vmem_shared>>
        %dma_start3A_97 = arith.constant 0 : i32
        %dma_start3A_98 = arith.constant 0 : i32
        %dma_start3A_99 = tpu.memref_slice %arg12[%dma_start3A_97, %dma_start3A_98] : memref<256x128xf32, #tpu.memory_space<vmem>> -> memref<112x128xf32, #tpu.memory_space<vmem>>
        tpu.enqueue_dma source(%dma_start3A_99 : memref<112x128xf32, #tpu.memory_space<vmem>>) target(%dma_start3A_96 : memref<112x128xf32, #tpu.memory_space<vmem_shared>>) target_semaphore(%run_scoped3A : memref<!tpu.dma_semaphore, #tpu.memory_space<semaphore_mem>>)
        %dma_wait3A = arith.constant 0 : i32
        %dma_wait3A_100 = arith.constant 0 : i32
        %dma_wait3A_101 = tpu.memref_slice %arg12[%dma_wait3A, %dma_wait3A_100] : memref<256x128xf32, #tpu.memory_space<vmem>> -> memref<112x128xf32, #tpu.memory_space<vmem>>
        %dma_wait3A_102 = arith.constant 0 : i32
        %dma_wait3A_103 = tpu.memref_slice %arg13[%add3A_85, %dma_wait3A_102] : memref<10000x128xf32, #tpu.memory_space<vmem_shared>> -> memref<112x128xf32, #tpu.memory_space<vmem_shared>>
        %dma_wait3A_104 = arith.constant 0 : i32
        %dma_wait3A_105 = tpu.memref_slice %arg13[%add3A_85, %dma_wait3A_104] : memref<10000x128xf32, #tpu.memory_space<vmem_shared>> -> memref<112x128xf32, #tpu.memory_space<vmem_shared>>
        %dma_wait3A_106 = arith.constant 0 : i32
        %dma_wait3A_107 = arith.constant 0 : i32
        %dma_wait3A_108 = tpu.memref_slice %arg12[%dma_wait3A_106, %dma_wait3A_107] : memref<256x128xf32, #tpu.memory_space<vmem>> -> memref<112x128xf32, #tpu.memory_space<vmem>>
        tpu.wait_dma2 semaphore(%run_scoped3A : memref<!tpu.dma_semaphore, #tpu.memory_space<semaphore_mem>>) src(%dma_wait3A_108 : memref<112x128xf32, #tpu.memory_space<vmem>>) dst(%dma_wait3A_105 : memref<112x128xf32, #tpu.memory_space<vmem_shared>>)
        tpu.yield
      }) : () -> ()
      %lt3A_86 = arith.constant 2 : i32
      %lt3A_87 = arith.cmpi slt, %arg1, %lt3A_86 : i32
      %convert_element_type3A_88 = arith.extui %lt3A_87 : i1 to i32
      %cond3A_89 = arith.constant 0 : i32
      %cond3A_90 = arith.cmpi ne, %convert_element_type3A_88, %cond3A_89 : i32
      scf.if %cond3A_90 {
        %add3A_91 = arith.constant 624 : i32
        %add3A_92 = arith.addi %mul3A_6, %add3A_91 : i32
        "tpu.region"() ({
          %run_scoped3A = tpu.sem_alloc : memref<!tpu.dma_semaphore, #tpu.memory_space<semaphore_mem>>
          %dma_start3A = arith.constant 0 : i32
          %dma_start3A_93 = arith.constant 0 : i32
          %dma_start3A_94 = tpu.memref_slice %arg12[%dma_start3A, %dma_start3A_93] : memref<256x128xf32, #tpu.memory_space<vmem>> -> memref<8x128xf32, #tpu.memory_space<vmem>>
          %dma_start3A_95 = arith.constant 0 : i32
          %dma_start3A_96 = tpu.memref_slice %arg13[%add3A_92, %dma_start3A_95] : memref<10000x128xf32, #tpu.memory_space<vmem_shared>> -> memref<8x128xf32, #tpu.memory_space<vmem_shared>>
          %dma_start3A_97 = arith.constant 0 : i32
          %dma_start3A_98 = tpu.memref_slice %arg13[%add3A_92, %dma_start3A_97] : memref<10000x128xf32, #tpu.memory_space<vmem_shared>> -> memref<8x128xf32, #tpu.memory_space<vmem_shared>>
          %dma_start3A_99 = arith.constant 0 : i32
          %dma_start3A_100 = arith.constant 0 : i32
          %dma_start3A_101 = tpu.memref_slice %arg12[%dma_start3A_99, %dma_start3A_100] : memref<256x128xf32, #tpu.memory_space<vmem>> -> memref<8x128xf32, #tpu.memory_space<vmem>>
          tpu.enqueue_dma source(%dma_start3A_101 : memref<8x128xf32, #tpu.memory_space<vmem>>) target(%dma_start3A_98 : memref<8x128xf32, #tpu.memory_space<vmem_shared>>) target_semaphore(%run_scoped3A : memref<!tpu.dma_semaphore, #tpu.memory_space<semaphore_mem>>)
          %dma_wait3A = arith.constant 0 : i32
          %dma_wait3A_102 = arith.constant 0 : i32
          %dma_wait3A_103 = tpu.memref_slice %arg12[%dma_wait3A, %dma_wait3A_102] : memref<256x128xf32, #tpu.memory_space<vmem>> -> memref<8x128xf32, #tpu.memory_space<vmem>>
          %dma_wait3A_104 = arith.constant 0 : i32
          %dma_wait3A_105 = tpu.memref_slice %arg13[%add3A_92, %dma_wait3A_104] : memref<10000x128xf32, #tpu.memory_space<vmem_shared>> -> memref<8x128xf32, #tpu.memory_space<vmem_shared>>
          %dma_wait3A_106 = arith.constant 0 : i32
          %dma_wait3A_107 = tpu.memref_slice %arg13[%add3A_92, %dma_wait3A_106] : memref<10000x128xf32, #tpu.memory_space<vmem_shared>> -> memref<8x128xf32, #tpu.memory_space<vmem_shared>>
          %dma_wait3A_108 = arith.constant 0 : i32
          %dma_wait3A_109 = arith.constant 0 : i32
          %dma_wait3A_110 = tpu.memref_slice %arg12[%dma_wait3A_108, %dma_wait3A_109] : memref<256x128xf32, #tpu.memory_space<vmem>> -> memref<8x128xf32, #tpu.memory_space<vmem>>
          tpu.wait_dma2 semaphore(%run_scoped3A : memref<!tpu.dma_semaphore, #tpu.memory_space<semaphore_mem>>) src(%dma_wait3A_110 : memref<8x128xf32, #tpu.memory_space<vmem>>) dst(%dma_wait3A_107 : memref<8x128xf32, #tpu.memory_space<vmem_shared>>)
          tpu.yield
        }) : () -> ()
      } else {
      }
    } else {
    }
    %barrier3A = arith.constant 0 : index
    tpu.barrier barrier_id(%barrier3A)
    %while3A = arith.constant 0 : i32
    %while3A_26 = arith.constant 0 : i32
    %while3A_27 = arith.subi %select_n3A, %while3A : i32
    %while3A_28 = arith.addi %while3A, %while3A_27 : i32
    %while3A_29 = arith.constant 1 : i32
    %while3A_30 = arith.divsi %while3A_27, %while3A_29 : i32
    %while3A_31 = arith.muli %while3A_30, %while3A_29 : i32
    %while3A_32 = arith.addi %while3A, %while3A_31 : i32
    %while3A_33 = arith.constant 1 : i32
    %while3A_34 = scf.for %while3A_48 = %while3A to %while3A_32 step %while3A_33 iter_args(%while3A_49 = %while3A_26) -> (i32)  : i32 {
      %mul3A_50 = arith.constant 16 : i32
      %mul3A_51 = arith.muli %while3A_48, %mul3A_50 : i32
      %add3A_52 = arith.addi %arg1, %mul3A_51 : i32
      %mul3A_53 = arith.constant 8 : i32
      %mul3A_54 = arith.muli %add3A_52, %mul3A_53 : i32
      "tpu.region"() ({
        %run_scoped3A = tpu.sem_alloc : memref<!tpu.dma_semaphore, #tpu.memory_space<semaphore_mem>>
        %dma_start3A = arith.constant 0 : i32
        %dma_start3A_66 = tpu.memref_slice %arg2[%mul3A_54, %dma_start3A] : memref<5000x128xi32, #tpu.memory_space<hbm>> -> memref<8x128xi32, #tpu.memory_space<hbm>>
        %dma_start3A_67 = arith.constant 0 : i32
        %dma_start3A_68 = tpu.memref_slice %arg2[%mul3A_54, %dma_start3A_67] : memref<5000x128xi32, #tpu.memory_space<hbm>> -> memref<8x128xi32, #tpu.memory_space<hbm>>
        tpu.enqueue_dma source(%dma_start3A_68 : memref<8x128xi32, #tpu.memory_space<hbm>>) target(%arg10 : memref<8x128xi32, #tpu.memory_space<vmem>>) target_semaphore(%run_scoped3A : memref<!tpu.dma_semaphore, #tpu.memory_space<semaphore_mem>>)
        %dma_wait3A = arith.constant 0 : i32
        %dma_wait3A_69 = tpu.memref_slice %arg2[%mul3A_54, %dma_wait3A] : memref<5000x128xi32, #tpu.memory_space<hbm>> -> memref<8x128xi32, #tpu.memory_space<hbm>>
        %dma_wait3A_70 = arith.constant 0 : i32
        %dma_wait3A_71 = tpu.memref_slice %arg2[%mul3A_54, %dma_wait3A_70] : memref<5000x128xi32, #tpu.memory_space<hbm>> -> memref<8x128xi32, #tpu.memory_space<hbm>>
        tpu.wait_dma2 semaphore(%run_scoped3A : memref<!tpu.dma_semaphore, #tpu.memory_space<semaphore_mem>>) src(%dma_wait3A_71 : memref<8x128xi32, #tpu.memory_space<hbm>>) dst(%arg10 : memref<8x128xi32, #tpu.memory_space<vmem>>)
        tpu.yield
      }) : () -> ()
      %eq3A_55 = arith.constant 0 : i32
      %eq3A_56 = arith.cmpi eq, %arg0, %eq3A_55 : i32
      %convert_element_type3A_57 = arith.extui %eq3A_56 : i1 to i32
      %cond3A_58 = arith.constant 0 : i32
      %cond3A_59 = arith.cmpi ne, %convert_element_type3A_57, %cond3A_58 : i32
      scf.if %cond3A_59 {
        %mul3A_66 = arith.constant 1024 : i32
        %mul3A_67 = arith.muli %add3A_52, %mul3A_66 : i32
        %add3A_68 = arith.constant 0 : i32
        %add3A_69 = arith.addi %mul3A_67, %add3A_68 : i32
        "tpu.region"() ({
          %run_scoped3A_89 = tpu.sem_alloc : memref<!tpu.dma_semaphore, #tpu.memory_space<semaphore_mem>>
          %dma_start3A = arith.constant 0 : i32
          %dma_start3A_90 = tpu.memref_slice %arg4[%add3A_69, %dma_start3A] : memref<640000x128xf32, #tpu.memory_space<hbm>> -> memref<256x128xf32, #tpu.memory_space<hbm>>
          %dma_start3A_91 = arith.constant 0 : i32
          %dma_start3A_92 = tpu.memref_slice %arg4[%add3A_69, %dma_start3A_91] : memref<640000x128xf32, #tpu.memory_space<hbm>> -> memref<256x128xf32, #tpu.memory_space<hbm>>
          tpu.enqueue_dma source(%dma_start3A_92 : memref<256x128xf32, #tpu.memory_space<hbm>>) target(%arg12 : memref<256x128xf32, #tpu.memory_space<vmem>>) target_semaphore(%run_scoped3A_89 : memref<!tpu.dma_semaphore, #tpu.memory_space<semaphore_mem>>)
          %dma_wait3A = arith.constant 0 : i32
          %dma_wait3A_93 = tpu.memref_slice %arg4[%add3A_69, %dma_wait3A] : memref<640000x128xf32, #tpu.memory_space<hbm>> -> memref<256x128xf32, #tpu.memory_space<hbm>>
          %dma_wait3A_94 = arith.constant 0 : i32
          %dma_wait3A_95 = tpu.memref_slice %arg4[%add3A_69, %dma_wait3A_94] : memref<640000x128xf32, #tpu.memory_space<hbm>> -> memref<256x128xf32, #tpu.memory_space<hbm>>
          tpu.wait_dma2 semaphore(%run_scoped3A_89 : memref<!tpu.dma_semaphore, #tpu.memory_space<semaphore_mem>>) src(%dma_wait3A_95 : memref<256x128xf32, #tpu.memory_space<hbm>>) dst(%arg12 : memref<256x128xf32, #tpu.memory_space<vmem>>)
          tpu.yield
        }) : () -> ()
        %run_scoped3A = arith.constant 0 : i32
        "tpu.region"() ({
          %run_scoped3A_89 = tpu.sem_alloc : memref<!tpu.dma_semaphore, #tpu.memory_space<semaphore_mem>>
          %dma_start3A = arith.constant 0 : i32
          %dma_start3A_90 = arith.constant 0 : i32
          %dma_start3A_91 = tpu.memref_slice %arg12[%dma_start3A, %dma_start3A_90] : memref<256x128xf32, #tpu.memory_space<vmem>> -> memref<128x128xf32, #tpu.memory_space<vmem>>
          %dma_start3A_92 = arith.constant 0 : i32
          %dma_start3A_93 = tpu.memref_slice %arg10[%run_scoped3A, %dma_start3A_92] : memref<8x128xi32, #tpu.memory_space<vmem>> -> memref<1x128xi32, #tpu.memory_space<vmem>>
          %dma_start3A_94 = tpu.memref_squeeze %dma_start3A_93 : memref<1x128xi32, #tpu.memory_space<vmem>> -> memref<128xi32, #tpu.memory_space<vmem>>
          %dma_start3A_95 = arith.constant 0 : i32
          %dma_start3A_96 = arith.constant 0 : i32
          %dma_start3A_97 = tpu.memref_slice %arg13[%dma_start3A_95, %dma_start3A_96] : memref<10000x128xf32, #tpu.memory_space<vmem_shared>> -> memref<10000x128xf32, #tpu.memory_space<vmem_shared>>
          tpu.enqueue_indirect_dma source(%dma_start3A_91 : memref<128x128xf32, #tpu.memory_space<vmem>>) target(%dma_start3A_97 : memref<10000x128xf32, #tpu.memory_space<vmem_shared>>) offsets(%dma_start3A_94 : memref<128xi32, #tpu.memory_space<vmem>>) semaphore(%run_scoped3A_89 : memref<!tpu.dma_semaphore, #tpu.memory_space<semaphore_mem>>) {add = true}
          %dma_wait3A = arith.constant 0 : i32
          %dma_wait3A_98 = arith.constant 0 : i32
          %dma_wait3A_99 = tpu.memref_slice %arg12[%dma_wait3A, %dma_wait3A_98] : memref<256x128xf32, #tpu.memory_space<vmem>> -> memref<128x128xf32, #tpu.memory_space<vmem>>
          %dma_wait3A_100 = arith.constant 0 : i32
          %dma_wait3A_101 = tpu.memref_slice %arg10[%run_scoped3A, %dma_wait3A_100] : memref<8x128xi32, #tpu.memory_space<vmem>> -> memref<1x128xi32, #tpu.memory_space<vmem>>
          %dma_wait3A_102 = tpu.memref_squeeze %dma_wait3A_101 : memref<1x128xi32, #tpu.memory_space<vmem>> -> memref<128xi32, #tpu.memory_space<vmem>>
          %dma_wait3A_103 = arith.constant 0 : i32
          %dma_wait3A_104 = arith.constant 0 : i32
          %dma_wait3A_105 = tpu.memref_slice %arg13[%dma_wait3A_103, %dma_wait3A_104] : memref<10000x128xf32, #tpu.memory_space<vmem_shared>> -> memref<10000x128xf32, #tpu.memory_space<vmem_shared>>
          tpu.wait_indirect_dma semaphore(%run_scoped3A_89 : memref<!tpu.dma_semaphore, #tpu.memory_space<semaphore_mem>>) src(%dma_wait3A_99 : memref<128x128xf32, #tpu.memory_space<vmem>>) dst(%dma_wait3A_105 : memref<10000x128xf32, #tpu.memory_space<vmem_shared>>)
          tpu.yield
        }) : () -> ()
        %run_scoped3A_70 = arith.constant 1 : i32
        "tpu.region"() ({
          %run_scoped3A_89 = tpu.sem_alloc : memref<!tpu.dma_semaphore, #tpu.memory_space<semaphore_mem>>
          %dma_start3A = arith.constant 128 : i32
          %dma_start3A_90 = arith.constant 0 : i32
          %dma_start3A_91 = tpu.memref_slice %arg12[%dma_start3A, %dma_start3A_90] : memref<256x128xf32, #tpu.memory_space<vmem>> -> memref<128x128xf32, #tpu.memory_space<vmem>>
          %dma_start3A_92 = arith.constant 0 : i32
          %dma_start3A_93 = tpu.memref_slice %arg10[%run_scoped3A_70, %dma_start3A_92] : memref<8x128xi32, #tpu.memory_space<vmem>> -> memref<1x128xi32, #tpu.memory_space<vmem>>
          %dma_start3A_94 = tpu.memref_squeeze %dma_start3A_93 : memref<1x128xi32, #tpu.memory_space<vmem>> -> memref<128xi32, #tpu.memory_space<vmem>>
          %dma_start3A_95 = arith.constant 0 : i32
          %dma_start3A_96 = arith.constant 0 : i32
          %dma_start3A_97 = tpu.memref_slice %arg13[%dma_start3A_95, %dma_start3A_96] : memref<10000x128xf32, #tpu.memory_space<vmem_shared>> -> memref<10000x128xf32, #tpu.memory_space<vmem_shared>>
          tpu.enqueue_indirect_dma source(%dma_start3A_91 : memref<128x128xf32, #tpu.memory_space<vmem>>) target(%dma_start3A_97 : memref<10000x128xf32, #tpu.memory_space<vmem_shared>>) offsets(%dma_start3A_94 : memref<128xi32, #tpu.memory_space<vmem>>) semaphore(%run_scoped3A_89 : memref<!tpu.dma_semaphore, #tpu.memory_space<semaphore_mem>>) {add = true}
          %dma_wait3A = arith.constant 128 : i32
          %dma_wait3A_98 = arith.constant 0 : i32
          %dma_wait3A_99 = tpu.memref_slice %arg12[%dma_wait3A, %dma_wait3A_98] : memref<256x128xf32, #tpu.memory_space<vmem>> -> memref<128x128xf32, #tpu.memory_space<vmem>>
          %dma_wait3A_100 = arith.constant 0 : i32
          %dma_wait3A_101 = tpu.memref_slice %arg10[%run_scoped3A_70, %dma_wait3A_100] : memref<8x128xi32, #tpu.memory_space<vmem>> -> memref<1x128xi32, #tpu.memory_space<vmem>>
          %dma_wait3A_102 = tpu.memref_squeeze %dma_wait3A_101 : memref<1x128xi32, #tpu.memory_space<vmem>> -> memref<128xi32, #tpu.memory_space<vmem>>
          %dma_wait3A_103 = arith.constant 0 : i32
          %dma_wait3A_104 = arith.constant 0 : i32
          %dma_wait3A_105 = tpu.memref_slice %arg13[%dma_wait3A_103, %dma_wait3A_104] : memref<10000x128xf32, #tpu.memory_space<vmem_shared>> -> memref<10000x128xf32, #tpu.memory_space<vmem_shared>>
          tpu.wait_indirect_dma semaphore(%run_scoped3A_89 : memref<!tpu.dma_semaphore, #tpu.memory_space<semaphore_mem>>) src(%dma_wait3A_99 : memref<128x128xf32, #tpu.memory_space<vmem>>) dst(%dma_wait3A_105 : memref<10000x128xf32, #tpu.memory_space<vmem_shared>>)
          tpu.yield
        }) : () -> ()
        %mul3A_71 = arith.constant 1024 : i32
        %mul3A_72 = arith.muli %add3A_52, %mul3A_71 : i32
        %add3A_73 = arith.constant 256 : i32
        %add3A_74 = arith.addi %mul3A_72, %add3A_73 : i32
        "tpu.region"() ({
          %run_scoped3A_89 = tpu.sem_alloc : memref<!tpu.dma_semaphore, #tpu.memory_space<semaphore_mem>>
          %dma_start3A = arith.constant 0 : i32
          %dma_start3A_90 = tpu.memref_slice %arg4[%add3A_74, %dma_start3A] : memref<640000x128xf32, #tpu.memory_space<hbm>> -> memref<256x128xf32, #tpu.memory_space<hbm>>
          %dma_start3A_91 = arith.constant 0 : i32
          %dma_start3A_92 = tpu.memref_slice %arg4[%add3A_74, %dma_start3A_91] : memref<640000x128xf32, #tpu.memory_space<hbm>> -> memref<256x128xf32, #tpu.memory_space<hbm>>
          tpu.enqueue_dma source(%dma_start3A_92 : memref<256x128xf32, #tpu.memory_space<hbm>>) target(%arg12 : memref<256x128xf32, #tpu.memory_space<vmem>>) target_semaphore(%run_scoped3A_89 : memref<!tpu.dma_semaphore, #tpu.memory_space<semaphore_mem>>)
          %dma_wait3A = arith.constant 0 : i32
          %dma_wait3A_93 = tpu.memref_slice %arg4[%add3A_74, %dma_wait3A] : memref<640000x128xf32, #tpu.memory_space<hbm>> -> memref<256x128xf32, #tpu.memory_space<hbm>>
          %dma_wait3A_94 = arith.constant 0 : i32
          %dma_wait3A_95 = tpu.memref_slice %arg4[%add3A_74, %dma_wait3A_94] : memref<640000x128xf32, #tpu.memory_space<hbm>> -> memref<256x128xf32, #tpu.memory_space<hbm>>
          tpu.wait_dma2 semaphore(%run_scoped3A_89 : memref<!tpu.dma_semaphore, #tpu.memory_space<semaphore_mem>>) src(%dma_wait3A_95 : memref<256x128xf32, #tpu.memory_space<hbm>>) dst(%arg12 : memref<256x128xf32, #tpu.memory_space<vmem>>)
          tpu.yield
        }) : () -> ()
        %run_scoped3A_75 = arith.constant 2 : i32
        "tpu.region"() ({
          %run_scoped3A_89 = tpu.sem_alloc : memref<!tpu.dma_semaphore, #tpu.memory_space<semaphore_mem>>
          %dma_start3A = arith.constant 0 : i32
          %dma_start3A_90 = arith.constant 0 : i32
          %dma_start3A_91 = tpu.memref_slice %arg12[%dma_start3A, %dma_start3A_90] : memref<256x128xf32, #tpu.memory_space<vmem>> -> memref<128x128xf32, #tpu.memory_space<vmem>>
          %dma_start3A_92 = arith.constant 0 : i32
          %dma_start3A_93 = tpu.memref_slice %arg10[%run_scoped3A_75, %dma_start3A_92] : memref<8x128xi32, #tpu.memory_space<vmem>> -> memref<1x128xi32, #tpu.memory_space<vmem>>
          %dma_start3A_94 = tpu.memref_squeeze %dma_start3A_93 : memref<1x128xi32, #tpu.memory_space<vmem>> -> memref<128xi32, #tpu.memory_space<vmem>>
          %dma_start3A_95 = arith.constant 0 : i32
          %dma_start3A_96 = arith.constant 0 : i32
          %dma_start3A_97 = tpu.memref_slice %arg13[%dma_start3A_95, %dma_start3A_96] : memref<10000x128xf32, #tpu.memory_space<vmem_shared>> -> memref<10000x128xf32, #tpu.memory_space<vmem_shared>>
          tpu.enqueue_indirect_dma source(%dma_start3A_91 : memref<128x128xf32, #tpu.memory_space<vmem>>) target(%dma_start3A_97 : memref<10000x128xf32, #tpu.memory_space<vmem_shared>>) offsets(%dma_start3A_94 : memref<128xi32, #tpu.memory_space<vmem>>) semaphore(%run_scoped3A_89 : memref<!tpu.dma_semaphore, #tpu.memory_space<semaphore_mem>>) {add = true}
          %dma_wait3A = arith.constant 0 : i32
          %dma_wait3A_98 = arith.constant 0 : i32
          %dma_wait3A_99 = tpu.memref_slice %arg12[%dma_wait3A, %dma_wait3A_98] : memref<256x128xf32, #tpu.memory_space<vmem>> -> memref<128x128xf32, #tpu.memory_space<vmem>>
          %dma_wait3A_100 = arith.constant 0 : i32
          %dma_wait3A_101 = tpu.memref_slice %arg10[%run_scoped3A_75, %dma_wait3A_100] : memref<8x128xi32, #tpu.memory_space<vmem>> -> memref<1x128xi32, #tpu.memory_space<vmem>>
          %dma_wait3A_102 = tpu.memref_squeeze %dma_wait3A_101 : memref<1x128xi32, #tpu.memory_space<vmem>> -> memref<128xi32, #tpu.memory_space<vmem>>
          %dma_wait3A_103 = arith.constant 0 : i32
          %dma_wait3A_104 = arith.constant 0 : i32
          %dma_wait3A_105 = tpu.memref_slice %arg13[%dma_wait3A_103, %dma_wait3A_104] : memref<10000x128xf32, #tpu.memory_space<vmem_shared>> -> memref<10000x128xf32, #tpu.memory_space<vmem_shared>>
          tpu.wait_indirect_dma semaphore(%run_scoped3A_89 : memref<!tpu.dma_semaphore, #tpu.memory_space<semaphore_mem>>) src(%dma_wait3A_99 : memref<128x128xf32, #tpu.memory_space<vmem>>) dst(%dma_wait3A_105 : memref<10000x128xf32, #tpu.memory_space<vmem_shared>>)
          tpu.yield
        }) : () -> ()
        %run_scoped3A_76 = arith.constant 3 : i32
        "tpu.region"() ({
          %run_scoped3A_89 = tpu.sem_alloc : memref<!tpu.dma_semaphore, #tpu.memory_space<semaphore_mem>>
          %dma_start3A = arith.constant 128 : i32
          %dma_start3A_90 = arith.constant 0 : i32
          %dma_start3A_91 = tpu.memref_slice %arg12[%dma_start3A, %dma_start3A_90] : memref<256x128xf32, #tpu.memory_space<vmem>> -> memref<128x128xf32, #tpu.memory_space<vmem>>
          %dma_start3A_92 = arith.constant 0 : i32
          %dma_start3A_93 = tpu.memref_slice %arg10[%run_scoped3A_76, %dma_start3A_92] : memref<8x128xi32, #tpu.memory_space<vmem>> -> memref<1x128xi32, #tpu.memory_space<vmem>>
          %dma_start3A_94 = tpu.memref_squeeze %dma_start3A_93 : memref<1x128xi32, #tpu.memory_space<vmem>> -> memref<128xi32, #tpu.memory_space<vmem>>
          %dma_start3A_95 = arith.constant 0 : i32
          %dma_start3A_96 = arith.constant 0 : i32
          %dma_start3A_97 = tpu.memref_slice %arg13[%dma_start3A_95, %dma_start3A_96] : memref<10000x128xf32, #tpu.memory_space<vmem_shared>> -> memref<10000x128xf32, #tpu.memory_space<vmem_shared>>
          tpu.enqueue_indirect_dma source(%dma_start3A_91 : memref<128x128xf32, #tpu.memory_space<vmem>>) target(%dma_start3A_97 : memref<10000x128xf32, #tpu.memory_space<vmem_shared>>) offsets(%dma_start3A_94 : memref<128xi32, #tpu.memory_space<vmem>>) semaphore(%run_scoped3A_89 : memref<!tpu.dma_semaphore, #tpu.memory_space<semaphore_mem>>) {add = true}
          %dma_wait3A = arith.constant 128 : i32
          %dma_wait3A_98 = arith.constant 0 : i32
          %dma_wait3A_99 = tpu.memref_slice %arg12[%dma_wait3A, %dma_wait3A_98] : memref<256x128xf32, #tpu.memory_space<vmem>> -> memref<128x128xf32, #tpu.memory_space<vmem>>
          %dma_wait3A_100 = arith.constant 0 : i32
          %dma_wait3A_101 = tpu.memref_slice %arg10[%run_scoped3A_76, %dma_wait3A_100] : memref<8x128xi32, #tpu.memory_space<vmem>> -> memref<1x128xi32, #tpu.memory_space<vmem>>
          %dma_wait3A_102 = tpu.memref_squeeze %dma_wait3A_101 : memref<1x128xi32, #tpu.memory_space<vmem>> -> memref<128xi32, #tpu.memory_space<vmem>>
          %dma_wait3A_103 = arith.constant 0 : i32
          %dma_wait3A_104 = arith.constant 0 : i32
          %dma_wait3A_105 = tpu.memref_slice %arg13[%dma_wait3A_103, %dma_wait3A_104] : memref<10000x128xf32, #tpu.memory_space<vmem_shared>> -> memref<10000x128xf32, #tpu.memory_space<vmem_shared>>
          tpu.wait_indirect_dma semaphore(%run_scoped3A_89 : memref<!tpu.dma_semaphore, #tpu.memory_space<semaphore_mem>>) src(%dma_wait3A_99 : memref<128x128xf32, #tpu.memory_space<vmem>>) dst(%dma_wait3A_105 : memref<10000x128xf32, #tpu.memory_space<vmem_shared>>)
          tpu.yield
        }) : () -> ()
        %mul3A_77 = arith.constant 1024 : i32
        %mul3A_78 = arith.muli %add3A_52, %mul3A_77 : i32
        %add3A_79 = arith.constant 512 : i32
        %add3A_80 = arith.addi %mul3A_78, %add3A_79 : i32
        "tpu.region"() ({
          %run_scoped3A_89 = tpu.sem_alloc : memref<!tpu.dma_semaphore, #tpu.memory_space<semaphore_mem>>
          %dma_start3A = arith.constant 0 : i32
          %dma_start3A_90 = tpu.memref_slice %arg4[%add3A_80, %dma_start3A] : memref<640000x128xf32, #tpu.memory_space<hbm>> -> memref<256x128xf32, #tpu.memory_space<hbm>>
          %dma_start3A_91 = arith.constant 0 : i32
          %dma_start3A_92 = tpu.memref_slice %arg4[%add3A_80, %dma_start3A_91] : memref<640000x128xf32, #tpu.memory_space<hbm>> -> memref<256x128xf32, #tpu.memory_space<hbm>>
          tpu.enqueue_dma source(%dma_start3A_92 : memref<256x128xf32, #tpu.memory_space<hbm>>) target(%arg12 : memref<256x128xf32, #tpu.memory_space<vmem>>) target_semaphore(%run_scoped3A_89 : memref<!tpu.dma_semaphore, #tpu.memory_space<semaphore_mem>>)
          %dma_wait3A = arith.constant 0 : i32
          %dma_wait3A_93 = tpu.memref_slice %arg4[%add3A_80, %dma_wait3A] : memref<640000x128xf32, #tpu.memory_space<hbm>> -> memref<256x128xf32, #tpu.memory_space<hbm>>
          %dma_wait3A_94 = arith.constant 0 : i32
          %dma_wait3A_95 = tpu.memref_slice %arg4[%add3A_80, %dma_wait3A_94] : memref<640000x128xf32, #tpu.memory_space<hbm>> -> memref<256x128xf32, #tpu.memory_space<hbm>>
          tpu.wait_dma2 semaphore(%run_scoped3A_89 : memref<!tpu.dma_semaphore, #tpu.memory_space<semaphore_mem>>) src(%dma_wait3A_95 : memref<256x128xf32, #tpu.memory_space<hbm>>) dst(%arg12 : memref<256x128xf32, #tpu.memory_space<vmem>>)
          tpu.yield
        }) : () -> ()
        %run_scoped3A_81 = arith.constant 4 : i32
        "tpu.region"() ({
          %run_scoped3A_89 = tpu.sem_alloc : memref<!tpu.dma_semaphore, #tpu.memory_space<semaphore_mem>>
          %dma_start3A = arith.constant 0 : i32
          %dma_start3A_90 = arith.constant 0 : i32
          %dma_start3A_91 = tpu.memref_slice %arg12[%dma_start3A, %dma_start3A_90] : memref<256x128xf32, #tpu.memory_space<vmem>> -> memref<128x128xf32, #tpu.memory_space<vmem>>
          %dma_start3A_92 = arith.constant 0 : i32
          %dma_start3A_93 = tpu.memref_slice %arg10[%run_scoped3A_81, %dma_start3A_92] : memref<8x128xi32, #tpu.memory_space<vmem>> -> memref<1x128xi32, #tpu.memory_space<vmem>>
          %dma_start3A_94 = tpu.memref_squeeze %dma_start3A_93 : memref<1x128xi32, #tpu.memory_space<vmem>> -> memref<128xi32, #tpu.memory_space<vmem>>
          %dma_start3A_95 = arith.constant 0 : i32
          %dma_start3A_96 = arith.constant 0 : i32
          %dma_start3A_97 = tpu.memref_slice %arg13[%dma_start3A_95, %dma_start3A_96] : memref<10000x128xf32, #tpu.memory_space<vmem_shared>> -> memref<10000x128xf32, #tpu.memory_space<vmem_shared>>
          tpu.enqueue_indirect_dma source(%dma_start3A_91 : memref<128x128xf32, #tpu.memory_space<vmem>>) target(%dma_start3A_97 : memref<10000x128xf32, #tpu.memory_space<vmem_shared>>) offsets(%dma_start3A_94 : memref<128xi32, #tpu.memory_space<vmem>>) semaphore(%run_scoped3A_89 : memref<!tpu.dma_semaphore, #tpu.memory_space<semaphore_mem>>) {add = true}
          %dma_wait3A = arith.constant 0 : i32
          %dma_wait3A_98 = arith.constant 0 : i32
          %dma_wait3A_99 = tpu.memref_slice %arg12[%dma_wait3A, %dma_wait3A_98] : memref<256x128xf32, #tpu.memory_space<vmem>> -> memref<128x128xf32, #tpu.memory_space<vmem>>
          %dma_wait3A_100 = arith.constant 0 : i32
          %dma_wait3A_101 = tpu.memref_slice %arg10[%run_scoped3A_81, %dma_wait3A_100] : memref<8x128xi32, #tpu.memory_space<vmem>> -> memref<1x128xi32, #tpu.memory_space<vmem>>
          %dma_wait3A_102 = tpu.memref_squeeze %dma_wait3A_101 : memref<1x128xi32, #tpu.memory_space<vmem>> -> memref<128xi32, #tpu.memory_space<vmem>>
          %dma_wait3A_103 = arith.constant 0 : i32
          %dma_wait3A_104 = arith.constant 0 : i32
          %dma_wait3A_105 = tpu.memref_slice %arg13[%dma_wait3A_103, %dma_wait3A_104] : memref<10000x128xf32, #tpu.memory_space<vmem_shared>> -> memref<10000x128xf32, #tpu.memory_space<vmem_shared>>
          tpu.wait_indirect_dma semaphore(%run_scoped3A_89 : memref<!tpu.dma_semaphore, #tpu.memory_space<semaphore_mem>>) src(%dma_wait3A_99 : memref<128x128xf32, #tpu.memory_space<vmem>>) dst(%dma_wait3A_105 : memref<10000x128xf32, #tpu.memory_space<vmem_shared>>)
          tpu.yield
        }) : () -> ()
        %run_scoped3A_82 = arith.constant 5 : i32
        "tpu.region"() ({
          %run_scoped3A_89 = tpu.sem_alloc : memref<!tpu.dma_semaphore, #tpu.memory_space<semaphore_mem>>
          %dma_start3A = arith.constant 128 : i32
          %dma_start3A_90 = arith.constant 0 : i32
          %dma_start3A_91 = tpu.memref_slice %arg12[%dma_start3A, %dma_start3A_90] : memref<256x128xf32, #tpu.memory_space<vmem>> -> memref<128x128xf32, #tpu.memory_space<vmem>>
          %dma_start3A_92 = arith.constant 0 : i32
          %dma_start3A_93 = tpu.memref_slice %arg10[%run_scoped3A_82, %dma_start3A_92] : memref<8x128xi32, #tpu.memory_space<vmem>> -> memref<1x128xi32, #tpu.memory_space<vmem>>
          %dma_start3A_94 = tpu.memref_squeeze %dma_start3A_93 : memref<1x128xi32, #tpu.memory_space<vmem>> -> memref<128xi32, #tpu.memory_space<vmem>>
          %dma_start3A_95 = arith.constant 0 : i32
          %dma_start3A_96 = arith.constant 0 : i32
          %dma_start3A_97 = tpu.memref_slice %arg13[%dma_start3A_95, %dma_start3A_96] : memref<10000x128xf32, #tpu.memory_space<vmem_shared>> -> memref<10000x128xf32, #tpu.memory_space<vmem_shared>>
          tpu.enqueue_indirect_dma source(%dma_start3A_91 : memref<128x128xf32, #tpu.memory_space<vmem>>) target(%dma_start3A_97 : memref<10000x128xf32, #tpu.memory_space<vmem_shared>>) offsets(%dma_start3A_94 : memref<128xi32, #tpu.memory_space<vmem>>) semaphore(%run_scoped3A_89 : memref<!tpu.dma_semaphore, #tpu.memory_space<semaphore_mem>>) {add = true}
          %dma_wait3A = arith.constant 128 : i32
          %dma_wait3A_98 = arith.constant 0 : i32
          %dma_wait3A_99 = tpu.memref_slice %arg12[%dma_wait3A, %dma_wait3A_98] : memref<256x128xf32, #tpu.memory_space<vmem>> -> memref<128x128xf32, #tpu.memory_space<vmem>>
          %dma_wait3A_100 = arith.constant 0 : i32
          %dma_wait3A_101 = tpu.memref_slice %arg10[%run_scoped3A_82, %dma_wait3A_100] : memref<8x128xi32, #tpu.memory_space<vmem>> -> memref<1x128xi32, #tpu.memory_space<vmem>>
          %dma_wait3A_102 = tpu.memref_squeeze %dma_wait3A_101 : memref<1x128xi32, #tpu.memory_space<vmem>> -> memref<128xi32, #tpu.memory_space<vmem>>
          %dma_wait3A_103 = arith.constant 0 : i32
          %dma_wait3A_104 = arith.constant 0 : i32
          %dma_wait3A_105 = tpu.memref_slice %arg13[%dma_wait3A_103, %dma_wait3A_104] : memref<10000x128xf32, #tpu.memory_space<vmem_shared>> -> memref<10000x128xf32, #tpu.memory_space<vmem_shared>>
          tpu.wait_indirect_dma semaphore(%run_scoped3A_89 : memref<!tpu.dma_semaphore, #tpu.memory_space<semaphore_mem>>) src(%dma_wait3A_99 : memref<128x128xf32, #tpu.memory_space<vmem>>) dst(%dma_wait3A_105 : memref<10000x128xf32, #tpu.memory_space<vmem_shared>>)
          tpu.yield
        }) : () -> ()
        %mul3A_83 = arith.constant 1024 : i32
        %mul3A_84 = arith.muli %add3A_52, %mul3A_83 : i32
        %add3A_85 = arith.constant 768 : i32
        %add3A_86 = arith.addi %mul3A_84, %add3A_85 : i32
        "tpu.region"() ({
          %run_scoped3A_89 = tpu.sem_alloc : memref<!tpu.dma_semaphore, #tpu.memory_space<semaphore_mem>>
          %dma_start3A = arith.constant 0 : i32
          %dma_start3A_90 = tpu.memref_slice %arg4[%add3A_86, %dma_start3A] : memref<640000x128xf32, #tpu.memory_space<hbm>> -> memref<256x128xf32, #tpu.memory_space<hbm>>
          %dma_start3A_91 = arith.constant 0 : i32
          %dma_start3A_92 = tpu.memref_slice %arg4[%add3A_86, %dma_start3A_91] : memref<640000x128xf32, #tpu.memory_space<hbm>> -> memref<256x128xf32, #tpu.memory_space<hbm>>
          tpu.enqueue_dma source(%dma_start3A_92 : memref<256x128xf32, #tpu.memory_space<hbm>>) target(%arg12 : memref<256x128xf32, #tpu.memory_space<vmem>>) target_semaphore(%run_scoped3A_89 : memref<!tpu.dma_semaphore, #tpu.memory_space<semaphore_mem>>)
          %dma_wait3A = arith.constant 0 : i32
          %dma_wait3A_93 = tpu.memref_slice %arg4[%add3A_86, %dma_wait3A] : memref<640000x128xf32, #tpu.memory_space<hbm>> -> memref<256x128xf32, #tpu.memory_space<hbm>>
          %dma_wait3A_94 = arith.constant 0 : i32
          %dma_wait3A_95 = tpu.memref_slice %arg4[%add3A_86, %dma_wait3A_94] : memref<640000x128xf32, #tpu.memory_space<hbm>> -> memref<256x128xf32, #tpu.memory_space<hbm>>
          tpu.wait_dma2 semaphore(%run_scoped3A_89 : memref<!tpu.dma_semaphore, #tpu.memory_space<semaphore_mem>>) src(%dma_wait3A_95 : memref<256x128xf32, #tpu.memory_space<hbm>>) dst(%arg12 : memref<256x128xf32, #tpu.memory_space<vmem>>)
          tpu.yield
        }) : () -> ()
        %run_scoped3A_87 = arith.constant 6 : i32
        "tpu.region"() ({
          %run_scoped3A_89 = tpu.sem_alloc : memref<!tpu.dma_semaphore, #tpu.memory_space<semaphore_mem>>
          %dma_start3A = arith.constant 0 : i32
          %dma_start3A_90 = arith.constant 0 : i32
          %dma_start3A_91 = tpu.memref_slice %arg12[%dma_start3A, %dma_start3A_90] : memref<256x128xf32, #tpu.memory_space<vmem>> -> memref<128x128xf32, #tpu.memory_space<vmem>>
          %dma_start3A_92 = arith.constant 0 : i32
          %dma_start3A_93 = tpu.memref_slice %arg10[%run_scoped3A_87, %dma_start3A_92] : memref<8x128xi32, #tpu.memory_space<vmem>> -> memref<1x128xi32, #tpu.memory_space<vmem>>
          %dma_start3A_94 = tpu.memref_squeeze %dma_start3A_93 : memref<1x128xi32, #tpu.memory_space<vmem>> -> memref<128xi32, #tpu.memory_space<vmem>>
          %dma_start3A_95 = arith.constant 0 : i32
          %dma_start3A_96 = arith.constant 0 : i32
          %dma_start3A_97 = tpu.memref_slice %arg13[%dma_start3A_95, %dma_start3A_96] : memref<10000x128xf32, #tpu.memory_space<vmem_shared>> -> memref<10000x128xf32, #tpu.memory_space<vmem_shared>>
          tpu.enqueue_indirect_dma source(%dma_start3A_91 : memref<128x128xf32, #tpu.memory_space<vmem>>) target(%dma_start3A_97 : memref<10000x128xf32, #tpu.memory_space<vmem_shared>>) offsets(%dma_start3A_94 : memref<128xi32, #tpu.memory_space<vmem>>) semaphore(%run_scoped3A_89 : memref<!tpu.dma_semaphore, #tpu.memory_space<semaphore_mem>>) {add = true}
          %dma_wait3A = arith.constant 0 : i32
          %dma_wait3A_98 = arith.constant 0 : i32
          %dma_wait3A_99 = tpu.memref_slice %arg12[%dma_wait3A, %dma_wait3A_98] : memref<256x128xf32, #tpu.memory_space<vmem>> -> memref<128x128xf32, #tpu.memory_space<vmem>>
          %dma_wait3A_100 = arith.constant 0 : i32
          %dma_wait3A_101 = tpu.memref_slice %arg10[%run_scoped3A_87, %dma_wait3A_100] : memref<8x128xi32, #tpu.memory_space<vmem>> -> memref<1x128xi32, #tpu.memory_space<vmem>>
          %dma_wait3A_102 = tpu.memref_squeeze %dma_wait3A_101 : memref<1x128xi32, #tpu.memory_space<vmem>> -> memref<128xi32, #tpu.memory_space<vmem>>
          %dma_wait3A_103 = arith.constant 0 : i32
          %dma_wait3A_104 = arith.constant 0 : i32
          %dma_wait3A_105 = tpu.memref_slice %arg13[%dma_wait3A_103, %dma_wait3A_104] : memref<10000x128xf32, #tpu.memory_space<vmem_shared>> -> memref<10000x128xf32, #tpu.memory_space<vmem_shared>>
          tpu.wait_indirect_dma semaphore(%run_scoped3A_89 : memref<!tpu.dma_semaphore, #tpu.memory_space<semaphore_mem>>) src(%dma_wait3A_99 : memref<128x128xf32, #tpu.memory_space<vmem>>) dst(%dma_wait3A_105 : memref<10000x128xf32, #tpu.memory_space<vmem_shared>>)
          tpu.yield
        }) : () -> ()
        %run_scoped3A_88 = arith.constant 7 : i32
        "tpu.region"() ({
          %run_scoped3A_89 = tpu.sem_alloc : memref<!tpu.dma_semaphore, #tpu.memory_space<semaphore_mem>>
          %dma_start3A = arith.constant 128 : i32
          %dma_start3A_90 = arith.constant 0 : i32
          %dma_start3A_91 = tpu.memref_slice %arg12[%dma_start3A, %dma_start3A_90] : memref<256x128xf32, #tpu.memory_space<vmem>> -> memref<128x128xf32, #tpu.memory_space<vmem>>
          %dma_start3A_92 = arith.constant 0 : i32
          %dma_start3A_93 = tpu.memref_slice %arg10[%run_scoped3A_88, %dma_start3A_92] : memref<8x128xi32, #tpu.memory_space<vmem>> -> memref<1x128xi32, #tpu.memory_space<vmem>>
          %dma_start3A_94 = tpu.memref_squeeze %dma_start3A_93 : memref<1x128xi32, #tpu.memory_space<vmem>> -> memref<128xi32, #tpu.memory_space<vmem>>
          %dma_start3A_95 = arith.constant 0 : i32
          %dma_start3A_96 = arith.constant 0 : i32
          %dma_start3A_97 = tpu.memref_slice %arg13[%dma_start3A_95, %dma_start3A_96] : memref<10000x128xf32, #tpu.memory_space<vmem_shared>> -> memref<10000x128xf32, #tpu.memory_space<vmem_shared>>
          tpu.enqueue_indirect_dma source(%dma_start3A_91 : memref<128x128xf32, #tpu.memory_space<vmem>>) target(%dma_start3A_97 : memref<10000x128xf32, #tpu.memory_space<vmem_shared>>) offsets(%dma_start3A_94 : memref<128xi32, #tpu.memory_space<vmem>>) semaphore(%run_scoped3A_89 : memref<!tpu.dma_semaphore, #tpu.memory_space<semaphore_mem>>) {add = true}
          %dma_wait3A = arith.constant 128 : i32
          %dma_wait3A_98 = arith.constant 0 : i32
          %dma_wait3A_99 = tpu.memref_slice %arg12[%dma_wait3A, %dma_wait3A_98] : memref<256x128xf32, #tpu.memory_space<vmem>> -> memref<128x128xf32, #tpu.memory_space<vmem>>
          %dma_wait3A_100 = arith.constant 0 : i32
          %dma_wait3A_101 = tpu.memref_slice %arg10[%run_scoped3A_88, %dma_wait3A_100] : memref<8x128xi32, #tpu.memory_space<vmem>> -> memref<1x128xi32, #tpu.memory_space<vmem>>
          %dma_wait3A_102 = tpu.memref_squeeze %dma_wait3A_101 : memref<1x128xi32, #tpu.memory_space<vmem>> -> memref<128xi32, #tpu.memory_space<vmem>>
          %dma_wait3A_103 = arith.constant 0 : i32
          %dma_wait3A_104 = arith.constant 0 : i32
          %dma_wait3A_105 = tpu.memref_slice %arg13[%dma_wait3A_103, %dma_wait3A_104] : memref<10000x128xf32, #tpu.memory_space<vmem_shared>> -> memref<10000x128xf32, #tpu.memory_space<vmem_shared>>
          tpu.wait_indirect_dma semaphore(%run_scoped3A_89 : memref<!tpu.dma_semaphore, #tpu.memory_space<semaphore_mem>>) src(%dma_wait3A_99 : memref<128x128xf32, #tpu.memory_space<vmem>>) dst(%dma_wait3A_105 : memref<10000x128xf32, #tpu.memory_space<vmem_shared>>)
          tpu.yield
        }) : () -> ()
      } else {
      }
      %eq3A_60 = arith.constant 1 : i32
      %eq3A_61 = arith.cmpi eq, %arg0, %eq3A_60 : i32
      %convert_element_type3A_62 = arith.extui %eq3A_61 : i1 to i32
      %cond3A_63 = arith.constant 0 : i32
      %cond3A_64 = arith.cmpi ne, %convert_element_type3A_62, %cond3A_63 : i32
      scf.if %cond3A_64 {
        "tpu.region"() ({
          %run_scoped3A_247 = tpu.sem_alloc : memref<!tpu.dma_semaphore, #tpu.memory_space<semaphore_mem>>
          %dma_start3A_248 = arith.constant 0 : i32
          %dma_start3A_249 = tpu.memref_slice %arg3[%mul3A_54, %dma_start3A_248] : memref<5000x128xi32, #tpu.memory_space<hbm>> -> memref<8x128xi32, #tpu.memory_space<hbm>>
          %dma_start3A_250 = arith.constant 0 : i32
          %dma_start3A_251 = tpu.memref_slice %arg3[%mul3A_54, %dma_start3A_250] : memref<5000x128xi32, #tpu.memory_space<hbm>> -> memref<8x128xi32, #tpu.memory_space<hbm>>
          tpu.enqueue_dma source(%dma_start3A_251 : memref<8x128xi32, #tpu.memory_space<hbm>>) target(%arg11 : memref<8x128xi32, #tpu.memory_space<vmem>>) target_semaphore(%run_scoped3A_247 : memref<!tpu.dma_semaphore, #tpu.memory_space<semaphore_mem>>)
          %dma_wait3A_252 = arith.constant 0 : i32
          %dma_wait3A_253 = tpu.memref_slice %arg3[%mul3A_54, %dma_wait3A_252] : memref<5000x128xi32, #tpu.memory_space<hbm>> -> memref<8x128xi32, #tpu.memory_space<hbm>>
          %dma_wait3A_254 = arith.constant 0 : i32
          %dma_wait3A_255 = tpu.memref_slice %arg3[%mul3A_54, %dma_wait3A_254] : memref<5000x128xi32, #tpu.memory_space<hbm>> -> memref<8x128xi32, #tpu.memory_space<hbm>>
          tpu.wait_dma2 semaphore(%run_scoped3A_247 : memref<!tpu.dma_semaphore, #tpu.memory_space<semaphore_mem>>) src(%dma_wait3A_255 : memref<8x128xi32, #tpu.memory_space<hbm>>) dst(%arg11 : memref<8x128xi32, #tpu.memory_space<vmem>>)
          tpu.yield
        }) : () -> ()
        %mul3A_66 = arith.constant 1024 : i32
        %mul3A_67 = arith.muli %add3A_52, %mul3A_66 : i32
        %add3A_68 = arith.constant 0 : i32
        %add3A_69 = arith.addi %mul3A_67, %add3A_68 : i32
        %dma_start3A = arith.constant 0 : i32
        %dma_start3A_70 = arith.constant 0 : i32
        %dma_start3A_71 = arith.constant 0 : i32
        %dma_start3A_72 = tpu.memref_slice %arg12[%dma_start3A_70, %dma_start3A_71] : memref<256x128xf32, #tpu.memory_space<vmem>> -> memref<128x128xf32, #tpu.memory_space<vmem>>
        %dma_start3A_73 = arith.constant 0 : i32
        %dma_start3A_74 = tpu.memref_slice %arg11[%dma_start3A, %dma_start3A_73] : memref<8x128xi32, #tpu.memory_space<vmem>> -> memref<1x128xi32, #tpu.memory_space<vmem>>
        %dma_start3A_75 = tpu.memref_squeeze %dma_start3A_74 : memref<1x128xi32, #tpu.memory_space<vmem>> -> memref<128xi32, #tpu.memory_space<vmem>>
        %dma_start3A_76 = arith.constant 0 : i32
        %dma_start3A_77 = arith.constant 0 : i32
        %dma_start3A_78 = tpu.memref_slice %arg5[%dma_start3A_76, %dma_start3A_77] : memref<10000x128xf32, #tpu.memory_space<hbm>> -> memref<10000x128xf32, #tpu.memory_space<hbm>>
        tpu.enqueue_indirect_dma source(%dma_start3A_78 : memref<10000x128xf32, #tpu.memory_space<hbm>>) target(%dma_start3A_72 : memref<128x128xf32, #tpu.memory_space<vmem>>) offsets(%dma_start3A_75 : memref<128xi32, #tpu.memory_space<vmem>>) semaphore(%arg14 : memref<!tpu.dma_semaphore, #tpu.memory_space<semaphore_mem>>)
        %dma_start3A_79 = arith.constant 1 : i32
        %dma_start3A_80 = arith.constant 128 : i32
        %dma_start3A_81 = arith.constant 0 : i32
        %dma_start3A_82 = tpu.memref_slice %arg12[%dma_start3A_80, %dma_start3A_81] : memref<256x128xf32, #tpu.memory_space<vmem>> -> memref<128x128xf32, #tpu.memory_space<vmem>>
        %dma_start3A_83 = arith.constant 0 : i32
        %dma_start3A_84 = tpu.memref_slice %arg11[%dma_start3A_79, %dma_start3A_83] : memref<8x128xi32, #tpu.memory_space<vmem>> -> memref<1x128xi32, #tpu.memory_space<vmem>>
        %dma_start3A_85 = tpu.memref_squeeze %dma_start3A_84 : memref<1x128xi32, #tpu.memory_space<vmem>> -> memref<128xi32, #tpu.memory_space<vmem>>
        %dma_start3A_86 = arith.constant 0 : i32
        %dma_start3A_87 = arith.constant 0 : i32
        %dma_start3A_88 = tpu.memref_slice %arg5[%dma_start3A_86, %dma_start3A_87] : memref<10000x128xf32, #tpu.memory_space<hbm>> -> memref<10000x128xf32, #tpu.memory_space<hbm>>
        tpu.enqueue_indirect_dma source(%dma_start3A_88 : memref<10000x128xf32, #tpu.memory_space<hbm>>) target(%dma_start3A_82 : memref<128x128xf32, #tpu.memory_space<vmem>>) offsets(%dma_start3A_85 : memref<128xi32, #tpu.memory_space<vmem>>) semaphore(%arg14 : memref<!tpu.dma_semaphore, #tpu.memory_space<semaphore_mem>>)
        %dma_wait3A = arith.constant 0 : i32
        %dma_wait3A_89 = arith.constant 0 : i32
        %dma_wait3A_90 = arith.constant 0 : i32
        %dma_wait3A_91 = tpu.memref_slice %arg12[%dma_wait3A_89, %dma_wait3A_90] : memref<256x128xf32, #tpu.memory_space<vmem>> -> memref<128x128xf32, #tpu.memory_space<vmem>>
        %dma_wait3A_92 = arith.constant 0 : i32
        %dma_wait3A_93 = tpu.memref_slice %arg11[%dma_wait3A, %dma_wait3A_92] : memref<8x128xi32, #tpu.memory_space<vmem>> -> memref<1x128xi32, #tpu.memory_space<vmem>>
        %dma_wait3A_94 = tpu.memref_squeeze %dma_wait3A_93 : memref<1x128xi32, #tpu.memory_space<vmem>> -> memref<128xi32, #tpu.memory_space<vmem>>
        %dma_wait3A_95 = arith.constant 0 : i32
        %dma_wait3A_96 = arith.constant 0 : i32
        %dma_wait3A_97 = tpu.memref_slice %arg5[%dma_wait3A_95, %dma_wait3A_96] : memref<10000x128xf32, #tpu.memory_space<hbm>> -> memref<10000x128xf32, #tpu.memory_space<hbm>>
        tpu.wait_indirect_dma semaphore(%arg14 : memref<!tpu.dma_semaphore, #tpu.memory_space<semaphore_mem>>) src(%dma_wait3A_97 : memref<10000x128xf32, #tpu.memory_space<hbm>>) dst(%dma_wait3A_91 : memref<128x128xf32, #tpu.memory_space<vmem>>)
        %dma_wait3A_98 = arith.constant 1 : i32
        %dma_wait3A_99 = arith.constant 128 : i32
        %dma_wait3A_100 = arith.constant 0 : i32
        %dma_wait3A_101 = tpu.memref_slice %arg12[%dma_wait3A_99, %dma_wait3A_100] : memref<256x128xf32, #tpu.memory_space<vmem>> -> memref<128x128xf32, #tpu.memory_space<vmem>>
        %dma_wait3A_102 = arith.constant 0 : i32
        %dma_wait3A_103 = tpu.memref_slice %arg11[%dma_wait3A_98, %dma_wait3A_102] : memref<8x128xi32, #tpu.memory_space<vmem>> -> memref<1x128xi32, #tpu.memory_space<vmem>>
        %dma_wait3A_104 = tpu.memref_squeeze %dma_wait3A_103 : memref<1x128xi32, #tpu.memory_space<vmem>> -> memref<128xi32, #tpu.memory_space<vmem>>
        %dma_wait3A_105 = arith.constant 0 : i32
        %dma_wait3A_106 = arith.constant 0 : i32
        %dma_wait3A_107 = tpu.memref_slice %arg5[%dma_wait3A_105, %dma_wait3A_106] : memref<10000x128xf32, #tpu.memory_space<hbm>> -> memref<10000x128xf32, #tpu.memory_space<hbm>>
        tpu.wait_indirect_dma semaphore(%arg14 : memref<!tpu.dma_semaphore, #tpu.memory_space<semaphore_mem>>) src(%dma_wait3A_107 : memref<10000x128xf32, #tpu.memory_space<hbm>>) dst(%dma_wait3A_101 : memref<128x128xf32, #tpu.memory_space<vmem>>)
        "tpu.region"() ({
          %run_scoped3A_247 = tpu.sem_alloc : memref<!tpu.dma_semaphore, #tpu.memory_space<semaphore_mem>>
          %dma_start3A_248 = arith.constant 0 : i32
          %dma_start3A_249 = tpu.memref_slice %arg6[%add3A_69, %dma_start3A_248] : memref<640000x128xf32, #tpu.memory_space<hbm>> -> memref<256x128xf32, #tpu.memory_space<hbm>>
          %dma_start3A_250 = arith.constant 0 : i32
          %dma_start3A_251 = tpu.memref_slice %arg6[%add3A_69, %dma_start3A_250] : memref<640000x128xf32, #tpu.memory_space<hbm>> -> memref<256x128xf32, #tpu.memory_space<hbm>>
          tpu.enqueue_dma source(%arg12 : memref<256x128xf32, #tpu.memory_space<vmem>>) target(%dma_start3A_251 : memref<256x128xf32, #tpu.memory_space<hbm>>) target_semaphore(%run_scoped3A_247 : memref<!tpu.dma_semaphore, #tpu.memory_space<semaphore_mem>>)
          %dma_wait3A_252 = arith.constant 0 : i32
          %dma_wait3A_253 = tpu.memref_slice %arg6[%add3A_69, %dma_wait3A_252] : memref<640000x128xf32, #tpu.memory_space<hbm>> -> memref<256x128xf32, #tpu.memory_space<hbm>>
          %dma_wait3A_254 = arith.constant 0 : i32
          %dma_wait3A_255 = tpu.memref_slice %arg6[%add3A_69, %dma_wait3A_254] : memref<640000x128xf32, #tpu.memory_space<hbm>> -> memref<256x128xf32, #tpu.memory_space<hbm>>
          tpu.wait_dma2 semaphore(%run_scoped3A_247 : memref<!tpu.dma_semaphore, #tpu.memory_space<semaphore_mem>>) src(%arg12 : memref<256x128xf32, #tpu.memory_space<vmem>>) dst(%dma_wait3A_255 : memref<256x128xf32, #tpu.memory_space<hbm>>)
          tpu.yield
        }) : () -> ()
        %run_scoped3A = arith.constant 0 : i32
        "tpu.region"() ({
          %run_scoped3A_247 = tpu.sem_alloc : memref<!tpu.dma_semaphore, #tpu.memory_space<semaphore_mem>>
          %dma_start3A_248 = arith.constant 0 : i32
          %dma_start3A_249 = arith.constant 0 : i32
          %dma_start3A_250 = tpu.memref_slice %arg12[%dma_start3A_248, %dma_start3A_249] : memref<256x128xf32, #tpu.memory_space<vmem>> -> memref<128x128xf32, #tpu.memory_space<vmem>>
          %dma_start3A_251 = arith.constant 0 : i32
          %dma_start3A_252 = tpu.memref_slice %arg10[%run_scoped3A, %dma_start3A_251] : memref<8x128xi32, #tpu.memory_space<vmem>> -> memref<1x128xi32, #tpu.memory_space<vmem>>
          %dma_start3A_253 = tpu.memref_squeeze %dma_start3A_252 : memref<1x128xi32, #tpu.memory_space<vmem>> -> memref<128xi32, #tpu.memory_space<vmem>>
          %dma_start3A_254 = arith.constant 0 : i32
          %dma_start3A_255 = arith.constant 0 : i32
          %dma_start3A_256 = tpu.memref_slice %arg13[%dma_start3A_254, %dma_start3A_255] : memref<10000x128xf32, #tpu.memory_space<vmem_shared>> -> memref<10000x128xf32, #tpu.memory_space<vmem_shared>>
          tpu.enqueue_indirect_dma source(%dma_start3A_250 : memref<128x128xf32, #tpu.memory_space<vmem>>) target(%dma_start3A_256 : memref<10000x128xf32, #tpu.memory_space<vmem_shared>>) offsets(%dma_start3A_253 : memref<128xi32, #tpu.memory_space<vmem>>) semaphore(%run_scoped3A_247 : memref<!tpu.dma_semaphore, #tpu.memory_space<semaphore_mem>>) {add = true}
          %dma_wait3A_257 = arith.constant 0 : i32
          %dma_wait3A_258 = arith.constant 0 : i32
          %dma_wait3A_259 = tpu.memref_slice %arg12[%dma_wait3A_257, %dma_wait3A_258] : memref<256x128xf32, #tpu.memory_space<vmem>> -> memref<128x128xf32, #tpu.memory_space<vmem>>
          %dma_wait3A_260 = arith.constant 0 : i32
          %dma_wait3A_261 = tpu.memref_slice %arg10[%run_scoped3A, %dma_wait3A_260] : memref<8x128xi32, #tpu.memory_space<vmem>> -> memref<1x128xi32, #tpu.memory_space<vmem>>
          %dma_wait3A_262 = tpu.memref_squeeze %dma_wait3A_261 : memref<1x128xi32, #tpu.memory_space<vmem>> -> memref<128xi32, #tpu.memory_space<vmem>>
          %dma_wait3A_263 = arith.constant 0 : i32
          %dma_wait3A_264 = arith.constant 0 : i32
          %dma_wait3A_265 = tpu.memref_slice %arg13[%dma_wait3A_263, %dma_wait3A_264] : memref<10000x128xf32, #tpu.memory_space<vmem_shared>> -> memref<10000x128xf32, #tpu.memory_space<vmem_shared>>
          tpu.wait_indirect_dma semaphore(%run_scoped3A_247 : memref<!tpu.dma_semaphore, #tpu.memory_space<semaphore_mem>>) src(%dma_wait3A_259 : memref<128x128xf32, #tpu.memory_space<vmem>>) dst(%dma_wait3A_265 : memref<10000x128xf32, #tpu.memory_space<vmem_shared>>)
          tpu.yield
        }) : () -> ()
        %run_scoped3A_108 = arith.constant 1 : i32
        "tpu.region"() ({
          %run_scoped3A_247 = tpu.sem_alloc : memref<!tpu.dma_semaphore, #tpu.memory_space<semaphore_mem>>
          %dma_start3A_248 = arith.constant 128 : i32
          %dma_start3A_249 = arith.constant 0 : i32
          %dma_start3A_250 = tpu.memref_slice %arg12[%dma_start3A_248, %dma_start3A_249] : memref<256x128xf32, #tpu.memory_space<vmem>> -> memref<128x128xf32, #tpu.memory_space<vmem>>
          %dma_start3A_251 = arith.constant 0 : i32
          %dma_start3A_252 = tpu.memref_slice %arg10[%run_scoped3A_108, %dma_start3A_251] : memref<8x128xi32, #tpu.memory_space<vmem>> -> memref<1x128xi32, #tpu.memory_space<vmem>>
          %dma_start3A_253 = tpu.memref_squeeze %dma_start3A_252 : memref<1x128xi32, #tpu.memory_space<vmem>> -> memref<128xi32, #tpu.memory_space<vmem>>
          %dma_start3A_254 = arith.constant 0 : i32
          %dma_start3A_255 = arith.constant 0 : i32
          %dma_start3A_256 = tpu.memref_slice %arg13[%dma_start3A_254, %dma_start3A_255] : memref<10000x128xf32, #tpu.memory_space<vmem_shared>> -> memref<10000x128xf32, #tpu.memory_space<vmem_shared>>
          tpu.enqueue_indirect_dma source(%dma_start3A_250 : memref<128x128xf32, #tpu.memory_space<vmem>>) target(%dma_start3A_256 : memref<10000x128xf32, #tpu.memory_space<vmem_shared>>) offsets(%dma_start3A_253 : memref<128xi32, #tpu.memory_space<vmem>>) semaphore(%run_scoped3A_247 : memref<!tpu.dma_semaphore, #tpu.memory_space<semaphore_mem>>) {add = true}
          %dma_wait3A_257 = arith.constant 128 : i32
          %dma_wait3A_258 = arith.constant 0 : i32
          %dma_wait3A_259 = tpu.memref_slice %arg12[%dma_wait3A_257, %dma_wait3A_258] : memref<256x128xf32, #tpu.memory_space<vmem>> -> memref<128x128xf32, #tpu.memory_space<vmem>>
          %dma_wait3A_260 = arith.constant 0 : i32
          %dma_wait3A_261 = tpu.memref_slice %arg10[%run_scoped3A_108, %dma_wait3A_260] : memref<8x128xi32, #tpu.memory_space<vmem>> -> memref<1x128xi32, #tpu.memory_space<vmem>>
          %dma_wait3A_262 = tpu.memref_squeeze %dma_wait3A_261 : memref<1x128xi32, #tpu.memory_space<vmem>> -> memref<128xi32, #tpu.memory_space<vmem>>
          %dma_wait3A_263 = arith.constant 0 : i32
          %dma_wait3A_264 = arith.constant 0 : i32
          %dma_wait3A_265 = tpu.memref_slice %arg13[%dma_wait3A_263, %dma_wait3A_264] : memref<10000x128xf32, #tpu.memory_space<vmem_shared>> -> memref<10000x128xf32, #tpu.memory_space<vmem_shared>>
          tpu.wait_indirect_dma semaphore(%run_scoped3A_247 : memref<!tpu.dma_semaphore, #tpu.memory_space<semaphore_mem>>) src(%dma_wait3A_259 : memref<128x128xf32, #tpu.memory_space<vmem>>) dst(%dma_wait3A_265 : memref<10000x128xf32, #tpu.memory_space<vmem_shared>>)
          tpu.yield
        }) : () -> ()
        %mul3A_109 = arith.constant 1024 : i32
        %mul3A_110 = arith.muli %add3A_52, %mul3A_109 : i32
        %add3A_111 = arith.constant 256 : i32
        %add3A_112 = arith.addi %mul3A_110, %add3A_111 : i32
        %dma_start3A_113 = arith.constant 2 : i32
        %dma_start3A_114 = arith.constant 0 : i32
        %dma_start3A_115 = arith.constant 0 : i32
        %dma_start3A_116 = tpu.memref_slice %arg12[%dma_start3A_114, %dma_start3A_115] : memref<256x128xf32, #tpu.memory_space<vmem>> -> memref<128x128xf32, #tpu.memory_space<vmem>>
        %dma_start3A_117 = arith.constant 0 : i32
        %dma_start3A_118 = tpu.memref_slice %arg11[%dma_start3A_113, %dma_start3A_117] : memref<8x128xi32, #tpu.memory_space<vmem>> -> memref<1x128xi32, #tpu.memory_space<vmem>>
        %dma_start3A_119 = tpu.memref_squeeze %dma_start3A_118 : memref<1x128xi32, #tpu.memory_space<vmem>> -> memref<128xi32, #tpu.memory_space<vmem>>
        %dma_start3A_120 = arith.constant 0 : i32
        %dma_start3A_121 = arith.constant 0 : i32
        %dma_start3A_122 = tpu.memref_slice %arg5[%dma_start3A_120, %dma_start3A_121] : memref<10000x128xf32, #tpu.memory_space<hbm>> -> memref<10000x128xf32, #tpu.memory_space<hbm>>
        tpu.enqueue_indirect_dma source(%dma_start3A_122 : memref<10000x128xf32, #tpu.memory_space<hbm>>) target(%dma_start3A_116 : memref<128x128xf32, #tpu.memory_space<vmem>>) offsets(%dma_start3A_119 : memref<128xi32, #tpu.memory_space<vmem>>) semaphore(%arg14 : memref<!tpu.dma_semaphore, #tpu.memory_space<semaphore_mem>>)
        %dma_start3A_123 = arith.constant 3 : i32
        %dma_start3A_124 = arith.constant 128 : i32
        %dma_start3A_125 = arith.constant 0 : i32
        %dma_start3A_126 = tpu.memref_slice %arg12[%dma_start3A_124, %dma_start3A_125] : memref<256x128xf32, #tpu.memory_space<vmem>> -> memref<128x128xf32, #tpu.memory_space<vmem>>
        %dma_start3A_127 = arith.constant 0 : i32
        %dma_start3A_128 = tpu.memref_slice %arg11[%dma_start3A_123, %dma_start3A_127] : memref<8x128xi32, #tpu.memory_space<vmem>> -> memref<1x128xi32, #tpu.memory_space<vmem>>
        %dma_start3A_129 = tpu.memref_squeeze %dma_start3A_128 : memref<1x128xi32, #tpu.memory_space<vmem>> -> memref<128xi32, #tpu.memory_space<vmem>>
        %dma_start3A_130 = arith.constant 0 : i32
        %dma_start3A_131 = arith.constant 0 : i32
        %dma_start3A_132 = tpu.memref_slice %arg5[%dma_start3A_130, %dma_start3A_131] : memref<10000x128xf32, #tpu.memory_space<hbm>> -> memref<10000x128xf32, #tpu.memory_space<hbm>>
        tpu.enqueue_indirect_dma source(%dma_start3A_132 : memref<10000x128xf32, #tpu.memory_space<hbm>>) target(%dma_start3A_126 : memref<128x128xf32, #tpu.memory_space<vmem>>) offsets(%dma_start3A_129 : memref<128xi32, #tpu.memory_space<vmem>>) semaphore(%arg14 : memref<!tpu.dma_semaphore, #tpu.memory_space<semaphore_mem>>)
        %dma_wait3A_133 = arith.constant 2 : i32
        %dma_wait3A_134 = arith.constant 0 : i32
        %dma_wait3A_135 = arith.constant 0 : i32
        %dma_wait3A_136 = tpu.memref_slice %arg12[%dma_wait3A_134, %dma_wait3A_135] : memref<256x128xf32, #tpu.memory_space<vmem>> -> memref<128x128xf32, #tpu.memory_space<vmem>>
        %dma_wait3A_137 = arith.constant 0 : i32
        %dma_wait3A_138 = tpu.memref_slice %arg11[%dma_wait3A_133, %dma_wait3A_137] : memref<8x128xi32, #tpu.memory_space<vmem>> -> memref<1x128xi32, #tpu.memory_space<vmem>>
        %dma_wait3A_139 = tpu.memref_squeeze %dma_wait3A_138 : memref<1x128xi32, #tpu.memory_space<vmem>> -> memref<128xi32, #tpu.memory_space<vmem>>
        %dma_wait3A_140 = arith.constant 0 : i32
        %dma_wait3A_141 = arith.constant 0 : i32
        %dma_wait3A_142 = tpu.memref_slice %arg5[%dma_wait3A_140, %dma_wait3A_141] : memref<10000x128xf32, #tpu.memory_space<hbm>> -> memref<10000x128xf32, #tpu.memory_space<hbm>>
        tpu.wait_indirect_dma semaphore(%arg14 : memref<!tpu.dma_semaphore, #tpu.memory_space<semaphore_mem>>) src(%dma_wait3A_142 : memref<10000x128xf32, #tpu.memory_space<hbm>>) dst(%dma_wait3A_136 : memref<128x128xf32, #tpu.memory_space<vmem>>)
        %dma_wait3A_143 = arith.constant 3 : i32
        %dma_wait3A_144 = arith.constant 128 : i32
        %dma_wait3A_145 = arith.constant 0 : i32
        %dma_wait3A_146 = tpu.memref_slice %arg12[%dma_wait3A_144, %dma_wait3A_145] : memref<256x128xf32, #tpu.memory_space<vmem>> -> memref<128x128xf32, #tpu.memory_space<vmem>>
        %dma_wait3A_147 = arith.constant 0 : i32
        %dma_wait3A_148 = tpu.memref_slice %arg11[%dma_wait3A_143, %dma_wait3A_147] : memref<8x128xi32, #tpu.memory_space<vmem>> -> memref<1x128xi32, #tpu.memory_space<vmem>>
        %dma_wait3A_149 = tpu.memref_squeeze %dma_wait3A_148 : memref<1x128xi32, #tpu.memory_space<vmem>> -> memref<128xi32, #tpu.memory_space<vmem>>
        %dma_wait3A_150 = arith.constant 0 : i32
        %dma_wait3A_151 = arith.constant 0 : i32
        %dma_wait3A_152 = tpu.memref_slice %arg5[%dma_wait3A_150, %dma_wait3A_151] : memref<10000x128xf32, #tpu.memory_space<hbm>> -> memref<10000x128xf32, #tpu.memory_space<hbm>>
        tpu.wait_indirect_dma semaphore(%arg14 : memref<!tpu.dma_semaphore, #tpu.memory_space<semaphore_mem>>) src(%dma_wait3A_152 : memref<10000x128xf32, #tpu.memory_space<hbm>>) dst(%dma_wait3A_146 : memref<128x128xf32, #tpu.memory_space<vmem>>)
        "tpu.region"() ({
          %run_scoped3A_247 = tpu.sem_alloc : memref<!tpu.dma_semaphore, #tpu.memory_space<semaphore_mem>>
          %dma_start3A_248 = arith.constant 0 : i32
          %dma_start3A_249 = tpu.memref_slice %arg6[%add3A_112, %dma_start3A_248] : memref<640000x128xf32, #tpu.memory_space<hbm>> -> memref<256x128xf32, #tpu.memory_space<hbm>>
          %dma_start3A_250 = arith.constant 0 : i32
          %dma_start3A_251 = tpu.memref_slice %arg6[%add3A_112, %dma_start3A_250] : memref<640000x128xf32, #tpu.memory_space<hbm>> -> memref<256x128xf32, #tpu.memory_space<hbm>>
          tpu.enqueue_dma source(%arg12 : memref<256x128xf32, #tpu.memory_space<vmem>>) target(%dma_start3A_251 : memref<256x128xf32, #tpu.memory_space<hbm>>) target_semaphore(%run_scoped3A_247 : memref<!tpu.dma_semaphore, #tpu.memory_space<semaphore_mem>>)
          %dma_wait3A_252 = arith.constant 0 : i32
          %dma_wait3A_253 = tpu.memref_slice %arg6[%add3A_112, %dma_wait3A_252] : memref<640000x128xf32, #tpu.memory_space<hbm>> -> memref<256x128xf32, #tpu.memory_space<hbm>>
          %dma_wait3A_254 = arith.constant 0 : i32
          %dma_wait3A_255 = tpu.memref_slice %arg6[%add3A_112, %dma_wait3A_254] : memref<640000x128xf32, #tpu.memory_space<hbm>> -> memref<256x128xf32, #tpu.memory_space<hbm>>
          tpu.wait_dma2 semaphore(%run_scoped3A_247 : memref<!tpu.dma_semaphore, #tpu.memory_space<semaphore_mem>>) src(%arg12 : memref<256x128xf32, #tpu.memory_space<vmem>>) dst(%dma_wait3A_255 : memref<256x128xf32, #tpu.memory_space<hbm>>)
          tpu.yield
        }) : () -> ()
        %run_scoped3A_153 = arith.constant 2 : i32
        "tpu.region"() ({
          %run_scoped3A_247 = tpu.sem_alloc : memref<!tpu.dma_semaphore, #tpu.memory_space<semaphore_mem>>
          %dma_start3A_248 = arith.constant 0 : i32
          %dma_start3A_249 = arith.constant 0 : i32
          %dma_start3A_250 = tpu.memref_slice %arg12[%dma_start3A_248, %dma_start3A_249] : memref<256x128xf32, #tpu.memory_space<vmem>> -> memref<128x128xf32, #tpu.memory_space<vmem>>
          %dma_start3A_251 = arith.constant 0 : i32
          %dma_start3A_252 = tpu.memref_slice %arg10[%run_scoped3A_153, %dma_start3A_251] : memref<8x128xi32, #tpu.memory_space<vmem>> -> memref<1x128xi32, #tpu.memory_space<vmem>>
          %dma_start3A_253 = tpu.memref_squeeze %dma_start3A_252 : memref<1x128xi32, #tpu.memory_space<vmem>> -> memref<128xi32, #tpu.memory_space<vmem>>
          %dma_start3A_254 = arith.constant 0 : i32
          %dma_start3A_255 = arith.constant 0 : i32
          %dma_start3A_256 = tpu.memref_slice %arg13[%dma_start3A_254, %dma_start3A_255] : memref<10000x128xf32, #tpu.memory_space<vmem_shared>> -> memref<10000x128xf32, #tpu.memory_space<vmem_shared>>
          tpu.enqueue_indirect_dma source(%dma_start3A_250 : memref<128x128xf32, #tpu.memory_space<vmem>>) target(%dma_start3A_256 : memref<10000x128xf32, #tpu.memory_space<vmem_shared>>) offsets(%dma_start3A_253 : memref<128xi32, #tpu.memory_space<vmem>>) semaphore(%run_scoped3A_247 : memref<!tpu.dma_semaphore, #tpu.memory_space<semaphore_mem>>) {add = true}
          %dma_wait3A_257 = arith.constant 0 : i32
          %dma_wait3A_258 = arith.constant 0 : i32
          %dma_wait3A_259 = tpu.memref_slice %arg12[%dma_wait3A_257, %dma_wait3A_258] : memref<256x128xf32, #tpu.memory_space<vmem>> -> memref<128x128xf32, #tpu.memory_space<vmem>>
          %dma_wait3A_260 = arith.constant 0 : i32
          %dma_wait3A_261 = tpu.memref_slice %arg10[%run_scoped3A_153, %dma_wait3A_260] : memref<8x128xi32, #tpu.memory_space<vmem>> -> memref<1x128xi32, #tpu.memory_space<vmem>>
          %dma_wait3A_262 = tpu.memref_squeeze %dma_wait3A_261 : memref<1x128xi32, #tpu.memory_space<vmem>> -> memref<128xi32, #tpu.memory_space<vmem>>
          %dma_wait3A_263 = arith.constant 0 : i32
          %dma_wait3A_264 = arith.constant 0 : i32
          %dma_wait3A_265 = tpu.memref_slice %arg13[%dma_wait3A_263, %dma_wait3A_264] : memref<10000x128xf32, #tpu.memory_space<vmem_shared>> -> memref<10000x128xf32, #tpu.memory_space<vmem_shared>>
          tpu.wait_indirect_dma semaphore(%run_scoped3A_247 : memref<!tpu.dma_semaphore, #tpu.memory_space<semaphore_mem>>) src(%dma_wait3A_259 : memref<128x128xf32, #tpu.memory_space<vmem>>) dst(%dma_wait3A_265 : memref<10000x128xf32, #tpu.memory_space<vmem_shared>>)
          tpu.yield
        }) : () -> ()
        %run_scoped3A_154 = arith.constant 3 : i32
        "tpu.region"() ({
          %run_scoped3A_247 = tpu.sem_alloc : memref<!tpu.dma_semaphore, #tpu.memory_space<semaphore_mem>>
          %dma_start3A_248 = arith.constant 128 : i32
          %dma_start3A_249 = arith.constant 0 : i32
          %dma_start3A_250 = tpu.memref_slice %arg12[%dma_start3A_248, %dma_start3A_249] : memref<256x128xf32, #tpu.memory_space<vmem>> -> memref<128x128xf32, #tpu.memory_space<vmem>>
          %dma_start3A_251 = arith.constant 0 : i32
          %dma_start3A_252 = tpu.memref_slice %arg10[%run_scoped3A_154, %dma_start3A_251] : memref<8x128xi32, #tpu.memory_space<vmem>> -> memref<1x128xi32, #tpu.memory_space<vmem>>
          %dma_start3A_253 = tpu.memref_squeeze %dma_start3A_252 : memref<1x128xi32, #tpu.memory_space<vmem>> -> memref<128xi32, #tpu.memory_space<vmem>>
          %dma_start3A_254 = arith.constant 0 : i32
          %dma_start3A_255 = arith.constant 0 : i32
          %dma_start3A_256 = tpu.memref_slice %arg13[%dma_start3A_254, %dma_start3A_255] : memref<10000x128xf32, #tpu.memory_space<vmem_shared>> -> memref<10000x128xf32, #tpu.memory_space<vmem_shared>>
          tpu.enqueue_indirect_dma source(%dma_start3A_250 : memref<128x128xf32, #tpu.memory_space<vmem>>) target(%dma_start3A_256 : memref<10000x128xf32, #tpu.memory_space<vmem_shared>>) offsets(%dma_start3A_253 : memref<128xi32, #tpu.memory_space<vmem>>) semaphore(%run_scoped3A_247 : memref<!tpu.dma_semaphore, #tpu.memory_space<semaphore_mem>>) {add = true}
          %dma_wait3A_257 = arith.constant 128 : i32
          %dma_wait3A_258 = arith.constant 0 : i32
          %dma_wait3A_259 = tpu.memref_slice %arg12[%dma_wait3A_257, %dma_wait3A_258] : memref<256x128xf32, #tpu.memory_space<vmem>> -> memref<128x128xf32, #tpu.memory_space<vmem>>
          %dma_wait3A_260 = arith.constant 0 : i32
          %dma_wait3A_261 = tpu.memref_slice %arg10[%run_scoped3A_154, %dma_wait3A_260] : memref<8x128xi32, #tpu.memory_space<vmem>> -> memref<1x128xi32, #tpu.memory_space<vmem>>
          %dma_wait3A_262 = tpu.memref_squeeze %dma_wait3A_261 : memref<1x128xi32, #tpu.memory_space<vmem>> -> memref<128xi32, #tpu.memory_space<vmem>>
          %dma_wait3A_263 = arith.constant 0 : i32
          %dma_wait3A_264 = arith.constant 0 : i32
          %dma_wait3A_265 = tpu.memref_slice %arg13[%dma_wait3A_263, %dma_wait3A_264] : memref<10000x128xf32, #tpu.memory_space<vmem_shared>> -> memref<10000x128xf32, #tpu.memory_space<vmem_shared>>
          tpu.wait_indirect_dma semaphore(%run_scoped3A_247 : memref<!tpu.dma_semaphore, #tpu.memory_space<semaphore_mem>>) src(%dma_wait3A_259 : memref<128x128xf32, #tpu.memory_space<vmem>>) dst(%dma_wait3A_265 : memref<10000x128xf32, #tpu.memory_space<vmem_shared>>)
          tpu.yield
        }) : () -> ()
        %mul3A_155 = arith.constant 1024 : i32
        %mul3A_156 = arith.muli %add3A_52, %mul3A_155 : i32
        %add3A_157 = arith.constant 512 : i32
        %add3A_158 = arith.addi %mul3A_156, %add3A_157 : i32
        %dma_start3A_159 = arith.constant 4 : i32
        %dma_start3A_160 = arith.constant 0 : i32
        %dma_start3A_161 = arith.constant 0 : i32
        %dma_start3A_162 = tpu.memref_slice %arg12[%dma_start3A_160, %dma_start3A_161] : memref<256x128xf32, #tpu.memory_space<vmem>> -> memref<128x128xf32, #tpu.memory_space<vmem>>
        %dma_start3A_163 = arith.constant 0 : i32
        %dma_start3A_164 = tpu.memref_slice %arg11[%dma_start3A_159, %dma_start3A_163] : memref<8x128xi32, #tpu.memory_space<vmem>> -> memref<1x128xi32, #tpu.memory_space<vmem>>
        %dma_start3A_165 = tpu.memref_squeeze %dma_start3A_164 : memref<1x128xi32, #tpu.memory_space<vmem>> -> memref<128xi32, #tpu.memory_space<vmem>>
        %dma_start3A_166 = arith.constant 0 : i32
        %dma_start3A_167 = arith.constant 0 : i32
        %dma_start3A_168 = tpu.memref_slice %arg5[%dma_start3A_166, %dma_start3A_167] : memref<10000x128xf32, #tpu.memory_space<hbm>> -> memref<10000x128xf32, #tpu.memory_space<hbm>>
        tpu.enqueue_indirect_dma source(%dma_start3A_168 : memref<10000x128xf32, #tpu.memory_space<hbm>>) target(%dma_start3A_162 : memref<128x128xf32, #tpu.memory_space<vmem>>) offsets(%dma_start3A_165 : memref<128xi32, #tpu.memory_space<vmem>>) semaphore(%arg14 : memref<!tpu.dma_semaphore, #tpu.memory_space<semaphore_mem>>)
        %dma_start3A_169 = arith.constant 5 : i32
        %dma_start3A_170 = arith.constant 128 : i32
        %dma_start3A_171 = arith.constant 0 : i32
        %dma_start3A_172 = tpu.memref_slice %arg12[%dma_start3A_170, %dma_start3A_171] : memref<256x128xf32, #tpu.memory_space<vmem>> -> memref<128x128xf32, #tpu.memory_space<vmem>>
        %dma_start3A_173 = arith.constant 0 : i32
        %dma_start3A_174 = tpu.memref_slice %arg11[%dma_start3A_169, %dma_start3A_173] : memref<8x128xi32, #tpu.memory_space<vmem>> -> memref<1x128xi32, #tpu.memory_space<vmem>>
        %dma_start3A_175 = tpu.memref_squeeze %dma_start3A_174 : memref<1x128xi32, #tpu.memory_space<vmem>> -> memref<128xi32, #tpu.memory_space<vmem>>
        %dma_start3A_176 = arith.constant 0 : i32
        %dma_start3A_177 = arith.constant 0 : i32
        %dma_start3A_178 = tpu.memref_slice %arg5[%dma_start3A_176, %dma_start3A_177] : memref<10000x128xf32, #tpu.memory_space<hbm>> -> memref<10000x128xf32, #tpu.memory_space<hbm>>
        tpu.enqueue_indirect_dma source(%dma_start3A_178 : memref<10000x128xf32, #tpu.memory_space<hbm>>) target(%dma_start3A_172 : memref<128x128xf32, #tpu.memory_space<vmem>>) offsets(%dma_start3A_175 : memref<128xi32, #tpu.memory_space<vmem>>) semaphore(%arg14 : memref<!tpu.dma_semaphore, #tpu.memory_space<semaphore_mem>>)
        %dma_wait3A_179 = arith.constant 4 : i32
        %dma_wait3A_180 = arith.constant 0 : i32
        %dma_wait3A_181 = arith.constant 0 : i32
        %dma_wait3A_182 = tpu.memref_slice %arg12[%dma_wait3A_180, %dma_wait3A_181] : memref<256x128xf32, #tpu.memory_space<vmem>> -> memref<128x128xf32, #tpu.memory_space<vmem>>
        %dma_wait3A_183 = arith.constant 0 : i32
        %dma_wait3A_184 = tpu.memref_slice %arg11[%dma_wait3A_179, %dma_wait3A_183] : memref<8x128xi32, #tpu.memory_space<vmem>> -> memref<1x128xi32, #tpu.memory_space<vmem>>
        %dma_wait3A_185 = tpu.memref_squeeze %dma_wait3A_184 : memref<1x128xi32, #tpu.memory_space<vmem>> -> memref<128xi32, #tpu.memory_space<vmem>>
        %dma_wait3A_186 = arith.constant 0 : i32
        %dma_wait3A_187 = arith.constant 0 : i32
        %dma_wait3A_188 = tpu.memref_slice %arg5[%dma_wait3A_186, %dma_wait3A_187] : memref<10000x128xf32, #tpu.memory_space<hbm>> -> memref<10000x128xf32, #tpu.memory_space<hbm>>
        tpu.wait_indirect_dma semaphore(%arg14 : memref<!tpu.dma_semaphore, #tpu.memory_space<semaphore_mem>>) src(%dma_wait3A_188 : memref<10000x128xf32, #tpu.memory_space<hbm>>) dst(%dma_wait3A_182 : memref<128x128xf32, #tpu.memory_space<vmem>>)
        %dma_wait3A_189 = arith.constant 5 : i32
        %dma_wait3A_190 = arith.constant 128 : i32
        %dma_wait3A_191 = arith.constant 0 : i32
        %dma_wait3A_192 = tpu.memref_slice %arg12[%dma_wait3A_190, %dma_wait3A_191] : memref<256x128xf32, #tpu.memory_space<vmem>> -> memref<128x128xf32, #tpu.memory_space<vmem>>
        %dma_wait3A_193 = arith.constant 0 : i32
        %dma_wait3A_194 = tpu.memref_slice %arg11[%dma_wait3A_189, %dma_wait3A_193] : memref<8x128xi32, #tpu.memory_space<vmem>> -> memref<1x128xi32, #tpu.memory_space<vmem>>
        %dma_wait3A_195 = tpu.memref_squeeze %dma_wait3A_194 : memref<1x128xi32, #tpu.memory_space<vmem>> -> memref<128xi32, #tpu.memory_space<vmem>>
        %dma_wait3A_196 = arith.constant 0 : i32
        %dma_wait3A_197 = arith.constant 0 : i32
        %dma_wait3A_198 = tpu.memref_slice %arg5[%dma_wait3A_196, %dma_wait3A_197] : memref<10000x128xf32, #tpu.memory_space<hbm>> -> memref<10000x128xf32, #tpu.memory_space<hbm>>
        tpu.wait_indirect_dma semaphore(%arg14 : memref<!tpu.dma_semaphore, #tpu.memory_space<semaphore_mem>>) src(%dma_wait3A_198 : memref<10000x128xf32, #tpu.memory_space<hbm>>) dst(%dma_wait3A_192 : memref<128x128xf32, #tpu.memory_space<vmem>>)
        "tpu.region"() ({
          %run_scoped3A_247 = tpu.sem_alloc : memref<!tpu.dma_semaphore, #tpu.memory_space<semaphore_mem>>
          %dma_start3A_248 = arith.constant 0 : i32
          %dma_start3A_249 = tpu.memref_slice %arg6[%add3A_158, %dma_start3A_248] : memref<640000x128xf32, #tpu.memory_space<hbm>> -> memref<256x128xf32, #tpu.memory_space<hbm>>
          %dma_start3A_250 = arith.constant 0 : i32
          %dma_start3A_251 = tpu.memref_slice %arg6[%add3A_158, %dma_start3A_250] : memref<640000x128xf32, #tpu.memory_space<hbm>> -> memref<256x128xf32, #tpu.memory_space<hbm>>
          tpu.enqueue_dma source(%arg12 : memref<256x128xf32, #tpu.memory_space<vmem>>) target(%dma_start3A_251 : memref<256x128xf32, #tpu.memory_space<hbm>>) target_semaphore(%run_scoped3A_247 : memref<!tpu.dma_semaphore, #tpu.memory_space<semaphore_mem>>)
          %dma_wait3A_252 = arith.constant 0 : i32
          %dma_wait3A_253 = tpu.memref_slice %arg6[%add3A_158, %dma_wait3A_252] : memref<640000x128xf32, #tpu.memory_space<hbm>> -> memref<256x128xf32, #tpu.memory_space<hbm>>
          %dma_wait3A_254 = arith.constant 0 : i32
          %dma_wait3A_255 = tpu.memref_slice %arg6[%add3A_158, %dma_wait3A_254] : memref<640000x128xf32, #tpu.memory_space<hbm>> -> memref<256x128xf32, #tpu.memory_space<hbm>>
          tpu.wait_dma2 semaphore(%run_scoped3A_247 : memref<!tpu.dma_semaphore, #tpu.memory_space<semaphore_mem>>) src(%arg12 : memref<256x128xf32, #tpu.memory_space<vmem>>) dst(%dma_wait3A_255 : memref<256x128xf32, #tpu.memory_space<hbm>>)
          tpu.yield
        }) : () -> ()
        %run_scoped3A_199 = arith.constant 4 : i32
        "tpu.region"() ({
          %run_scoped3A_247 = tpu.sem_alloc : memref<!tpu.dma_semaphore, #tpu.memory_space<semaphore_mem>>
          %dma_start3A_248 = arith.constant 0 : i32
          %dma_start3A_249 = arith.constant 0 : i32
          %dma_start3A_250 = tpu.memref_slice %arg12[%dma_start3A_248, %dma_start3A_249] : memref<256x128xf32, #tpu.memory_space<vmem>> -> memref<128x128xf32, #tpu.memory_space<vmem>>
          %dma_start3A_251 = arith.constant 0 : i32
          %dma_start3A_252 = tpu.memref_slice %arg10[%run_scoped3A_199, %dma_start3A_251] : memref<8x128xi32, #tpu.memory_space<vmem>> -> memref<1x128xi32, #tpu.memory_space<vmem>>
          %dma_start3A_253 = tpu.memref_squeeze %dma_start3A_252 : memref<1x128xi32, #tpu.memory_space<vmem>> -> memref<128xi32, #tpu.memory_space<vmem>>
          %dma_start3A_254 = arith.constant 0 : i32
          %dma_start3A_255 = arith.constant 0 : i32
          %dma_start3A_256 = tpu.memref_slice %arg13[%dma_start3A_254, %dma_start3A_255] : memref<10000x128xf32, #tpu.memory_space<vmem_shared>> -> memref<10000x128xf32, #tpu.memory_space<vmem_shared>>
          tpu.enqueue_indirect_dma source(%dma_start3A_250 : memref<128x128xf32, #tpu.memory_space<vmem>>) target(%dma_start3A_256 : memref<10000x128xf32, #tpu.memory_space<vmem_shared>>) offsets(%dma_start3A_253 : memref<128xi32, #tpu.memory_space<vmem>>) semaphore(%run_scoped3A_247 : memref<!tpu.dma_semaphore, #tpu.memory_space<semaphore_mem>>) {add = true}
          %dma_wait3A_257 = arith.constant 0 : i32
          %dma_wait3A_258 = arith.constant 0 : i32
          %dma_wait3A_259 = tpu.memref_slice %arg12[%dma_wait3A_257, %dma_wait3A_258] : memref<256x128xf32, #tpu.memory_space<vmem>> -> memref<128x128xf32, #tpu.memory_space<vmem>>
          %dma_wait3A_260 = arith.constant 0 : i32
          %dma_wait3A_261 = tpu.memref_slice %arg10[%run_scoped3A_199, %dma_wait3A_260] : memref<8x128xi32, #tpu.memory_space<vmem>> -> memref<1x128xi32, #tpu.memory_space<vmem>>
          %dma_wait3A_262 = tpu.memref_squeeze %dma_wait3A_261 : memref<1x128xi32, #tpu.memory_space<vmem>> -> memref<128xi32, #tpu.memory_space<vmem>>
          %dma_wait3A_263 = arith.constant 0 : i32
          %dma_wait3A_264 = arith.constant 0 : i32
          %dma_wait3A_265 = tpu.memref_slice %arg13[%dma_wait3A_263, %dma_wait3A_264] : memref<10000x128xf32, #tpu.memory_space<vmem_shared>> -> memref<10000x128xf32, #tpu.memory_space<vmem_shared>>
          tpu.wait_indirect_dma semaphore(%run_scoped3A_247 : memref<!tpu.dma_semaphore, #tpu.memory_space<semaphore_mem>>) src(%dma_wait3A_259 : memref<128x128xf32, #tpu.memory_space<vmem>>) dst(%dma_wait3A_265 : memref<10000x128xf32, #tpu.memory_space<vmem_shared>>)
          tpu.yield
        }) : () -> ()
        %run_scoped3A_200 = arith.constant 5 : i32
        "tpu.region"() ({
          %run_scoped3A_247 = tpu.sem_alloc : memref<!tpu.dma_semaphore, #tpu.memory_space<semaphore_mem>>
          %dma_start3A_248 = arith.constant 128 : i32
          %dma_start3A_249 = arith.constant 0 : i32
          %dma_start3A_250 = tpu.memref_slice %arg12[%dma_start3A_248, %dma_start3A_249] : memref<256x128xf32, #tpu.memory_space<vmem>> -> memref<128x128xf32, #tpu.memory_space<vmem>>
          %dma_start3A_251 = arith.constant 0 : i32
          %dma_start3A_252 = tpu.memref_slice %arg10[%run_scoped3A_200, %dma_start3A_251] : memref<8x128xi32, #tpu.memory_space<vmem>> -> memref<1x128xi32, #tpu.memory_space<vmem>>
          %dma_start3A_253 = tpu.memref_squeeze %dma_start3A_252 : memref<1x128xi32, #tpu.memory_space<vmem>> -> memref<128xi32, #tpu.memory_space<vmem>>
          %dma_start3A_254 = arith.constant 0 : i32
          %dma_start3A_255 = arith.constant 0 : i32
          %dma_start3A_256 = tpu.memref_slice %arg13[%dma_start3A_254, %dma_start3A_255] : memref<10000x128xf32, #tpu.memory_space<vmem_shared>> -> memref<10000x128xf32, #tpu.memory_space<vmem_shared>>
          tpu.enqueue_indirect_dma source(%dma_start3A_250 : memref<128x128xf32, #tpu.memory_space<vmem>>) target(%dma_start3A_256 : memref<10000x128xf32, #tpu.memory_space<vmem_shared>>) offsets(%dma_start3A_253 : memref<128xi32, #tpu.memory_space<vmem>>) semaphore(%run_scoped3A_247 : memref<!tpu.dma_semaphore, #tpu.memory_space<semaphore_mem>>) {add = true}
          %dma_wait3A_257 = arith.constant 128 : i32
          %dma_wait3A_258 = arith.constant 0 : i32
          %dma_wait3A_259 = tpu.memref_slice %arg12[%dma_wait3A_257, %dma_wait3A_258] : memref<256x128xf32, #tpu.memory_space<vmem>> -> memref<128x128xf32, #tpu.memory_space<vmem>>
          %dma_wait3A_260 = arith.constant 0 : i32
          %dma_wait3A_261 = tpu.memref_slice %arg10[%run_scoped3A_200, %dma_wait3A_260] : memref<8x128xi32, #tpu.memory_space<vmem>> -> memref<1x128xi32, #tpu.memory_space<vmem>>
          %dma_wait3A_262 = tpu.memref_squeeze %dma_wait3A_261 : memref<1x128xi32, #tpu.memory_space<vmem>> -> memref<128xi32, #tpu.memory_space<vmem>>
          %dma_wait3A_263 = arith.constant 0 : i32
          %dma_wait3A_264 = arith.constant 0 : i32
          %dma_wait3A_265 = tpu.memref_slice %arg13[%dma_wait3A_263, %dma_wait3A_264] : memref<10000x128xf32, #tpu.memory_space<vmem_shared>> -> memref<10000x128xf32, #tpu.memory_space<vmem_shared>>
          tpu.wait_indirect_dma semaphore(%run_scoped3A_247 : memref<!tpu.dma_semaphore, #tpu.memory_space<semaphore_mem>>) src(%dma_wait3A_259 : memref<128x128xf32, #tpu.memory_space<vmem>>) dst(%dma_wait3A_265 : memref<10000x128xf32, #tpu.memory_space<vmem_shared>>)
          tpu.yield
        }) : () -> ()
        %mul3A_201 = arith.constant 1024 : i32
        %mul3A_202 = arith.muli %add3A_52, %mul3A_201 : i32
        %add3A_203 = arith.constant 768 : i32
        %add3A_204 = arith.addi %mul3A_202, %add3A_203 : i32
        %dma_start3A_205 = arith.constant 6 : i32
        %dma_start3A_206 = arith.constant 0 : i32
        %dma_start3A_207 = arith.constant 0 : i32
        %dma_start3A_208 = tpu.memref_slice %arg12[%dma_start3A_206, %dma_start3A_207] : memref<256x128xf32, #tpu.memory_space<vmem>> -> memref<128x128xf32, #tpu.memory_space<vmem>>
        %dma_start3A_209 = arith.constant 0 : i32
        %dma_start3A_210 = tpu.memref_slice %arg11[%dma_start3A_205, %dma_start3A_209] : memref<8x128xi32, #tpu.memory_space<vmem>> -> memref<1x128xi32, #tpu.memory_space<vmem>>
        %dma_start3A_211 = tpu.memref_squeeze %dma_start3A_210 : memref<1x128xi32, #tpu.memory_space<vmem>> -> memref<128xi32, #tpu.memory_space<vmem>>
        %dma_start3A_212 = arith.constant 0 : i32
        %dma_start3A_213 = arith.constant 0 : i32
        %dma_start3A_214 = tpu.memref_slice %arg5[%dma_start3A_212, %dma_start3A_213] : memref<10000x128xf32, #tpu.memory_space<hbm>> -> memref<10000x128xf32, #tpu.memory_space<hbm>>
        tpu.enqueue_indirect_dma source(%dma_start3A_214 : memref<10000x128xf32, #tpu.memory_space<hbm>>) target(%dma_start3A_208 : memref<128x128xf32, #tpu.memory_space<vmem>>) offsets(%dma_start3A_211 : memref<128xi32, #tpu.memory_space<vmem>>) semaphore(%arg14 : memref<!tpu.dma_semaphore, #tpu.memory_space<semaphore_mem>>)
        %dma_start3A_215 = arith.constant 7 : i32
        %dma_start3A_216 = arith.constant 128 : i32
        %dma_start3A_217 = arith.constant 0 : i32
        %dma_start3A_218 = tpu.memref_slice %arg12[%dma_start3A_216, %dma_start3A_217] : memref<256x128xf32, #tpu.memory_space<vmem>> -> memref<128x128xf32, #tpu.memory_space<vmem>>
        %dma_start3A_219 = arith.constant 0 : i32
        %dma_start3A_220 = tpu.memref_slice %arg11[%dma_start3A_215, %dma_start3A_219] : memref<8x128xi32, #tpu.memory_space<vmem>> -> memref<1x128xi32, #tpu.memory_space<vmem>>
        %dma_start3A_221 = tpu.memref_squeeze %dma_start3A_220 : memref<1x128xi32, #tpu.memory_space<vmem>> -> memref<128xi32, #tpu.memory_space<vmem>>
        %dma_start3A_222 = arith.constant 0 : i32
        %dma_start3A_223 = arith.constant 0 : i32
        %dma_start3A_224 = tpu.memref_slice %arg5[%dma_start3A_222, %dma_start3A_223] : memref<10000x128xf32, #tpu.memory_space<hbm>> -> memref<10000x128xf32, #tpu.memory_space<hbm>>
        tpu.enqueue_indirect_dma source(%dma_start3A_224 : memref<10000x128xf32, #tpu.memory_space<hbm>>) target(%dma_start3A_218 : memref<128x128xf32, #tpu.memory_space<vmem>>) offsets(%dma_start3A_221 : memref<128xi32, #tpu.memory_space<vmem>>) semaphore(%arg14 : memref<!tpu.dma_semaphore, #tpu.memory_space<semaphore_mem>>)
        %dma_wait3A_225 = arith.constant 6 : i32
        %dma_wait3A_226 = arith.constant 0 : i32
        %dma_wait3A_227 = arith.constant 0 : i32
        %dma_wait3A_228 = tpu.memref_slice %arg12[%dma_wait3A_226, %dma_wait3A_227] : memref<256x128xf32, #tpu.memory_space<vmem>> -> memref<128x128xf32, #tpu.memory_space<vmem>>
        %dma_wait3A_229 = arith.constant 0 : i32
        %dma_wait3A_230 = tpu.memref_slice %arg11[%dma_wait3A_225, %dma_wait3A_229] : memref<8x128xi32, #tpu.memory_space<vmem>> -> memref<1x128xi32, #tpu.memory_space<vmem>>
        %dma_wait3A_231 = tpu.memref_squeeze %dma_wait3A_230 : memref<1x128xi32, #tpu.memory_space<vmem>> -> memref<128xi32, #tpu.memory_space<vmem>>
        %dma_wait3A_232 = arith.constant 0 : i32
        %dma_wait3A_233 = arith.constant 0 : i32
        %dma_wait3A_234 = tpu.memref_slice %arg5[%dma_wait3A_232, %dma_wait3A_233] : memref<10000x128xf32, #tpu.memory_space<hbm>> -> memref<10000x128xf32, #tpu.memory_space<hbm>>
        tpu.wait_indirect_dma semaphore(%arg14 : memref<!tpu.dma_semaphore, #tpu.memory_space<semaphore_mem>>) src(%dma_wait3A_234 : memref<10000x128xf32, #tpu.memory_space<hbm>>) dst(%dma_wait3A_228 : memref<128x128xf32, #tpu.memory_space<vmem>>)
        %dma_wait3A_235 = arith.constant 7 : i32
        %dma_wait3A_236 = arith.constant 128 : i32
        %dma_wait3A_237 = arith.constant 0 : i32
        %dma_wait3A_238 = tpu.memref_slice %arg12[%dma_wait3A_236, %dma_wait3A_237] : memref<256x128xf32, #tpu.memory_space<vmem>> -> memref<128x128xf32, #tpu.memory_space<vmem>>
        %dma_wait3A_239 = arith.constant 0 : i32
        %dma_wait3A_240 = tpu.memref_slice %arg11[%dma_wait3A_235, %dma_wait3A_239] : memref<8x128xi32, #tpu.memory_space<vmem>> -> memref<1x128xi32, #tpu.memory_space<vmem>>
        %dma_wait3A_241 = tpu.memref_squeeze %dma_wait3A_240 : memref<1x128xi32, #tpu.memory_space<vmem>> -> memref<128xi32, #tpu.memory_space<vmem>>
        %dma_wait3A_242 = arith.constant 0 : i32
        %dma_wait3A_243 = arith.constant 0 : i32
        %dma_wait3A_244 = tpu.memref_slice %arg5[%dma_wait3A_242, %dma_wait3A_243] : memref<10000x128xf32, #tpu.memory_space<hbm>> -> memref<10000x128xf32, #tpu.memory_space<hbm>>
        tpu.wait_indirect_dma semaphore(%arg14 : memref<!tpu.dma_semaphore, #tpu.memory_space<semaphore_mem>>) src(%dma_wait3A_244 : memref<10000x128xf32, #tpu.memory_space<hbm>>) dst(%dma_wait3A_238 : memref<128x128xf32, #tpu.memory_space<vmem>>)
        "tpu.region"() ({
          %run_scoped3A_247 = tpu.sem_alloc : memref<!tpu.dma_semaphore, #tpu.memory_space<semaphore_mem>>
          %dma_start3A_248 = arith.constant 0 : i32
          %dma_start3A_249 = tpu.memref_slice %arg6[%add3A_204, %dma_start3A_248] : memref<640000x128xf32, #tpu.memory_space<hbm>> -> memref<256x128xf32, #tpu.memory_space<hbm>>
          %dma_start3A_250 = arith.constant 0 : i32
          %dma_start3A_251 = tpu.memref_slice %arg6[%add3A_204, %dma_start3A_250] : memref<640000x128xf32, #tpu.memory_space<hbm>> -> memref<256x128xf32, #tpu.memory_space<hbm>>
          tpu.enqueue_dma source(%arg12 : memref<256x128xf32, #tpu.memory_space<vmem>>) target(%dma_start3A_251 : memref<256x128xf32, #tpu.memory_space<hbm>>) target_semaphore(%run_scoped3A_247 : memref<!tpu.dma_semaphore, #tpu.memory_space<semaphore_mem>>)
          %dma_wait3A_252 = arith.constant 0 : i32
          %dma_wait3A_253 = tpu.memref_slice %arg6[%add3A_204, %dma_wait3A_252] : memref<640000x128xf32, #tpu.memory_space<hbm>> -> memref<256x128xf32, #tpu.memory_space<hbm>>
          %dma_wait3A_254 = arith.constant 0 : i32
          %dma_wait3A_255 = tpu.memref_slice %arg6[%add3A_204, %dma_wait3A_254] : memref<640000x128xf32, #tpu.memory_space<hbm>> -> memref<256x128xf32, #tpu.memory_space<hbm>>
          tpu.wait_dma2 semaphore(%run_scoped3A_247 : memref<!tpu.dma_semaphore, #tpu.memory_space<semaphore_mem>>) src(%arg12 : memref<256x128xf32, #tpu.memory_space<vmem>>) dst(%dma_wait3A_255 : memref<256x128xf32, #tpu.memory_space<hbm>>)
          tpu.yield
        }) : () -> ()
        %run_scoped3A_245 = arith.constant 6 : i32
        "tpu.region"() ({
          %run_scoped3A_247 = tpu.sem_alloc : memref<!tpu.dma_semaphore, #tpu.memory_space<semaphore_mem>>
          %dma_start3A_248 = arith.constant 0 : i32
          %dma_start3A_249 = arith.constant 0 : i32
          %dma_start3A_250 = tpu.memref_slice %arg12[%dma_start3A_248, %dma_start3A_249] : memref<256x128xf32, #tpu.memory_space<vmem>> -> memref<128x128xf32, #tpu.memory_space<vmem>>
          %dma_start3A_251 = arith.constant 0 : i32
          %dma_start3A_252 = tpu.memref_slice %arg10[%run_scoped3A_245, %dma_start3A_251] : memref<8x128xi32, #tpu.memory_space<vmem>> -> memref<1x128xi32, #tpu.memory_space<vmem>>
          %dma_start3A_253 = tpu.memref_squeeze %dma_start3A_252 : memref<1x128xi32, #tpu.memory_space<vmem>> -> memref<128xi32, #tpu.memory_space<vmem>>
          %dma_start3A_254 = arith.constant 0 : i32
          %dma_start3A_255 = arith.constant 0 : i32
          %dma_start3A_256 = tpu.memref_slice %arg13[%dma_start3A_254, %dma_start3A_255] : memref<10000x128xf32, #tpu.memory_space<vmem_shared>> -> memref<10000x128xf32, #tpu.memory_space<vmem_shared>>
          tpu.enqueue_indirect_dma source(%dma_start3A_250 : memref<128x128xf32, #tpu.memory_space<vmem>>) target(%dma_start3A_256 : memref<10000x128xf32, #tpu.memory_space<vmem_shared>>) offsets(%dma_start3A_253 : memref<128xi32, #tpu.memory_space<vmem>>) semaphore(%run_scoped3A_247 : memref<!tpu.dma_semaphore, #tpu.memory_space<semaphore_mem>>) {add = true}
          %dma_wait3A_257 = arith.constant 0 : i32
          %dma_wait3A_258 = arith.constant 0 : i32
          %dma_wait3A_259 = tpu.memref_slice %arg12[%dma_wait3A_257, %dma_wait3A_258] : memref<256x128xf32, #tpu.memory_space<vmem>> -> memref<128x128xf32, #tpu.memory_space<vmem>>
          %dma_wait3A_260 = arith.constant 0 : i32
          %dma_wait3A_261 = tpu.memref_slice %arg10[%run_scoped3A_245, %dma_wait3A_260] : memref<8x128xi32, #tpu.memory_space<vmem>> -> memref<1x128xi32, #tpu.memory_space<vmem>>
          %dma_wait3A_262 = tpu.memref_squeeze %dma_wait3A_261 : memref<1x128xi32, #tpu.memory_space<vmem>> -> memref<128xi32, #tpu.memory_space<vmem>>
          %dma_wait3A_263 = arith.constant 0 : i32
          %dma_wait3A_264 = arith.constant 0 : i32
          %dma_wait3A_265 = tpu.memref_slice %arg13[%dma_wait3A_263, %dma_wait3A_264] : memref<10000x128xf32, #tpu.memory_space<vmem_shared>> -> memref<10000x128xf32, #tpu.memory_space<vmem_shared>>
          tpu.wait_indirect_dma semaphore(%run_scoped3A_247 : memref<!tpu.dma_semaphore, #tpu.memory_space<semaphore_mem>>) src(%dma_wait3A_259 : memref<128x128xf32, #tpu.memory_space<vmem>>) dst(%dma_wait3A_265 : memref<10000x128xf32, #tpu.memory_space<vmem_shared>>)
          tpu.yield
        }) : () -> ()
        %run_scoped3A_246 = arith.constant 7 : i32
        "tpu.region"() ({
          %run_scoped3A_247 = tpu.sem_alloc : memref<!tpu.dma_semaphore, #tpu.memory_space<semaphore_mem>>
          %dma_start3A_248 = arith.constant 128 : i32
          %dma_start3A_249 = arith.constant 0 : i32
          %dma_start3A_250 = tpu.memref_slice %arg12[%dma_start3A_248, %dma_start3A_249] : memref<256x128xf32, #tpu.memory_space<vmem>> -> memref<128x128xf32, #tpu.memory_space<vmem>>
          %dma_start3A_251 = arith.constant 0 : i32
          %dma_start3A_252 = tpu.memref_slice %arg10[%run_scoped3A_246, %dma_start3A_251] : memref<8x128xi32, #tpu.memory_space<vmem>> -> memref<1x128xi32, #tpu.memory_space<vmem>>
          %dma_start3A_253 = tpu.memref_squeeze %dma_start3A_252 : memref<1x128xi32, #tpu.memory_space<vmem>> -> memref<128xi32, #tpu.memory_space<vmem>>
          %dma_start3A_254 = arith.constant 0 : i32
          %dma_start3A_255 = arith.constant 0 : i32
          %dma_start3A_256 = tpu.memref_slice %arg13[%dma_start3A_254, %dma_start3A_255] : memref<10000x128xf32, #tpu.memory_space<vmem_shared>> -> memref<10000x128xf32, #tpu.memory_space<vmem_shared>>
          tpu.enqueue_indirect_dma source(%dma_start3A_250 : memref<128x128xf32, #tpu.memory_space<vmem>>) target(%dma_start3A_256 : memref<10000x128xf32, #tpu.memory_space<vmem_shared>>) offsets(%dma_start3A_253 : memref<128xi32, #tpu.memory_space<vmem>>) semaphore(%run_scoped3A_247 : memref<!tpu.dma_semaphore, #tpu.memory_space<semaphore_mem>>) {add = true}
          %dma_wait3A_257 = arith.constant 128 : i32
          %dma_wait3A_258 = arith.constant 0 : i32
          %dma_wait3A_259 = tpu.memref_slice %arg12[%dma_wait3A_257, %dma_wait3A_258] : memref<256x128xf32, #tpu.memory_space<vmem>> -> memref<128x128xf32, #tpu.memory_space<vmem>>
          %dma_wait3A_260 = arith.constant 0 : i32
          %dma_wait3A_261 = tpu.memref_slice %arg10[%run_scoped3A_246, %dma_wait3A_260] : memref<8x128xi32, #tpu.memory_space<vmem>> -> memref<1x128xi32, #tpu.memory_space<vmem>>
          %dma_wait3A_262 = tpu.memref_squeeze %dma_wait3A_261 : memref<1x128xi32, #tpu.memory_space<vmem>> -> memref<128xi32, #tpu.memory_space<vmem>>
          %dma_wait3A_263 = arith.constant 0 : i32
          %dma_wait3A_264 = arith.constant 0 : i32
          %dma_wait3A_265 = tpu.memref_slice %arg13[%dma_wait3A_263, %dma_wait3A_264] : memref<10000x128xf32, #tpu.memory_space<vmem_shared>> -> memref<10000x128xf32, #tpu.memory_space<vmem_shared>>
          tpu.wait_indirect_dma semaphore(%run_scoped3A_247 : memref<!tpu.dma_semaphore, #tpu.memory_space<semaphore_mem>>) src(%dma_wait3A_259 : memref<128x128xf32, #tpu.memory_space<vmem>>) dst(%dma_wait3A_265 : memref<10000x128xf32, #tpu.memory_space<vmem_shared>>)
          tpu.yield
        }) : () -> ()
      } else {
      }
      %while3A_65 = arith.constant 0 : i32
      scf.yield %while3A_65 : i32
    }
    %while3A_35 = arith.constant 1 : i32
    %while3A_36 = scf.for %while3A_48 = %while3A_32 to %while3A_28 step %while3A_35 iter_args(%while3A_49 = %while3A_34) -> (i32)  : i32 {
      %mul3A_50 = arith.constant 16 : i32
      %mul3A_51 = arith.muli %while3A_48, %mul3A_50 : i32
      %add3A_52 = arith.addi %arg1, %mul3A_51 : i32
      %mul3A_53 = arith.constant 8 : i32
      %mul3A_54 = arith.muli %add3A_52, %mul3A_53 : i32
      "tpu.region"() ({
        %run_scoped3A = tpu.sem_alloc : memref<!tpu.dma_semaphore, #tpu.memory_space<semaphore_mem>>
        %dma_start3A = arith.constant 0 : i32
        %dma_start3A_66 = tpu.memref_slice %arg2[%mul3A_54, %dma_start3A] : memref<5000x128xi32, #tpu.memory_space<hbm>> -> memref<8x128xi32, #tpu.memory_space<hbm>>
        %dma_start3A_67 = arith.constant 0 : i32
        %dma_start3A_68 = tpu.memref_slice %arg2[%mul3A_54, %dma_start3A_67] : memref<5000x128xi32, #tpu.memory_space<hbm>> -> memref<8x128xi32, #tpu.memory_space<hbm>>
        tpu.enqueue_dma source(%dma_start3A_68 : memref<8x128xi32, #tpu.memory_space<hbm>>) target(%arg10 : memref<8x128xi32, #tpu.memory_space<vmem>>) target_semaphore(%run_scoped3A : memref<!tpu.dma_semaphore, #tpu.memory_space<semaphore_mem>>)
        %dma_wait3A = arith.constant 0 : i32
        %dma_wait3A_69 = tpu.memref_slice %arg2[%mul3A_54, %dma_wait3A] : memref<5000x128xi32, #tpu.memory_space<hbm>> -> memref<8x128xi32, #tpu.memory_space<hbm>>
        %dma_wait3A_70 = arith.constant 0 : i32
        %dma_wait3A_71 = tpu.memref_slice %arg2[%mul3A_54, %dma_wait3A_70] : memref<5000x128xi32, #tpu.memory_space<hbm>> -> memref<8x128xi32, #tpu.memory_space<hbm>>
        tpu.wait_dma2 semaphore(%run_scoped3A : memref<!tpu.dma_semaphore, #tpu.memory_space<semaphore_mem>>) src(%dma_wait3A_71 : memref<8x128xi32, #tpu.memory_space<hbm>>) dst(%arg10 : memref<8x128xi32, #tpu.memory_space<vmem>>)
        tpu.yield
      }) : () -> ()
      %eq3A_55 = arith.constant 0 : i32
      %eq3A_56 = arith.cmpi eq, %arg0, %eq3A_55 : i32
      %convert_element_type3A_57 = arith.extui %eq3A_56 : i1 to i32
      %cond3A_58 = arith.constant 0 : i32
      %cond3A_59 = arith.cmpi ne, %convert_element_type3A_57, %cond3A_58 : i32
      scf.if %cond3A_59 {
        %mul3A_66 = arith.constant 1024 : i32
        %mul3A_67 = arith.muli %add3A_52, %mul3A_66 : i32
        %add3A_68 = arith.constant 0 : i32
        %add3A_69 = arith.addi %mul3A_67, %add3A_68 : i32
        "tpu.region"() ({
          %run_scoped3A_89 = tpu.sem_alloc : memref<!tpu.dma_semaphore, #tpu.memory_space<semaphore_mem>>
          %dma_start3A = arith.constant 0 : i32
          %dma_start3A_90 = tpu.memref_slice %arg4[%add3A_69, %dma_start3A] : memref<640000x128xf32, #tpu.memory_space<hbm>> -> memref<256x128xf32, #tpu.memory_space<hbm>>
          %dma_start3A_91 = arith.constant 0 : i32
          %dma_start3A_92 = tpu.memref_slice %arg4[%add3A_69, %dma_start3A_91] : memref<640000x128xf32, #tpu.memory_space<hbm>> -> memref<256x128xf32, #tpu.memory_space<hbm>>
          tpu.enqueue_dma source(%dma_start3A_92 : memref<256x128xf32, #tpu.memory_space<hbm>>) target(%arg12 : memref<256x128xf32, #tpu.memory_space<vmem>>) target_semaphore(%run_scoped3A_89 : memref<!tpu.dma_semaphore, #tpu.memory_space<semaphore_mem>>)
          %dma_wait3A = arith.constant 0 : i32
          %dma_wait3A_93 = tpu.memref_slice %arg4[%add3A_69, %dma_wait3A] : memref<640000x128xf32, #tpu.memory_space<hbm>> -> memref<256x128xf32, #tpu.memory_space<hbm>>
          %dma_wait3A_94 = arith.constant 0 : i32
          %dma_wait3A_95 = tpu.memref_slice %arg4[%add3A_69, %dma_wait3A_94] : memref<640000x128xf32, #tpu.memory_space<hbm>> -> memref<256x128xf32, #tpu.memory_space<hbm>>
          tpu.wait_dma2 semaphore(%run_scoped3A_89 : memref<!tpu.dma_semaphore, #tpu.memory_space<semaphore_mem>>) src(%dma_wait3A_95 : memref<256x128xf32, #tpu.memory_space<hbm>>) dst(%arg12 : memref<256x128xf32, #tpu.memory_space<vmem>>)
          tpu.yield
        }) : () -> ()
        %run_scoped3A = arith.constant 0 : i32
        "tpu.region"() ({
          %run_scoped3A_89 = tpu.sem_alloc : memref<!tpu.dma_semaphore, #tpu.memory_space<semaphore_mem>>
          %dma_start3A = arith.constant 0 : i32
          %dma_start3A_90 = arith.constant 0 : i32
          %dma_start3A_91 = tpu.memref_slice %arg12[%dma_start3A, %dma_start3A_90] : memref<256x128xf32, #tpu.memory_space<vmem>> -> memref<128x128xf32, #tpu.memory_space<vmem>>
          %dma_start3A_92 = arith.constant 0 : i32
          %dma_start3A_93 = tpu.memref_slice %arg10[%run_scoped3A, %dma_start3A_92] : memref<8x128xi32, #tpu.memory_space<vmem>> -> memref<1x128xi32, #tpu.memory_space<vmem>>
          %dma_start3A_94 = tpu.memref_squeeze %dma_start3A_93 : memref<1x128xi32, #tpu.memory_space<vmem>> -> memref<128xi32, #tpu.memory_space<vmem>>
          %dma_start3A_95 = arith.constant 0 : i32
          %dma_start3A_96 = arith.constant 0 : i32
          %dma_start3A_97 = tpu.memref_slice %arg13[%dma_start3A_95, %dma_start3A_96] : memref<10000x128xf32, #tpu.memory_space<vmem_shared>> -> memref<10000x128xf32, #tpu.memory_space<vmem_shared>>
          tpu.enqueue_indirect_dma source(%dma_start3A_91 : memref<128x128xf32, #tpu.memory_space<vmem>>) target(%dma_start3A_97 : memref<10000x128xf32, #tpu.memory_space<vmem_shared>>) offsets(%dma_start3A_94 : memref<128xi32, #tpu.memory_space<vmem>>) semaphore(%run_scoped3A_89 : memref<!tpu.dma_semaphore, #tpu.memory_space<semaphore_mem>>) {add = true}
          %dma_wait3A = arith.constant 0 : i32
          %dma_wait3A_98 = arith.constant 0 : i32
          %dma_wait3A_99 = tpu.memref_slice %arg12[%dma_wait3A, %dma_wait3A_98] : memref<256x128xf32, #tpu.memory_space<vmem>> -> memref<128x128xf32, #tpu.memory_space<vmem>>
          %dma_wait3A_100 = arith.constant 0 : i32
          %dma_wait3A_101 = tpu.memref_slice %arg10[%run_scoped3A, %dma_wait3A_100] : memref<8x128xi32, #tpu.memory_space<vmem>> -> memref<1x128xi32, #tpu.memory_space<vmem>>
          %dma_wait3A_102 = tpu.memref_squeeze %dma_wait3A_101 : memref<1x128xi32, #tpu.memory_space<vmem>> -> memref<128xi32, #tpu.memory_space<vmem>>
          %dma_wait3A_103 = arith.constant 0 : i32
          %dma_wait3A_104 = arith.constant 0 : i32
          %dma_wait3A_105 = tpu.memref_slice %arg13[%dma_wait3A_103, %dma_wait3A_104] : memref<10000x128xf32, #tpu.memory_space<vmem_shared>> -> memref<10000x128xf32, #tpu.memory_space<vmem_shared>>
          tpu.wait_indirect_dma semaphore(%run_scoped3A_89 : memref<!tpu.dma_semaphore, #tpu.memory_space<semaphore_mem>>) src(%dma_wait3A_99 : memref<128x128xf32, #tpu.memory_space<vmem>>) dst(%dma_wait3A_105 : memref<10000x128xf32, #tpu.memory_space<vmem_shared>>)
          tpu.yield
        }) : () -> ()
        %run_scoped3A_70 = arith.constant 1 : i32
        "tpu.region"() ({
          %run_scoped3A_89 = tpu.sem_alloc : memref<!tpu.dma_semaphore, #tpu.memory_space<semaphore_mem>>
          %dma_start3A = arith.constant 128 : i32
          %dma_start3A_90 = arith.constant 0 : i32
          %dma_start3A_91 = tpu.memref_slice %arg12[%dma_start3A, %dma_start3A_90] : memref<256x128xf32, #tpu.memory_space<vmem>> -> memref<128x128xf32, #tpu.memory_space<vmem>>
          %dma_start3A_92 = arith.constant 0 : i32
          %dma_start3A_93 = tpu.memref_slice %arg10[%run_scoped3A_70, %dma_start3A_92] : memref<8x128xi32, #tpu.memory_space<vmem>> -> memref<1x128xi32, #tpu.memory_space<vmem>>
          %dma_start3A_94 = tpu.memref_squeeze %dma_start3A_93 : memref<1x128xi32, #tpu.memory_space<vmem>> -> memref<128xi32, #tpu.memory_space<vmem>>
          %dma_start3A_95 = arith.constant 0 : i32
          %dma_start3A_96 = arith.constant 0 : i32
          %dma_start3A_97 = tpu.memref_slice %arg13[%dma_start3A_95, %dma_start3A_96] : memref<10000x128xf32, #tpu.memory_space<vmem_shared>> -> memref<10000x128xf32, #tpu.memory_space<vmem_shared>>
          tpu.enqueue_indirect_dma source(%dma_start3A_91 : memref<128x128xf32, #tpu.memory_space<vmem>>) target(%dma_start3A_97 : memref<10000x128xf32, #tpu.memory_space<vmem_shared>>) offsets(%dma_start3A_94 : memref<128xi32, #tpu.memory_space<vmem>>) semaphore(%run_scoped3A_89 : memref<!tpu.dma_semaphore, #tpu.memory_space<semaphore_mem>>) {add = true}
          %dma_wait3A = arith.constant 128 : i32
          %dma_wait3A_98 = arith.constant 0 : i32
          %dma_wait3A_99 = tpu.memref_slice %arg12[%dma_wait3A, %dma_wait3A_98] : memref<256x128xf32, #tpu.memory_space<vmem>> -> memref<128x128xf32, #tpu.memory_space<vmem>>
          %dma_wait3A_100 = arith.constant 0 : i32
          %dma_wait3A_101 = tpu.memref_slice %arg10[%run_scoped3A_70, %dma_wait3A_100] : memref<8x128xi32, #tpu.memory_space<vmem>> -> memref<1x128xi32, #tpu.memory_space<vmem>>
          %dma_wait3A_102 = tpu.memref_squeeze %dma_wait3A_101 : memref<1x128xi32, #tpu.memory_space<vmem>> -> memref<128xi32, #tpu.memory_space<vmem>>
          %dma_wait3A_103 = arith.constant 0 : i32
          %dma_wait3A_104 = arith.constant 0 : i32
          %dma_wait3A_105 = tpu.memref_slice %arg13[%dma_wait3A_103, %dma_wait3A_104] : memref<10000x128xf32, #tpu.memory_space<vmem_shared>> -> memref<10000x128xf32, #tpu.memory_space<vmem_shared>>
          tpu.wait_indirect_dma semaphore(%run_scoped3A_89 : memref<!tpu.dma_semaphore, #tpu.memory_space<semaphore_mem>>) src(%dma_wait3A_99 : memref<128x128xf32, #tpu.memory_space<vmem>>) dst(%dma_wait3A_105 : memref<10000x128xf32, #tpu.memory_space<vmem_shared>>)
          tpu.yield
        }) : () -> ()
        %mul3A_71 = arith.constant 1024 : i32
        %mul3A_72 = arith.muli %add3A_52, %mul3A_71 : i32
        %add3A_73 = arith.constant 256 : i32
        %add3A_74 = arith.addi %mul3A_72, %add3A_73 : i32
        "tpu.region"() ({
          %run_scoped3A_89 = tpu.sem_alloc : memref<!tpu.dma_semaphore, #tpu.memory_space<semaphore_mem>>
          %dma_start3A = arith.constant 0 : i32
          %dma_start3A_90 = tpu.memref_slice %arg4[%add3A_74, %dma_start3A] : memref<640000x128xf32, #tpu.memory_space<hbm>> -> memref<256x128xf32, #tpu.memory_space<hbm>>
          %dma_start3A_91 = arith.constant 0 : i32
          %dma_start3A_92 = tpu.memref_slice %arg4[%add3A_74, %dma_start3A_91] : memref<640000x128xf32, #tpu.memory_space<hbm>> -> memref<256x128xf32, #tpu.memory_space<hbm>>
          tpu.enqueue_dma source(%dma_start3A_92 : memref<256x128xf32, #tpu.memory_space<hbm>>) target(%arg12 : memref<256x128xf32, #tpu.memory_space<vmem>>) target_semaphore(%run_scoped3A_89 : memref<!tpu.dma_semaphore, #tpu.memory_space<semaphore_mem>>)
          %dma_wait3A = arith.constant 0 : i32
          %dma_wait3A_93 = tpu.memref_slice %arg4[%add3A_74, %dma_wait3A] : memref<640000x128xf32, #tpu.memory_space<hbm>> -> memref<256x128xf32, #tpu.memory_space<hbm>>
          %dma_wait3A_94 = arith.constant 0 : i32
          %dma_wait3A_95 = tpu.memref_slice %arg4[%add3A_74, %dma_wait3A_94] : memref<640000x128xf32, #tpu.memory_space<hbm>> -> memref<256x128xf32, #tpu.memory_space<hbm>>
          tpu.wait_dma2 semaphore(%run_scoped3A_89 : memref<!tpu.dma_semaphore, #tpu.memory_space<semaphore_mem>>) src(%dma_wait3A_95 : memref<256x128xf32, #tpu.memory_space<hbm>>) dst(%arg12 : memref<256x128xf32, #tpu.memory_space<vmem>>)
          tpu.yield
        }) : () -> ()
        %run_scoped3A_75 = arith.constant 2 : i32
        "tpu.region"() ({
          %run_scoped3A_89 = tpu.sem_alloc : memref<!tpu.dma_semaphore, #tpu.memory_space<semaphore_mem>>
          %dma_start3A = arith.constant 0 : i32
          %dma_start3A_90 = arith.constant 0 : i32
          %dma_start3A_91 = tpu.memref_slice %arg12[%dma_start3A, %dma_start3A_90] : memref<256x128xf32, #tpu.memory_space<vmem>> -> memref<128x128xf32, #tpu.memory_space<vmem>>
          %dma_start3A_92 = arith.constant 0 : i32
          %dma_start3A_93 = tpu.memref_slice %arg10[%run_scoped3A_75, %dma_start3A_92] : memref<8x128xi32, #tpu.memory_space<vmem>> -> memref<1x128xi32, #tpu.memory_space<vmem>>
          %dma_start3A_94 = tpu.memref_squeeze %dma_start3A_93 : memref<1x128xi32, #tpu.memory_space<vmem>> -> memref<128xi32, #tpu.memory_space<vmem>>
          %dma_start3A_95 = arith.constant 0 : i32
          %dma_start3A_96 = arith.constant 0 : i32
          %dma_start3A_97 = tpu.memref_slice %arg13[%dma_start3A_95, %dma_start3A_96] : memref<10000x128xf32, #tpu.memory_space<vmem_shared>> -> memref<10000x128xf32, #tpu.memory_space<vmem_shared>>
          tpu.enqueue_indirect_dma source(%dma_start3A_91 : memref<128x128xf32, #tpu.memory_space<vmem>>) target(%dma_start3A_97 : memref<10000x128xf32, #tpu.memory_space<vmem_shared>>) offsets(%dma_start3A_94 : memref<128xi32, #tpu.memory_space<vmem>>) semaphore(%run_scoped3A_89 : memref<!tpu.dma_semaphore, #tpu.memory_space<semaphore_mem>>) {add = true}
          %dma_wait3A = arith.constant 0 : i32
          %dma_wait3A_98 = arith.constant 0 : i32
          %dma_wait3A_99 = tpu.memref_slice %arg12[%dma_wait3A, %dma_wait3A_98] : memref<256x128xf32, #tpu.memory_space<vmem>> -> memref<128x128xf32, #tpu.memory_space<vmem>>
          %dma_wait3A_100 = arith.constant 0 : i32
          %dma_wait3A_101 = tpu.memref_slice %arg10[%run_scoped3A_75, %dma_wait3A_100] : memref<8x128xi32, #tpu.memory_space<vmem>> -> memref<1x128xi32, #tpu.memory_space<vmem>>
          %dma_wait3A_102 = tpu.memref_squeeze %dma_wait3A_101 : memref<1x128xi32, #tpu.memory_space<vmem>> -> memref<128xi32, #tpu.memory_space<vmem>>
          %dma_wait3A_103 = arith.constant 0 : i32
          %dma_wait3A_104 = arith.constant 0 : i32
          %dma_wait3A_105 = tpu.memref_slice %arg13[%dma_wait3A_103, %dma_wait3A_104] : memref<10000x128xf32, #tpu.memory_space<vmem_shared>> -> memref<10000x128xf32, #tpu.memory_space<vmem_shared>>
          tpu.wait_indirect_dma semaphore(%run_scoped3A_89 : memref<!tpu.dma_semaphore, #tpu.memory_space<semaphore_mem>>) src(%dma_wait3A_99 : memref<128x128xf32, #tpu.memory_space<vmem>>) dst(%dma_wait3A_105 : memref<10000x128xf32, #tpu.memory_space<vmem_shared>>)
          tpu.yield
        }) : () -> ()
        %run_scoped3A_76 = arith.constant 3 : i32
        "tpu.region"() ({
          %run_scoped3A_89 = tpu.sem_alloc : memref<!tpu.dma_semaphore, #tpu.memory_space<semaphore_mem>>
          %dma_start3A = arith.constant 128 : i32
          %dma_start3A_90 = arith.constant 0 : i32
          %dma_start3A_91 = tpu.memref_slice %arg12[%dma_start3A, %dma_start3A_90] : memref<256x128xf32, #tpu.memory_space<vmem>> -> memref<128x128xf32, #tpu.memory_space<vmem>>
          %dma_start3A_92 = arith.constant 0 : i32
          %dma_start3A_93 = tpu.memref_slice %arg10[%run_scoped3A_76, %dma_start3A_92] : memref<8x128xi32, #tpu.memory_space<vmem>> -> memref<1x128xi32, #tpu.memory_space<vmem>>
          %dma_start3A_94 = tpu.memref_squeeze %dma_start3A_93 : memref<1x128xi32, #tpu.memory_space<vmem>> -> memref<128xi32, #tpu.memory_space<vmem>>
          %dma_start3A_95 = arith.constant 0 : i32
          %dma_start3A_96 = arith.constant 0 : i32
          %dma_start3A_97 = tpu.memref_slice %arg13[%dma_start3A_95, %dma_start3A_96] : memref<10000x128xf32, #tpu.memory_space<vmem_shared>> -> memref<10000x128xf32, #tpu.memory_space<vmem_shared>>
          tpu.enqueue_indirect_dma source(%dma_start3A_91 : memref<128x128xf32, #tpu.memory_space<vmem>>) target(%dma_start3A_97 : memref<10000x128xf32, #tpu.memory_space<vmem_shared>>) offsets(%dma_start3A_94 : memref<128xi32, #tpu.memory_space<vmem>>) semaphore(%run_scoped3A_89 : memref<!tpu.dma_semaphore, #tpu.memory_space<semaphore_mem>>) {add = true}
          %dma_wait3A = arith.constant 128 : i32
          %dma_wait3A_98 = arith.constant 0 : i32
          %dma_wait3A_99 = tpu.memref_slice %arg12[%dma_wait3A, %dma_wait3A_98] : memref<256x128xf32, #tpu.memory_space<vmem>> -> memref<128x128xf32, #tpu.memory_space<vmem>>
          %dma_wait3A_100 = arith.constant 0 : i32
          %dma_wait3A_101 = tpu.memref_slice %arg10[%run_scoped3A_76, %dma_wait3A_100] : memref<8x128xi32, #tpu.memory_space<vmem>> -> memref<1x128xi32, #tpu.memory_space<vmem>>
          %dma_wait3A_102 = tpu.memref_squeeze %dma_wait3A_101 : memref<1x128xi32, #tpu.memory_space<vmem>> -> memref<128xi32, #tpu.memory_space<vmem>>
          %dma_wait3A_103 = arith.constant 0 : i32
          %dma_wait3A_104 = arith.constant 0 : i32
          %dma_wait3A_105 = tpu.memref_slice %arg13[%dma_wait3A_103, %dma_wait3A_104] : memref<10000x128xf32, #tpu.memory_space<vmem_shared>> -> memref<10000x128xf32, #tpu.memory_space<vmem_shared>>
          tpu.wait_indirect_dma semaphore(%run_scoped3A_89 : memref<!tpu.dma_semaphore, #tpu.memory_space<semaphore_mem>>) src(%dma_wait3A_99 : memref<128x128xf32, #tpu.memory_space<vmem>>) dst(%dma_wait3A_105 : memref<10000x128xf32, #tpu.memory_space<vmem_shared>>)
          tpu.yield
        }) : () -> ()
        %mul3A_77 = arith.constant 1024 : i32
        %mul3A_78 = arith.muli %add3A_52, %mul3A_77 : i32
        %add3A_79 = arith.constant 512 : i32
        %add3A_80 = arith.addi %mul3A_78, %add3A_79 : i32
        "tpu.region"() ({
          %run_scoped3A_89 = tpu.sem_alloc : memref<!tpu.dma_semaphore, #tpu.memory_space<semaphore_mem>>
          %dma_start3A = arith.constant 0 : i32
          %dma_start3A_90 = tpu.memref_slice %arg4[%add3A_80, %dma_start3A] : memref<640000x128xf32, #tpu.memory_space<hbm>> -> memref<256x128xf32, #tpu.memory_space<hbm>>
          %dma_start3A_91 = arith.constant 0 : i32
          %dma_start3A_92 = tpu.memref_slice %arg4[%add3A_80, %dma_start3A_91] : memref<640000x128xf32, #tpu.memory_space<hbm>> -> memref<256x128xf32, #tpu.memory_space<hbm>>
          tpu.enqueue_dma source(%dma_start3A_92 : memref<256x128xf32, #tpu.memory_space<hbm>>) target(%arg12 : memref<256x128xf32, #tpu.memory_space<vmem>>) target_semaphore(%run_scoped3A_89 : memref<!tpu.dma_semaphore, #tpu.memory_space<semaphore_mem>>)
          %dma_wait3A = arith.constant 0 : i32
          %dma_wait3A_93 = tpu.memref_slice %arg4[%add3A_80, %dma_wait3A] : memref<640000x128xf32, #tpu.memory_space<hbm>> -> memref<256x128xf32, #tpu.memory_space<hbm>>
          %dma_wait3A_94 = arith.constant 0 : i32
          %dma_wait3A_95 = tpu.memref_slice %arg4[%add3A_80, %dma_wait3A_94] : memref<640000x128xf32, #tpu.memory_space<hbm>> -> memref<256x128xf32, #tpu.memory_space<hbm>>
          tpu.wait_dma2 semaphore(%run_scoped3A_89 : memref<!tpu.dma_semaphore, #tpu.memory_space<semaphore_mem>>) src(%dma_wait3A_95 : memref<256x128xf32, #tpu.memory_space<hbm>>) dst(%arg12 : memref<256x128xf32, #tpu.memory_space<vmem>>)
          tpu.yield
        }) : () -> ()
        %run_scoped3A_81 = arith.constant 4 : i32
        "tpu.region"() ({
          %run_scoped3A_89 = tpu.sem_alloc : memref<!tpu.dma_semaphore, #tpu.memory_space<semaphore_mem>>
          %dma_start3A = arith.constant 0 : i32
          %dma_start3A_90 = arith.constant 0 : i32
          %dma_start3A_91 = tpu.memref_slice %arg12[%dma_start3A, %dma_start3A_90] : memref<256x128xf32, #tpu.memory_space<vmem>> -> memref<128x128xf32, #tpu.memory_space<vmem>>
          %dma_start3A_92 = arith.constant 0 : i32
          %dma_start3A_93 = tpu.memref_slice %arg10[%run_scoped3A_81, %dma_start3A_92] : memref<8x128xi32, #tpu.memory_space<vmem>> -> memref<1x128xi32, #tpu.memory_space<vmem>>
          %dma_start3A_94 = tpu.memref_squeeze %dma_start3A_93 : memref<1x128xi32, #tpu.memory_space<vmem>> -> memref<128xi32, #tpu.memory_space<vmem>>
          %dma_start3A_95 = arith.constant 0 : i32
          %dma_start3A_96 = arith.constant 0 : i32
          %dma_start3A_97 = tpu.memref_slice %arg13[%dma_start3A_95, %dma_start3A_96] : memref<10000x128xf32, #tpu.memory_space<vmem_shared>> -> memref<10000x128xf32, #tpu.memory_space<vmem_shared>>
          tpu.enqueue_indirect_dma source(%dma_start3A_91 : memref<128x128xf32, #tpu.memory_space<vmem>>) target(%dma_start3A_97 : memref<10000x128xf32, #tpu.memory_space<vmem_shared>>) offsets(%dma_start3A_94 : memref<128xi32, #tpu.memory_space<vmem>>) semaphore(%run_scoped3A_89 : memref<!tpu.dma_semaphore, #tpu.memory_space<semaphore_mem>>) {add = true}
          %dma_wait3A = arith.constant 0 : i32
          %dma_wait3A_98 = arith.constant 0 : i32
          %dma_wait3A_99 = tpu.memref_slice %arg12[%dma_wait3A, %dma_wait3A_98] : memref<256x128xf32, #tpu.memory_space<vmem>> -> memref<128x128xf32, #tpu.memory_space<vmem>>
          %dma_wait3A_100 = arith.constant 0 : i32
          %dma_wait3A_101 = tpu.memref_slice %arg10[%run_scoped3A_81, %dma_wait3A_100] : memref<8x128xi32, #tpu.memory_space<vmem>> -> memref<1x128xi32, #tpu.memory_space<vmem>>
          %dma_wait3A_102 = tpu.memref_squeeze %dma_wait3A_101 : memref<1x128xi32, #tpu.memory_space<vmem>> -> memref<128xi32, #tpu.memory_space<vmem>>
          %dma_wait3A_103 = arith.constant 0 : i32
          %dma_wait3A_104 = arith.constant 0 : i32
          %dma_wait3A_105 = tpu.memref_slice %arg13[%dma_wait3A_103, %dma_wait3A_104] : memref<10000x128xf32, #tpu.memory_space<vmem_shared>> -> memref<10000x128xf32, #tpu.memory_space<vmem_shared>>
          tpu.wait_indirect_dma semaphore(%run_scoped3A_89 : memref<!tpu.dma_semaphore, #tpu.memory_space<semaphore_mem>>) src(%dma_wait3A_99 : memref<128x128xf32, #tpu.memory_space<vmem>>) dst(%dma_wait3A_105 : memref<10000x128xf32, #tpu.memory_space<vmem_shared>>)
          tpu.yield
        }) : () -> ()
        %run_scoped3A_82 = arith.constant 5 : i32
        "tpu.region"() ({
          %run_scoped3A_89 = tpu.sem_alloc : memref<!tpu.dma_semaphore, #tpu.memory_space<semaphore_mem>>
          %dma_start3A = arith.constant 128 : i32
          %dma_start3A_90 = arith.constant 0 : i32
          %dma_start3A_91 = tpu.memref_slice %arg12[%dma_start3A, %dma_start3A_90] : memref<256x128xf32, #tpu.memory_space<vmem>> -> memref<128x128xf32, #tpu.memory_space<vmem>>
          %dma_start3A_92 = arith.constant 0 : i32
          %dma_start3A_93 = tpu.memref_slice %arg10[%run_scoped3A_82, %dma_start3A_92] : memref<8x128xi32, #tpu.memory_space<vmem>> -> memref<1x128xi32, #tpu.memory_space<vmem>>
          %dma_start3A_94 = tpu.memref_squeeze %dma_start3A_93 : memref<1x128xi32, #tpu.memory_space<vmem>> -> memref<128xi32, #tpu.memory_space<vmem>>
          %dma_start3A_95 = arith.constant 0 : i32
          %dma_start3A_96 = arith.constant 0 : i32
          %dma_start3A_97 = tpu.memref_slice %arg13[%dma_start3A_95, %dma_start3A_96] : memref<10000x128xf32, #tpu.memory_space<vmem_shared>> -> memref<10000x128xf32, #tpu.memory_space<vmem_shared>>
          tpu.enqueue_indirect_dma source(%dma_start3A_91 : memref<128x128xf32, #tpu.memory_space<vmem>>) target(%dma_start3A_97 : memref<10000x128xf32, #tpu.memory_space<vmem_shared>>) offsets(%dma_start3A_94 : memref<128xi32, #tpu.memory_space<vmem>>) semaphore(%run_scoped3A_89 : memref<!tpu.dma_semaphore, #tpu.memory_space<semaphore_mem>>) {add = true}
          %dma_wait3A = arith.constant 128 : i32
          %dma_wait3A_98 = arith.constant 0 : i32
          %dma_wait3A_99 = tpu.memref_slice %arg12[%dma_wait3A, %dma_wait3A_98] : memref<256x128xf32, #tpu.memory_space<vmem>> -> memref<128x128xf32, #tpu.memory_space<vmem>>
          %dma_wait3A_100 = arith.constant 0 : i32
          %dma_wait3A_101 = tpu.memref_slice %arg10[%run_scoped3A_82, %dma_wait3A_100] : memref<8x128xi32, #tpu.memory_space<vmem>> -> memref<1x128xi32, #tpu.memory_space<vmem>>
          %dma_wait3A_102 = tpu.memref_squeeze %dma_wait3A_101 : memref<1x128xi32, #tpu.memory_space<vmem>> -> memref<128xi32, #tpu.memory_space<vmem>>
          %dma_wait3A_103 = arith.constant 0 : i32
          %dma_wait3A_104 = arith.constant 0 : i32
          %dma_wait3A_105 = tpu.memref_slice %arg13[%dma_wait3A_103, %dma_wait3A_104] : memref<10000x128xf32, #tpu.memory_space<vmem_shared>> -> memref<10000x128xf32, #tpu.memory_space<vmem_shared>>
          tpu.wait_indirect_dma semaphore(%run_scoped3A_89 : memref<!tpu.dma_semaphore, #tpu.memory_space<semaphore_mem>>) src(%dma_wait3A_99 : memref<128x128xf32, #tpu.memory_space<vmem>>) dst(%dma_wait3A_105 : memref<10000x128xf32, #tpu.memory_space<vmem_shared>>)
          tpu.yield
        }) : () -> ()
        %mul3A_83 = arith.constant 1024 : i32
        %mul3A_84 = arith.muli %add3A_52, %mul3A_83 : i32
        %add3A_85 = arith.constant 768 : i32
        %add3A_86 = arith.addi %mul3A_84, %add3A_85 : i32
        "tpu.region"() ({
          %run_scoped3A_89 = tpu.sem_alloc : memref<!tpu.dma_semaphore, #tpu.memory_space<semaphore_mem>>
          %dma_start3A = arith.constant 0 : i32
          %dma_start3A_90 = tpu.memref_slice %arg4[%add3A_86, %dma_start3A] : memref<640000x128xf32, #tpu.memory_space<hbm>> -> memref<256x128xf32, #tpu.memory_space<hbm>>
          %dma_start3A_91 = arith.constant 0 : i32
          %dma_start3A_92 = tpu.memref_slice %arg4[%add3A_86, %dma_start3A_91] : memref<640000x128xf32, #tpu.memory_space<hbm>> -> memref<256x128xf32, #tpu.memory_space<hbm>>
          tpu.enqueue_dma source(%dma_start3A_92 : memref<256x128xf32, #tpu.memory_space<hbm>>) target(%arg12 : memref<256x128xf32, #tpu.memory_space<vmem>>) target_semaphore(%run_scoped3A_89 : memref<!tpu.dma_semaphore, #tpu.memory_space<semaphore_mem>>)
          %dma_wait3A = arith.constant 0 : i32
          %dma_wait3A_93 = tpu.memref_slice %arg4[%add3A_86, %dma_wait3A] : memref<640000x128xf32, #tpu.memory_space<hbm>> -> memref<256x128xf32, #tpu.memory_space<hbm>>
          %dma_wait3A_94 = arith.constant 0 : i32
          %dma_wait3A_95 = tpu.memref_slice %arg4[%add3A_86, %dma_wait3A_94] : memref<640000x128xf32, #tpu.memory_space<hbm>> -> memref<256x128xf32, #tpu.memory_space<hbm>>
          tpu.wait_dma2 semaphore(%run_scoped3A_89 : memref<!tpu.dma_semaphore, #tpu.memory_space<semaphore_mem>>) src(%dma_wait3A_95 : memref<256x128xf32, #tpu.memory_space<hbm>>) dst(%arg12 : memref<256x128xf32, #tpu.memory_space<vmem>>)
          tpu.yield
        }) : () -> ()
        %run_scoped3A_87 = arith.constant 6 : i32
        "tpu.region"() ({
          %run_scoped3A_89 = tpu.sem_alloc : memref<!tpu.dma_semaphore, #tpu.memory_space<semaphore_mem>>
          %dma_start3A = arith.constant 0 : i32
          %dma_start3A_90 = arith.constant 0 : i32
          %dma_start3A_91 = tpu.memref_slice %arg12[%dma_start3A, %dma_start3A_90] : memref<256x128xf32, #tpu.memory_space<vmem>> -> memref<128x128xf32, #tpu.memory_space<vmem>>
          %dma_start3A_92 = arith.constant 0 : i32
          %dma_start3A_93 = tpu.memref_slice %arg10[%run_scoped3A_87, %dma_start3A_92] : memref<8x128xi32, #tpu.memory_space<vmem>> -> memref<1x128xi32, #tpu.memory_space<vmem>>
          %dma_start3A_94 = tpu.memref_squeeze %dma_start3A_93 : memref<1x128xi32, #tpu.memory_space<vmem>> -> memref<128xi32, #tpu.memory_space<vmem>>
          %dma_start3A_95 = arith.constant 0 : i32
          %dma_start3A_96 = arith.constant 0 : i32
          %dma_start3A_97 = tpu.memref_slice %arg13[%dma_start3A_95, %dma_start3A_96] : memref<10000x128xf32, #tpu.memory_space<vmem_shared>> -> memref<10000x128xf32, #tpu.memory_space<vmem_shared>>
          tpu.enqueue_indirect_dma source(%dma_start3A_91 : memref<128x128xf32, #tpu.memory_space<vmem>>) target(%dma_start3A_97 : memref<10000x128xf32, #tpu.memory_space<vmem_shared>>) offsets(%dma_start3A_94 : memref<128xi32, #tpu.memory_space<vmem>>) semaphore(%run_scoped3A_89 : memref<!tpu.dma_semaphore, #tpu.memory_space<semaphore_mem>>) {add = true}
          %dma_wait3A = arith.constant 0 : i32
          %dma_wait3A_98 = arith.constant 0 : i32
          %dma_wait3A_99 = tpu.memref_slice %arg12[%dma_wait3A, %dma_wait3A_98] : memref<256x128xf32, #tpu.memory_space<vmem>> -> memref<128x128xf32, #tpu.memory_space<vmem>>
          %dma_wait3A_100 = arith.constant 0 : i32
          %dma_wait3A_101 = tpu.memref_slice %arg10[%run_scoped3A_87, %dma_wait3A_100] : memref<8x128xi32, #tpu.memory_space<vmem>> -> memref<1x128xi32, #tpu.memory_space<vmem>>
          %dma_wait3A_102 = tpu.memref_squeeze %dma_wait3A_101 : memref<1x128xi32, #tpu.memory_space<vmem>> -> memref<128xi32, #tpu.memory_space<vmem>>
          %dma_wait3A_103 = arith.constant 0 : i32
          %dma_wait3A_104 = arith.constant 0 : i32
          %dma_wait3A_105 = tpu.memref_slice %arg13[%dma_wait3A_103, %dma_wait3A_104] : memref<10000x128xf32, #tpu.memory_space<vmem_shared>> -> memref<10000x128xf32, #tpu.memory_space<vmem_shared>>
          tpu.wait_indirect_dma semaphore(%run_scoped3A_89 : memref<!tpu.dma_semaphore, #tpu.memory_space<semaphore_mem>>) src(%dma_wait3A_99 : memref<128x128xf32, #tpu.memory_space<vmem>>) dst(%dma_wait3A_105 : memref<10000x128xf32, #tpu.memory_space<vmem_shared>>)
          tpu.yield
        }) : () -> ()
        %run_scoped3A_88 = arith.constant 7 : i32
        "tpu.region"() ({
          %run_scoped3A_89 = tpu.sem_alloc : memref<!tpu.dma_semaphore, #tpu.memory_space<semaphore_mem>>
          %dma_start3A = arith.constant 128 : i32
          %dma_start3A_90 = arith.constant 0 : i32
          %dma_start3A_91 = tpu.memref_slice %arg12[%dma_start3A, %dma_start3A_90] : memref<256x128xf32, #tpu.memory_space<vmem>> -> memref<128x128xf32, #tpu.memory_space<vmem>>
          %dma_start3A_92 = arith.constant 0 : i32
          %dma_start3A_93 = tpu.memref_slice %arg10[%run_scoped3A_88, %dma_start3A_92] : memref<8x128xi32, #tpu.memory_space<vmem>> -> memref<1x128xi32, #tpu.memory_space<vmem>>
          %dma_start3A_94 = tpu.memref_squeeze %dma_start3A_93 : memref<1x128xi32, #tpu.memory_space<vmem>> -> memref<128xi32, #tpu.memory_space<vmem>>
          %dma_start3A_95 = arith.constant 0 : i32
          %dma_start3A_96 = arith.constant 0 : i32
          %dma_start3A_97 = tpu.memref_slice %arg13[%dma_start3A_95, %dma_start3A_96] : memref<10000x128xf32, #tpu.memory_space<vmem_shared>> -> memref<10000x128xf32, #tpu.memory_space<vmem_shared>>
          tpu.enqueue_indirect_dma source(%dma_start3A_91 : memref<128x128xf32, #tpu.memory_space<vmem>>) target(%dma_start3A_97 : memref<10000x128xf32, #tpu.memory_space<vmem_shared>>) offsets(%dma_start3A_94 : memref<128xi32, #tpu.memory_space<vmem>>) semaphore(%run_scoped3A_89 : memref<!tpu.dma_semaphore, #tpu.memory_space<semaphore_mem>>) {add = true}
          %dma_wait3A = arith.constant 128 : i32
          %dma_wait3A_98 = arith.constant 0 : i32
          %dma_wait3A_99 = tpu.memref_slice %arg12[%dma_wait3A, %dma_wait3A_98] : memref<256x128xf32, #tpu.memory_space<vmem>> -> memref<128x128xf32, #tpu.memory_space<vmem>>
          %dma_wait3A_100 = arith.constant 0 : i32
          %dma_wait3A_101 = tpu.memref_slice %arg10[%run_scoped3A_88, %dma_wait3A_100] : memref<8x128xi32, #tpu.memory_space<vmem>> -> memref<1x128xi32, #tpu.memory_space<vmem>>
          %dma_wait3A_102 = tpu.memref_squeeze %dma_wait3A_101 : memref<1x128xi32, #tpu.memory_space<vmem>> -> memref<128xi32, #tpu.memory_space<vmem>>
          %dma_wait3A_103 = arith.constant 0 : i32
          %dma_wait3A_104 = arith.constant 0 : i32
          %dma_wait3A_105 = tpu.memref_slice %arg13[%dma_wait3A_103, %dma_wait3A_104] : memref<10000x128xf32, #tpu.memory_space<vmem_shared>> -> memref<10000x128xf32, #tpu.memory_space<vmem_shared>>
          tpu.wait_indirect_dma semaphore(%run_scoped3A_89 : memref<!tpu.dma_semaphore, #tpu.memory_space<semaphore_mem>>) src(%dma_wait3A_99 : memref<128x128xf32, #tpu.memory_space<vmem>>) dst(%dma_wait3A_105 : memref<10000x128xf32, #tpu.memory_space<vmem_shared>>)
          tpu.yield
        }) : () -> ()
      } else {
      }
      %eq3A_60 = arith.constant 1 : i32
      %eq3A_61 = arith.cmpi eq, %arg0, %eq3A_60 : i32
      %convert_element_type3A_62 = arith.extui %eq3A_61 : i1 to i32
      %cond3A_63 = arith.constant 0 : i32
      %cond3A_64 = arith.cmpi ne, %convert_element_type3A_62, %cond3A_63 : i32
      scf.if %cond3A_64 {
        "tpu.region"() ({
          %run_scoped3A_247 = tpu.sem_alloc : memref<!tpu.dma_semaphore, #tpu.memory_space<semaphore_mem>>
          %dma_start3A_248 = arith.constant 0 : i32
          %dma_start3A_249 = tpu.memref_slice %arg3[%mul3A_54, %dma_start3A_248] : memref<5000x128xi32, #tpu.memory_space<hbm>> -> memref<8x128xi32, #tpu.memory_space<hbm>>
          %dma_start3A_250 = arith.constant 0 : i32
          %dma_start3A_251 = tpu.memref_slice %arg3[%mul3A_54, %dma_start3A_250] : memref<5000x128xi32, #tpu.memory_space<hbm>> -> memref<8x128xi32, #tpu.memory_space<hbm>>
          tpu.enqueue_dma source(%dma_start3A_251 : memref<8x128xi32, #tpu.memory_space<hbm>>) target(%arg11 : memref<8x128xi32, #tpu.memory_space<vmem>>) target_semaphore(%run_scoped3A_247 : memref<!tpu.dma_semaphore, #tpu.memory_space<semaphore_mem>>)
          %dma_wait3A_252 = arith.constant 0 : i32
          %dma_wait3A_253 = tpu.memref_slice %arg3[%mul3A_54, %dma_wait3A_252] : memref<5000x128xi32, #tpu.memory_space<hbm>> -> memref<8x128xi32, #tpu.memory_space<hbm>>
          %dma_wait3A_254 = arith.constant 0 : i32
          %dma_wait3A_255 = tpu.memref_slice %arg3[%mul3A_54, %dma_wait3A_254] : memref<5000x128xi32, #tpu.memory_space<hbm>> -> memref<8x128xi32, #tpu.memory_space<hbm>>
          tpu.wait_dma2 semaphore(%run_scoped3A_247 : memref<!tpu.dma_semaphore, #tpu.memory_space<semaphore_mem>>) src(%dma_wait3A_255 : memref<8x128xi32, #tpu.memory_space<hbm>>) dst(%arg11 : memref<8x128xi32, #tpu.memory_space<vmem>>)
          tpu.yield
        }) : () -> ()
        %mul3A_66 = arith.constant 1024 : i32
        %mul3A_67 = arith.muli %add3A_52, %mul3A_66 : i32
        %add3A_68 = arith.constant 0 : i32
        %add3A_69 = arith.addi %mul3A_67, %add3A_68 : i32
        %dma_start3A = arith.constant 0 : i32
        %dma_start3A_70 = arith.constant 0 : i32
        %dma_start3A_71 = arith.constant 0 : i32
        %dma_start3A_72 = tpu.memref_slice %arg12[%dma_start3A_70, %dma_start3A_71] : memref<256x128xf32, #tpu.memory_space<vmem>> -> memref<128x128xf32, #tpu.memory_space<vmem>>
        %dma_start3A_73 = arith.constant 0 : i32
        %dma_start3A_74 = tpu.memref_slice %arg11[%dma_start3A, %dma_start3A_73] : memref<8x128xi32, #tpu.memory_space<vmem>> -> memref<1x128xi32, #tpu.memory_space<vmem>>
        %dma_start3A_75 = tpu.memref_squeeze %dma_start3A_74 : memref<1x128xi32, #tpu.memory_space<vmem>> -> memref<128xi32, #tpu.memory_space<vmem>>
        %dma_start3A_76 = arith.constant 0 : i32
        %dma_start3A_77 = arith.constant 0 : i32
        %dma_start3A_78 = tpu.memref_slice %arg5[%dma_start3A_76, %dma_start3A_77] : memref<10000x128xf32, #tpu.memory_space<hbm>> -> memref<10000x128xf32, #tpu.memory_space<hbm>>
        tpu.enqueue_indirect_dma source(%dma_start3A_78 : memref<10000x128xf32, #tpu.memory_space<hbm>>) target(%dma_start3A_72 : memref<128x128xf32, #tpu.memory_space<vmem>>) offsets(%dma_start3A_75 : memref<128xi32, #tpu.memory_space<vmem>>) semaphore(%arg14 : memref<!tpu.dma_semaphore, #tpu.memory_space<semaphore_mem>>)
        %dma_start3A_79 = arith.constant 1 : i32
        %dma_start3A_80 = arith.constant 128 : i32
        %dma_start3A_81 = arith.constant 0 : i32
        %dma_start3A_82 = tpu.memref_slice %arg12[%dma_start3A_80, %dma_start3A_81] : memref<256x128xf32, #tpu.memory_space<vmem>> -> memref<128x128xf32, #tpu.memory_space<vmem>>
        %dma_start3A_83 = arith.constant 0 : i32
        %dma_start3A_84 = tpu.memref_slice %arg11[%dma_start3A_79, %dma_start3A_83] : memref<8x128xi32, #tpu.memory_space<vmem>> -> memref<1x128xi32, #tpu.memory_space<vmem>>
        %dma_start3A_85 = tpu.memref_squeeze %dma_start3A_84 : memref<1x128xi32, #tpu.memory_space<vmem>> -> memref<128xi32, #tpu.memory_space<vmem>>
        %dma_start3A_86 = arith.constant 0 : i32
        %dma_start3A_87 = arith.constant 0 : i32
        %dma_start3A_88 = tpu.memref_slice %arg5[%dma_start3A_86, %dma_start3A_87] : memref<10000x128xf32, #tpu.memory_space<hbm>> -> memref<10000x128xf32, #tpu.memory_space<hbm>>
        tpu.enqueue_indirect_dma source(%dma_start3A_88 : memref<10000x128xf32, #tpu.memory_space<hbm>>) target(%dma_start3A_82 : memref<128x128xf32, #tpu.memory_space<vmem>>) offsets(%dma_start3A_85 : memref<128xi32, #tpu.memory_space<vmem>>) semaphore(%arg14 : memref<!tpu.dma_semaphore, #tpu.memory_space<semaphore_mem>>)
        %dma_wait3A = arith.constant 0 : i32
        %dma_wait3A_89 = arith.constant 0 : i32
        %dma_wait3A_90 = arith.constant 0 : i32
        %dma_wait3A_91 = tpu.memref_slice %arg12[%dma_wait3A_89, %dma_wait3A_90] : memref<256x128xf32, #tpu.memory_space<vmem>> -> memref<128x128xf32, #tpu.memory_space<vmem>>
        %dma_wait3A_92 = arith.constant 0 : i32
        %dma_wait3A_93 = tpu.memref_slice %arg11[%dma_wait3A, %dma_wait3A_92] : memref<8x128xi32, #tpu.memory_space<vmem>> -> memref<1x128xi32, #tpu.memory_space<vmem>>
        %dma_wait3A_94 = tpu.memref_squeeze %dma_wait3A_93 : memref<1x128xi32, #tpu.memory_space<vmem>> -> memref<128xi32, #tpu.memory_space<vmem>>
        %dma_wait3A_95 = arith.constant 0 : i32
        %dma_wait3A_96 = arith.constant 0 : i32
        %dma_wait3A_97 = tpu.memref_slice %arg5[%dma_wait3A_95, %dma_wait3A_96] : memref<10000x128xf32, #tpu.memory_space<hbm>> -> memref<10000x128xf32, #tpu.memory_space<hbm>>
        tpu.wait_indirect_dma semaphore(%arg14 : memref<!tpu.dma_semaphore, #tpu.memory_space<semaphore_mem>>) src(%dma_wait3A_97 : memref<10000x128xf32, #tpu.memory_space<hbm>>) dst(%dma_wait3A_91 : memref<128x128xf32, #tpu.memory_space<vmem>>)
        %dma_wait3A_98 = arith.constant 1 : i32
        %dma_wait3A_99 = arith.constant 128 : i32
        %dma_wait3A_100 = arith.constant 0 : i32
        %dma_wait3A_101 = tpu.memref_slice %arg12[%dma_wait3A_99, %dma_wait3A_100] : memref<256x128xf32, #tpu.memory_space<vmem>> -> memref<128x128xf32, #tpu.memory_space<vmem>>
        %dma_wait3A_102 = arith.constant 0 : i32
        %dma_wait3A_103 = tpu.memref_slice %arg11[%dma_wait3A_98, %dma_wait3A_102] : memref<8x128xi32, #tpu.memory_space<vmem>> -> memref<1x128xi32, #tpu.memory_space<vmem>>
        %dma_wait3A_104 = tpu.memref_squeeze %dma_wait3A_103 : memref<1x128xi32, #tpu.memory_space<vmem>> -> memref<128xi32, #tpu.memory_space<vmem>>
        %dma_wait3A_105 = arith.constant 0 : i32
        %dma_wait3A_106 = arith.constant 0 : i32
        %dma_wait3A_107 = tpu.memref_slice %arg5[%dma_wait3A_105, %dma_wait3A_106] : memref<10000x128xf32, #tpu.memory_space<hbm>> -> memref<10000x128xf32, #tpu.memory_space<hbm>>
        tpu.wait_indirect_dma semaphore(%arg14 : memref<!tpu.dma_semaphore, #tpu.memory_space<semaphore_mem>>) src(%dma_wait3A_107 : memref<10000x128xf32, #tpu.memory_space<hbm>>) dst(%dma_wait3A_101 : memref<128x128xf32, #tpu.memory_space<vmem>>)
        "tpu.region"() ({
          %run_scoped3A_247 = tpu.sem_alloc : memref<!tpu.dma_semaphore, #tpu.memory_space<semaphore_mem>>
          %dma_start3A_248 = arith.constant 0 : i32
          %dma_start3A_249 = tpu.memref_slice %arg6[%add3A_69, %dma_start3A_248] : memref<640000x128xf32, #tpu.memory_space<hbm>> -> memref<256x128xf32, #tpu.memory_space<hbm>>
          %dma_start3A_250 = arith.constant 0 : i32
          %dma_start3A_251 = tpu.memref_slice %arg6[%add3A_69, %dma_start3A_250] : memref<640000x128xf32, #tpu.memory_space<hbm>> -> memref<256x128xf32, #tpu.memory_space<hbm>>
          tpu.enqueue_dma source(%arg12 : memref<256x128xf32, #tpu.memory_space<vmem>>) target(%dma_start3A_251 : memref<256x128xf32, #tpu.memory_space<hbm>>) target_semaphore(%run_scoped3A_247 : memref<!tpu.dma_semaphore, #tpu.memory_space<semaphore_mem>>)
          %dma_wait3A_252 = arith.constant 0 : i32
          %dma_wait3A_253 = tpu.memref_slice %arg6[%add3A_69, %dma_wait3A_252] : memref<640000x128xf32, #tpu.memory_space<hbm>> -> memref<256x128xf32, #tpu.memory_space<hbm>>
          %dma_wait3A_254 = arith.constant 0 : i32
          %dma_wait3A_255 = tpu.memref_slice %arg6[%add3A_69, %dma_wait3A_254] : memref<640000x128xf32, #tpu.memory_space<hbm>> -> memref<256x128xf32, #tpu.memory_space<hbm>>
          tpu.wait_dma2 semaphore(%run_scoped3A_247 : memref<!tpu.dma_semaphore, #tpu.memory_space<semaphore_mem>>) src(%arg12 : memref<256x128xf32, #tpu.memory_space<vmem>>) dst(%dma_wait3A_255 : memref<256x128xf32, #tpu.memory_space<hbm>>)
          tpu.yield
        }) : () -> ()
        %run_scoped3A = arith.constant 0 : i32
        "tpu.region"() ({
          %run_scoped3A_247 = tpu.sem_alloc : memref<!tpu.dma_semaphore, #tpu.memory_space<semaphore_mem>>
          %dma_start3A_248 = arith.constant 0 : i32
          %dma_start3A_249 = arith.constant 0 : i32
          %dma_start3A_250 = tpu.memref_slice %arg12[%dma_start3A_248, %dma_start3A_249] : memref<256x128xf32, #tpu.memory_space<vmem>> -> memref<128x128xf32, #tpu.memory_space<vmem>>
          %dma_start3A_251 = arith.constant 0 : i32
          %dma_start3A_252 = tpu.memref_slice %arg10[%run_scoped3A, %dma_start3A_251] : memref<8x128xi32, #tpu.memory_space<vmem>> -> memref<1x128xi32, #tpu.memory_space<vmem>>
          %dma_start3A_253 = tpu.memref_squeeze %dma_start3A_252 : memref<1x128xi32, #tpu.memory_space<vmem>> -> memref<128xi32, #tpu.memory_space<vmem>>
          %dma_start3A_254 = arith.constant 0 : i32
          %dma_start3A_255 = arith.constant 0 : i32
          %dma_start3A_256 = tpu.memref_slice %arg13[%dma_start3A_254, %dma_start3A_255] : memref<10000x128xf32, #tpu.memory_space<vmem_shared>> -> memref<10000x128xf32, #tpu.memory_space<vmem_shared>>
          tpu.enqueue_indirect_dma source(%dma_start3A_250 : memref<128x128xf32, #tpu.memory_space<vmem>>) target(%dma_start3A_256 : memref<10000x128xf32, #tpu.memory_space<vmem_shared>>) offsets(%dma_start3A_253 : memref<128xi32, #tpu.memory_space<vmem>>) semaphore(%run_scoped3A_247 : memref<!tpu.dma_semaphore, #tpu.memory_space<semaphore_mem>>) {add = true}
          %dma_wait3A_257 = arith.constant 0 : i32
          %dma_wait3A_258 = arith.constant 0 : i32
          %dma_wait3A_259 = tpu.memref_slice %arg12[%dma_wait3A_257, %dma_wait3A_258] : memref<256x128xf32, #tpu.memory_space<vmem>> -> memref<128x128xf32, #tpu.memory_space<vmem>>
          %dma_wait3A_260 = arith.constant 0 : i32
          %dma_wait3A_261 = tpu.memref_slice %arg10[%run_scoped3A, %dma_wait3A_260] : memref<8x128xi32, #tpu.memory_space<vmem>> -> memref<1x128xi32, #tpu.memory_space<vmem>>
          %dma_wait3A_262 = tpu.memref_squeeze %dma_wait3A_261 : memref<1x128xi32, #tpu.memory_space<vmem>> -> memref<128xi32, #tpu.memory_space<vmem>>
          %dma_wait3A_263 = arith.constant 0 : i32
          %dma_wait3A_264 = arith.constant 0 : i32
          %dma_wait3A_265 = tpu.memref_slice %arg13[%dma_wait3A_263, %dma_wait3A_264] : memref<10000x128xf32, #tpu.memory_space<vmem_shared>> -> memref<10000x128xf32, #tpu.memory_space<vmem_shared>>
          tpu.wait_indirect_dma semaphore(%run_scoped3A_247 : memref<!tpu.dma_semaphore, #tpu.memory_space<semaphore_mem>>) src(%dma_wait3A_259 : memref<128x128xf32, #tpu.memory_space<vmem>>) dst(%dma_wait3A_265 : memref<10000x128xf32, #tpu.memory_space<vmem_shared>>)
          tpu.yield
        }) : () -> ()
        %run_scoped3A_108 = arith.constant 1 : i32
        "tpu.region"() ({
          %run_scoped3A_247 = tpu.sem_alloc : memref<!tpu.dma_semaphore, #tpu.memory_space<semaphore_mem>>
          %dma_start3A_248 = arith.constant 128 : i32
          %dma_start3A_249 = arith.constant 0 : i32
          %dma_start3A_250 = tpu.memref_slice %arg12[%dma_start3A_248, %dma_start3A_249] : memref<256x128xf32, #tpu.memory_space<vmem>> -> memref<128x128xf32, #tpu.memory_space<vmem>>
          %dma_start3A_251 = arith.constant 0 : i32
          %dma_start3A_252 = tpu.memref_slice %arg10[%run_scoped3A_108, %dma_start3A_251] : memref<8x128xi32, #tpu.memory_space<vmem>> -> memref<1x128xi32, #tpu.memory_space<vmem>>
          %dma_start3A_253 = tpu.memref_squeeze %dma_start3A_252 : memref<1x128xi32, #tpu.memory_space<vmem>> -> memref<128xi32, #tpu.memory_space<vmem>>
          %dma_start3A_254 = arith.constant 0 : i32
          %dma_start3A_255 = arith.constant 0 : i32
          %dma_start3A_256 = tpu.memref_slice %arg13[%dma_start3A_254, %dma_start3A_255] : memref<10000x128xf32, #tpu.memory_space<vmem_shared>> -> memref<10000x128xf32, #tpu.memory_space<vmem_shared>>
          tpu.enqueue_indirect_dma source(%dma_start3A_250 : memref<128x128xf32, #tpu.memory_space<vmem>>) target(%dma_start3A_256 : memref<10000x128xf32, #tpu.memory_space<vmem_shared>>) offsets(%dma_start3A_253 : memref<128xi32, #tpu.memory_space<vmem>>) semaphore(%run_scoped3A_247 : memref<!tpu.dma_semaphore, #tpu.memory_space<semaphore_mem>>) {add = true}
          %dma_wait3A_257 = arith.constant 128 : i32
          %dma_wait3A_258 = arith.constant 0 : i32
          %dma_wait3A_259 = tpu.memref_slice %arg12[%dma_wait3A_257, %dma_wait3A_258] : memref<256x128xf32, #tpu.memory_space<vmem>> -> memref<128x128xf32, #tpu.memory_space<vmem>>
          %dma_wait3A_260 = arith.constant 0 : i32
          %dma_wait3A_261 = tpu.memref_slice %arg10[%run_scoped3A_108, %dma_wait3A_260] : memref<8x128xi32, #tpu.memory_space<vmem>> -> memref<1x128xi32, #tpu.memory_space<vmem>>
          %dma_wait3A_262 = tpu.memref_squeeze %dma_wait3A_261 : memref<1x128xi32, #tpu.memory_space<vmem>> -> memref<128xi32, #tpu.memory_space<vmem>>
          %dma_wait3A_263 = arith.constant 0 : i32
          %dma_wait3A_264 = arith.constant 0 : i32
          %dma_wait3A_265 = tpu.memref_slice %arg13[%dma_wait3A_263, %dma_wait3A_264] : memref<10000x128xf32, #tpu.memory_space<vmem_shared>> -> memref<10000x128xf32, #tpu.memory_space<vmem_shared>>
          tpu.wait_indirect_dma semaphore(%run_scoped3A_247 : memref<!tpu.dma_semaphore, #tpu.memory_space<semaphore_mem>>) src(%dma_wait3A_259 : memref<128x128xf32, #tpu.memory_space<vmem>>) dst(%dma_wait3A_265 : memref<10000x128xf32, #tpu.memory_space<vmem_shared>>)
          tpu.yield
        }) : () -> ()
        %mul3A_109 = arith.constant 1024 : i32
        %mul3A_110 = arith.muli %add3A_52, %mul3A_109 : i32
        %add3A_111 = arith.constant 256 : i32
        %add3A_112 = arith.addi %mul3A_110, %add3A_111 : i32
        %dma_start3A_113 = arith.constant 2 : i32
        %dma_start3A_114 = arith.constant 0 : i32
        %dma_start3A_115 = arith.constant 0 : i32
        %dma_start3A_116 = tpu.memref_slice %arg12[%dma_start3A_114, %dma_start3A_115] : memref<256x128xf32, #tpu.memory_space<vmem>> -> memref<128x128xf32, #tpu.memory_space<vmem>>
        %dma_start3A_117 = arith.constant 0 : i32
        %dma_start3A_118 = tpu.memref_slice %arg11[%dma_start3A_113, %dma_start3A_117] : memref<8x128xi32, #tpu.memory_space<vmem>> -> memref<1x128xi32, #tpu.memory_space<vmem>>
        %dma_start3A_119 = tpu.memref_squeeze %dma_start3A_118 : memref<1x128xi32, #tpu.memory_space<vmem>> -> memref<128xi32, #tpu.memory_space<vmem>>
        %dma_start3A_120 = arith.constant 0 : i32
        %dma_start3A_121 = arith.constant 0 : i32
        %dma_start3A_122 = tpu.memref_slice %arg5[%dma_start3A_120, %dma_start3A_121] : memref<10000x128xf32, #tpu.memory_space<hbm>> -> memref<10000x128xf32, #tpu.memory_space<hbm>>
        tpu.enqueue_indirect_dma source(%dma_start3A_122 : memref<10000x128xf32, #tpu.memory_space<hbm>>) target(%dma_start3A_116 : memref<128x128xf32, #tpu.memory_space<vmem>>) offsets(%dma_start3A_119 : memref<128xi32, #tpu.memory_space<vmem>>) semaphore(%arg14 : memref<!tpu.dma_semaphore, #tpu.memory_space<semaphore_mem>>)
        %dma_start3A_123 = arith.constant 3 : i32
        %dma_start3A_124 = arith.constant 128 : i32
        %dma_start3A_125 = arith.constant 0 : i32
        %dma_start3A_126 = tpu.memref_slice %arg12[%dma_start3A_124, %dma_start3A_125] : memref<256x128xf32, #tpu.memory_space<vmem>> -> memref<128x128xf32, #tpu.memory_space<vmem>>
        %dma_start3A_127 = arith.constant 0 : i32
        %dma_start3A_128 = tpu.memref_slice %arg11[%dma_start3A_123, %dma_start3A_127] : memref<8x128xi32, #tpu.memory_space<vmem>> -> memref<1x128xi32, #tpu.memory_space<vmem>>
        %dma_start3A_129 = tpu.memref_squeeze %dma_start3A_128 : memref<1x128xi32, #tpu.memory_space<vmem>> -> memref<128xi32, #tpu.memory_space<vmem>>
        %dma_start3A_130 = arith.constant 0 : i32
        %dma_start3A_131 = arith.constant 0 : i32
        %dma_start3A_132 = tpu.memref_slice %arg5[%dma_start3A_130, %dma_start3A_131] : memref<10000x128xf32, #tpu.memory_space<hbm>> -> memref<10000x128xf32, #tpu.memory_space<hbm>>
        tpu.enqueue_indirect_dma source(%dma_start3A_132 : memref<10000x128xf32, #tpu.memory_space<hbm>>) target(%dma_start3A_126 : memref<128x128xf32, #tpu.memory_space<vmem>>) offsets(%dma_start3A_129 : memref<128xi32, #tpu.memory_space<vmem>>) semaphore(%arg14 : memref<!tpu.dma_semaphore, #tpu.memory_space<semaphore_mem>>)
        %dma_wait3A_133 = arith.constant 2 : i32
        %dma_wait3A_134 = arith.constant 0 : i32
        %dma_wait3A_135 = arith.constant 0 : i32
        %dma_wait3A_136 = tpu.memref_slice %arg12[%dma_wait3A_134, %dma_wait3A_135] : memref<256x128xf32, #tpu.memory_space<vmem>> -> memref<128x128xf32, #tpu.memory_space<vmem>>
        %dma_wait3A_137 = arith.constant 0 : i32
        %dma_wait3A_138 = tpu.memref_slice %arg11[%dma_wait3A_133, %dma_wait3A_137] : memref<8x128xi32, #tpu.memory_space<vmem>> -> memref<1x128xi32, #tpu.memory_space<vmem>>
        %dma_wait3A_139 = tpu.memref_squeeze %dma_wait3A_138 : memref<1x128xi32, #tpu.memory_space<vmem>> -> memref<128xi32, #tpu.memory_space<vmem>>
        %dma_wait3A_140 = arith.constant 0 : i32
        %dma_wait3A_141 = arith.constant 0 : i32
        %dma_wait3A_142 = tpu.memref_slice %arg5[%dma_wait3A_140, %dma_wait3A_141] : memref<10000x128xf32, #tpu.memory_space<hbm>> -> memref<10000x128xf32, #tpu.memory_space<hbm>>
        tpu.wait_indirect_dma semaphore(%arg14 : memref<!tpu.dma_semaphore, #tpu.memory_space<semaphore_mem>>) src(%dma_wait3A_142 : memref<10000x128xf32, #tpu.memory_space<hbm>>) dst(%dma_wait3A_136 : memref<128x128xf32, #tpu.memory_space<vmem>>)
        %dma_wait3A_143 = arith.constant 3 : i32
        %dma_wait3A_144 = arith.constant 128 : i32
        %dma_wait3A_145 = arith.constant 0 : i32
        %dma_wait3A_146 = tpu.memref_slice %arg12[%dma_wait3A_144, %dma_wait3A_145] : memref<256x128xf32, #tpu.memory_space<vmem>> -> memref<128x128xf32, #tpu.memory_space<vmem>>
        %dma_wait3A_147 = arith.constant 0 : i32
        %dma_wait3A_148 = tpu.memref_slice %arg11[%dma_wait3A_143, %dma_wait3A_147] : memref<8x128xi32, #tpu.memory_space<vmem>> -> memref<1x128xi32, #tpu.memory_space<vmem>>
        %dma_wait3A_149 = tpu.memref_squeeze %dma_wait3A_148 : memref<1x128xi32, #tpu.memory_space<vmem>> -> memref<128xi32, #tpu.memory_space<vmem>>
        %dma_wait3A_150 = arith.constant 0 : i32
        %dma_wait3A_151 = arith.constant 0 : i32
        %dma_wait3A_152 = tpu.memref_slice %arg5[%dma_wait3A_150, %dma_wait3A_151] : memref<10000x128xf32, #tpu.memory_space<hbm>> -> memref<10000x128xf32, #tpu.memory_space<hbm>>
        tpu.wait_indirect_dma semaphore(%arg14 : memref<!tpu.dma_semaphore, #tpu.memory_space<semaphore_mem>>) src(%dma_wait3A_152 : memref<10000x128xf32, #tpu.memory_space<hbm>>) dst(%dma_wait3A_146 : memref<128x128xf32, #tpu.memory_space<vmem>>)
        "tpu.region"() ({
          %run_scoped3A_247 = tpu.sem_alloc : memref<!tpu.dma_semaphore, #tpu.memory_space<semaphore_mem>>
          %dma_start3A_248 = arith.constant 0 : i32
          %dma_start3A_249 = tpu.memref_slice %arg6[%add3A_112, %dma_start3A_248] : memref<640000x128xf32, #tpu.memory_space<hbm>> -> memref<256x128xf32, #tpu.memory_space<hbm>>
          %dma_start3A_250 = arith.constant 0 : i32
          %dma_start3A_251 = tpu.memref_slice %arg6[%add3A_112, %dma_start3A_250] : memref<640000x128xf32, #tpu.memory_space<hbm>> -> memref<256x128xf32, #tpu.memory_space<hbm>>
          tpu.enqueue_dma source(%arg12 : memref<256x128xf32, #tpu.memory_space<vmem>>) target(%dma_start3A_251 : memref<256x128xf32, #tpu.memory_space<hbm>>) target_semaphore(%run_scoped3A_247 : memref<!tpu.dma_semaphore, #tpu.memory_space<semaphore_mem>>)
          %dma_wait3A_252 = arith.constant 0 : i32
          %dma_wait3A_253 = tpu.memref_slice %arg6[%add3A_112, %dma_wait3A_252] : memref<640000x128xf32, #tpu.memory_space<hbm>> -> memref<256x128xf32, #tpu.memory_space<hbm>>
          %dma_wait3A_254 = arith.constant 0 : i32
          %dma_wait3A_255 = tpu.memref_slice %arg6[%add3A_112, %dma_wait3A_254] : memref<640000x128xf32, #tpu.memory_space<hbm>> -> memref<256x128xf32, #tpu.memory_space<hbm>>
          tpu.wait_dma2 semaphore(%run_scoped3A_247 : memref<!tpu.dma_semaphore, #tpu.memory_space<semaphore_mem>>) src(%arg12 : memref<256x128xf32, #tpu.memory_space<vmem>>) dst(%dma_wait3A_255 : memref<256x128xf32, #tpu.memory_space<hbm>>)
          tpu.yield
        }) : () -> ()
        %run_scoped3A_153 = arith.constant 2 : i32
        "tpu.region"() ({
          %run_scoped3A_247 = tpu.sem_alloc : memref<!tpu.dma_semaphore, #tpu.memory_space<semaphore_mem>>
          %dma_start3A_248 = arith.constant 0 : i32
          %dma_start3A_249 = arith.constant 0 : i32
          %dma_start3A_250 = tpu.memref_slice %arg12[%dma_start3A_248, %dma_start3A_249] : memref<256x128xf32, #tpu.memory_space<vmem>> -> memref<128x128xf32, #tpu.memory_space<vmem>>
          %dma_start3A_251 = arith.constant 0 : i32
          %dma_start3A_252 = tpu.memref_slice %arg10[%run_scoped3A_153, %dma_start3A_251] : memref<8x128xi32, #tpu.memory_space<vmem>> -> memref<1x128xi32, #tpu.memory_space<vmem>>
          %dma_start3A_253 = tpu.memref_squeeze %dma_start3A_252 : memref<1x128xi32, #tpu.memory_space<vmem>> -> memref<128xi32, #tpu.memory_space<vmem>>
          %dma_start3A_254 = arith.constant 0 : i32
          %dma_start3A_255 = arith.constant 0 : i32
          %dma_start3A_256 = tpu.memref_slice %arg13[%dma_start3A_254, %dma_start3A_255] : memref<10000x128xf32, #tpu.memory_space<vmem_shared>> -> memref<10000x128xf32, #tpu.memory_space<vmem_shared>>
          tpu.enqueue_indirect_dma source(%dma_start3A_250 : memref<128x128xf32, #tpu.memory_space<vmem>>) target(%dma_start3A_256 : memref<10000x128xf32, #tpu.memory_space<vmem_shared>>) offsets(%dma_start3A_253 : memref<128xi32, #tpu.memory_space<vmem>>) semaphore(%run_scoped3A_247 : memref<!tpu.dma_semaphore, #tpu.memory_space<semaphore_mem>>) {add = true}
          %dma_wait3A_257 = arith.constant 0 : i32
          %dma_wait3A_258 = arith.constant 0 : i32
          %dma_wait3A_259 = tpu.memref_slice %arg12[%dma_wait3A_257, %dma_wait3A_258] : memref<256x128xf32, #tpu.memory_space<vmem>> -> memref<128x128xf32, #tpu.memory_space<vmem>>
          %dma_wait3A_260 = arith.constant 0 : i32
          %dma_wait3A_261 = tpu.memref_slice %arg10[%run_scoped3A_153, %dma_wait3A_260] : memref<8x128xi32, #tpu.memory_space<vmem>> -> memref<1x128xi32, #tpu.memory_space<vmem>>
          %dma_wait3A_262 = tpu.memref_squeeze %dma_wait3A_261 : memref<1x128xi32, #tpu.memory_space<vmem>> -> memref<128xi32, #tpu.memory_space<vmem>>
          %dma_wait3A_263 = arith.constant 0 : i32
          %dma_wait3A_264 = arith.constant 0 : i32
          %dma_wait3A_265 = tpu.memref_slice %arg13[%dma_wait3A_263, %dma_wait3A_264] : memref<10000x128xf32, #tpu.memory_space<vmem_shared>> -> memref<10000x128xf32, #tpu.memory_space<vmem_shared>>
          tpu.wait_indirect_dma semaphore(%run_scoped3A_247 : memref<!tpu.dma_semaphore, #tpu.memory_space<semaphore_mem>>) src(%dma_wait3A_259 : memref<128x128xf32, #tpu.memory_space<vmem>>) dst(%dma_wait3A_265 : memref<10000x128xf32, #tpu.memory_space<vmem_shared>>)
          tpu.yield
        }) : () -> ()
        %run_scoped3A_154 = arith.constant 3 : i32
        "tpu.region"() ({
          %run_scoped3A_247 = tpu.sem_alloc : memref<!tpu.dma_semaphore, #tpu.memory_space<semaphore_mem>>
          %dma_start3A_248 = arith.constant 128 : i32
          %dma_start3A_249 = arith.constant 0 : i32
          %dma_start3A_250 = tpu.memref_slice %arg12[%dma_start3A_248, %dma_start3A_249] : memref<256x128xf32, #tpu.memory_space<vmem>> -> memref<128x128xf32, #tpu.memory_space<vmem>>
          %dma_start3A_251 = arith.constant 0 : i32
          %dma_start3A_252 = tpu.memref_slice %arg10[%run_scoped3A_154, %dma_start3A_251] : memref<8x128xi32, #tpu.memory_space<vmem>> -> memref<1x128xi32, #tpu.memory_space<vmem>>
          %dma_start3A_253 = tpu.memref_squeeze %dma_start3A_252 : memref<1x128xi32, #tpu.memory_space<vmem>> -> memref<128xi32, #tpu.memory_space<vmem>>
          %dma_start3A_254 = arith.constant 0 : i32
          %dma_start3A_255 = arith.constant 0 : i32
          %dma_start3A_256 = tpu.memref_slice %arg13[%dma_start3A_254, %dma_start3A_255] : memref<10000x128xf32, #tpu.memory_space<vmem_shared>> -> memref<10000x128xf32, #tpu.memory_space<vmem_shared>>
          tpu.enqueue_indirect_dma source(%dma_start3A_250 : memref<128x128xf32, #tpu.memory_space<vmem>>) target(%dma_start3A_256 : memref<10000x128xf32, #tpu.memory_space<vmem_shared>>) offsets(%dma_start3A_253 : memref<128xi32, #tpu.memory_space<vmem>>) semaphore(%run_scoped3A_247 : memref<!tpu.dma_semaphore, #tpu.memory_space<semaphore_mem>>) {add = true}
          %dma_wait3A_257 = arith.constant 128 : i32
          %dma_wait3A_258 = arith.constant 0 : i32
          %dma_wait3A_259 = tpu.memref_slice %arg12[%dma_wait3A_257, %dma_wait3A_258] : memref<256x128xf32, #tpu.memory_space<vmem>> -> memref<128x128xf32, #tpu.memory_space<vmem>>
          %dma_wait3A_260 = arith.constant 0 : i32
          %dma_wait3A_261 = tpu.memref_slice %arg10[%run_scoped3A_154, %dma_wait3A_260] : memref<8x128xi32, #tpu.memory_space<vmem>> -> memref<1x128xi32, #tpu.memory_space<vmem>>
          %dma_wait3A_262 = tpu.memref_squeeze %dma_wait3A_261 : memref<1x128xi32, #tpu.memory_space<vmem>> -> memref<128xi32, #tpu.memory_space<vmem>>
          %dma_wait3A_263 = arith.constant 0 : i32
          %dma_wait3A_264 = arith.constant 0 : i32
          %dma_wait3A_265 = tpu.memref_slice %arg13[%dma_wait3A_263, %dma_wait3A_264] : memref<10000x128xf32, #tpu.memory_space<vmem_shared>> -> memref<10000x128xf32, #tpu.memory_space<vmem_shared>>
          tpu.wait_indirect_dma semaphore(%run_scoped3A_247 : memref<!tpu.dma_semaphore, #tpu.memory_space<semaphore_mem>>) src(%dma_wait3A_259 : memref<128x128xf32, #tpu.memory_space<vmem>>) dst(%dma_wait3A_265 : memref<10000x128xf32, #tpu.memory_space<vmem_shared>>)
          tpu.yield
        }) : () -> ()
        %mul3A_155 = arith.constant 1024 : i32
        %mul3A_156 = arith.muli %add3A_52, %mul3A_155 : i32
        %add3A_157 = arith.constant 512 : i32
        %add3A_158 = arith.addi %mul3A_156, %add3A_157 : i32
        %dma_start3A_159 = arith.constant 4 : i32
        %dma_start3A_160 = arith.constant 0 : i32
        %dma_start3A_161 = arith.constant 0 : i32
        %dma_start3A_162 = tpu.memref_slice %arg12[%dma_start3A_160, %dma_start3A_161] : memref<256x128xf32, #tpu.memory_space<vmem>> -> memref<128x128xf32, #tpu.memory_space<vmem>>
        %dma_start3A_163 = arith.constant 0 : i32
        %dma_start3A_164 = tpu.memref_slice %arg11[%dma_start3A_159, %dma_start3A_163] : memref<8x128xi32, #tpu.memory_space<vmem>> -> memref<1x128xi32, #tpu.memory_space<vmem>>
        %dma_start3A_165 = tpu.memref_squeeze %dma_start3A_164 : memref<1x128xi32, #tpu.memory_space<vmem>> -> memref<128xi32, #tpu.memory_space<vmem>>
        %dma_start3A_166 = arith.constant 0 : i32
        %dma_start3A_167 = arith.constant 0 : i32
        %dma_start3A_168 = tpu.memref_slice %arg5[%dma_start3A_166, %dma_start3A_167] : memref<10000x128xf32, #tpu.memory_space<hbm>> -> memref<10000x128xf32, #tpu.memory_space<hbm>>
        tpu.enqueue_indirect_dma source(%dma_start3A_168 : memref<10000x128xf32, #tpu.memory_space<hbm>>) target(%dma_start3A_162 : memref<128x128xf32, #tpu.memory_space<vmem>>) offsets(%dma_start3A_165 : memref<128xi32, #tpu.memory_space<vmem>>) semaphore(%arg14 : memref<!tpu.dma_semaphore, #tpu.memory_space<semaphore_mem>>)
        %dma_start3A_169 = arith.constant 5 : i32
        %dma_start3A_170 = arith.constant 128 : i32
        %dma_start3A_171 = arith.constant 0 : i32
        %dma_start3A_172 = tpu.memref_slice %arg12[%dma_start3A_170, %dma_start3A_171] : memref<256x128xf32, #tpu.memory_space<vmem>> -> memref<128x128xf32, #tpu.memory_space<vmem>>
        %dma_start3A_173 = arith.constant 0 : i32
        %dma_start3A_174 = tpu.memref_slice %arg11[%dma_start3A_169, %dma_start3A_173] : memref<8x128xi32, #tpu.memory_space<vmem>> -> memref<1x128xi32, #tpu.memory_space<vmem>>
        %dma_start3A_175 = tpu.memref_squeeze %dma_start3A_174 : memref<1x128xi32, #tpu.memory_space<vmem>> -> memref<128xi32, #tpu.memory_space<vmem>>
        %dma_start3A_176 = arith.constant 0 : i32
        %dma_start3A_177 = arith.constant 0 : i32
        %dma_start3A_178 = tpu.memref_slice %arg5[%dma_start3A_176, %dma_start3A_177] : memref<10000x128xf32, #tpu.memory_space<hbm>> -> memref<10000x128xf32, #tpu.memory_space<hbm>>
        tpu.enqueue_indirect_dma source(%dma_start3A_178 : memref<10000x128xf32, #tpu.memory_space<hbm>>) target(%dma_start3A_172 : memref<128x128xf32, #tpu.memory_space<vmem>>) offsets(%dma_start3A_175 : memref<128xi32, #tpu.memory_space<vmem>>) semaphore(%arg14 : memref<!tpu.dma_semaphore, #tpu.memory_space<semaphore_mem>>)
        %dma_wait3A_179 = arith.constant 4 : i32
        %dma_wait3A_180 = arith.constant 0 : i32
        %dma_wait3A_181 = arith.constant 0 : i32
        %dma_wait3A_182 = tpu.memref_slice %arg12[%dma_wait3A_180, %dma_wait3A_181] : memref<256x128xf32, #tpu.memory_space<vmem>> -> memref<128x128xf32, #tpu.memory_space<vmem>>
        %dma_wait3A_183 = arith.constant 0 : i32
        %dma_wait3A_184 = tpu.memref_slice %arg11[%dma_wait3A_179, %dma_wait3A_183] : memref<8x128xi32, #tpu.memory_space<vmem>> -> memref<1x128xi32, #tpu.memory_space<vmem>>
        %dma_wait3A_185 = tpu.memref_squeeze %dma_wait3A_184 : memref<1x128xi32, #tpu.memory_space<vmem>> -> memref<128xi32, #tpu.memory_space<vmem>>
        %dma_wait3A_186 = arith.constant 0 : i32
        %dma_wait3A_187 = arith.constant 0 : i32
        %dma_wait3A_188 = tpu.memref_slice %arg5[%dma_wait3A_186, %dma_wait3A_187] : memref<10000x128xf32, #tpu.memory_space<hbm>> -> memref<10000x128xf32, #tpu.memory_space<hbm>>
        tpu.wait_indirect_dma semaphore(%arg14 : memref<!tpu.dma_semaphore, #tpu.memory_space<semaphore_mem>>) src(%dma_wait3A_188 : memref<10000x128xf32, #tpu.memory_space<hbm>>) dst(%dma_wait3A_182 : memref<128x128xf32, #tpu.memory_space<vmem>>)
        %dma_wait3A_189 = arith.constant 5 : i32
        %dma_wait3A_190 = arith.constant 128 : i32
        %dma_wait3A_191 = arith.constant 0 : i32
        %dma_wait3A_192 = tpu.memref_slice %arg12[%dma_wait3A_190, %dma_wait3A_191] : memref<256x128xf32, #tpu.memory_space<vmem>> -> memref<128x128xf32, #tpu.memory_space<vmem>>
        %dma_wait3A_193 = arith.constant 0 : i32
        %dma_wait3A_194 = tpu.memref_slice %arg11[%dma_wait3A_189, %dma_wait3A_193] : memref<8x128xi32, #tpu.memory_space<vmem>> -> memref<1x128xi32, #tpu.memory_space<vmem>>
        %dma_wait3A_195 = tpu.memref_squeeze %dma_wait3A_194 : memref<1x128xi32, #tpu.memory_space<vmem>> -> memref<128xi32, #tpu.memory_space<vmem>>
        %dma_wait3A_196 = arith.constant 0 : i32
        %dma_wait3A_197 = arith.constant 0 : i32
        %dma_wait3A_198 = tpu.memref_slice %arg5[%dma_wait3A_196, %dma_wait3A_197] : memref<10000x128xf32, #tpu.memory_space<hbm>> -> memref<10000x128xf32, #tpu.memory_space<hbm>>
        tpu.wait_indirect_dma semaphore(%arg14 : memref<!tpu.dma_semaphore, #tpu.memory_space<semaphore_mem>>) src(%dma_wait3A_198 : memref<10000x128xf32, #tpu.memory_space<hbm>>) dst(%dma_wait3A_192 : memref<128x128xf32, #tpu.memory_space<vmem>>)
        "tpu.region"() ({
          %run_scoped3A_247 = tpu.sem_alloc : memref<!tpu.dma_semaphore, #tpu.memory_space<semaphore_mem>>
          %dma_start3A_248 = arith.constant 0 : i32
          %dma_start3A_249 = tpu.memref_slice %arg6[%add3A_158, %dma_start3A_248] : memref<640000x128xf32, #tpu.memory_space<hbm>> -> memref<256x128xf32, #tpu.memory_space<hbm>>
          %dma_start3A_250 = arith.constant 0 : i32
          %dma_start3A_251 = tpu.memref_slice %arg6[%add3A_158, %dma_start3A_250] : memref<640000x128xf32, #tpu.memory_space<hbm>> -> memref<256x128xf32, #tpu.memory_space<hbm>>
          tpu.enqueue_dma source(%arg12 : memref<256x128xf32, #tpu.memory_space<vmem>>) target(%dma_start3A_251 : memref<256x128xf32, #tpu.memory_space<hbm>>) target_semaphore(%run_scoped3A_247 : memref<!tpu.dma_semaphore, #tpu.memory_space<semaphore_mem>>)
          %dma_wait3A_252 = arith.constant 0 : i32
          %dma_wait3A_253 = tpu.memref_slice %arg6[%add3A_158, %dma_wait3A_252] : memref<640000x128xf32, #tpu.memory_space<hbm>> -> memref<256x128xf32, #tpu.memory_space<hbm>>
          %dma_wait3A_254 = arith.constant 0 : i32
          %dma_wait3A_255 = tpu.memref_slice %arg6[%add3A_158, %dma_wait3A_254] : memref<640000x128xf32, #tpu.memory_space<hbm>> -> memref<256x128xf32, #tpu.memory_space<hbm>>
          tpu.wait_dma2 semaphore(%run_scoped3A_247 : memref<!tpu.dma_semaphore, #tpu.memory_space<semaphore_mem>>) src(%arg12 : memref<256x128xf32, #tpu.memory_space<vmem>>) dst(%dma_wait3A_255 : memref<256x128xf32, #tpu.memory_space<hbm>>)
          tpu.yield
        }) : () -> ()
        %run_scoped3A_199 = arith.constant 4 : i32
        "tpu.region"() ({
          %run_scoped3A_247 = tpu.sem_alloc : memref<!tpu.dma_semaphore, #tpu.memory_space<semaphore_mem>>
          %dma_start3A_248 = arith.constant 0 : i32
          %dma_start3A_249 = arith.constant 0 : i32
          %dma_start3A_250 = tpu.memref_slice %arg12[%dma_start3A_248, %dma_start3A_249] : memref<256x128xf32, #tpu.memory_space<vmem>> -> memref<128x128xf32, #tpu.memory_space<vmem>>
          %dma_start3A_251 = arith.constant 0 : i32
          %dma_start3A_252 = tpu.memref_slice %arg10[%run_scoped3A_199, %dma_start3A_251] : memref<8x128xi32, #tpu.memory_space<vmem>> -> memref<1x128xi32, #tpu.memory_space<vmem>>
          %dma_start3A_253 = tpu.memref_squeeze %dma_start3A_252 : memref<1x128xi32, #tpu.memory_space<vmem>> -> memref<128xi32, #tpu.memory_space<vmem>>
          %dma_start3A_254 = arith.constant 0 : i32
          %dma_start3A_255 = arith.constant 0 : i32
          %dma_start3A_256 = tpu.memref_slice %arg13[%dma_start3A_254, %dma_start3A_255] : memref<10000x128xf32, #tpu.memory_space<vmem_shared>> -> memref<10000x128xf32, #tpu.memory_space<vmem_shared>>
          tpu.enqueue_indirect_dma source(%dma_start3A_250 : memref<128x128xf32, #tpu.memory_space<vmem>>) target(%dma_start3A_256 : memref<10000x128xf32, #tpu.memory_space<vmem_shared>>) offsets(%dma_start3A_253 : memref<128xi32, #tpu.memory_space<vmem>>) semaphore(%run_scoped3A_247 : memref<!tpu.dma_semaphore, #tpu.memory_space<semaphore_mem>>) {add = true}
          %dma_wait3A_257 = arith.constant 0 : i32
          %dma_wait3A_258 = arith.constant 0 : i32
          %dma_wait3A_259 = tpu.memref_slice %arg12[%dma_wait3A_257, %dma_wait3A_258] : memref<256x128xf32, #tpu.memory_space<vmem>> -> memref<128x128xf32, #tpu.memory_space<vmem>>
          %dma_wait3A_260 = arith.constant 0 : i32
          %dma_wait3A_261 = tpu.memref_slice %arg10[%run_scoped3A_199, %dma_wait3A_260] : memref<8x128xi32, #tpu.memory_space<vmem>> -> memref<1x128xi32, #tpu.memory_space<vmem>>
          %dma_wait3A_262 = tpu.memref_squeeze %dma_wait3A_261 : memref<1x128xi32, #tpu.memory_space<vmem>> -> memref<128xi32, #tpu.memory_space<vmem>>
          %dma_wait3A_263 = arith.constant 0 : i32
          %dma_wait3A_264 = arith.constant 0 : i32
          %dma_wait3A_265 = tpu.memref_slice %arg13[%dma_wait3A_263, %dma_wait3A_264] : memref<10000x128xf32, #tpu.memory_space<vmem_shared>> -> memref<10000x128xf32, #tpu.memory_space<vmem_shared>>
          tpu.wait_indirect_dma semaphore(%run_scoped3A_247 : memref<!tpu.dma_semaphore, #tpu.memory_space<semaphore_mem>>) src(%dma_wait3A_259 : memref<128x128xf32, #tpu.memory_space<vmem>>) dst(%dma_wait3A_265 : memref<10000x128xf32, #tpu.memory_space<vmem_shared>>)
          tpu.yield
        }) : () -> ()
        %run_scoped3A_200 = arith.constant 5 : i32
        "tpu.region"() ({
          %run_scoped3A_247 = tpu.sem_alloc : memref<!tpu.dma_semaphore, #tpu.memory_space<semaphore_mem>>
          %dma_start3A_248 = arith.constant 128 : i32
          %dma_start3A_249 = arith.constant 0 : i32
          %dma_start3A_250 = tpu.memref_slice %arg12[%dma_start3A_248, %dma_start3A_249] : memref<256x128xf32, #tpu.memory_space<vmem>> -> memref<128x128xf32, #tpu.memory_space<vmem>>
          %dma_start3A_251 = arith.constant 0 : i32
          %dma_start3A_252 = tpu.memref_slice %arg10[%run_scoped3A_200, %dma_start3A_251] : memref<8x128xi32, #tpu.memory_space<vmem>> -> memref<1x128xi32, #tpu.memory_space<vmem>>
          %dma_start3A_253 = tpu.memref_squeeze %dma_start3A_252 : memref<1x128xi32, #tpu.memory_space<vmem>> -> memref<128xi32, #tpu.memory_space<vmem>>
          %dma_start3A_254 = arith.constant 0 : i32
          %dma_start3A_255 = arith.constant 0 : i32
          %dma_start3A_256 = tpu.memref_slice %arg13[%dma_start3A_254, %dma_start3A_255] : memref<10000x128xf32, #tpu.memory_space<vmem_shared>> -> memref<10000x128xf32, #tpu.memory_space<vmem_shared>>
          tpu.enqueue_indirect_dma source(%dma_start3A_250 : memref<128x128xf32, #tpu.memory_space<vmem>>) target(%dma_start3A_256 : memref<10000x128xf32, #tpu.memory_space<vmem_shared>>) offsets(%dma_start3A_253 : memref<128xi32, #tpu.memory_space<vmem>>) semaphore(%run_scoped3A_247 : memref<!tpu.dma_semaphore, #tpu.memory_space<semaphore_mem>>) {add = true}
          %dma_wait3A_257 = arith.constant 128 : i32
          %dma_wait3A_258 = arith.constant 0 : i32
          %dma_wait3A_259 = tpu.memref_slice %arg12[%dma_wait3A_257, %dma_wait3A_258] : memref<256x128xf32, #tpu.memory_space<vmem>> -> memref<128x128xf32, #tpu.memory_space<vmem>>
          %dma_wait3A_260 = arith.constant 0 : i32
          %dma_wait3A_261 = tpu.memref_slice %arg10[%run_scoped3A_200, %dma_wait3A_260] : memref<8x128xi32, #tpu.memory_space<vmem>> -> memref<1x128xi32, #tpu.memory_space<vmem>>
          %dma_wait3A_262 = tpu.memref_squeeze %dma_wait3A_261 : memref<1x128xi32, #tpu.memory_space<vmem>> -> memref<128xi32, #tpu.memory_space<vmem>>
          %dma_wait3A_263 = arith.constant 0 : i32
          %dma_wait3A_264 = arith.constant 0 : i32
          %dma_wait3A_265 = tpu.memref_slice %arg13[%dma_wait3A_263, %dma_wait3A_264] : memref<10000x128xf32, #tpu.memory_space<vmem_shared>> -> memref<10000x128xf32, #tpu.memory_space<vmem_shared>>
          tpu.wait_indirect_dma semaphore(%run_scoped3A_247 : memref<!tpu.dma_semaphore, #tpu.memory_space<semaphore_mem>>) src(%dma_wait3A_259 : memref<128x128xf32, #tpu.memory_space<vmem>>) dst(%dma_wait3A_265 : memref<10000x128xf32, #tpu.memory_space<vmem_shared>>)
          tpu.yield
        }) : () -> ()
        %mul3A_201 = arith.constant 1024 : i32
        %mul3A_202 = arith.muli %add3A_52, %mul3A_201 : i32
        %add3A_203 = arith.constant 768 : i32
        %add3A_204 = arith.addi %mul3A_202, %add3A_203 : i32
        %dma_start3A_205 = arith.constant 6 : i32
        %dma_start3A_206 = arith.constant 0 : i32
        %dma_start3A_207 = arith.constant 0 : i32
        %dma_start3A_208 = tpu.memref_slice %arg12[%dma_start3A_206, %dma_start3A_207] : memref<256x128xf32, #tpu.memory_space<vmem>> -> memref<128x128xf32, #tpu.memory_space<vmem>>
        %dma_start3A_209 = arith.constant 0 : i32
        %dma_start3A_210 = tpu.memref_slice %arg11[%dma_start3A_205, %dma_start3A_209] : memref<8x128xi32, #tpu.memory_space<vmem>> -> memref<1x128xi32, #tpu.memory_space<vmem>>
        %dma_start3A_211 = tpu.memref_squeeze %dma_start3A_210 : memref<1x128xi32, #tpu.memory_space<vmem>> -> memref<128xi32, #tpu.memory_space<vmem>>
        %dma_start3A_212 = arith.constant 0 : i32
        %dma_start3A_213 = arith.constant 0 : i32
        %dma_start3A_214 = tpu.memref_slice %arg5[%dma_start3A_212, %dma_start3A_213] : memref<10000x128xf32, #tpu.memory_space<hbm>> -> memref<10000x128xf32, #tpu.memory_space<hbm>>
        tpu.enqueue_indirect_dma source(%dma_start3A_214 : memref<10000x128xf32, #tpu.memory_space<hbm>>) target(%dma_start3A_208 : memref<128x128xf32, #tpu.memory_space<vmem>>) offsets(%dma_start3A_211 : memref<128xi32, #tpu.memory_space<vmem>>) semaphore(%arg14 : memref<!tpu.dma_semaphore, #tpu.memory_space<semaphore_mem>>)
        %dma_start3A_215 = arith.constant 7 : i32
        %dma_start3A_216 = arith.constant 128 : i32
        %dma_start3A_217 = arith.constant 0 : i32
        %dma_start3A_218 = tpu.memref_slice %arg12[%dma_start3A_216, %dma_start3A_217] : memref<256x128xf32, #tpu.memory_space<vmem>> -> memref<128x128xf32, #tpu.memory_space<vmem>>
        %dma_start3A_219 = arith.constant 0 : i32
        %dma_start3A_220 = tpu.memref_slice %arg11[%dma_start3A_215, %dma_start3A_219] : memref<8x128xi32, #tpu.memory_space<vmem>> -> memref<1x128xi32, #tpu.memory_space<vmem>>
        %dma_start3A_221 = tpu.memref_squeeze %dma_start3A_220 : memref<1x128xi32, #tpu.memory_space<vmem>> -> memref<128xi32, #tpu.memory_space<vmem>>
        %dma_start3A_222 = arith.constant 0 : i32
        %dma_start3A_223 = arith.constant 0 : i32
        %dma_start3A_224 = tpu.memref_slice %arg5[%dma_start3A_222, %dma_start3A_223] : memref<10000x128xf32, #tpu.memory_space<hbm>> -> memref<10000x128xf32, #tpu.memory_space<hbm>>
        tpu.enqueue_indirect_dma source(%dma_start3A_224 : memref<10000x128xf32, #tpu.memory_space<hbm>>) target(%dma_start3A_218 : memref<128x128xf32, #tpu.memory_space<vmem>>) offsets(%dma_start3A_221 : memref<128xi32, #tpu.memory_space<vmem>>) semaphore(%arg14 : memref<!tpu.dma_semaphore, #tpu.memory_space<semaphore_mem>>)
        %dma_wait3A_225 = arith.constant 6 : i32
        %dma_wait3A_226 = arith.constant 0 : i32
        %dma_wait3A_227 = arith.constant 0 : i32
        %dma_wait3A_228 = tpu.memref_slice %arg12[%dma_wait3A_226, %dma_wait3A_227] : memref<256x128xf32, #tpu.memory_space<vmem>> -> memref<128x128xf32, #tpu.memory_space<vmem>>
        %dma_wait3A_229 = arith.constant 0 : i32
        %dma_wait3A_230 = tpu.memref_slice %arg11[%dma_wait3A_225, %dma_wait3A_229] : memref<8x128xi32, #tpu.memory_space<vmem>> -> memref<1x128xi32, #tpu.memory_space<vmem>>
        %dma_wait3A_231 = tpu.memref_squeeze %dma_wait3A_230 : memref<1x128xi32, #tpu.memory_space<vmem>> -> memref<128xi32, #tpu.memory_space<vmem>>
        %dma_wait3A_232 = arith.constant 0 : i32
        %dma_wait3A_233 = arith.constant 0 : i32
        %dma_wait3A_234 = tpu.memref_slice %arg5[%dma_wait3A_232, %dma_wait3A_233] : memref<10000x128xf32, #tpu.memory_space<hbm>> -> memref<10000x128xf32, #tpu.memory_space<hbm>>
        tpu.wait_indirect_dma semaphore(%arg14 : memref<!tpu.dma_semaphore, #tpu.memory_space<semaphore_mem>>) src(%dma_wait3A_234 : memref<10000x128xf32, #tpu.memory_space<hbm>>) dst(%dma_wait3A_228 : memref<128x128xf32, #tpu.memory_space<vmem>>)
        %dma_wait3A_235 = arith.constant 7 : i32
        %dma_wait3A_236 = arith.constant 128 : i32
        %dma_wait3A_237 = arith.constant 0 : i32
        %dma_wait3A_238 = tpu.memref_slice %arg12[%dma_wait3A_236, %dma_wait3A_237] : memref<256x128xf32, #tpu.memory_space<vmem>> -> memref<128x128xf32, #tpu.memory_space<vmem>>
        %dma_wait3A_239 = arith.constant 0 : i32
        %dma_wait3A_240 = tpu.memref_slice %arg11[%dma_wait3A_235, %dma_wait3A_239] : memref<8x128xi32, #tpu.memory_space<vmem>> -> memref<1x128xi32, #tpu.memory_space<vmem>>
        %dma_wait3A_241 = tpu.memref_squeeze %dma_wait3A_240 : memref<1x128xi32, #tpu.memory_space<vmem>> -> memref<128xi32, #tpu.memory_space<vmem>>
        %dma_wait3A_242 = arith.constant 0 : i32
        %dma_wait3A_243 = arith.constant 0 : i32
        %dma_wait3A_244 = tpu.memref_slice %arg5[%dma_wait3A_242, %dma_wait3A_243] : memref<10000x128xf32, #tpu.memory_space<hbm>> -> memref<10000x128xf32, #tpu.memory_space<hbm>>
        tpu.wait_indirect_dma semaphore(%arg14 : memref<!tpu.dma_semaphore, #tpu.memory_space<semaphore_mem>>) src(%dma_wait3A_244 : memref<10000x128xf32, #tpu.memory_space<hbm>>) dst(%dma_wait3A_238 : memref<128x128xf32, #tpu.memory_space<vmem>>)
        "tpu.region"() ({
          %run_scoped3A_247 = tpu.sem_alloc : memref<!tpu.dma_semaphore, #tpu.memory_space<semaphore_mem>>
          %dma_start3A_248 = arith.constant 0 : i32
          %dma_start3A_249 = tpu.memref_slice %arg6[%add3A_204, %dma_start3A_248] : memref<640000x128xf32, #tpu.memory_space<hbm>> -> memref<256x128xf32, #tpu.memory_space<hbm>>
          %dma_start3A_250 = arith.constant 0 : i32
          %dma_start3A_251 = tpu.memref_slice %arg6[%add3A_204, %dma_start3A_250] : memref<640000x128xf32, #tpu.memory_space<hbm>> -> memref<256x128xf32, #tpu.memory_space<hbm>>
          tpu.enqueue_dma source(%arg12 : memref<256x128xf32, #tpu.memory_space<vmem>>) target(%dma_start3A_251 : memref<256x128xf32, #tpu.memory_space<hbm>>) target_semaphore(%run_scoped3A_247 : memref<!tpu.dma_semaphore, #tpu.memory_space<semaphore_mem>>)
          %dma_wait3A_252 = arith.constant 0 : i32
          %dma_wait3A_253 = tpu.memref_slice %arg6[%add3A_204, %dma_wait3A_252] : memref<640000x128xf32, #tpu.memory_space<hbm>> -> memref<256x128xf32, #tpu.memory_space<hbm>>
          %dma_wait3A_254 = arith.constant 0 : i32
          %dma_wait3A_255 = tpu.memref_slice %arg6[%add3A_204, %dma_wait3A_254] : memref<640000x128xf32, #tpu.memory_space<hbm>> -> memref<256x128xf32, #tpu.memory_space<hbm>>
          tpu.wait_dma2 semaphore(%run_scoped3A_247 : memref<!tpu.dma_semaphore, #tpu.memory_space<semaphore_mem>>) src(%arg12 : memref<256x128xf32, #tpu.memory_space<vmem>>) dst(%dma_wait3A_255 : memref<256x128xf32, #tpu.memory_space<hbm>>)
          tpu.yield
        }) : () -> ()
        %run_scoped3A_245 = arith.constant 6 : i32
        "tpu.region"() ({
          %run_scoped3A_247 = tpu.sem_alloc : memref<!tpu.dma_semaphore, #tpu.memory_space<semaphore_mem>>
          %dma_start3A_248 = arith.constant 0 : i32
          %dma_start3A_249 = arith.constant 0 : i32
          %dma_start3A_250 = tpu.memref_slice %arg12[%dma_start3A_248, %dma_start3A_249] : memref<256x128xf32, #tpu.memory_space<vmem>> -> memref<128x128xf32, #tpu.memory_space<vmem>>
          %dma_start3A_251 = arith.constant 0 : i32
          %dma_start3A_252 = tpu.memref_slice %arg10[%run_scoped3A_245, %dma_start3A_251] : memref<8x128xi32, #tpu.memory_space<vmem>> -> memref<1x128xi32, #tpu.memory_space<vmem>>
          %dma_start3A_253 = tpu.memref_squeeze %dma_start3A_252 : memref<1x128xi32, #tpu.memory_space<vmem>> -> memref<128xi32, #tpu.memory_space<vmem>>
          %dma_start3A_254 = arith.constant 0 : i32
          %dma_start3A_255 = arith.constant 0 : i32
          %dma_start3A_256 = tpu.memref_slice %arg13[%dma_start3A_254, %dma_start3A_255] : memref<10000x128xf32, #tpu.memory_space<vmem_shared>> -> memref<10000x128xf32, #tpu.memory_space<vmem_shared>>
          tpu.enqueue_indirect_dma source(%dma_start3A_250 : memref<128x128xf32, #tpu.memory_space<vmem>>) target(%dma_start3A_256 : memref<10000x128xf32, #tpu.memory_space<vmem_shared>>) offsets(%dma_start3A_253 : memref<128xi32, #tpu.memory_space<vmem>>) semaphore(%run_scoped3A_247 : memref<!tpu.dma_semaphore, #tpu.memory_space<semaphore_mem>>) {add = true}
          %dma_wait3A_257 = arith.constant 0 : i32
          %dma_wait3A_258 = arith.constant 0 : i32
          %dma_wait3A_259 = tpu.memref_slice %arg12[%dma_wait3A_257, %dma_wait3A_258] : memref<256x128xf32, #tpu.memory_space<vmem>> -> memref<128x128xf32, #tpu.memory_space<vmem>>
          %dma_wait3A_260 = arith.constant 0 : i32
          %dma_wait3A_261 = tpu.memref_slice %arg10[%run_scoped3A_245, %dma_wait3A_260] : memref<8x128xi32, #tpu.memory_space<vmem>> -> memref<1x128xi32, #tpu.memory_space<vmem>>
          %dma_wait3A_262 = tpu.memref_squeeze %dma_wait3A_261 : memref<1x128xi32, #tpu.memory_space<vmem>> -> memref<128xi32, #tpu.memory_space<vmem>>
          %dma_wait3A_263 = arith.constant 0 : i32
          %dma_wait3A_264 = arith.constant 0 : i32
          %dma_wait3A_265 = tpu.memref_slice %arg13[%dma_wait3A_263, %dma_wait3A_264] : memref<10000x128xf32, #tpu.memory_space<vmem_shared>> -> memref<10000x128xf32, #tpu.memory_space<vmem_shared>>
          tpu.wait_indirect_dma semaphore(%run_scoped3A_247 : memref<!tpu.dma_semaphore, #tpu.memory_space<semaphore_mem>>) src(%dma_wait3A_259 : memref<128x128xf32, #tpu.memory_space<vmem>>) dst(%dma_wait3A_265 : memref<10000x128xf32, #tpu.memory_space<vmem_shared>>)
          tpu.yield
        }) : () -> ()
        %run_scoped3A_246 = arith.constant 7 : i32
        "tpu.region"() ({
          %run_scoped3A_247 = tpu.sem_alloc : memref<!tpu.dma_semaphore, #tpu.memory_space<semaphore_mem>>
          %dma_start3A_248 = arith.constant 128 : i32
          %dma_start3A_249 = arith.constant 0 : i32
          %dma_start3A_250 = tpu.memref_slice %arg12[%dma_start3A_248, %dma_start3A_249] : memref<256x128xf32, #tpu.memory_space<vmem>> -> memref<128x128xf32, #tpu.memory_space<vmem>>
          %dma_start3A_251 = arith.constant 0 : i32
          %dma_start3A_252 = tpu.memref_slice %arg10[%run_scoped3A_246, %dma_start3A_251] : memref<8x128xi32, #tpu.memory_space<vmem>> -> memref<1x128xi32, #tpu.memory_space<vmem>>
          %dma_start3A_253 = tpu.memref_squeeze %dma_start3A_252 : memref<1x128xi32, #tpu.memory_space<vmem>> -> memref<128xi32, #tpu.memory_space<vmem>>
          %dma_start3A_254 = arith.constant 0 : i32
          %dma_start3A_255 = arith.constant 0 : i32
          %dma_start3A_256 = tpu.memref_slice %arg13[%dma_start3A_254, %dma_start3A_255] : memref<10000x128xf32, #tpu.memory_space<vmem_shared>> -> memref<10000x128xf32, #tpu.memory_space<vmem_shared>>
          tpu.enqueue_indirect_dma source(%dma_start3A_250 : memref<128x128xf32, #tpu.memory_space<vmem>>) target(%dma_start3A_256 : memref<10000x128xf32, #tpu.memory_space<vmem_shared>>) offsets(%dma_start3A_253 : memref<128xi32, #tpu.memory_space<vmem>>) semaphore(%run_scoped3A_247 : memref<!tpu.dma_semaphore, #tpu.memory_space<semaphore_mem>>) {add = true}
          %dma_wait3A_257 = arith.constant 128 : i32
          %dma_wait3A_258 = arith.constant 0 : i32
          %dma_wait3A_259 = tpu.memref_slice %arg12[%dma_wait3A_257, %dma_wait3A_258] : memref<256x128xf32, #tpu.memory_space<vmem>> -> memref<128x128xf32, #tpu.memory_space<vmem>>
          %dma_wait3A_260 = arith.constant 0 : i32
          %dma_wait3A_261 = tpu.memref_slice %arg10[%run_scoped3A_246, %dma_wait3A_260] : memref<8x128xi32, #tpu.memory_space<vmem>> -> memref<1x128xi32, #tpu.memory_space<vmem>>
          %dma_wait3A_262 = tpu.memref_squeeze %dma_wait3A_261 : memref<1x128xi32, #tpu.memory_space<vmem>> -> memref<128xi32, #tpu.memory_space<vmem>>
          %dma_wait3A_263 = arith.constant 0 : i32
          %dma_wait3A_264 = arith.constant 0 : i32
          %dma_wait3A_265 = tpu.memref_slice %arg13[%dma_wait3A_263, %dma_wait3A_264] : memref<10000x128xf32, #tpu.memory_space<vmem_shared>> -> memref<10000x128xf32, #tpu.memory_space<vmem_shared>>
          tpu.wait_indirect_dma semaphore(%run_scoped3A_247 : memref<!tpu.dma_semaphore, #tpu.memory_space<semaphore_mem>>) src(%dma_wait3A_259 : memref<128x128xf32, #tpu.memory_space<vmem>>) dst(%dma_wait3A_265 : memref<10000x128xf32, #tpu.memory_space<vmem_shared>>)
          tpu.yield
        }) : () -> ()
      } else {
      }
      %while3A_65 = arith.constant 0 : i32
      scf.yield %while3A_65 : i32
    }
    %barrier3A_37 = arith.constant 0 : index
    tpu.barrier barrier_id(%barrier3A_37)
    %eq3A_38 = arith.constant 0 : i32
    %eq3A_39 = arith.cmpi eq, %arg0, %eq3A_38 : i32
    %convert_element_type3A_40 = arith.extui %eq3A_39 : i1 to i32
    %cond3A_41 = arith.constant 0 : i32
    %cond3A_42 = arith.cmpi ne, %convert_element_type3A_40, %cond3A_41 : i32
    scf.if %cond3A_42 {
      "tpu.region"() ({
        %run_scoped3A = tpu.sem_alloc : memref<!tpu.dma_semaphore, #tpu.memory_space<semaphore_mem>>
        %dma_start3A = arith.constant 0 : i32
        %dma_start3A_53 = tpu.memref_slice %arg7[%mul3A_6, %dma_start3A] : memref<10000x128xf32, #tpu.memory_space<hbm>> -> memref<624x128xf32, #tpu.memory_space<hbm>>
        %dma_start3A_54 = arith.constant 0 : i32
        %dma_start3A_55 = tpu.memref_slice %arg13[%mul3A_6, %dma_start3A_54] : memref<10000x128xf32, #tpu.memory_space<vmem_shared>> -> memref<624x128xf32, #tpu.memory_space<vmem_shared>>
        tpu.enqueue_dma source(%dma_start3A_55 : memref<624x128xf32, #tpu.memory_space<vmem_shared>>) target(%dma_start3A_53 : memref<624x128xf32, #tpu.memory_space<hbm>>) target_semaphore(%run_scoped3A : memref<!tpu.dma_semaphore, #tpu.memory_space<semaphore_mem>>)
        %dma_wait3A = arith.constant 0 : i32
        %dma_wait3A_56 = tpu.memref_slice %arg7[%mul3A_6, %dma_wait3A] : memref<10000x128xf32, #tpu.memory_space<hbm>> -> memref<624x128xf32, #tpu.memory_space<hbm>>
        %dma_wait3A_57 = arith.constant 0 : i32
        %dma_wait3A_58 = tpu.memref_slice %arg13[%mul3A_6, %dma_wait3A_57] : memref<10000x128xf32, #tpu.memory_space<vmem_shared>> -> memref<624x128xf32, #tpu.memory_space<vmem_shared>>
        tpu.wait_dma2 semaphore(%run_scoped3A : memref<!tpu.dma_semaphore, #tpu.memory_space<semaphore_mem>>) src(%dma_wait3A_58 : memref<624x128xf32, #tpu.memory_space<vmem_shared>>) dst(%dma_wait3A_56 : memref<624x128xf32, #tpu.memory_space<hbm>>)
        tpu.yield
      }) : () -> ()
      %lt3A_48 = arith.constant 2 : i32
      %lt3A_49 = arith.cmpi slt, %arg1, %lt3A_48 : i32
      %convert_element_type3A_50 = arith.extui %lt3A_49 : i1 to i32
      %cond3A_51 = arith.constant 0 : i32
      %cond3A_52 = arith.cmpi ne, %convert_element_type3A_50, %cond3A_51 : i32
      scf.if %cond3A_52 {
        %add3A_53 = arith.constant 624 : i32
        %add3A_54 = arith.addi %mul3A_6, %add3A_53 : i32
        %add3A_55 = arith.constant 624 : i32
        %add3A_56 = arith.addi %mul3A_6, %add3A_55 : i32
        "tpu.region"() ({
          %run_scoped3A = tpu.sem_alloc : memref<!tpu.dma_semaphore, #tpu.memory_space<semaphore_mem>>
          %dma_start3A = arith.constant 0 : i32
          %dma_start3A_57 = tpu.memref_slice %arg7[%add3A_56, %dma_start3A] : memref<10000x128xf32, #tpu.memory_space<hbm>> -> memref<8x128xf32, #tpu.memory_space<hbm>>
          %dma_start3A_58 = arith.constant 0 : i32
          %dma_start3A_59 = tpu.memref_slice %arg13[%add3A_54, %dma_start3A_58] : memref<10000x128xf32, #tpu.memory_space<vmem_shared>> -> memref<8x128xf32, #tpu.memory_space<vmem_shared>>
          tpu.enqueue_dma source(%dma_start3A_59 : memref<8x128xf32, #tpu.memory_space<vmem_shared>>) target(%dma_start3A_57 : memref<8x128xf32, #tpu.memory_space<hbm>>) target_semaphore(%run_scoped3A : memref<!tpu.dma_semaphore, #tpu.memory_space<semaphore_mem>>)
          %dma_wait3A = arith.constant 0 : i32
          %dma_wait3A_60 = tpu.memref_slice %arg7[%add3A_56, %dma_wait3A] : memref<10000x128xf32, #tpu.memory_space<hbm>> -> memref<8x128xf32, #tpu.memory_space<hbm>>
          %dma_wait3A_61 = arith.constant 0 : i32
          %dma_wait3A_62 = tpu.memref_slice %arg13[%add3A_54, %dma_wait3A_61] : memref<10000x128xf32, #tpu.memory_space<vmem_shared>> -> memref<8x128xf32, #tpu.memory_space<vmem_shared>>
          tpu.wait_dma2 semaphore(%run_scoped3A : memref<!tpu.dma_semaphore, #tpu.memory_space<semaphore_mem>>) src(%dma_wait3A_62 : memref<8x128xf32, #tpu.memory_space<vmem_shared>>) dst(%dma_wait3A_60 : memref<8x128xf32, #tpu.memory_space<hbm>>)
          tpu.yield
        }) : () -> ()
      } else {
      }
    } else {
    }
    %eq3A_43 = arith.constant 1 : i32
    %eq3A_44 = arith.cmpi eq, %arg0, %eq3A_43 : i32
    %convert_element_type3A_45 = arith.extui %eq3A_44 : i1 to i32
    %cond3A_46 = arith.constant 0 : i32
    %cond3A_47 = arith.cmpi ne, %convert_element_type3A_45, %cond3A_46 : i32
    scf.if %cond3A_47 {
      "tpu.region"() ({
        %run_scoped3A = tpu.sem_alloc : memref<!tpu.dma_semaphore, #tpu.memory_space<semaphore_mem>>
        %dma_start3A = arith.constant 0 : i32
        %dma_start3A_53 = tpu.memref_slice %arg8[%mul3A_6, %dma_start3A] : memref<10000x128xf32, #tpu.memory_space<hbm>> -> memref<624x128xf32, #tpu.memory_space<hbm>>
        %dma_start3A_54 = arith.constant 0 : i32
        %dma_start3A_55 = tpu.memref_slice %arg13[%mul3A_6, %dma_start3A_54] : memref<10000x128xf32, #tpu.memory_space<vmem_shared>> -> memref<624x128xf32, #tpu.memory_space<vmem_shared>>
        tpu.enqueue_dma source(%dma_start3A_55 : memref<624x128xf32, #tpu.memory_space<vmem_shared>>) target(%dma_start3A_53 : memref<624x128xf32, #tpu.memory_space<hbm>>) target_semaphore(%run_scoped3A : memref<!tpu.dma_semaphore, #tpu.memory_space<semaphore_mem>>)
        %dma_wait3A = arith.constant 0 : i32
        %dma_wait3A_56 = tpu.memref_slice %arg8[%mul3A_6, %dma_wait3A] : memref<10000x128xf32, #tpu.memory_space<hbm>> -> memref<624x128xf32, #tpu.memory_space<hbm>>
        %dma_wait3A_57 = arith.constant 0 : i32
        %dma_wait3A_58 = tpu.memref_slice %arg13[%mul3A_6, %dma_wait3A_57] : memref<10000x128xf32, #tpu.memory_space<vmem_shared>> -> memref<624x128xf32, #tpu.memory_space<vmem_shared>>
        tpu.wait_dma2 semaphore(%run_scoped3A : memref<!tpu.dma_semaphore, #tpu.memory_space<semaphore_mem>>) src(%dma_wait3A_58 : memref<624x128xf32, #tpu.memory_space<vmem_shared>>) dst(%dma_wait3A_56 : memref<624x128xf32, #tpu.memory_space<hbm>>)
        tpu.yield
      }) : () -> ()
      %lt3A_48 = arith.constant 2 : i32
      %lt3A_49 = arith.cmpi slt, %arg1, %lt3A_48 : i32
      %convert_element_type3A_50 = arith.extui %lt3A_49 : i1 to i32
      %cond3A_51 = arith.constant 0 : i32
      %cond3A_52 = arith.cmpi ne, %convert_element_type3A_50, %cond3A_51 : i32
      scf.if %cond3A_52 {
        %add3A_53 = arith.constant 624 : i32
        %add3A_54 = arith.addi %mul3A_6, %add3A_53 : i32
        %add3A_55 = arith.constant 624 : i32
        %add3A_56 = arith.addi %mul3A_6, %add3A_55 : i32
        "tpu.region"() ({
          %run_scoped3A = tpu.sem_alloc : memref<!tpu.dma_semaphore, #tpu.memory_space<semaphore_mem>>
          %dma_start3A = arith.constant 0 : i32
          %dma_start3A_57 = tpu.memref_slice %arg8[%add3A_56, %dma_start3A] : memref<10000x128xf32, #tpu.memory_space<hbm>> -> memref<8x128xf32, #tpu.memory_space<hbm>>
          %dma_start3A_58 = arith.constant 0 : i32
          %dma_start3A_59 = tpu.memref_slice %arg13[%add3A_54, %dma_start3A_58] : memref<10000x128xf32, #tpu.memory_space<vmem_shared>> -> memref<8x128xf32, #tpu.memory_space<vmem_shared>>
          tpu.enqueue_dma source(%dma_start3A_59 : memref<8x128xf32, #tpu.memory_space<vmem_shared>>) target(%dma_start3A_57 : memref<8x128xf32, #tpu.memory_space<hbm>>) target_semaphore(%run_scoped3A : memref<!tpu.dma_semaphore, #tpu.memory_space<semaphore_mem>>)
          %dma_wait3A = arith.constant 0 : i32
          %dma_wait3A_60 = tpu.memref_slice %arg8[%add3A_56, %dma_wait3A] : memref<10000x128xf32, #tpu.memory_space<hbm>> -> memref<8x128xf32, #tpu.memory_space<hbm>>
          %dma_wait3A_61 = arith.constant 0 : i32
          %dma_wait3A_62 = tpu.memref_slice %arg13[%add3A_54, %dma_wait3A_61] : memref<10000x128xf32, #tpu.memory_space<vmem_shared>> -> memref<8x128xf32, #tpu.memory_space<vmem_shared>>
          tpu.wait_dma2 semaphore(%run_scoped3A : memref<!tpu.dma_semaphore, #tpu.memory_space<semaphore_mem>>) src(%dma_wait3A_62 : memref<8x128xf32, #tpu.memory_space<vmem_shared>>) dst(%dma_wait3A_60 : memref<8x128xf32, #tpu.memory_space<hbm>>)
          tpu.yield
        }) : () -> ()
      } else {
      }
    } else {
    }
    return
  }
}

module attributes {stable_mosaic.version = 14 : i64} {
  func.func @_ks_body(%arg0: memref<10000x128xf32, #tpu.memory_space<vmem>>, %arg1: memref<10000x1xf32, #tpu.memory_space<vmem>>, %arg2: memref<10000x128xf32, #tpu.memory_space<vmem>>) attributes {dimension_semantics = [], scalar_prefetch = 0 : i64, scratch_operands = 0 : i64, tpu.core_type = #tpu.core_type<tc>} {
    %get3A = arith.constant 0 : index
    %get3A_0 = arith.constant 0 : index
    %get3A_1 = vector.load %arg1[%get3A, %get3A_0] : memref<10000x1xf32, #tpu.memory_space<vmem>>, vector<10000x1xf32>
    %get3A_2 = arith.constant 0 : index
    %get3A_3 = arith.constant 0 : index
    %get3A_4 = vector.load %arg0[%get3A_2, %get3A_3] : memref<10000x128xf32, #tpu.memory_space<vmem>>, vector<10000x128xf32>
    %mul3A = vector.broadcast %get3A_1 : vector<10000x1xf32> to vector<10000x128xf32>
    %mul3A_5 = arith.mulf %mul3A, %get3A_4 : vector<10000x128xf32>
    %swap3A = arith.constant 0 : index
    %swap3A_6 = arith.constant 0 : index
    %swap3A_7 = vector.load %arg2[%swap3A, %swap3A_6] : memref<10000x128xf32, #tpu.memory_space<vmem>>, vector<10000x128xf32>
    tpu.vector_store %arg2[%swap3A, %swap3A_6], %mul3A_5 {strides = array<i32>} : memref<10000x128xf32, #tpu.memory_space<vmem>>, vector<10000x128xf32>,
    return
  }
}

module attributes {stable_mosaic.version = 14 : i64} {
  func.func @_k0_body(%arg0: i32, %arg1: memref<1024x128xf32, #tpu.memory_space<vmem>>, %arg2: memref<1024x128xf32, #tpu.memory_space<vmem>>, %arg3: memref<128x128xf32, #tpu.memory_space<vmem>>, %arg4: memref<128x128xf32, #tpu.memory_space<vmem>>) attributes {dimension_semantics = [#tpu.dimension_semantics<arbitrary>], iteration_bounds = array<i64: 625>, scalar_prefetch = 0 : i64, scratch_operands = 0 : i64, tpu.core_type = #tpu.core_type<tc>, window_params = [{transform_indices = @transform_0, window_bounds = array<i64: 1024, 128>}, {transform_indices = @transform_1, window_bounds = array<i64: 1024, 128>}, {pipeline_mode = #tpu.pipeline_mode<synchronous>, transform_indices = @transform_2, window_bounds = array<i64: 128, 128>}, {pipeline_mode = #tpu.pipeline_mode<synchronous>, transform_indices = @transform_3, window_bounds = array<i64: 128, 128>}]} {
    %get3A = arith.constant 0 : index
    %get3A_0 = arith.constant 0 : index
    %get3A_1 = vector.load %arg1[%get3A, %get3A_0] : memref<1024x128xf32, #tpu.memory_space<vmem>>, vector<1024x128xf32>
    %dot_general3A = arith.constant dense<0.000000e+00> : vector<128x128xf32>
    %dot_general3A_2 = tpu.matmul %get3A_1, %get3A_1, %dot_general3A {dimension_numbers = #tpu.dot_dimension_numbers<[0], [0], [1], [1], [0, 1, 1, 1], [], []>, transpose_lhs_hint = false} : vector<1024x128xf32>, vector<1024x128xf32>, vector<128x128xf32> -> vector<128x128xf32>
    %get3A_3 = arith.constant 0 : index
    %get3A_4 = arith.constant 0 : index
    %get3A_5 = vector.load %arg2[%get3A_3, %get3A_4] : memref<1024x128xf32, #tpu.memory_space<vmem>>, vector<1024x128xf32>
    %dot_general3A_6 = arith.constant dense<0.000000e+00> : vector<128x128xf32>
    %dot_general3A_7 = tpu.matmul %get3A_1, %get3A_5, %dot_general3A_6 {dimension_numbers = #tpu.dot_dimension_numbers<[0], [0], [1], [1], [0, 1, 1, 1], [], []>, transpose_lhs_hint = false} : vector<1024x128xf32>, vector<1024x128xf32>, vector<128x128xf32> -> vector<128x128xf32>
    %eq3A = arith.constant 0 : i32
    %eq3A_8 = arith.cmpi eq, %arg0, %eq3A : i32
    %convert_element_type3A = arith.extui %eq3A_8 : i1 to i32
    %cond3A = arith.constant 0 : i32
    %cond3A_9 = arith.cmpi ne, %convert_element_type3A, %cond3A : i32
    scf.if %cond3A_9 {
      %swap3A = arith.constant 0 : index
      %swap3A_14 = arith.constant 0 : index
      %swap3A_15 = vector.load %arg3[%swap3A, %swap3A_14] : memref<128x128xf32, #tpu.memory_space<vmem>>, vector<128x128xf32>
      tpu.vector_store %arg3[%swap3A, %swap3A_14], %dot_general3A_2 {strides = array<i32>} : memref<128x128xf32, #tpu.memory_space<vmem>>, vector<128x128xf32>,
      %swap3A_16 = arith.constant 0 : index
      %swap3A_17 = arith.constant 0 : index
      %swap3A_18 = vector.load %arg4[%swap3A_16, %swap3A_17] : memref<128x128xf32, #tpu.memory_space<vmem>>, vector<128x128xf32>
      tpu.vector_store %arg4[%swap3A_16, %swap3A_17], %dot_general3A_7 {strides = array<i32>} : memref<128x128xf32, #tpu.memory_space<vmem>>, vector<128x128xf32>,
    } else {
    }
    %ne3A = arith.constant 0 : i32
    %ne3A_10 = arith.cmpi ne, %arg0, %ne3A : i32
    %convert_element_type3A_11 = arith.extui %ne3A_10 : i1 to i32
    %cond3A_12 = arith.constant 0 : i32
    %cond3A_13 = arith.cmpi ne, %convert_element_type3A_11, %cond3A_12 : i32
    scf.if %cond3A_13 {
      %get3A_14 = arith.constant 0 : index
      %get3A_15 = arith.constant 0 : index
      %get3A_16 = vector.load %arg3[%get3A_14, %get3A_15] : memref<128x128xf32, #tpu.memory_space<vmem>>, vector<128x128xf32>
      %add3A = arith.addf %get3A_16, %dot_general3A_2 : vector<128x128xf32>
      %swap3A = arith.constant 0 : index
      %swap3A_17 = arith.constant 0 : index
      %swap3A_18 = vector.load %arg3[%swap3A, %swap3A_17] : memref<128x128xf32, #tpu.memory_space<vmem>>, vector<128x128xf32>
      tpu.vector_store %arg3[%swap3A, %swap3A_17], %add3A {strides = array<i32>} : memref<128x128xf32, #tpu.memory_space<vmem>>, vector<128x128xf32>,
      %get3A_19 = arith.constant 0 : index
      %get3A_20 = arith.constant 0 : index
      %get3A_21 = vector.load %arg4[%get3A_19, %get3A_20] : memref<128x128xf32, #tpu.memory_space<vmem>>, vector<128x128xf32>
      %add3A_22 = arith.addf %get3A_21, %dot_general3A_7 : vector<128x128xf32>
      %swap3A_23 = arith.constant 0 : index
      %swap3A_24 = arith.constant 0 : index
      %swap3A_25 = vector.load %arg4[%swap3A_23, %swap3A_24] : memref<128x128xf32, #tpu.memory_space<vmem>>, vector<128x128xf32>
      tpu.vector_store %arg4[%swap3A_23, %swap3A_24], %add3A_22 {strides = array<i32>} : memref<128x128xf32, #tpu.memory_space<vmem>>, vector<128x128xf32>,
    } else {
    }
    return
  }
  func.func @transform_0(%arg0: i32) -> (i32, i32) {
    %c0_i32 = arith.constant 0 : i32
    %c0_i32_0 = arith.constant 0 : i32
    return %arg0, %c0_i32 : i32, i32
  }
  func.func @transform_1(%arg0: i32) -> (i32, i32) {
    %c0_i32 = arith.constant 0 : i32
    %c0_i32_0 = arith.constant 0 : i32
    return %arg0, %c0_i32 : i32, i32
  }
  func.func @transform_2(%arg0: i32) -> (i32, i32) {
    %c0_i32 = arith.constant 0 : i32
    %c0_i32_0 = arith.constant 0 : i32
    %c0_i32_1 = arith.constant 0 : i32
    return %c0_i32, %c0_i32_0 : i32, i32
  }
  func.func @transform_3(%arg0: i32) -> (i32, i32) {
    %c0_i32 = arith.constant 0 : i32
    %c0_i32_0 = arith.constant 0 : i32
    %c0_i32_1 = arith.constant 0 : i32
    return %c0_i32, %c0_i32_0 : i32, i32
  }
}

module attributes {stable_mosaic.version = 14 : i64} {
  func.func @_k1_body(%arg0: memref<128x128xf32, #tpu.memory_space<vmem>>, %arg1: memref<128x128xf32, #tpu.memory_space<vmem>>, %arg2: memref<10000x128xf32, #tpu.memory_space<vmem>>, %arg3: memref<10000x128xf32, #tpu.memory_space<vmem>>, %arg4: memref<10000x128xf32, #tpu.memory_space<vmem>>, %arg5: memref<10000x1xf32, #tpu.memory_space<vmem>>, %arg6: memref<128x256xf32, #tpu.memory_space<vmem>>, %arg7: memref<128x256xf32, #tpu.memory_space<vmem>>, %arg8: memref<128x256xf32, #tpu.memory_space<vmem>>, %arg9: memref<1x256xf32, #tpu.memory_space<vmem>>, %arg10: memref<1x256xf32, #tpu.memory_space<vmem>>, %arg11: memref<1x256xf32, #tpu.memory_space<vmem>>, %arg12: memref<1x256xf32, #tpu.memory_space<vmem>>) attributes {dimension_semantics = [], scalar_prefetch = 0 : i64, scratch_operands = 0 : i64, tpu.core_type = #tpu.core_type<tc>} {
    %get3A = arith.constant 0 : index
    %get3A_0 = arith.constant 0 : index
    %get3A_1 = vector.load %arg5[%get3A, %get3A_0] : memref<10000x1xf32, #tpu.memory_space<vmem>>, vector<10000x1xf32>
    %get3A_2 = arith.constant 0 : index
    %get3A_3 = arith.constant 0 : index
    %get3A_4 = vector.load %arg4[%get3A_2, %get3A_3] : memref<10000x128xf32, #tpu.memory_space<vmem>>, vector<10000x128xf32>
    %get3A_5 = arith.constant 0 : index
    %get3A_6 = arith.constant 0 : index
    %get3A_7 = vector.load %arg2[%get3A_5, %get3A_6] : memref<10000x128xf32, #tpu.memory_space<vmem>>, vector<10000x128xf32>
    %get3A_8 = arith.constant 0 : index
    %get3A_9 = arith.constant 0 : index
    %get3A_10 = vector.load %arg3[%get3A_8, %get3A_9] : memref<10000x128xf32, #tpu.memory_space<vmem>>, vector<10000x128xf32>
    %mul3A = vector.broadcast %get3A_1 : vector<10000x1xf32> to vector<10000x128xf32>
    %mul3A_11 = arith.mulf %mul3A, %get3A_4 : vector<10000x128xf32>
    %mul3A_12 = vector.broadcast %get3A_1 : vector<10000x1xf32> to vector<10000x128xf32>
    %mul3A_13 = arith.mulf %mul3A_12, %mul3A_11 : vector<10000x128xf32>
    %get3A_14 = arith.constant 0 : index
    %get3A_15 = arith.constant 0 : index
    %get3A_16 = vector.load %arg6[%get3A_14, %get3A_15] : memref<128x256xf32, #tpu.memory_space<vmem>>, vector<128x256xf32>
    %get3A_17 = arith.constant 0 : index
    %get3A_18 = arith.constant 0 : index
    %get3A_19 = vector.load %arg7[%get3A_17, %get3A_18] : memref<128x256xf32, #tpu.memory_space<vmem>>, vector<128x256xf32>
    %get3A_20 = arith.constant 0 : index
    %get3A_21 = arith.constant 0 : index
    %get3A_22 = vector.load %arg8[%get3A_20, %get3A_21] : memref<128x256xf32, #tpu.memory_space<vmem>>, vector<128x256xf32>
    %reduce_sum3A = arith.constant dense<0.000000e+00> : vector<128xf32>
    %reduce_sum3A_23 = vector.multi_reduction <add>, %get3A_7, %reduce_sum3A [0] : vector<10000x128xf32> to vector<128xf32>
    %broadcast_in_dim3A = vector.shape_cast %reduce_sum3A_23 : vector<128xf32> to vector<1x128xf32>
    %reduce_sum3A_24 = arith.constant dense<0.000000e+00> : vector<128xf32>
    %reduce_sum3A_25 = vector.multi_reduction <add>, %mul3A_13, %reduce_sum3A_24 [0] : vector<10000x128xf32> to vector<128xf32>
    %broadcast_in_dim3A_26 = vector.shape_cast %reduce_sum3A_25 : vector<128xf32> to vector<1x128xf32>
    %reduce_sum3A_27 = arith.constant dense<0.000000e+00> : vector<128xf32>
    %reduce_sum3A_28 = vector.multi_reduction <add>, %mul3A_11, %reduce_sum3A_27 [0] : vector<10000x128xf32> to vector<128xf32>
    %broadcast_in_dim3A_29 = vector.shape_cast %reduce_sum3A_28 : vector<128xf32> to vector<1x128xf32>
    %dot_general3A = arith.constant dense<0.000000e+00> : vector<1x256xf32>
    %dot_general3A_30 = tpu.matmul %broadcast_in_dim3A, %get3A_16, %dot_general3A {dimension_numbers = #tpu.dot_dimension_numbers<[1], [0], [0], [1], [0, 0, 1, 1], [], []>, transpose_lhs_hint = false} : vector<1x128xf32>, vector<128x256xf32>, vector<1x256xf32> -> vector<1x256xf32>
    %dot_general3A_31 = arith.constant dense<0.000000e+00> : vector<1x256xf32>
    %dot_general3A_32 = tpu.matmul %broadcast_in_dim3A_26, %get3A_19, %dot_general3A_31 {dimension_numbers = #tpu.dot_dimension_numbers<[1], [0], [0], [1], [0, 0, 1, 1], [], []>, transpose_lhs_hint = false} : vector<1x128xf32>, vector<128x256xf32>, vector<1x256xf32> -> vector<1x256xf32>
    %add3A = arith.addf %dot_general3A_30, %dot_general3A_32 : vector<1x256xf32>
    %dot_general3A_33 = arith.constant dense<0.000000e+00> : vector<1x256xf32>
    %dot_general3A_34 = tpu.matmul %broadcast_in_dim3A_29, %get3A_22, %dot_general3A_33 {dimension_numbers = #tpu.dot_dimension_numbers<[1], [0], [0], [1], [0, 0, 1, 1], [], []>, transpose_lhs_hint = false} : vector<1x128xf32>, vector<128x256xf32>, vector<1x256xf32> -> vector<1x256xf32>
    %add3A_35 = arith.addf %add3A, %dot_general3A_34 : vector<1x256xf32>
    %div3A = arith.constant 6.400000e+05 : f32
    %div3A_36 = vector.broadcast %div3A : f32 to vector<1x256xf32>
    %div3A_37 = arith.divf %add3A_35, %div3A_36 : vector<1x256xf32>
    %get3A_38 = arith.constant 0 : index
    %get3A_39 = arith.constant 0 : index
    %get3A_40 = vector.load %arg0[%get3A_38, %get3A_39] : memref<128x128xf32, #tpu.memory_space<vmem>>, vector<128x128xf32>
    %get3A_41 = arith.constant 0 : index
    %get3A_42 = arith.constant 0 : index
    %get3A_43 = vector.load %arg1[%get3A_41, %get3A_42] : memref<128x128xf32, #tpu.memory_space<vmem>>, vector<128x128xf32>
    %mul3A_44 = vector.broadcast %get3A_1 : vector<10000x1xf32> to vector<10000x128xf32>
    %mul3A_45 = arith.mulf %mul3A_44, %get3A_7 : vector<10000x128xf32>
    %dot_general3A_46 = arith.constant dense<0.000000e+00> : vector<128x128xf32>
    %dot_general3A_47 = tpu.matmul %mul3A_45, %get3A_4, %dot_general3A_46 {dimension_numbers = #tpu.dot_dimension_numbers<[0], [0], [1], [1], [0, 1, 1, 1], [], []>, transpose_lhs_hint = false} : vector<10000x128xf32>, vector<10000x128xf32>, vector<128x128xf32> -> vector<128x128xf32>
    %mul3A_48 = vector.broadcast %get3A_1 : vector<10000x1xf32> to vector<10000x128xf32>
    %mul3A_49 = arith.mulf %mul3A_48, %mul3A_13 : vector<10000x128xf32>
    %dot_general3A_50 = arith.constant dense<0.000000e+00> : vector<128x128xf32>
    %dot_general3A_51 = tpu.matmul %mul3A_49, %get3A_4, %dot_general3A_50 {dimension_numbers = #tpu.dot_dimension_numbers<[0], [0], [1], [1], [0, 1, 1, 1], [], []>, transpose_lhs_hint = false} : vector<10000x128xf32>, vector<10000x128xf32>, vector<128x128xf32> -> vector<128x128xf32>
    %dot_general3A_52 = arith.constant dense<0.000000e+00> : vector<128x128xf32>
    %dot_general3A_53 = tpu.matmul %mul3A_11, %get3A_10, %dot_general3A_52 {dimension_numbers = #tpu.dot_dimension_numbers<[0], [0], [1], [1], [0, 1, 1, 1], [], []>, transpose_lhs_hint = false} : vector<10000x128xf32>, vector<10000x128xf32>, vector<128x128xf32> -> vector<128x128xf32>
    %dot_general3A_54 = arith.constant dense<0.000000e+00> : vector<128x128xf32>
    %dot_general3A_55 = tpu.matmul %mul3A_11, %get3A_4, %dot_general3A_54 {dimension_numbers = #tpu.dot_dimension_numbers<[0], [0], [1], [1], [0, 1, 1, 1], [], []>, transpose_lhs_hint = false} : vector<10000x128xf32>, vector<10000x128xf32>, vector<128x128xf32> -> vector<128x128xf32>
    %dot_general3A_56 = arith.constant dense<0.000000e+00> : vector<128x256xf32>
    %dot_general3A_57 = tpu.matmul %get3A_40, %get3A_16, %dot_general3A_56 {dimension_numbers = #tpu.dot_dimension_numbers<[1], [0], [0], [1], [0, 0, 1, 1], [], []>, transpose_lhs_hint = false} : vector<128x128xf32>, vector<128x256xf32>, vector<128x256xf32> -> vector<128x256xf32>
    %dot_general3A_58 = arith.constant dense<0.000000e+00> : vector<128x256xf32>
    %dot_general3A_59 = tpu.matmul %dot_general3A_47, %get3A_19, %dot_general3A_58 {dimension_numbers = #tpu.dot_dimension_numbers<[1], [0], [0], [1], [0, 0, 1, 1], [], []>, transpose_lhs_hint = false} : vector<128x128xf32>, vector<128x256xf32>, vector<128x256xf32> -> vector<128x256xf32>
    %add3A_60 = arith.addf %dot_general3A_57, %dot_general3A_59 : vector<128x256xf32>
    %dot_general3A_61 = arith.constant dense<0.000000e+00> : vector<128x256xf32>
    %dot_general3A_62 = tpu.matmul %get3A_43, %get3A_22, %dot_general3A_61 {dimension_numbers = #tpu.dot_dimension_numbers<[1], [0], [0], [1], [0, 0, 1, 1], [], []>, transpose_lhs_hint = false} : vector<128x128xf32>, vector<128x256xf32>, vector<128x256xf32> -> vector<128x256xf32>
    %add3A_63 = arith.addf %add3A_60, %dot_general3A_62 : vector<128x256xf32>
    %dot_general3A_64 = arith.constant dense<0.000000e+00> : vector<128x256xf32>
    %dot_general3A_65 = tpu.matmul %dot_general3A_47, %get3A_16, %dot_general3A_64 {dimension_numbers = #tpu.dot_dimension_numbers<[0], [0], [1], [1], [0, 1, 1, 1], [], []>, transpose_lhs_hint = false} : vector<128x128xf32>, vector<128x256xf32>, vector<128x256xf32> -> vector<128x256xf32>
    %dot_general3A_66 = arith.constant dense<0.000000e+00> : vector<128x256xf32>
    %dot_general3A_67 = tpu.matmul %dot_general3A_51, %get3A_19, %dot_general3A_66 {dimension_numbers = #tpu.dot_dimension_numbers<[1], [0], [0], [1], [0, 0, 1, 1], [], []>, transpose_lhs_hint = false} : vector<128x128xf32>, vector<128x256xf32>, vector<128x256xf32> -> vector<128x256xf32>
    %add3A_68 = arith.addf %dot_general3A_65, %dot_general3A_67 : vector<128x256xf32>
    %dot_general3A_69 = arith.constant dense<0.000000e+00> : vector<128x256xf32>
    %dot_general3A_70 = tpu.matmul %dot_general3A_53, %get3A_22, %dot_general3A_69 {dimension_numbers = #tpu.dot_dimension_numbers<[1], [0], [0], [1], [0, 0, 1, 1], [], []>, transpose_lhs_hint = false} : vector<128x128xf32>, vector<128x256xf32>, vector<128x256xf32> -> vector<128x256xf32>
    %add3A_71 = arith.addf %add3A_68, %dot_general3A_70 : vector<128x256xf32>
    %dot_general3A_72 = arith.constant dense<0.000000e+00> : vector<128x256xf32>
    %dot_general3A_73 = tpu.matmul %get3A_43, %get3A_16, %dot_general3A_72 {dimension_numbers = #tpu.dot_dimension_numbers<[0], [0], [1], [1], [0, 1, 1, 1], [], []>, transpose_lhs_hint = false} : vector<128x128xf32>, vector<128x256xf32>, vector<128x256xf32> -> vector<128x256xf32>
    %dot_general3A_74 = arith.constant dense<0.000000e+00> : vector<128x256xf32>
    %dot_general3A_75 = tpu.matmul %dot_general3A_53, %get3A_19, %dot_general3A_74 {dimension_numbers = #tpu.dot_dimension_numbers<[0], [0], [1], [1], [0, 1, 1, 1], [], []>, transpose_lhs_hint = false} : vector<128x128xf32>, vector<128x256xf32>, vector<128x256xf32> -> vector<128x256xf32>
    %add3A_76 = arith.addf %dot_general3A_73, %dot_general3A_75 : vector<128x256xf32>
    %dot_general3A_77 = arith.constant dense<0.000000e+00> : vector<128x256xf32>
    %dot_general3A_78 = tpu.matmul %dot_general3A_55, %get3A_22, %dot_general3A_77 {dimension_numbers = #tpu.dot_dimension_numbers<[1], [0], [0], [1], [0, 0, 1, 1], [], []>, transpose_lhs_hint = false} : vector<128x128xf32>, vector<128x256xf32>, vector<128x256xf32> -> vector<128x256xf32>
    %add3A_79 = arith.addf %add3A_76, %dot_general3A_78 : vector<128x256xf32>
    %mul3A_80 = arith.mulf %get3A_16, %add3A_63 : vector<128x256xf32>
    %reduce_sum3A_81 = arith.constant dense<0.000000e+00> : vector<256xf32>
    %reduce_sum3A_82 = vector.multi_reduction <add>, %mul3A_80, %reduce_sum3A_81 [0] : vector<128x256xf32> to vector<256xf32>
    %broadcast_in_dim3A_83 = vector.shape_cast %reduce_sum3A_82 : vector<256xf32> to vector<1x256xf32>
    %mul3A_84 = arith.mulf %get3A_19, %add3A_71 : vector<128x256xf32>
    %reduce_sum3A_85 = arith.constant dense<0.000000e+00> : vector<256xf32>
    %reduce_sum3A_86 = vector.multi_reduction <add>, %mul3A_84, %reduce_sum3A_85 [0] : vector<128x256xf32> to vector<256xf32>
    %broadcast_in_dim3A_87 = vector.shape_cast %reduce_sum3A_86 : vector<256xf32> to vector<1x256xf32>
    %add3A_88 = arith.addf %broadcast_in_dim3A_83, %broadcast_in_dim3A_87 : vector<1x256xf32>
    %mul3A_89 = arith.mulf %get3A_22, %add3A_79 : vector<128x256xf32>
    %reduce_sum3A_90 = arith.constant dense<0.000000e+00> : vector<256xf32>
    %reduce_sum3A_91 = vector.multi_reduction <add>, %mul3A_89, %reduce_sum3A_90 [0] : vector<128x256xf32> to vector<256xf32>
    %broadcast_in_dim3A_92 = vector.shape_cast %reduce_sum3A_91 : vector<256xf32> to vector<1x256xf32>
    %add3A_93 = arith.addf %add3A_88, %broadcast_in_dim3A_92 : vector<1x256xf32>
    %div3A_94 = arith.constant 6.400000e+05 : f32
    %div3A_95 = vector.broadcast %div3A_94 : f32 to vector<1x256xf32>
    %div3A_96 = arith.divf %add3A_93, %div3A_95 : vector<1x256xf32>
    %mul3A_97 = arith.mulf %div3A_37, %div3A_37 : vector<1x256xf32>
    %sub3A = arith.subf %div3A_96, %mul3A_97 : vector<1x256xf32>
    %add3A_98 = arith.constant 9.99999974E-6 : f32
    %add3A_99 = vector.broadcast %add3A_98 : f32 to vector<1x256xf32>
    %add3A_100 = arith.addf %sub3A, %add3A_99 : vector<1x256xf32>
    %rsqrt3A = math.rsqrt %add3A_100 : vector<1x256xf32>
    %get3A_101 = arith.constant 0 : index
    %get3A_102 = arith.constant 0 : index
    %get3A_103 = vector.load %arg9[%get3A_101, %get3A_102] : memref<1x256xf32, #tpu.memory_space<vmem>>, vector<1x256xf32>
    %mul3A_104 = arith.mulf %rsqrt3A, %get3A_103 : vector<1x256xf32>
    %swap3A = arith.constant 0 : index
    %swap3A_105 = arith.constant 0 : index
    %swap3A_106 = vector.load %arg11[%swap3A, %swap3A_105] : memref<1x256xf32, #tpu.memory_space<vmem>>, vector<1x256xf32>
    tpu.vector_store %arg11[%swap3A, %swap3A_105], %mul3A_104 {strides = array<i32>} : memref<1x256xf32, #tpu.memory_space<vmem>>, vector<1x256xf32>,
    %get3A_107 = arith.constant 0 : index
    %get3A_108 = arith.constant 0 : index
    %get3A_109 = vector.load %arg10[%get3A_107, %get3A_108] : memref<1x256xf32, #tpu.memory_space<vmem>>, vector<1x256xf32>
    %mul3A_110 = arith.mulf %div3A_37, %rsqrt3A : vector<1x256xf32>
    %mul3A_111 = arith.mulf %mul3A_110, %get3A_103 : vector<1x256xf32>
    %sub3A_112 = arith.subf %get3A_109, %mul3A_111 : vector<1x256xf32>
    %swap3A_113 = arith.constant 0 : index
    %swap3A_114 = arith.constant 0 : index
    %swap3A_115 = vector.load %arg12[%swap3A_113, %swap3A_114] : memref<1x256xf32, #tpu.memory_space<vmem>>, vector<1x256xf32>
    tpu.vector_store %arg12[%swap3A_113, %swap3A_114], %sub3A_112 {strides = array<i32>} : memref<1x256xf32, #tpu.memory_space<vmem>>, vector<1x256xf32>,
    return
  }
}

module attributes {stable_mosaic.version = 14 : i64} {
  func.func @_k4_body(%arg0: memref<10000x128xf32, #tpu.memory_space<vmem>>, %arg1: memref<10000x128xf32, #tpu.memory_space<vmem>>, %arg2: memref<10000x128xf32, #tpu.memory_space<vmem>>, %arg3: memref<10000x1xf32, #tpu.memory_space<vmem>>, %arg4: memref<128x256xf32, #tpu.memory_space<vmem>>, %arg5: memref<128x256xf32, #tpu.memory_space<vmem>>, %arg6: memref<128x256xf32, #tpu.memory_space<vmem>>, %arg7: memref<128x256xf32, #tpu.memory_space<vmem>>, %arg8: memref<1x256xf32, #tpu.memory_space<vmem>>, %arg9: memref<1x256xf32, #tpu.memory_space<vmem>>, %arg10: memref<256x128xf32, #tpu.memory_space<vmem>>, %arg11: memref<1x128xf32, #tpu.memory_space<vmem>>, %arg12: memref<1x128xf32, #tpu.memory_space<vmem>>, %arg13: memref<10000x128xf32, #tpu.memory_space<vmem>>) attributes {dimension_semantics = [], scalar_prefetch = 0 : i64, scratch_operands = 0 : i64, tpu.core_type = #tpu.core_type<tc>} {
    %get3A = arith.constant 0 : index
    %get3A_0 = arith.constant 0 : index
    %get3A_1 = vector.load %arg3[%get3A, %get3A_0] : memref<10000x1xf32, #tpu.memory_space<vmem>>, vector<10000x1xf32>
    %get3A_2 = arith.constant 0 : index
    %get3A_3 = arith.constant 0 : index
    %get3A_4 = vector.load %arg0[%get3A_2, %get3A_3] : memref<10000x128xf32, #tpu.memory_space<vmem>>, vector<10000x128xf32>
    %mul3A = arith.mulf %get3A_1, %get3A_1 : vector<10000x1xf32>
    %mul3A_5 = vector.broadcast %mul3A : vector<10000x1xf32> to vector<10000x128xf32>
    %mul3A_6 = arith.mulf %mul3A_5, %get3A_4 : vector<10000x128xf32>
    %get3A_7 = arith.constant 0 : index
    %get3A_8 = arith.constant 0 : index
    %get3A_9 = vector.load %arg4[%get3A_7, %get3A_8] : memref<128x256xf32, #tpu.memory_space<vmem>>, vector<128x256xf32>
    %dot_general3A = arith.constant dense<0.000000e+00> : vector<10000x256xf32>
    %dot_general3A_10 = tpu.matmul %get3A_4, %get3A_9, %dot_general3A {dimension_numbers = #tpu.dot_dimension_numbers<[1], [0], [0], [1], [0, 0, 1, 1], [], []>, transpose_lhs_hint = false} : vector<10000x128xf32>, vector<128x256xf32>, vector<10000x256xf32> -> vector<10000x256xf32>
    %get3A_11 = arith.constant 0 : index
    %get3A_12 = arith.constant 0 : index
    %get3A_13 = vector.load %arg1[%get3A_11, %get3A_12] : memref<10000x128xf32, #tpu.memory_space<vmem>>, vector<10000x128xf32>
    %get3A_14 = arith.constant 0 : index
    %get3A_15 = arith.constant 0 : index
    %get3A_16 = vector.load %arg5[%get3A_14, %get3A_15] : memref<128x256xf32, #tpu.memory_space<vmem>>, vector<128x256xf32>
    %dot_general3A_17 = arith.constant dense<0.000000e+00> : vector<10000x256xf32>
    %dot_general3A_18 = tpu.matmul %get3A_13, %get3A_16, %dot_general3A_17 {dimension_numbers = #tpu.dot_dimension_numbers<[1], [0], [0], [1], [0, 0, 1, 1], [], []>, transpose_lhs_hint = false} : vector<10000x128xf32>, vector<128x256xf32>, vector<10000x256xf32> -> vector<10000x256xf32>
    %add3A = arith.addf %dot_general3A_10, %dot_general3A_18 : vector<10000x256xf32>
    %get3A_19 = arith.constant 0 : index
    %get3A_20 = arith.constant 0 : index
    %get3A_21 = vector.load %arg6[%get3A_19, %get3A_20] : memref<128x256xf32, #tpu.memory_space<vmem>>, vector<128x256xf32>
    %dot_general3A_22 = arith.constant dense<0.000000e+00> : vector<10000x256xf32>
    %dot_general3A_23 = tpu.matmul %mul3A_6, %get3A_21, %dot_general3A_22 {dimension_numbers = #tpu.dot_dimension_numbers<[1], [0], [0], [1], [0, 0, 1, 1], [], []>, transpose_lhs_hint = false} : vector<10000x128xf32>, vector<128x256xf32>, vector<10000x256xf32> -> vector<10000x256xf32>
    %add3A_24 = arith.addf %add3A, %dot_general3A_23 : vector<10000x256xf32>
    %get3A_25 = arith.constant 0 : index
    %get3A_26 = arith.constant 0 : index
    %get3A_27 = vector.load %arg2[%get3A_25, %get3A_26] : memref<10000x128xf32, #tpu.memory_space<vmem>>, vector<10000x128xf32>
    %get3A_28 = arith.constant 0 : index
    %get3A_29 = arith.constant 0 : index
    %get3A_30 = vector.load %arg7[%get3A_28, %get3A_29] : memref<128x256xf32, #tpu.memory_space<vmem>>, vector<128x256xf32>
    %dot_general3A_31 = arith.constant dense<0.000000e+00> : vector<10000x256xf32>
    %dot_general3A_32 = tpu.matmul %get3A_27, %get3A_30, %dot_general3A_31 {dimension_numbers = #tpu.dot_dimension_numbers<[1], [0], [0], [1], [0, 0, 1, 1], [], []>, transpose_lhs_hint = false} : vector<10000x128xf32>, vector<128x256xf32>, vector<10000x256xf32> -> vector<10000x256xf32>
    %add3A_33 = arith.addf %add3A_24, %dot_general3A_32 : vector<10000x256xf32>
    %reduce_sum3A = arith.constant dense<0.000000e+00> : vector<256xf32>
    %reduce_sum3A_34 = vector.multi_reduction <add>, %add3A_33, %reduce_sum3A [0] : vector<10000x256xf32> to vector<256xf32>
    %broadcast_in_dim3A = vector.shape_cast %reduce_sum3A_34 : vector<256xf32> to vector<1x256xf32>
    %div3A = arith.constant 1.000000e+04 : f32
    %div3A_35 = vector.broadcast %div3A : f32 to vector<1x256xf32>
    %div3A_36 = arith.divf %broadcast_in_dim3A, %div3A_35 : vector<1x256xf32>
    %sub3A = vector.broadcast %div3A_36 : vector<1x256xf32> to vector<10000x256xf32>
    %sub3A_37 = arith.subf %add3A_33, %sub3A : vector<10000x256xf32>
    %sub3A_38 = vector.broadcast %div3A_36 : vector<1x256xf32> to vector<10000x256xf32>
    %sub3A_39 = arith.subf %add3A_33, %sub3A_38 : vector<10000x256xf32>
    %mul3A_40 = arith.mulf %sub3A_37, %sub3A_39 : vector<10000x256xf32>
    %reduce_sum3A_41 = arith.constant dense<0.000000e+00> : vector<256xf32>
    %reduce_sum3A_42 = vector.multi_reduction <add>, %mul3A_40, %reduce_sum3A_41 [0] : vector<10000x256xf32> to vector<256xf32>
    %broadcast_in_dim3A_43 = vector.shape_cast %reduce_sum3A_42 : vector<256xf32> to vector<1x256xf32>
    %div3A_44 = arith.constant 1.000000e+04 : f32
    %div3A_45 = vector.broadcast %div3A_44 : f32 to vector<1x256xf32>
    %div3A_46 = arith.divf %broadcast_in_dim3A_43, %div3A_45 : vector<1x256xf32>
    %sub3A_47 = vector.broadcast %div3A_36 : vector<1x256xf32> to vector<10000x256xf32>
    %sub3A_48 = arith.subf %add3A_33, %sub3A_47 : vector<10000x256xf32>
    %add3A_49 = arith.constant 9.99999974E-6 : f32
    %add3A_50 = vector.broadcast %add3A_49 : f32 to vector<1x256xf32>
    %add3A_51 = arith.addf %div3A_46, %add3A_50 : vector<1x256xf32>
    %rsqrt3A = math.rsqrt %add3A_51 : vector<1x256xf32>
    %mul3A_52 = vector.broadcast %rsqrt3A : vector<1x256xf32> to vector<10000x256xf32>
    %mul3A_53 = arith.mulf %sub3A_48, %mul3A_52 : vector<10000x256xf32>
    %get3A_54 = arith.constant 0 : index
    %get3A_55 = arith.constant 0 : index
    %get3A_56 = vector.load %arg8[%get3A_54, %get3A_55] : memref<1x256xf32, #tpu.memory_space<vmem>>, vector<1x256xf32>
    %mul3A_57 = vector.broadcast %get3A_56 : vector<1x256xf32> to vector<10000x256xf32>
    %mul3A_58 = arith.mulf %mul3A_53, %mul3A_57 : vector<10000x256xf32>
    %get3A_59 = arith.constant 0 : index
    %get3A_60 = arith.constant 0 : index
    %get3A_61 = vector.load %arg9[%get3A_59, %get3A_60] : memref<1x256xf32, #tpu.memory_space<vmem>>, vector<1x256xf32>
    %add3A_62 = vector.broadcast %get3A_61 : vector<1x256xf32> to vector<10000x256xf32>
    %add3A_63 = arith.addf %mul3A_58, %add3A_62 : vector<10000x256xf32>
    %max3A = arith.constant 0.000000e+00 : f32
    %max3A_64 = vector.broadcast %max3A : f32 to vector<10000x256xf32>
    %max3A_65 = arith.maximumf %add3A_63, %max3A_64 : vector<10000x256xf32>
    %get3A_66 = arith.constant 0 : index
    %get3A_67 = arith.constant 0 : index
    %get3A_68 = vector.load %arg10[%get3A_66, %get3A_67] : memref<256x128xf32, #tpu.memory_space<vmem>>, vector<256x128xf32>
    %dot_general3A_69 = arith.constant dense<0.000000e+00> : vector<10000x128xf32>
    %dot_general3A_70 = tpu.matmul %max3A_65, %get3A_68, %dot_general3A_69 {dimension_numbers = #tpu.dot_dimension_numbers<[1], [0], [0], [1], [0, 0, 1, 1], [], []>, transpose_lhs_hint = false} : vector<10000x256xf32>, vector<256x128xf32>, vector<10000x128xf32> -> vector<10000x128xf32>
    %reduce_sum3A_71 = arith.constant dense<0.000000e+00> : vector<128xf32>
    %reduce_sum3A_72 = vector.multi_reduction <add>, %dot_general3A_70, %reduce_sum3A_71 [0] : vector<10000x128xf32> to vector<128xf32>
    %broadcast_in_dim3A_73 = vector.shape_cast %reduce_sum3A_72 : vector<128xf32> to vector<1x128xf32>
    %div3A_74 = arith.constant 1.000000e+04 : f32
    %div3A_75 = vector.broadcast %div3A_74 : f32 to vector<1x128xf32>
    %div3A_76 = arith.divf %broadcast_in_dim3A_73, %div3A_75 : vector<1x128xf32>
    %sub3A_77 = vector.broadcast %div3A_76 : vector<1x128xf32> to vector<10000x128xf32>
    %sub3A_78 = arith.subf %dot_general3A_70, %sub3A_77 : vector<10000x128xf32>
    %sub3A_79 = vector.broadcast %div3A_76 : vector<1x128xf32> to vector<10000x128xf32>
    %sub3A_80 = arith.subf %dot_general3A_70, %sub3A_79 : vector<10000x128xf32>
    %mul3A_81 = arith.mulf %sub3A_78, %sub3A_80 : vector<10000x128xf32>
    %reduce_sum3A_82 = arith.constant dense<0.000000e+00> : vector<128xf32>
    %reduce_sum3A_83 = vector.multi_reduction <add>, %mul3A_81, %reduce_sum3A_82 [0] : vector<10000x128xf32> to vector<128xf32>
    %broadcast_in_dim3A_84 = vector.shape_cast %reduce_sum3A_83 : vector<128xf32> to vector<1x128xf32>
    %div3A_85 = arith.constant 1.000000e+04 : f32
    %div3A_86 = vector.broadcast %div3A_85 : f32 to vector<1x128xf32>
    %div3A_87 = arith.divf %broadcast_in_dim3A_84, %div3A_86 : vector<1x128xf32>
    %sub3A_88 = vector.broadcast %div3A_76 : vector<1x128xf32> to vector<10000x128xf32>
    %sub3A_89 = arith.subf %dot_general3A_70, %sub3A_88 : vector<10000x128xf32>
    %add3A_90 = arith.constant 9.99999974E-6 : f32
    %add3A_91 = vector.broadcast %add3A_90 : f32 to vector<1x128xf32>
    %add3A_92 = arith.addf %div3A_87, %add3A_91 : vector<1x128xf32>
    %rsqrt3A_93 = math.rsqrt %add3A_92 : vector<1x128xf32>
    %mul3A_94 = vector.broadcast %rsqrt3A_93 : vector<1x128xf32> to vector<10000x128xf32>
    %mul3A_95 = arith.mulf %sub3A_89, %mul3A_94 : vector<10000x128xf32>
    %get3A_96 = arith.constant 0 : index
    %get3A_97 = arith.constant 0 : index
    %get3A_98 = vector.load %arg11[%get3A_96, %get3A_97] : memref<1x128xf32, #tpu.memory_space<vmem>>, vector<1x128xf32>
    %mul3A_99 = vector.broadcast %get3A_98 : vector<1x128xf32> to vector<10000x128xf32>
    %mul3A_100 = arith.mulf %mul3A_95, %mul3A_99 : vector<10000x128xf32>
    %get3A_101 = arith.constant 0 : index
    %get3A_102 = arith.constant 0 : index
    %get3A_103 = vector.load %arg12[%get3A_101, %get3A_102] : memref<1x128xf32, #tpu.memory_space<vmem>>, vector<1x128xf32>
    %add3A_104 = vector.broadcast %get3A_103 : vector<1x128xf32> to vector<10000x128xf32>
    %add3A_105 = arith.addf %mul3A_100, %add3A_104 : vector<10000x128xf32>
    %max3A_106 = arith.constant 0.000000e+00 : f32
    %max3A_107 = vector.broadcast %max3A_106 : f32 to vector<10000x128xf32>
    %max3A_108 = arith.maximumf %add3A_105, %max3A_107 : vector<10000x128xf32>
    %swap3A = arith.constant 0 : index
    %swap3A_109 = arith.constant 0 : index
    %swap3A_110 = vector.load %arg13[%swap3A, %swap3A_109] : memref<10000x128xf32, #tpu.memory_space<vmem>>, vector<10000x128xf32>
    tpu.vector_store %arg13[%swap3A, %swap3A_109], %max3A_108 {strides = array<i32>} : memref<10000x128xf32, #tpu.memory_space<vmem>>, vector<10000x128xf32>,
    return
  }
}

module attributes {stable_mosaic.version = 14 : i64} {
  func.func @_k2_body(%arg0: i32, %arg1: memref<1024x128xf32, #tpu.memory_space<vmem>>, %arg2: memref<1024x128xf32, #tpu.memory_space<vmem>>, %arg3: memref<1024x128xf32, #tpu.memory_space<vmem>>, %arg4: memref<1x256xf32, #tpu.memory_space<vmem>>, %arg5: memref<1x256xf32, #tpu.memory_space<vmem>>, %arg6: memref<128x256xf32, #tpu.memory_space<vmem>>, %arg7: memref<128x256xf32, #tpu.memory_space<vmem>>, %arg8: memref<128x256xf32, #tpu.memory_space<vmem>>, %arg9: memref<256x128xf32, #tpu.memory_space<vmem>>, %arg10: memref<1024x128xbf16, #tpu.memory_space<vmem>>, %arg11: memref<1x128xf32, #tpu.memory_space<vmem>>, %arg12: memref<1x128xf32, #tpu.memory_space<vmem>>) attributes {dimension_semantics = [#tpu.dimension_semantics<arbitrary>], iteration_bounds = array<i64: 625>, scalar_prefetch = 0 : i64, scratch_operands = 0 : i64, tpu.core_type = #tpu.core_type<tc>, window_params = [{transform_indices = @transform_0, window_bounds = array<i64: 1024, 128>}, {transform_indices = @transform_1, window_bounds = array<i64: 1024, 128>}, {transform_indices = @transform_2, window_bounds = array<i64: 1024, 128>}, {pipeline_mode = #tpu.pipeline_mode<synchronous>, transform_indices = @transform_3, window_bounds = array<i64: 1, 256>}, {pipeline_mode = #tpu.pipeline_mode<synchronous>, transform_indices = @transform_4, window_bounds = array<i64: 1, 256>}, {pipeline_mode = #tpu.pipeline_mode<synchronous>, transform_indices = @transform_5, window_bounds = array<i64: 128, 256>}, {pipeline_mode = #tpu.pipeline_mode<synchronous>, transform_indices = @transform_6, window_bounds = array<i64: 128, 256>}, {pipeline_mode = #tpu.pipeline_mode<synchronous>, transform_indices = @transform_7, window_bounds = array<i64: 128, 256>}, {pipeline_mode = #tpu.pipeline_mode<synchronous>, transform_indices = @transform_8, window_bounds = array<i64: 256, 128>}, {transform_indices = @transform_9, window_bounds = array<i64: 1024, 128>}, {pipeline_mode = #tpu.pipeline_mode<synchronous>, transform_indices = @transform_10, window_bounds = array<i64: 1, 128>}, {pipeline_mode = #tpu.pipeline_mode<synchronous>, transform_indices = @transform_11, window_bounds = array<i64: 1, 128>}]} {
    %get3A = arith.constant 0 : index
    %get3A_0 = arith.constant 0 : index
    %get3A_1 = vector.load %arg1[%get3A, %get3A_0] : memref<1024x128xf32, #tpu.memory_space<vmem>>, vector<1024x128xf32>
    %get3A_2 = arith.constant 0 : index
    %get3A_3 = arith.constant 0 : index
    %get3A_4 = vector.load %arg6[%get3A_2, %get3A_3] : memref<128x256xf32, #tpu.memory_space<vmem>>, vector<128x256xf32>
    %dot_general3A = arith.constant dense<0.000000e+00> : vector<1024x256xf32>
    %dot_general3A_5 = tpu.matmul %get3A_1, %get3A_4, %dot_general3A {dimension_numbers = #tpu.dot_dimension_numbers<[1], [0], [0], [1], [0, 0, 1, 1], [], []>, transpose_lhs_hint = false} : vector<1024x128xf32>, vector<128x256xf32>, vector<1024x256xf32> -> vector<1024x256xf32>
    %get3A_6 = arith.constant 0 : index
    %get3A_7 = arith.constant 0 : index
    %get3A_8 = vector.load %arg2[%get3A_6, %get3A_7] : memref<1024x128xf32, #tpu.memory_space<vmem>>, vector<1024x128xf32>
    %get3A_9 = arith.constant 0 : index
    %get3A_10 = arith.constant 0 : index
    %get3A_11 = vector.load %arg7[%get3A_9, %get3A_10] : memref<128x256xf32, #tpu.memory_space<vmem>>, vector<128x256xf32>
    %dot_general3A_12 = arith.constant dense<0.000000e+00> : vector<1024x256xf32>
    %dot_general3A_13 = tpu.matmul %get3A_8, %get3A_11, %dot_general3A_12 {dimension_numbers = #tpu.dot_dimension_numbers<[1], [0], [0], [1], [0, 0, 1, 1], [], []>, transpose_lhs_hint = false} : vector<1024x128xf32>, vector<128x256xf32>, vector<1024x256xf32> -> vector<1024x256xf32>
    %add3A = arith.addf %dot_general3A_5, %dot_general3A_13 : vector<1024x256xf32>
    %get3A_14 = arith.constant 0 : index
    %get3A_15 = arith.constant 0 : index
    %get3A_16 = vector.load %arg3[%get3A_14, %get3A_15] : memref<1024x128xf32, #tpu.memory_space<vmem>>, vector<1024x128xf32>
    %get3A_17 = arith.constant 0 : index
    %get3A_18 = arith.constant 0 : index
    %get3A_19 = vector.load %arg8[%get3A_17, %get3A_18] : memref<128x256xf32, #tpu.memory_space<vmem>>, vector<128x256xf32>
    %dot_general3A_20 = arith.constant dense<0.000000e+00> : vector<1024x256xf32>
    %dot_general3A_21 = tpu.matmul %get3A_16, %get3A_19, %dot_general3A_20 {dimension_numbers = #tpu.dot_dimension_numbers<[1], [0], [0], [1], [0, 0, 1, 1], [], []>, transpose_lhs_hint = false} : vector<1024x128xf32>, vector<128x256xf32>, vector<1024x256xf32> -> vector<1024x256xf32>
    %add3A_22 = arith.addf %add3A, %dot_general3A_21 : vector<1024x256xf32>
    %get3A_23 = arith.constant 0 : index
    %get3A_24 = arith.constant 0 : index
    %get3A_25 = vector.load %arg4[%get3A_23, %get3A_24] : memref<1x256xf32, #tpu.memory_space<vmem>>, vector<1x256xf32>
    %mul3A = vector.broadcast %get3A_25 : vector<1x256xf32> to vector<1024x256xf32>
    %mul3A_26 = arith.mulf %add3A_22, %mul3A : vector<1024x256xf32>
    %get3A_27 = arith.constant 0 : index
    %get3A_28 = arith.constant 0 : index
    %get3A_29 = vector.load %arg5[%get3A_27, %get3A_28] : memref<1x256xf32, #tpu.memory_space<vmem>>, vector<1x256xf32>
    %add3A_30 = vector.broadcast %get3A_29 : vector<1x256xf32> to vector<1024x256xf32>
    %add3A_31 = arith.addf %mul3A_26, %add3A_30 : vector<1024x256xf32>
    %max3A = arith.constant 0.000000e+00 : f32
    %max3A_32 = vector.broadcast %max3A : f32 to vector<1024x256xf32>
    %max3A_33 = arith.maximumf %add3A_31, %max3A_32 : vector<1024x256xf32>
    %get3A_34 = arith.constant 0 : index
    %get3A_35 = arith.constant 0 : index
    %get3A_36 = vector.load %arg9[%get3A_34, %get3A_35] : memref<256x128xf32, #tpu.memory_space<vmem>>, vector<256x128xf32>
    %dot_general3A_37 = arith.constant dense<0.000000e+00> : vector<1024x128xf32>
    %dot_general3A_38 = tpu.matmul %max3A_33, %get3A_36, %dot_general3A_37 {dimension_numbers = #tpu.dot_dimension_numbers<[1], [0], [0], [1], [0, 0, 1, 1], [], []>, transpose_lhs_hint = false} : vector<1024x256xf32>, vector<256x128xf32>, vector<1024x128xf32> -> vector<1024x128xf32>
    %convert_element_type3A = arith.truncf %dot_general3A_38 : vector<1024x128xf32> to vector<1024x128xbf16>
    %swap3A = arith.constant 0 : index
    %swap3A_39 = arith.constant 0 : index
    %swap3A_40 = vector.load %arg10[%swap3A, %swap3A_39] : memref<1024x128xbf16, #tpu.memory_space<vmem>>, vector<1024x128xbf16>
    tpu.vector_store %arg10[%swap3A, %swap3A_39], %convert_element_type3A {strides = array<i32>} : memref<1024x128xbf16, #tpu.memory_space<vmem>>, vector<1024x128xbf16>,
    %reduce_sum3A = arith.constant dense<0.000000e+00> : vector<128xf32>
    %reduce_sum3A_41 = vector.multi_reduction <add>, %dot_general3A_38, %reduce_sum3A [0] : vector<1024x128xf32> to vector<128xf32>
    %broadcast_in_dim3A = vector.shape_cast %reduce_sum3A_41 : vector<128xf32> to vector<1x128xf32>
    %mul3A_42 = arith.mulf %dot_general3A_38, %dot_general3A_38 : vector<1024x128xf32>
    %reduce_sum3A_43 = arith.constant dense<0.000000e+00> : vector<128xf32>
    %reduce_sum3A_44 = vector.multi_reduction <add>, %mul3A_42, %reduce_sum3A_43 [0] : vector<1024x128xf32> to vector<128xf32>
    %broadcast_in_dim3A_45 = vector.shape_cast %reduce_sum3A_44 : vector<128xf32> to vector<1x128xf32>
    %eq3A = arith.constant 0 : i32
    %eq3A_46 = arith.cmpi eq, %arg0, %eq3A : i32
    %convert_element_type3A_47 = arith.extui %eq3A_46 : i1 to i32
    %cond3A = arith.constant 0 : i32
    %cond3A_48 = arith.cmpi ne, %convert_element_type3A_47, %cond3A : i32
    scf.if %cond3A_48 {
      %swap3A_53 = arith.constant 0 : index
      %swap3A_54 = arith.constant 0 : index
      %swap3A_55 = vector.load %arg11[%swap3A_53, %swap3A_54] : memref<1x128xf32, #tpu.memory_space<vmem>>, vector<1x128xf32>
      tpu.vector_store %arg11[%swap3A_53, %swap3A_54], %broadcast_in_dim3A {strides = array<i32>} : memref<1x128xf32, #tpu.memory_space<vmem>>, vector<1x128xf32>,
      %swap3A_56 = arith.constant 0 : index
      %swap3A_57 = arith.constant 0 : index
      %swap3A_58 = vector.load %arg12[%swap3A_56, %swap3A_57] : memref<1x128xf32, #tpu.memory_space<vmem>>, vector<1x128xf32>
      tpu.vector_store %arg12[%swap3A_56, %swap3A_57], %broadcast_in_dim3A_45 {strides = array<i32>} : memref<1x128xf32, #tpu.memory_space<vmem>>, vector<1x128xf32>,
    } else {
    }
    %ne3A = arith.constant 0 : i32
    %ne3A_49 = arith.cmpi ne, %arg0, %ne3A : i32
    %convert_element_type3A_50 = arith.extui %ne3A_49 : i1 to i32
    %cond3A_51 = arith.constant 0 : i32
    %cond3A_52 = arith.cmpi ne, %convert_element_type3A_50, %cond3A_51 : i32
    scf.if %cond3A_52 {
      %get3A_53 = arith.constant 0 : index
      %get3A_54 = arith.constant 0 : index
      %get3A_55 = vector.load %arg11[%get3A_53, %get3A_54] : memref<1x128xf32, #tpu.memory_space<vmem>>, vector<1x128xf32>
      %add3A_56 = arith.addf %get3A_55, %broadcast_in_dim3A : vector<1x128xf32>
      %swap3A_57 = arith.constant 0 : index
      %swap3A_58 = arith.constant 0 : index
      %swap3A_59 = vector.load %arg11[%swap3A_57, %swap3A_58] : memref<1x128xf32, #tpu.memory_space<vmem>>, vector<1x128xf32>
      tpu.vector_store %arg11[%swap3A_57, %swap3A_58], %add3A_56 {strides = array<i32>} : memref<1x128xf32, #tpu.memory_space<vmem>>, vector<1x128xf32>,
      %get3A_60 = arith.constant 0 : index
      %get3A_61 = arith.constant 0 : index
      %get3A_62 = vector.load %arg12[%get3A_60, %get3A_61] : memref<1x128xf32, #tpu.memory_space<vmem>>, vector<1x128xf32>
      %add3A_63 = arith.addf %get3A_62, %broadcast_in_dim3A_45 : vector<1x128xf32>
      %swap3A_64 = arith.constant 0 : index
      %swap3A_65 = arith.constant 0 : index
      %swap3A_66 = vector.load %arg12[%swap3A_64, %swap3A_65] : memref<1x128xf32, #tpu.memory_space<vmem>>, vector<1x128xf32>
      tpu.vector_store %arg12[%swap3A_64, %swap3A_65], %add3A_63 {strides = array<i32>} : memref<1x128xf32, #tpu.memory_space<vmem>>, vector<1x128xf32>,
    } else {
    }
    return
  }
  func.func @transform_0(%arg0: i32) -> (i32, i32) {
    %c0_i32 = arith.constant 0 : i32
    %c0_i32_0 = arith.constant 0 : i32
    return %arg0, %c0_i32 : i32, i32
  }
  func.func @transform_1(%arg0: i32) -> (i32, i32) {
    %c0_i32 = arith.constant 0 : i32
    %c0_i32_0 = arith.constant 0 : i32
    return %arg0, %c0_i32 : i32, i32
  }
  func.func @transform_2(%arg0: i32) -> (i32, i32) {
    %c0_i32 = arith.constant 0 : i32
    %c0_i32_0 = arith.constant 0 : i32
    return %arg0, %c0_i32 : i32, i32
  }
  func.func @transform_3(%arg0: i32) -> (i32, i32) {
    %c0_i32 = arith.constant 0 : i32
    %c0_i32_0 = arith.constant 0 : i32
    %c0_i32_1 = arith.constant 0 : i32
    return %c0_i32, %c0_i32_0 : i32, i32
  }
  func.func @transform_4(%arg0: i32) -> (i32, i32) {
    %c0_i32 = arith.constant 0 : i32
    %c0_i32_0 = arith.constant 0 : i32
    %c0_i32_1 = arith.constant 0 : i32
    return %c0_i32, %c0_i32_0 : i32, i32
  }
  func.func @transform_5(%arg0: i32) -> (i32, i32) {
    %c0_i32 = arith.constant 0 : i32
    %c0_i32_0 = arith.constant 0 : i32
    %c0_i32_1 = arith.constant 0 : i32
    return %c0_i32, %c0_i32_0 : i32, i32
  }
  func.func @transform_6(%arg0: i32) -> (i32, i32) {
    %c0_i32 = arith.constant 0 : i32
    %c0_i32_0 = arith.constant 0 : i32
    %c0_i32_1 = arith.constant 0 : i32
    return %c0_i32, %c0_i32_0 : i32, i32
  }
  func.func @transform_7(%arg0: i32) -> (i32, i32) {
    %c0_i32 = arith.constant 0 : i32
    %c0_i32_0 = arith.constant 0 : i32
    %c0_i32_1 = arith.constant 0 : i32
    return %c0_i32, %c0_i32_0 : i32, i32
  }
  func.func @transform_8(%arg0: i32) -> (i32, i32) {
    %c0_i32 = arith.constant 0 : i32
    %c0_i32_0 = arith.constant 0 : i32
    %c0_i32_1 = arith.constant 0 : i32
    return %c0_i32, %c0_i32_0 : i32, i32
  }
  func.func @transform_9(%arg0: i32) -> (i32, i32) {
    %c0_i32 = arith.constant 0 : i32
    %c0_i32_0 = arith.constant 0 : i32
    return %arg0, %c0_i32 : i32, i32
  }
  func.func @transform_10(%arg0: i32) -> (i32, i32) {
    %c0_i32 = arith.constant 0 : i32
    %c0_i32_0 = arith.constant 0 : i32
    %c0_i32_1 = arith.constant 0 : i32
    return %c0_i32, %c0_i32_0 : i32, i32
  }
  func.func @transform_11(%arg0: i32) -> (i32, i32) {
    %c0_i32 = arith.constant 0 : i32
    %c0_i32_0 = arith.constant 0 : i32
    %c0_i32_1 = arith.constant 0 : i32
    return %c0_i32, %c0_i32_0 : i32, i32
  }
}

module attributes {stable_mosaic.version = 14 : i64} {
  func.func @_k3_body(%arg0: i32, %arg1: memref<1024x128xbf16, #tpu.memory_space<vmem>>, %arg2: memref<1x128xf32, #tpu.memory_space<vmem>>, %arg3: memref<1x128xf32, #tpu.memory_space<vmem>>, %arg4: memref<1x128xf32, #tpu.memory_space<vmem>>, %arg5: memref<1x128xf32, #tpu.memory_space<vmem>>, %arg6: memref<1024x128xf32, #tpu.memory_space<vmem>>) attributes {dimension_semantics = [#tpu.dimension_semantics<arbitrary>], iteration_bounds = array<i64: 625>, scalar_prefetch = 0 : i64, scratch_operands = 0 : i64, tpu.core_type = #tpu.core_type<tc>, window_params = [{transform_indices = @transform_0, window_bounds = array<i64: 1024, 128>}, {pipeline_mode = #tpu.pipeline_mode<synchronous>, transform_indices = @transform_1, window_bounds = array<i64: 1, 128>}, {pipeline_mode = #tpu.pipeline_mode<synchronous>, transform_indices = @transform_2, window_bounds = array<i64: 1, 128>}, {pipeline_mode = #tpu.pipeline_mode<synchronous>, transform_indices = @transform_3, window_bounds = array<i64: 1, 128>}, {pipeline_mode = #tpu.pipeline_mode<synchronous>, transform_indices = @transform_4, window_bounds = array<i64: 1, 128>}, {transform_indices = @transform_5, window_bounds = array<i64: 1024, 128>}]} {
    %get3A = arith.constant 0 : index
    %get3A_0 = arith.constant 0 : index
    %get3A_1 = vector.load %arg2[%get3A, %get3A_0] : memref<1x128xf32, #tpu.memory_space<vmem>>, vector<1x128xf32>
    %div3A = arith.constant 6.400000e+05 : f32
    %div3A_2 = vector.broadcast %div3A : f32 to vector<1x128xf32>
    %div3A_3 = arith.divf %get3A_1, %div3A_2 : vector<1x128xf32>
    %get3A_4 = arith.constant 0 : index
    %get3A_5 = arith.constant 0 : index
    %get3A_6 = vector.load %arg3[%get3A_4, %get3A_5] : memref<1x128xf32, #tpu.memory_space<vmem>>, vector<1x128xf32>
    %div3A_7 = arith.constant 6.400000e+05 : f32
    %div3A_8 = vector.broadcast %div3A_7 : f32 to vector<1x128xf32>
    %div3A_9 = arith.divf %get3A_6, %div3A_8 : vector<1x128xf32>
    %mul3A = arith.mulf %div3A_3, %div3A_3 : vector<1x128xf32>
    %sub3A = arith.subf %div3A_9, %mul3A : vector<1x128xf32>
    %add3A = arith.constant 9.99999974E-6 : f32
    %add3A_10 = vector.broadcast %add3A : f32 to vector<1x128xf32>
    %add3A_11 = arith.addf %sub3A, %add3A_10 : vector<1x128xf32>
    %rsqrt3A = math.rsqrt %add3A_11 : vector<1x128xf32>
    %get3A_12 = arith.constant 0 : index
    %get3A_13 = arith.constant 0 : index
    %get3A_14 = vector.load %arg4[%get3A_12, %get3A_13] : memref<1x128xf32, #tpu.memory_space<vmem>>, vector<1x128xf32>
    %mul3A_15 = arith.mulf %rsqrt3A, %get3A_14 : vector<1x128xf32>
    %get3A_16 = arith.constant 0 : index
    %get3A_17 = arith.constant 0 : index
    %get3A_18 = vector.load %arg5[%get3A_16, %get3A_17] : memref<1x128xf32, #tpu.memory_space<vmem>>, vector<1x128xf32>
    %mul3A_19 = arith.mulf %div3A_3, %mul3A_15 : vector<1x128xf32>
    %sub3A_20 = arith.subf %get3A_18, %mul3A_19 : vector<1x128xf32>
    %get3A_21 = arith.constant 0 : index
    %get3A_22 = arith.constant 0 : index
    %get3A_23 = vector.load %arg1[%get3A_21, %get3A_22] : memref<1024x128xbf16, #tpu.memory_space<vmem>>, vector<1024x128xbf16>
    %convert_element_type3A = arith.extf %get3A_23 : vector<1024x128xbf16> to vector<1024x128xf32>
    %mul3A_24 = vector.broadcast %mul3A_15 : vector<1x128xf32> to vector<1024x128xf32>
    %mul3A_25 = arith.mulf %convert_element_type3A, %mul3A_24 : vector<1024x128xf32>
    %add3A_26 = vector.broadcast %sub3A_20 : vector<1x128xf32> to vector<1024x128xf32>
    %add3A_27 = arith.addf %mul3A_25, %add3A_26 : vector<1024x128xf32>
    %max3A = arith.constant 0.000000e+00 : f32
    %max3A_28 = vector.broadcast %max3A : f32 to vector<1024x128xf32>
    %max3A_29 = arith.maximumf %add3A_27, %max3A_28 : vector<1024x128xf32>
    %swap3A = arith.constant 0 : index
    %swap3A_30 = arith.constant 0 : index
    %swap3A_31 = vector.load %arg6[%swap3A, %swap3A_30] : memref<1024x128xf32, #tpu.memory_space<vmem>>, vector<1024x128xf32>
    tpu.vector_store %arg6[%swap3A, %swap3A_30], %max3A_29 {strides = array<i32>} : memref<1024x128xf32, #tpu.memory_space<vmem>>, vector<1024x128xf32>,
    return
  }
  func.func @transform_0(%arg0: i32) -> (i32, i32) {
    %c0_i32 = arith.constant 0 : i32
    %c0_i32_0 = arith.constant 0 : i32
    return %arg0, %c0_i32 : i32, i32
  }
  func.func @transform_1(%arg0: i32) -> (i32, i32) {
    %c0_i32 = arith.constant 0 : i32
    %c0_i32_0 = arith.constant 0 : i32
    %c0_i32_1 = arith.constant 0 : i32
    return %c0_i32, %c0_i32_0 : i32, i32
  }
  func.func @transform_2(%arg0: i32) -> (i32, i32) {
    %c0_i32 = arith.constant 0 : i32
    %c0_i32_0 = arith.constant 0 : i32
    %c0_i32_1 = arith.constant 0 : i32
    return %c0_i32, %c0_i32_0 : i32, i32
  }
  func.func @transform_3(%arg0: i32) -> (i32, i32) {
    %c0_i32 = arith.constant 0 : i32
    %c0_i32_0 = arith.constant 0 : i32
    %c0_i32_1 = arith.constant 0 : i32
    return %c0_i32, %c0_i32_0 : i32, i32
  }
  func.func @transform_4(%arg0: i32) -> (i32, i32) {
    %c0_i32 = arith.constant 0 : i32
    %c0_i32_0 = arith.constant 0 : i32
    %c0_i32_1 = arith.constant 0 : i32
    return %c0_i32, %c0_i32_0 : i32, i32
  }
  func.func @transform_5(%arg0: i32) -> (i32, i32) {
    %c0_i32 = arith.constant 0 : i32
    %c0_i32_0 = arith.constant 0 : i32
    return %arg0, %c0_i32 : i32, i32
  }
}

</mosaic_0001>

<sc_bundles>
// kernel: kernel.10.cloned.1.call-start
scs
__scs_entry_jumppad:
0x0: {  	(pc) =	sbr.rel $0x88, $3  }
0x1: {  	(tag) =	ssettag $0x0;
	lr =	simm.s32 $0x1  }
0x2: {  	[smem:$0x3F92] =	sst lr;
	_ =	strace $0xD0000000  }
0x3: {  	_ = 	snop  }
0x4: {  	_ = 	snop  }
0x5: {  	_ = 	snop  }
0x6: {  	_ = 	snop  }
0x7: {  	_ = 	snop  }
__scs_overlays_trampoline_lowered:
0x8: {  	[smem:$0x3FA1] =	sst s0  }
0x9: {  	[smem:$0x3FA2] =	sst s1  }
0xa: {  	[smem:$0x3FA3] =	sst s2  }
0xb: {  	[smem:$0x3FA4] =	sst s3  }
0xc: {  	[smem:$0x3FA5] =	sst s4  }
0xd: {  	[smem:$0x3FA6] =	sst s5  }
0xe: {  	[smem:$0x3FA7] =	sst s6  }
0xf: {  	[smem:$0x3FA8] =	sst s7  }
0x10: {  	[smem:$0x3FA9] =	sst s8  }
0x11: {  	[smem:$0x3FAA] =	sst s9;
	s0 =	simm.s32 @!p0 $0x0  }
0x12: {  	s1 =	sld [smem:$0x3F90];
	s0 =	simm.s32 @p0 $0x1  }
0x13: {  	[smem:$0x3FAB] =	sst s0;
	s0 =	simm.s32 @!p1 $0x0  }
0x14: {  	s2 =	sld [smem:$0x3F8F];
	s0 =	simm.s32 @p1 $0x1  }
0x15: {  	[smem:$0x3FAC] =	sst s0;
	s0 =	simm.s32 @!p2 $0x0  }
0x16: {  	s3 =	sld [smem:$0x3FDB];
	s0 =	simm.s32 @p2 $0x1  }
0x17: {  	s4 =	simm.s32 $0x1BF5;
	[smem:$0x3FAE] =	sst s0  }
0x18: {  	s0 =	sld [smem:$0x3F91];
	_ =	swait.ge [sflag:s4], $0x0  }
0x19: {  	s7 =	sld [smem:$0x3F92]  }
0x1a: {  	s8 =	sadd.s32 $0xFFFFE003, lr  }
0x1b: {  	s9 =	sadd.s32 $0xFFFFFEF7, lr;
	s5 =	simm.s32 $0xFFFFFFFF;
	p2 =	slt.u32 s8, $0xFFFFF086  }
0x1c: {  	p1 =	slt.u32 s9, $0xF7A;
	s5 =	simm.s32 @!p2 $0x0  }
0x1d: {  	s5 =	simm.s32 @p1 $0x1;
	p0 =	seq.s32 s7, s2  }
0x1e: {  	s7 =	smul.u32 @!p0 $0xF7A, s2;
	p2 =	seq.s32 @!p0 s5, $0x0  }
0x1f: {  	s9 =	smul.u32 $0xF7A, s1;
	s8 =	simm.s32 @!p0 $0x1BF5;
	p2 =	por !p2, p0  }
0x20: {  	[sflag:s8] =	ssyncset.s32 @!p0 $0xFFFFF086;
	s6 =	sadd.s32 @!p0 s3, s7;
	s7 =	simm.s32 @!p0 $0x108  }
0x21: {  	s3 =	sadd.s32 s3, s9;
	s6 =	sadd.s32 @!p0 $0x88, s6;
	s7 =	simm.s32 @p2 $0x1082  }
0x22: {  	[simem:s7], [sflag:s8] =	dma.local @!p0 [hbm:s6], $0xF7A  }
0x23: {  	s9 =	sor.u32 $0xD0000000, s2;
	s6 =	simm.s32 $0x108;
	_ =	swait.ge @!p0 [sflag:s8], $0x0  }
0x24: {  	s3 =	sadd.s32 $0x88, s3;
	s6 =	simm.s32 @!p1 $0x1082;
	[sflag:s4] =	ssyncset.s32 $0xFFFFF086  }
0x25: {  	[simem:s6], [sflag:s4] =	dma.local [hbm:s3], $0xF7A  }
0x26: {  	[smem:$0x3F92] =	sst s1;
	(tag) =	ssettag s2;
	_ =	strace s9  }
0x27: {  	s1 =	sld [smem:$0x3FA2]  }
0x28: {  	s2 =	sld [smem:$0x3FA3]  }
0x29: {  	s4 =	sld [smem:$0x3FA5]  }
0x2a: {  	p0 =	seq.s32 s5, $0x0;
	s5 =	sld [smem:$0x3FA6]  }
0x2b: {  	s6 =	sld [smem:$0x3FA7]  }
0x2c: {  	s7 =	sld [smem:$0x3FA8]  }
0x2d: {  	s3 =	simm.s32 $0x108;
	s8 =	sld [smem:$0x3FA9]  }
0x2e: {  	s3 =	simm.s32 @!p0 $0x1082;
	s9 =	sld [smem:$0x3FAA]  }
0x2f: {  	lr =	sadd.s32 s0, s3;
	s0 =	sld [smem:$0x3FA1]  }
0x30: {  	s3 =	sld [smem:$0x3FA4]  }
0x31: {  	[smem:$0x3FAD] =	sst s10  }
0x32: {  	s10 =	sld [smem:$0x3FAB];
	_ =	sdelay $0x3  }
0x33: {  	p0 =	seq.s32 s10, $0x1;
	s10 =	sld [smem:$0x3FAD];
	_ =	sdelay $0x3  }
0x34: {  	[smem:$0x3FAD] =	sst s10  }
0x35: {  	s10 =	sld [smem:$0x3FAC];
	_ =	sdelay $0x3  }
0x36: {  	p1 =	seq.s32 s10, $0x1;
	s10 =	sld [smem:$0x3FAD];
	_ =	sdelay $0x3  }
0x37: {  	[smem:$0x3FAD] =	sst s10  }
0x38: {  	s10 =	sld [smem:$0x3FAE]  }
0x39: {  	_ = 	snop;
	(pc) =	sbr.ind lr, $3  }
0x3a: {  	_ = 	snop  }
0x3b: {  	_ = 	snop  }
0x3c: {  	p2 =	seq.s32 s10, $0x1;
	s10 =	sld [smem:$0x3FAD]  }
0x3d: {  	_ =	shalt  }
0x3e: {  	_ =	shalt  }
0x3f: {  	_ =	shalt  }
0x40: {  	_ =	shalt  }
0x41: {  	_ =	shalt  }
0x42: {  	_ =	shalt  }
0x43: {  	_ =	shalt  }
0x44: {  	_ =	shalt  }
0x45: {  	_ =	shalt  }
0x46: {  	_ =	shalt  }
0x47: {  	_ =	shalt  }
0x48: {  	_ =	shalt  }
0x49: {  	_ =	shalt  }
0x4a: {  	_ =	shalt  }
0x4b: {  	_ =	shalt  }
0x4c: {  	_ =	shalt  }
0x4d: {  	_ =	shalt  }
0x4e: {  	_ =	shalt  }
0x4f: {  	_ =	shalt  }
0x50: {  	_ =	shalt  }
0x51: {  	_ =	shalt  }
0x52: {  	_ =	shalt  }
0x53: {  	_ =	shalt  }
0x54: {  	_ =	shalt  }
0x55: {  	_ =	shalt  }
0x56: {  	_ =	shalt  }
0x57: {  	_ =	shalt  }
0x58: {  	_ =	shalt  }
0x59: {  	_ =	shalt  }
0x5a: {  	_ =	shalt  }
0x5b: {  	_ =	shalt  }
0x5c: {  	_ =	shalt  }
0x5d: {  	_ =	shalt  }
0x5e: {  	_ =	shalt  }
0x5f: {  	_ =	shalt  }
0x60: {  	_ =	shalt  }
0x61: {  	_ =	shalt  }
0x62: {  	_ =	shalt  }
0x63: {  	_ =	shalt  }
0x64: {  	_ =	shalt  }
0x65: {  	_ =	shalt  }
0x66: {  	_ =	shalt  }
0x67: {  	_ =	shalt  }
0x68: {  	_ =	shalt  }
0x69: {  	_ =	shalt  }
0x6a: {  	_ =	shalt  }
0x6b: {  	_ =	shalt  }
0x6c: {  	_ =	shalt  }
0x6d: {  	_ =	shalt  }
0x6e: {  	_ =	shalt  }
0x6f: {  	_ =	shalt  }
0x70: {  	_ =	shalt  }
0x71: {  	_ =	shalt  }
0x72: {  	_ =	shalt  }
0x73: {  	_ =	shalt  }
0x74: {  	_ =	shalt  }
0x75: {  	_ =	shalt  }
0x76: {  	_ =	shalt  }
0x77: {  	_ =	shalt  }
0x78: {  	_ =	shalt  }
0x79: {  	_ =	shalt  }
0x7a: {  	_ =	shalt  }
0x7b: {  	_ =	shalt  }
0x7c: {  	_ =	shalt  }
0x7d: {  	_ =	shalt  }
0x7e: {  	_ =	shalt  }
0x7f: {  	_ =	shalt  }
0x80: {  	_ =	shalt  }
0x81: {  	_ =	shalt  }
0x82: {  	_ =	shalt  }
0x83: {  	_ =	shalt  }
0x84: {  	_ =	shalt  }
0x85: {  	_ =	shalt  }
0x86: {  	_ =	shalt  }
0x87: {  	_ =	shalt  }
.Lfunc_end0:
.L_simem_size_0:
called_computation_lowered:
.L_overlay_start_0:
0x88: {  	s2 =	sld [smem:$0x3FD9]  }
0x89: {  	s3 =	sld [smem:$0x3FFE];
	_ =	sdelay $0x1  }
0x8a: {  	s1 =	srdreg.scid  }
0x8b: {  	s0 =	sand.u32 $0x1, s1  }
0x8c: {  	s14 =	sshll.u32 s0, $0xA;
	s2 =	sadd.s32 s3, s2  }
0x8d: {  	s2 =	sadd.s32 s2, s14  }
0x8e: {  	[smem:$0x3FB9] =	sst s2  }
0x8f: {  	_ = 	snop  }
0x90: {  	s2 =	sld [smem:$0x3FD0];
	_ =	sdelay $0x1  }
0x91: {  	s15 =	sld [smem:$0x3FC9]  }
0x92: {  	s5 =	simm.s32 $0xA;
	s6 =	simm.s32 $0x10;
	s4 =	sld [smem:$0x3FC8]  }
0x93: {  	[smem:s6], [sflag:s5] =	dma.local [hbm:s2], $0x1  }
0x94: {  	_ =	swait.eq [sflag:s5], $0x1  }
0x95: {  	[sflag:s5] =	ssyncset.done $0x0  }
0x96: {  	[sflag:s5] =	ssyncadd.s32 $0xFFFFFFFF  }
0x97: {  	s16 =	sld [smem:$0x10];
	(tm) =	ssettm $0x1  }
0x98: {  	s17 =	sld [smem:$0x3FFB];
	_ =	sdelay $0x3  }
0x99: {  	_ =	strace s17  }
0x9a: {  	s5 =	sld [smem:$0x3FFC];
	_ =	sdelay $0x3  }
0x9b: {  	_ =	strace s5  }
0x9c: {  	s5 =	sld [smem:$0x3FFD];
	_ =	sdelay $0x3  }
0x9d: {  	_ =	strace s5  }
0x9e: {  	_ =	strace $0x8FFFFFFF  }
0x9f: {  	s18 =	sld [smem:$0x3FDB];
	_ =	sdelay $0x1  }
0xa0: {  	s19 =	simm.s32 $_scs_section_size  }
0xa1: {  	s7 =	simm.s32 $_size__tile_overlayer_lowered;
	s8 =	simm.s32 $_tile_overlayer_lowered  }
0xa2: {  	s22 =	simm.s32 $0x1BFF;
	s21 =	sshll.u32 s8, $0x1;
	s5 =	sadd.s32 s19, s18  }
0xa3: {  	s9 =	simm.s32 $0x0;
	s20 =	sshll.u32 s7, $0x1;
	s7 =	sadd.s32 s21, s5  }
0xa4: {  	[timem:s9], [sflag:s22] =	dma.local [hbm:s7], s20  }
0xa5: {  	_ =	swait.ge [sflag:s22], s20  }
0xa6: {  	s6 =	ssub.s32 $0x0, s20;
	[sflag:s22] =	ssyncset.done $0x0  }
0xa7: {  	[sflag:s22] =	ssyncadd.s32 s6;
	_ =	sdelay $0x1  }
0xa8: {  	s23 =	simm.s32 $0x1B8B  }
0xa9: {  	_ =	swait.ge [sflag:s23], $0x1  }
0xaa: {  	[sflag:s23] =	ssyncset.done $0x0  }
0xab: {  	s25 =	simm.s32 $0x1B8E;
	s24 =	sld [smem:$0x3FFE];
	[sflag:s23] =	ssyncadd.s32 $0xFFFFFFFF  }
0xac: {  	s26 =	simm.s32 $execute0_lowered;
	[smem:$0x3FD2] =	sst s25  }
0xad: {  	s7 =	sshll.u32 s26, $0x1;
	_ =	strace $0x80000046;
	[dreg:$0x1] =	wrdreg $0xFFFFFFFF  }
0xae: {  	s28 =	simm.s32 $_size_execute0_lowered;
	s5 =	sadd.s32 s5, s7;
	[dreg:$0x0] =	wrdreg $0x0  }
0xaf: {  	s7 =	sshll.u32 s28, $0x1;
	[dreg:$0x2] =	wrdreg s5  }
0xb0: {  	[dreg:$0x3] =	wrdreg s7  }
0xb1: {  	[dreg:$0x4] =	wrdreg $0xC0  }
0xb2: {  	_ =	task [dreg:s9], $0x5FFFF  }
0xb3: {  	[dreg:$0x1] =	wrdreg $0xFFFFFFFF  }
0xb4: {  	[dreg:$0x0] =	wrdreg $0x60  }
0xb5: {  	[dreg:$0x2] =	wrdreg s24  }
0xb6: {  	[dreg:$0x3] =	wrdreg s4  }
0xb7: {  	[dreg:$0x4] =	wrdreg s15  }
0xb8: {  	[dreg:$0x5] =	wrdreg s16  }
0xb9: {  	[dreg:$0x6] =	wrdreg $0x88000  }
0xba: {  	[dreg:$0x7] =	wrdreg $0x9  }
0xbb: {  	_ =	task.clear_ibuf [dreg:s9], $0x8FFFF;
	_ =	strace $0x90000046  }
0xbc: {  	s29 =	simm.s32 $0x9;
	_ =	strace $0x80000048  }
0xbd: {  	_ =	swait.ge [sflag:s29], $0x1  }
0xbe: {  	[sflag:s29] =	ssyncadd.s32 $0xFFFFFFFF  }
0xbf: {  	_ =	strace $0x90000048  }
0xc0: {  	_ =	sfence  }
0xc1: {  	s30 =	sld [smem:$0x0];
	_ =	sdelay $0x2  }
0xc2: {  	s31 =	sshll.u32 s1, $0xD;
	s1 =	sshrl.u32 s1, $0x2  }
0xc3: {  	s3 =	sand.u32 $0x4000, s31;
	s1 =	sadd.s32 s1, s30  }
0xc4: {  	s0 =	sor.u32 s3, s0;
	s1 =	sshll.u32 s1, $0x11  }
0xc5: {  	s0 =	sor.u32 s1, s0  }
0xc6: {  	s0 =	sadd.s32 $0x8F2B, s0  }
0xc7: {  	[sflag:s0] =	ssyncadd.remote.s32 $0x1  }
0xc8: {  	_ =	sfence.sel $0xFFFF  }
0xc9: {  	[dreg:$0x0] =	wrdreg $0xFFFFFFFF;
	(pc) =	sbr.abs _section_cstart, $3  }
0xca: {  	[dreg:$0x1] =	wrdreg $0xFFFFFFFF  }
0xcb: {  	_ =	task.clear_ibuf [dreg:s9], $0x2FFFF;
	_ =	strace $0x9FFFFFFF  }
0xcc: {  	(tm) =	ssettm $0x7FFFFFFF  }
0xcd: {  	_ =	shalt  }
tec
execute0_lowered:
.L_overlay_start_1:
0x0: {  	(tag) =	ssettag $0x1  }
0x1: {  	s0 =	rddreg [dreg:$0x0]  }
0x2: {  	s2 =	rddreg [dreg:$0x2]  }
0x3: {  	s10 =	rddreg [dreg:$0x3]  }
0x4: {  	s5 =	rddreg [dreg:$0x4]  }
0x5: {  	s6 =	simm.s32 $0x0;
	s11 =	stileid.u32;
	s3 =	srdreg.scid  }
0x6: {  	s13 =	simm.s32 $0x28;
	s28 =	simm.s32 $0x80;
	s29 =	simm.s32 $0x100  }
0x7: {  	s30 =	simm.s32 $0x180;
	s31 =	simm.s32 $0x200;
	[smem:$0x7FF] =	sst s6  }
0x8: {  	s1 =	sshll.u32 s11, $0x7;
	s4 =	sadd.s32 $0x7A600, s0;
	s3 =	sand.u32 $0x1, s3  }
0x9: {  	s14 =	smul.u32 $0x4E, s11;
	s12 =	sadd.s32 $0x53400, s0;
	s8 =	smin.u32 s11, $0x2  }
0xa: {  	p0 =	seq.s32 s11, $0x0;
	p2 =	slt.u32 s11, $0x2;
	_ =	strace $0x80000047  }
0xb: {  	s1 =	sadd.s32 s1, s0;
	[dreg:$0x6] =	wrdreg s4;
	s7 =	ssub.s32 $0x2, s3  }
0xc: {  	s0 =	sadd.s32 $0x2C200, s0;
	s13 =	simm.s32 @!p0 $0x27;
	[dreg:$0x7] =	wrdreg s12  }
0xd: {  	p0 =	sgt.u32 s11, $0x1;
	p1 =	sne.s32 s3, $0x0;
	s3 =	simm.s32 $0x300  }
0xe: {  	s9 =	sshrl.u32 s7, $0x1;
	s4 =	sadd.s32 s8, s14;
	s24 =	sadd.s32 $0x18800, s1  }
0xf: {  	[dreg:$0x8] =	wrdreg s13;
	s25 =	sadd.s32 $0xFFFFFFFF, s13;
	s26 =	sadd.s32 $0x4E00, s1  }
0x10: {  	s1 =	simm.s32 $0x380;
	s14 =	simm.s32 $0x3;
	[dreg:$0x14] =	wrdreg s24  }
0x11: {  	s7 =	ssub.s32 s7, s9;
	s8 =	sshll.u32 s4, $0x3;
	[dreg:$0x15] =	wrdreg s25  }
0x12: {  	s15 =	sshll.u32 s4, $0xA;
	s4 =	sshll.u32 s4, $0x7;
	[dreg:$0x16] =	wrdreg s26  }
0x13: {  	s24 =	sshll.u32 s11, $0xE;
	s25 =	simm.s32 $0x800;
	s26 =	simm.s32 $0x2  }
0x14: {  	s19 =	sadd.s32 s15, s5;
	s8 =	sadd.s32 $0x270, s8;
	s18 =	sadd.s32 s0, s4  }
0x15: {  	s21 =	sadd.s32 s12, s4;
	s22 =	sadd.s32 s10, s4;
	[dreg:$0xd] =	wrdreg s18  }
0x16: {  	s23 =	smax.u32 s7, $0x1;
	s15 =	simm.s32 $0x500;
	[dreg:$0x11] =	wrdreg s21  }
0x17: {  	s4 =	simm.s32 $0x580;
	s7 =	simm.s32 $0x600;
	[dreg:$0x12] =	wrdreg s22  }
0x18: {  	s12 =	simm.s32 $0x0;
	s9 =	sadd.s32 $0x8000, s19;
	[dreg:$0x13] =	wrdreg s23  }
0x19: {  	s16 =	sadd.s32 $0x10000, s19;
	s17 =	sadd.s32 $0x13800, s19;
	[dreg:$0x9] =	wrdreg s19  }
0x1a: {  	s20 =	sshll.u32 s8, $0x7;
	s8 =	sshll.u32 s8, $0x4;
	[dreg:$0xa] =	wrdreg s9  }
.Ltmp0:
0x1b: {  	s18 =	simm.s32 $0x400;
	[dreg:$0xb] =	wrdreg s16;
	(pc) =	sbr.rel .LBB2_1-.Ltmp0, $4  }
0x1c: {  	s22 =	simm.s32 $0x780;
	[dreg:$0xc] =	wrdreg s17;
	s9 =	sadd.s32 s20, s5  }
0x1d: {  	[dreg:$0xe] =	wrdreg s8;
	s0 =	sadd.s32 s0, s8;
	s17 =	simm.s32 $0x4800  }
0x1e: {  	s8 =	simm.s32 $0x1;
	s16 =	simm.s32 $0x680;
	[dreg:$0xf] =	wrdreg s9  }
0x1f: {  	v0 =	vimm.f32 $0.0e+00;
	v1 =	vimm.f32 $1.000000000e+00;
	s20 =	simm.s32 $0x700;
	[dreg:$0x10] =	wrdreg s0;
	s0 =	simm.s32 $0x280  }
.LBB2_20:
0x20: {  	s11 =	rddreg [dreg:$0xe]  }
0x21: {  	s23 =	rddreg [dreg:$0xf]  }
0x22: {  	s10 =	sadd.s32 s10, s11;
	s11 =	sshrl.u32 s23, $0x3  }
0x23: {  	[hbm:s10], [sflag:s9] =	dma.local [spmem:s11], $0x80  }
0x24: {  	_ =	swait.ge [sflag:s26], $0x80  }
0x25: {  	[sflag:s26] =	ssyncset.done $0x0  }
0x26: {  	[sflag:s26] =	ssyncadd.s32 $0xFFFFFF80  }
.LBB2_21:
0x27: {  	s12 =	sadd.s32 $0x1, s12;
	s9 =	rddreg [dreg:$0x13]  }
0x28: {  	p3 =	sne.s32 s12, s9  }
.Ltmp1:
0x29: {  	_ = 	snop;
	(pc) =	sbr.rel @!p3 .LBB2_22-.Ltmp1, $1  }
0x2a: {  	_ =	sdelay $0x3  }
.LBB2_1:
0x2b: {  	[dreg:$0x17] =	wrdreg s12;
	s9 =	simm.s32 $0x0;
	s10 =	simm.s32 $0x200  }
.LBB2_2:
0x2c: {  	p3 =	sne.s32 s10, $0x1FE00;
	[tilespmem:s9+$0x870] =	vst v0  }
0x2d: {  	[tilespmem:s9+$0x800] =	vst v0  }
0x2e: {  	[tilespmem:s9+$0x810] =	vst v0  }
.Ltmp2:
0x2f: {  	[tilespmem:s9+$0x820] =	vst v0;
	(pc) =	sbr.rel @p3 .LBB2_2-.Ltmp2, $4  }
0x30: {  	[tilespmem:s9+$0x830] =	vst v0  }
0x31: {  	[tilespmem:s9+$0x840] =	vst v0  }
0x32: {  	[tilespmem:s9+$0x850] =	vst v0  }
0x33: {  	[tilespmem:s9+$0x860] =	vst v0;
	s9 =	sshra.s32 s10, $0x2;
	s10 =	sadd.s32 $0x200, s10  }
0x34: {  	[tilespmem:s9+$0x870] =	vst v0  }
0x35: {  	[tilespmem:s9+$0x800] =	vst v0  }
0x36: {  	[tilespmem:s9+$0x810] =	vst v0  }
0x37: {  	[tilespmem:s9+$0x820] =	vst v0  }
0x38: {  	[tilespmem:s9+$0x830] =	vst v0  }
0x39: {  	[tilespmem:s9+$0x840] =	vst v0  }
0x3a: {  	[tilespmem:s9+$0x850] =	vst v0  }
0x3b: {  	[tilespmem:s9+$0x860] =	vst v0  }
0x3c: {  	[spmem:s19] =	stream.linear.scatter [tilespmem:s25], [sflag:$0x2], $0x8000, $0x38;
	[tilespmem:$0x1C080] =	vst v63  }
0x3d: {  	_ =	swait.ge [sflag:s26], $0x8000  }
0x3e: {  	[sflag:s26] =	ssyncset.done $0x0  }
0x3f: {  	s21 =	rddreg [dreg:$0xa];
	[sflag:s26] =	ssyncadd.s32 $0xFFFF8000  }
0x40: {  	[spmem:s21] =	stream.linear.scatter [tilespmem:s25], [sflag:$0x2], $0x8000, $0x38;
	[tilespmem:$0x1C080] =	vst v63  }
0x41: {  	_ =	swait.ge [sflag:s26], $0x8000  }
0x42: {  	[sflag:s26] =	ssyncset.done $0x0  }
0x43: {  	s23 =	rddreg [dreg:$0xb];
	[sflag:s26] =	ssyncadd.s32 $0xFFFF8000  }
0x44: {  	[spmem:s23] =	stream.linear.scatter [tilespmem:s25], [sflag:$0x2], $0x3800, $0x38;
	[tilespmem:$0x1C080] =	vst v63  }
0x45: {  	_ =	swait.ge [sflag:s26], $0x3800  }
0x46: {  	[sflag:s26] =	ssyncset.done $0x0  }
0x47: {  	s9 =	simm.s32 @!p0 $0x800;
	s10 =	rddreg [dreg:$0xc];
	[sflag:s26] =	ssyncadd.s32 $0xFFFFC800  }
0x48: {  	[spmem:s10] =	stream.linear.scatter @!p0 [tilespmem:s9], [sflag:$0x2], $0x400, $0x38;
	[tilespmem:$0x1C080] =	vst v63  }
.Ltmp3:
0x49: {  	_ = 	snop;
	(pc) =	sbr.rel @p1 .LBB2_11-.Ltmp3, $4  }
0x4a: {  	s9 =	simm.s32 @!p0 $0x2  }
0x4b: {  	_ =	swait.ge @!p0 [sflag:s9], $0x400  }
0x4c: {  	[sflag:s9] =	ssyncset.done @!p0 $0x0  }
0x4d: {  	[sflag:s9] =	ssyncadd.s32 @!p0 $0xFFFFFC00  }
0x4e: {  	[bflag:$0x0] =	sbarrier.arrive $0xFFFF;
	s9 =	simm.s32 $0x0;
	s10 =	simm.s32 $0x200  }
.LBB2_5:
0x4f: {  	p3 =	sne.s32 s10, $0xFE00;
	[tilespmem:s9+$0x870] =	vst v1  }
0x50: {  	[tilespmem:s9+$0x800] =	vst v1  }
0x51: {  	[tilespmem:s9+$0x810] =	vst v1  }
.Ltmp4:
0x52: {  	[tilespmem:s9+$0x820] =	vst v1;
	(pc) =	sbr.rel @p3 .LBB2_5-.Ltmp4, $4  }
0x53: {  	[tilespmem:s9+$0x830] =	vst v1  }
0x54: {  	[tilespmem:s9+$0x840] =	vst v1  }
0x55: {  	[tilespmem:s9+$0x850] =	vst v1  }
0x56: {  	[tilespmem:s9+$0x860] =	vst v1;
	s9 =	sshra.s32 s10, $0x2;
	s10 =	sadd.s32 $0x200, s10  }
0x57: {  	[tilespmem:s9+$0x870] =	vst v1  }
0x58: {  	[tilespmem:s9+$0x800] =	vst v1  }
0x59: {  	[tilespmem:s9+$0x810] =	vst v1  }
0x5a: {  	[tilespmem:s9+$0x820] =	vst v1  }
0x5b: {  	[tilespmem:s9+$0x830] =	vst v1  }
0x5c: {  	[tilespmem:s9+$0x840] =	vst v1  }
0x5d: {  	[tilespmem:s9+$0x850] =	vst v1  }
0x5e: {  	[tilespmem:s9+$0x860] =	vst v1;
	s10 =	rddreg [dreg:$0x14]  }
0x5f: {  	[tilespmem:s6], [sflag:$0x2] =	stream.linear.gather [hbm4b:s10+s6], $0x400, $0x38;
	[tilespmem:$0x1C080] =	vst v63  }
0x60: {  	_ =	swait.ge [sflag:s26], $0x400  }
0x61: {  	[sflag:s26] =	ssyncset.done $0x0  }
0x62: {  	[sflag:s26] =	ssyncadd.s32 $0xFFFFFC00  }
0x63: {  	[spmem:s5] =	stream.indirect.scatter.add.f32 [tilespmem:s25], [sflag:$0x2], $0x80, s6, s28, $0xb8;
	[tilespmem:$0x1C080] =	vst v63  }
0x64: {  	_ =	swait.ge [sflag:s26], $0x4000  }
0x65: {  	[sflag:s26] =	ssyncset.done $0x0  }
0x66: {  	[sflag:s26] =	ssyncadd.s32 $0xFFFFC000  }
0x67: {  	[spmem:s5] =	stream.indirect.scatter.add.f32 [tilespmem:s25], [sflag:$0x2], $0x80, s28, s28, $0xb8;
	[tilespmem:$0x1C080] =	vst v63  }
0x68: {  	_ =	swait.ge [sflag:s26], $0x4000  }
0x69: {  	[sflag:s26] =	ssyncset.done $0x0  }
0x6a: {  	[sflag:s26] =	ssyncadd.s32 $0xFFFFC000  }
0x6b: {  	[spmem:s5] =	stream.indirect.scatter.add.f32 [tilespmem:s25], [sflag:$0x2], $0x80, s29, s28, $0xb8;
	[tilespmem:$0x1C080] =	vst v63  }
0x6c: {  	_ =	swait.ge [sflag:s26], $0x4000  }
0x6d: {  	[sflag:s26] =	ssyncset.done $0x0  }
0x6e: {  	[sflag:s26] =	ssyncadd.s32 $0xFFFFC000  }
0x6f: {  	[spmem:s5] =	stream.indirect.scatter.add.f32 [tilespmem:s25], [sflag:$0x2], $0x80, s30, s28, $0xb8;
	[tilespmem:$0x1C080] =	vst v63  }
0x70: {  	_ =	swait.ge [sflag:s26], $0x4000  }
0x71: {  	[sflag:s26] =	ssyncset.done $0x0  }
0x72: {  	[sflag:s26] =	ssyncadd.s32 $0xFFFFC000  }
0x73: {  	[spmem:s5] =	stream.indirect.scatter.add.f32 [tilespmem:s25], [sflag:$0x2], $0x80, s31, s28, $0xb8;
	[tilespmem:$0x1C080] =	vst v63  }
0x74: {  	_ =	swait.ge [sflag:s26], $0x4000  }
0x75: {  	[sflag:s26] =	ssyncset.done $0x0  }
0x76: {  	[sflag:s26] =	ssyncadd.s32 $0xFFFFC000  }
0x77: {  	[spmem:s5] =	stream.indirect.scatter.add.f32 [tilespmem:s25], [sflag:$0x2], $0x80, s0, s28, $0xb8;
	[tilespmem:$0x1C080] =	vst v63  }
0x78: {  	_ =	swait.ge [sflag:s26], $0x4000  }
0x79: {  	[sflag:s26] =	ssyncset.done $0x0  }
0x7a: {  	[sflag:s26] =	ssyncadd.s32 $0xFFFFC000  }
0x7b: {  	[spmem:s5] =	stream.indirect.scatter.add.f32 [tilespmem:s25], [sflag:$0x2], $0x80, s3, s28, $0xb8;
	[tilespmem:$0x1C080] =	vst v63  }
0x7c: {  	_ =	swait.ge [sflag:s26], $0x4000  }
0x7d: {  	s23 =	rddreg [dreg:$0x8]  }
0x7e: {  	p3 =	sne.s32 s23, $0x1  }
.Ltmp5:
0x7f: {  	[sflag:s26] =	ssyncset.done $0x0;
	(pc) =	sbr.rel @!p3 .LBB2_8-.Ltmp5, $4  }
0x80: {  	[sflag:s26] =	ssyncadd.s32 $0xFFFFC000  }
0x81: {  	[spmem:s5] =	stream.indirect.scatter.add.f32 [tilespmem:s25], [sflag:$0x2], $0x80, s1, s28, $0xb8;
	[tilespmem:$0x1C080] =	vst v63  }
0x82: {  	_ =	swait.ge [sflag:s26], $0x4000  }
0x83: {  	s9 =	sadd.s32 $0xFFFFFFFF, s23;
	[sflag:s26] =	ssyncset.done $0x0  }
.LBB2_7:
0x84: {  	p3 =	sne.s32 s9, $0x1;
	[sflag:s26] =	ssyncadd.s32 $0xFFFFC000;
	s10 =	sadd.s32 $0x800, s10  }
0x85: {  	[tilespmem:s6], [sflag:$0x2] =	stream.linear.gather [hbm4b:s10+s6], $0x400, $0x38;
	[tilespmem:$0x1C080] =	vst v63  }
0x86: {  	s9 =	sadd.s32 $0xFFFFFFFF, s9;
	_ =	swait.ge [sflag:s26], $0x400  }
0x87: {  	[sflag:s26] =	ssyncset.done $0x0  }
0x88: {  	[sflag:s26] =	ssyncadd.s32 $0xFFFFFC00  }
0x89: {  	[spmem:s5] =	stream.indirect.scatter.add.f32 [tilespmem:s25], [sflag:$0x2], $0x80, s6, s28, $0xb8;
	[tilespmem:$0x1C080] =	vst v63  }
0x8a: {  	_ =	swait.ge [sflag:s26], $0x4000  }
0x8b: {  	[sflag:s26] =	ssyncset.done $0x0  }
0x8c: {  	[sflag:s26] =	ssyncadd.s32 $0xFFFFC000  }
0x8d: {  	[spmem:s5] =	stream.indirect.scatter.add.f32 [tilespmem:s25], [sflag:$0x2], $0x80, s28, s28, $0xb8;
	[tilespmem:$0x1C080] =	vst v63  }
0x8e: {  	_ =	swait.ge [sflag:s26], $0x4000  }
0x8f: {  	[sflag:s26] =	ssyncset.done $0x0  }
0x90: {  	[sflag:s26] =	ssyncadd.s32 $0xFFFFC000  }
0x91: {  	[spmem:s5] =	stream.indirect.scatter.add.f32 [tilespmem:s25], [sflag:$0x2], $0x80, s29, s28, $0xb8;
	[tilespmem:$0x1C080] =	vst v63  }
0x92: {  	_ =	swait.ge [sflag:s26], $0x4000  }
0x93: {  	[sflag:s26] =	ssyncset.done $0x0  }
0x94: {  	[sflag:s26] =	ssyncadd.s32 $0xFFFFC000  }
0x95: {  	[spmem:s5] =	stream.indirect.scatter.add.f32 [tilespmem:s25], [sflag:$0x2], $0x80, s30, s28, $0xb8;
	[tilespmem:$0x1C080] =	vst v63  }
0x96: {  	_ =	swait.ge [sflag:s26], $0x4000  }
0x97: {  	[sflag:s26] =	ssyncset.done $0x0  }
0x98: {  	[sflag:s26] =	ssyncadd.s32 $0xFFFFC000  }
0x99: {  	[spmem:s5] =	stream.indirect.scatter.add.f32 [tilespmem:s25], [sflag:$0x2], $0x80, s31, s28, $0xb8;
	[tilespmem:$0x1C080] =	vst v63  }
0x9a: {  	_ =	swait.ge [sflag:s26], $0x4000  }
0x9b: {  	[sflag:s26] =	ssyncset.done $0x0  }
0x9c: {  	[sflag:s26] =	ssyncadd.s32 $0xFFFFC000  }
0x9d: {  	[spmem:s5] =	stream.indirect.scatter.add.f32 [tilespmem:s25], [sflag:$0x2], $0x80, s0, s28, $0xb8;
	[tilespmem:$0x1C080] =	vst v63  }
0x9e: {  	_ =	swait.ge [sflag:s26], $0x4000  }
0x9f: {  	[sflag:s26] =	ssyncset.done $0x0  }
0xa0: {  	[sflag:s26] =	ssyncadd.s32 $0xFFFFC000  }
0xa1: {  	[spmem:s5] =	stream.indirect.scatter.add.f32 [tilespmem:s25], [sflag:$0x2], $0x80, s3, s28, $0xb8;
	[tilespmem:$0x1C080] =	vst v63  }
0xa2: {  	_ =	swait.ge [sflag:s26], $0x4000  }
.Ltmp6:
0xa3: {  	[sflag:s26] =	ssyncset.done $0x0;
	(pc) =	sbr.rel @p3 .LBB2_7-.Ltmp6, $4  }
0xa4: {  	[sflag:s26] =	ssyncadd.s32 $0xFFFFC000  }
0xa5: {  	[spmem:s5] =	stream.indirect.scatter.add.f32 [tilespmem:s25], [sflag:$0x2], $0x80, s1, s28, $0xb8;
	[tilespmem:$0x1C080] =	vst v63  }
0xa6: {  	_ =	swait.ge [sflag:s26], $0x4000  }
0xa7: {  	[sflag:s26] =	ssyncset.done $0x0  }
.LBB2_8:
0xa8: {  	[sflag:s26] =	ssyncadd.s32 $0xFFFFC000;
	s9 =	stileid.u32  }
0xa9: {  	s9 =	sshll.u32 s9, $0x6;
	[bflag:$0x0] =	sbarrier.arrive $0xFFFF  }
0xaa: {  	s10 =	sshrl.u32 s19, $0x3;
	s9 =	sor.u32 $0x1C02, s9;
	s11 =	rddreg [dreg:$0xd]  }
0xab: {  	[hbm:s11], [sflag:s9] =	dma.local [spmem:s10], $0x2700  }
0xac: {  	_ =	swait.ge [sflag:s26], $0x2700  }
0xad: {  	[sflag:s26] =	ssyncset.done $0x0;
	s10 =	rddreg [dreg:$0xf]  }
0xae: {  	s11 =	rddreg [dreg:$0x10];
	[sflag:s26] =	ssyncadd.s32 $0xFFFFD900;
	s10 =	sshrl.u32 @!p0 s10, $0x3  }
0xaf: {  	[hbm:s11], [sflag:s9] =	dma.local @!p0 [spmem:s10], $0x80  }
0xb0: {  	s9 =	simm.s32 @!p0 $0x2  }
0xb1: {  	_ =	swait.ge @!p0 [sflag:s9], $0x80  }
0xb2: {  	[sflag:s9] =	ssyncset.done @!p0 $0x0  }
0xb3: {  	s10 =	simm.s32 $0x200;
	[sflag:s9] =	ssyncadd.s32 @!p0 $0xFFFFFF80;
	s9 =	simm.s32 $0x0  }
.LBB2_9:
0xb4: {  	p3 =	sne.s32 s10, $0xFE00;
	[tilespmem:s9+$0x870] =	vst v0  }
0xb5: {  	[tilespmem:s9+$0x800] =	vst v0  }
0xb6: {  	[tilespmem:s9+$0x810] =	vst v0  }
.Ltmp7:
0xb7: {  	[tilespmem:s9+$0x820] =	vst v0;
	(pc) =	sbr.rel @p3 .LBB2_9-.Ltmp7, $4  }
0xb8: {  	[tilespmem:s9+$0x830] =	vst v0  }
0xb9: {  	[tilespmem:s9+$0x840] =	vst v0  }
0xba: {  	[tilespmem:s9+$0x850] =	vst v0  }
0xbb: {  	[tilespmem:s9+$0x860] =	vst v0;
	s9 =	sshra.s32 s10, $0x2;
	s10 =	sadd.s32 $0x200, s10  }
0xbc: {  	[tilespmem:s9+$0x870] =	vst v0  }
0xbd: {  	[tilespmem:s9+$0x800] =	vst v0  }
0xbe: {  	[tilespmem:s9+$0x810] =	vst v0  }
0xbf: {  	[tilespmem:s9+$0x820] =	vst v0  }
0xc0: {  	[tilespmem:s9+$0x830] =	vst v0  }
0xc1: {  	[tilespmem:s9+$0x840] =	vst v0  }
0xc2: {  	[tilespmem:s9+$0x850] =	vst v0  }
0xc3: {  	[tilespmem:s9+$0x860] =	vst v0  }
0xc4: {  	[bflag:$0x0] =	sbarrier.arrive $0xFFFF  }
0xc5: {  	[spmem:s19] =	stream.linear.scatter [tilespmem:s25], [sflag:$0x2], $0x8000, $0x38;
	[tilespmem:$0x1C080] =	vst v63  }
0xc6: {  	_ =	swait.ge [sflag:s26], $0x8000  }
0xc7: {  	[sflag:s26] =	ssyncset.done $0x0  }
0xc8: {  	s21 =	rddreg [dreg:$0xa];
	[sflag:s26] =	ssyncadd.s32 $0xFFFF8000  }
0xc9: {  	[spmem:s21] =	stream.linear.scatter [tilespmem:s25], [sflag:$0x2], $0x8000, $0x38;
	[tilespmem:$0x1C080] =	vst v63  }
0xca: {  	_ =	swait.ge [sflag:s26], $0x8000  }
0xcb: {  	[sflag:s26] =	ssyncset.done $0x0  }
0xcc: {  	s23 =	rddreg [dreg:$0xb];
	[sflag:s26] =	ssyncadd.s32 $0xFFFF8000  }
0xcd: {  	[spmem:s23] =	stream.linear.scatter [tilespmem:s25], [sflag:$0x2], $0x3800, $0x38;
	[tilespmem:$0x1C080] =	vst v63  }
0xce: {  	_ =	swait.ge [sflag:s26], $0x3800  }
0xcf: {  	[sflag:s26] =	ssyncset.done $0x0  }
0xd0: {  	s9 =	simm.s32 @!p0 $0x800;
	s10 =	rddreg [dreg:$0xc];
	[sflag:s26] =	ssyncadd.s32 $0xFFFFC800  }
0xd1: {  	[spmem:s10] =	stream.linear.scatter @!p0 [tilespmem:s9], [sflag:$0x2], $0x400, $0x38;
	[tilespmem:$0x1C080] =	vst v63  }
0xd2: {  	s9 =	simm.s32 @!p0 $0x2  }
0xd3: {  	_ =	swait.ge @!p0 [sflag:s9], $0x400  }
0xd4: {  	[sflag:s9] =	ssyncset.done @!p0 $0x0  }
0xd5: {  	[sflag:s9] =	ssyncadd.s32 @!p0 $0xFFFFFC00  }
.LBB2_11:
0xd6: {  	[bflag:$0x0] =	sbarrier.arrive $0xFFFF  }
.Ltmp8:
0xd7: {  	s11 =	rddreg [dreg:$0x6];
	(pc) =	sbr.rel .LBB2_12-.Ltmp8, $4  }
0xd8: {  	s12 =	rddreg [dreg:$0x1]  }
0xd9: {  	s21 =	rddreg [dreg:$0x14]  }
0xda: {  	s13 =	rddreg [dreg:$0x16]  }
0xdb: {  	s9 =	simm.s32 $0x0;
	s10 =	rddreg [dreg:$0x15]  }
.LBB2_15:
0xdc: {  	s10 =	sadd.s32 $0xFFFFFFFF, s10;
	s13 =	sadd.s32 $0x800, s13  }
0xdd: {  	s21 =	sadd.s32 $0x800, s21;
	s12 =	sadd.s32 $0x40000, s12;
	s11 =	sadd.s32 $0x40000, s11  }
.LBB2_12:
.Ltmp9:
0xde: {  	(pc) =	sbr.rel @p1 .LBB2_16-.Ltmp9, $4  }
0xdf: {  	[tilespmem:s6], [sflag:$0x3] =	stream.linear.gather [hbm4b:s21+s6], $0x400, $0x38;
	[tilespmem:$0x1C080] =	vst v63  }
0xe0: {  	_ =	swait.ge [sflag:s14], $0x400  }
0xe1: {  	[sflag:s14] =	ssyncset.done $0x0  }
0xe2: {  	[sflag:s14] =	ssyncadd.s32 $0xFFFFFC00  }
0xe3: {  	s23 =	sadd.s32 s12, s24  }
0xe4: {  	[tilespmem:s25], [sflag:$0x3] =	stream.linear.gather [hbm4b:s23+s6], $0x8000, $0x38;
	[tilespmem:$0x1C080] =	vst v63  }
0xe5: {  	_ =	swait.ge [sflag:s14], $0x8000  }
0xe6: {  	[sflag:s14] =	ssyncset.done $0x0  }
0xe7: {  	[sflag:s14] =	ssyncadd.s32 $0xFFFF8000  }
0xe8: {  	[spmem:s5] =	stream.indirect.scatter.add.f32 [tilespmem:s25], [sflag:$0x3], $0x80, s6, s28, $0xb8;
	[tilespmem:$0x1C080] =	vst v63  }
0xe9: {  	_ =	swait.ge [sflag:s14], $0x4000  }
0xea: {  	[sflag:s14] =	ssyncset.done $0x0  }
0xeb: {  	[sflag:s14] =	ssyncadd.s32 $0xFFFFC000  }
0xec: {  	[spmem:s5] =	stream.indirect.scatter.add.f32 [tilespmem:s17], [sflag:$0x3], $0x80, s28, s28, $0xb8;
	[tilespmem:$0x1C080] =	vst v63  }
0xed: {  	_ =	swait.ge [sflag:s14], $0x4000  }
0xee: {  	[sflag:s14] =	ssyncset.done $0x0  }
0xef: {  	s19 =	sadd.s32 $0x1000, s23;
	[sflag:s14] =	ssyncadd.s32 $0xFFFFC000  }
0xf0: {  	[tilespmem:s25], [sflag:$0x3] =	stream.linear.gather [hbm4b:s19+s6], $0x8000, $0x38;
	[tilespmem:$0x1C080] =	vst v63  }
0xf1: {  	_ =	swait.ge [sflag:s14], $0x8000  }
0xf2: {  	[sflag:s14] =	ssyncset.done $0x0  }
0xf3: {  	[sflag:s14] =	ssyncadd.s32 $0xFFFF8000  }
0xf4: {  	[spmem:s5] =	stream.indirect.scatter.add.f32 [tilespmem:s25], [sflag:$0x3], $0x80, s29, s28, $0xb8;
	[tilespmem:$0x1C080] =	vst v63  }
0xf5: {  	_ =	swait.ge [sflag:s14], $0x4000  }
0xf6: {  	[sflag:s14] =	ssyncset.done $0x0  }
0xf7: {  	[sflag:s14] =	ssyncadd.s32 $0xFFFFC000  }
0xf8: {  	[spmem:s5] =	stream.indirect.scatter.add.f32 [tilespmem:s17], [sflag:$0x3], $0x80, s30, s28, $0xb8;
	[tilespmem:$0x1C080] =	vst v63  }
0xf9: {  	_ =	swait.ge [sflag:s14], $0x4000  }
0xfa: {  	[sflag:s14] =	ssyncset.done $0x0  }
0xfb: {  	s19 =	sadd.s32 $0x2000, s23;
	[sflag:s14] =	ssyncadd.s32 $0xFFFFC000  }
0xfc: {  	[tilespmem:s25], [sflag:$0x3] =	stream.linear.gather [hbm4b:s19+s6], $0x8000, $0x38;
	[tilespmem:$0x1C080] =	vst v63  }
0xfd: {  	_ =	swait.ge [sflag:s14], $0x8000  }
0xfe: {  	[sflag:s14] =	ssyncset.done $0x0  }
0xff: {  	[sflag:s14] =	ssyncadd.s32 $0xFFFF8000  }
0x100: {  	[spmem:s5] =	stream.indirect.scatter.add.f32 [tilespmem:s25], [sflag:$0x3], $0x80, s31, s28, $0xb8;
	[tilespmem:$0x1C080] =	vst v63  }
0x101: {  	_ =	swait.ge [sflag:s14], $0x4000  }
0x102: {  	[sflag:s14] =	ssyncset.done $0x0  }
0x103: {  	[sflag:s14] =	ssyncadd.s32 $0xFFFFC000  }
0x104: {  	[spmem:s5] =	stream.indirect.scatter.add.f32 [tilespmem:s17], [sflag:$0x3], $0x80, s0, s28, $0xb8;
	[tilespmem:$0x1C080] =	vst v63  }
0x105: {  	_ =	swait.ge [sflag:s14], $0x4000  }
0x106: {  	[sflag:s14] =	ssyncset.done $0x0  }
0x107: {  	s23 =	sadd.s32 $0x3000, s23;
	[sflag:s14] =	ssyncadd.s32 $0xFFFFC000  }
0x108: {  	[tilespmem:s25], [sflag:$0x3] =	stream.linear.gather [hbm4b:s23+s6], $0x8000, $0x38;
	[tilespmem:$0x1C080] =	vst v63  }
0x109: {  	_ =	swait.ge [sflag:s14], $0x8000  }
0x10a: {  	[sflag:s14] =	ssyncset.done $0x0  }
0x10b: {  	[sflag:s14] =	ssyncadd.s32 $0xFFFF8000  }
0x10c: {  	[spmem:s5] =	stream.indirect.scatter.add.f32 [tilespmem:s25], [sflag:$0x3], $0x80, s3, s28, $0xb8;
	[tilespmem:$0x1C080] =	vst v63  }
0x10d: {  	_ =	swait.ge [sflag:s14], $0x4000  }
0x10e: {  	p3 =	seq.s32 s10, $0x0;
	[sflag:s14] =	ssyncset.done $0x0  }
.Ltmp10:
0x10f: {  	[sflag:s14] =	ssyncadd.s32 $0xFFFFC000;
	(pc) =	sbr.rel @p3 .LBB2_18-.Ltmp10, $4  }
0x110: {  	[spmem:s5] =	stream.indirect.scatter.add.f32 [tilespmem:s17], [sflag:$0x3], $0x80, s1, s28, $0xb8;
	[tilespmem:$0x1C080] =	vst v63  }
0x111: {  	_ =	swait.ge [sflag:s14], $0x4000  }
0x112: {  	[sflag:s14] =	ssyncset.done $0x0  }
0x113: {  	[sflag:s14] =	ssyncadd.s32 $0xFFFFC000  }
.Ltmp11:
0x114: {  	(pc) =	sbr.rel .LBB2_15-.Ltmp11, $2  }
0x115: {  	_ =	sdelay $0x2  }
0x116: {  	s9 =	sadd.s32 $0x1, s9  }
.LBB2_16:
0x117: {  	[tilespmem:s18], [sflag:$0x3] =	stream.linear.gather [hbm4b:s13+s6], $0x400, $0x38;
	[tilespmem:$0x1C080] =	vst v63  }
0x118: {  	_ =	swait.ge [sflag:s14], $0x400  }
0x119: {  	[sflag:s14] =	ssyncset.done $0x0  }
0x11a: {  	[sflag:s14] =	ssyncadd.s32 $0xFFFFFC00  }
0x11b: {  	[tilespmem:s25], [sflag:$0x1] =	stream.indirect.gather [hbm4b:s2+s28], $0x80, s18, s28, $0xb8;
	[tilespmem:$0x1C080] =	vst v63  }
0x11c: {  	s19 =	simm.s32 $0x480  }
0x11d: {  	[tilespmem:s17], [sflag:$0x1] =	stream.indirect.gather [hbm4b:s2+s28], $0x80, s19, s28, $0xb8;
	[tilespmem:$0x1C080] =	vst v63  }
0x11e: {  	_ =	swait.ge [sflag:s8], $0x4000  }
0x11f: {  	[sflag:s8] =	ssyncset.done $0x0  }
0x120: {  	[sflag:s8] =	ssyncadd.s32 $0xFFFFC000  }
0x121: {  	_ =	swait.ge [sflag:s8], $0x4000  }
0x122: {  	[sflag:s8] =	ssyncset.done $0x0  }
0x123: {  	s23 =	sadd.s32 s11, s24;
	[sflag:s8] =	ssyncadd.s32 $0xFFFFC000  }
0x124: {  	[hbm4b:s23+s6] =	stream.linear.scatter [tilespmem:s25], [sflag:$0x3], $0x8000, $0x38;
	[tilespmem:$0x1C080] =	vst v63  }
0x125: {  	_ =	swait.ge [sflag:s14], $0x8000  }
0x126: {  	[sflag:s14] =	ssyncset.done $0x0  }
0x127: {  	[sflag:s14] =	ssyncadd.s32 $0xFFFF8000  }
0x128: {  	[spmem:s5] =	stream.indirect.scatter.add.f32 [tilespmem:s25], [sflag:$0x3], $0x80, s6, s28, $0xb8;
	[tilespmem:$0x1C080] =	vst v63  }
0x129: {  	_ =	swait.ge [sflag:s14], $0x4000  }
0x12a: {  	[sflag:s14] =	ssyncset.done $0x0  }
0x12b: {  	[sflag:s14] =	ssyncadd.s32 $0xFFFFC000  }
0x12c: {  	[spmem:s5] =	stream.indirect.scatter.add.f32 [tilespmem:s17], [sflag:$0x3], $0x80, s28, s28, $0xb8;
	[tilespmem:$0x1C080] =	vst v63  }
0x12d: {  	_ =	swait.ge [sflag:s14], $0x4000  }
0x12e: {  	[sflag:s14] =	ssyncset.done $0x0  }
0x12f: {  	[sflag:s14] =	ssyncadd.s32 $0xFFFFC000  }
0x130: {  	[tilespmem:s25], [sflag:$0x1] =	stream.indirect.gather [hbm4b:s2+s28], $0x80, s15, s28, $0xb8;
	[tilespmem:$0x1C080] =	vst v63  }
0x131: {  	_ = 	snop  }
0x132: {  	[tilespmem:s17], [sflag:$0x1] =	stream.indirect.gather [hbm4b:s2+s28], $0x80, s4, s28, $0xb8;
	[tilespmem:$0x1C080] =	vst v63  }
0x133: {  	_ =	swait.ge [sflag:s8], $0x4000  }
0x134: {  	[sflag:s8] =	ssyncset.done $0x0  }
0x135: {  	[sflag:s8] =	ssyncadd.s32 $0xFFFFC000  }
0x136: {  	_ =	swait.ge [sflag:s8], $0x4000  }
0x137: {  	[sflag:s8] =	ssyncset.done $0x0  }
0x138: {  	s19 =	sadd.s32 $0x1000, s23;
	[sflag:s8] =	ssyncadd.s32 $0xFFFFC000  }
0x139: {  	[hbm4b:s19+s6] =	stream.linear.scatter [tilespmem:s25], [sflag:$0x3], $0x8000, $0x38;
	[tilespmem:$0x1C080] =	vst v63  }
0x13a: {  	_ =	swait.ge [sflag:s14], $0x8000  }
0x13b: {  	[sflag:s14] =	ssyncset.done $0x0  }
0x13c: {  	[sflag:s14] =	ssyncadd.s32 $0xFFFF8000  }
0x13d: {  	[spmem:s5] =	stream.indirect.scatter.add.f32 [tilespmem:s25], [sflag:$0x3], $0x80, s29, s28, $0xb8;
	[tilespmem:$0x1C080] =	vst v63  }
0x13e: {  	_ =	swait.ge [sflag:s14], $0x4000  }
0x13f: {  	[sflag:s14] =	ssyncset.done $0x0  }
0x140: {  	[sflag:s14] =	ssyncadd.s32 $0xFFFFC000  }
0x141: {  	[spmem:s5] =	stream.indirect.scatter.add.f32 [tilespmem:s17], [sflag:$0x3], $0x80, s30, s28, $0xb8;
	[tilespmem:$0x1C080] =	vst v63  }
0x142: {  	_ =	swait.ge [sflag:s14], $0x4000  }
0x143: {  	[sflag:s14] =	ssyncset.done $0x0  }
0x144: {  	[sflag:s14] =	ssyncadd.s32 $0xFFFFC000  }
0x145: {  	[tilespmem:s25], [sflag:$0x1] =	stream.indirect.gather [hbm4b:s2+s28], $0x80, s7, s28, $0xb8;
	[tilespmem:$0x1C080] =	vst v63  }
0x146: {  	_ = 	snop  }
0x147: {  	[tilespmem:s17], [sflag:$0x1] =	stream.indirect.gather [hbm4b:s2+s28], $0x80, s16, s28, $0xb8;
	[tilespmem:$0x1C080] =	vst v63  }
0x148: {  	_ =	swait.ge [sflag:s8], $0x4000  }
0x149: {  	[sflag:s8] =	ssyncset.done $0x0  }
0x14a: {  	[sflag:s8] =	ssyncadd.s32 $0xFFFFC000  }
0x14b: {  	_ =	swait.ge [sflag:s8], $0x4000  }
0x14c: {  	[sflag:s8] =	ssyncset.done $0x0  }
0x14d: {  	s19 =	sadd.s32 $0x2000, s23;
	[sflag:s8] =	ssyncadd.s32 $0xFFFFC000  }
0x14e: {  	[hbm4b:s19+s6] =	stream.linear.scatter [tilespmem:s25], [sflag:$0x3], $0x8000, $0x38;
	[tilespmem:$0x1C080] =	vst v63  }
0x14f: {  	_ =	swait.ge [sflag:s14], $0x8000  }
0x150: {  	[sflag:s14] =	ssyncset.done $0x0  }
0x151: {  	[sflag:s14] =	ssyncadd.s32 $0xFFFF8000  }
0x152: {  	[spmem:s5] =	stream.indirect.scatter.add.f32 [tilespmem:s25], [sflag:$0x3], $0x80, s31, s28, $0xb8;
	[tilespmem:$0x1C080] =	vst v63  }
0x153: {  	_ =	swait.ge [sflag:s14], $0x4000  }
0x154: {  	[sflag:s14] =	ssyncset.done $0x0  }
0x155: {  	[sflag:s14] =	ssyncadd.s32 $0xFFFFC000  }
0x156: {  	[spmem:s5] =	stream.indirect.scatter.add.f32 [tilespmem:s17], [sflag:$0x3], $0x80, s0, s28, $0xb8;
	[tilespmem:$0x1C080] =	vst v63  }
0x157: {  	_ =	swait.ge [sflag:s14], $0x4000  }
0x158: {  	[sflag:s14] =	ssyncset.done $0x0  }
0x159: {  	[sflag:s14] =	ssyncadd.s32 $0xFFFFC000  }
0x15a: {  	[tilespmem:s25], [sflag:$0x1] =	stream.indirect.gather [hbm4b:s2+s28], $0x80, s20, s28, $0xb8;
	[tilespmem:$0x1C080] =	vst v63  }
0x15b: {  	_ = 	snop  }
0x15c: {  	[tilespmem:s17], [sflag:$0x1] =	stream.indirect.gather [hbm4b:s2+s28], $0x80, s22, s28, $0xb8;
	[tilespmem:$0x1C080] =	vst v63  }
0x15d: {  	_ =	swait.ge [sflag:s8], $0x4000  }
0x15e: {  	[sflag:s8] =	ssyncset.done $0x0  }
0x15f: {  	[sflag:s8] =	ssyncadd.s32 $0xFFFFC000  }
0x160: {  	_ =	swait.ge [sflag:s8], $0x4000  }
0x161: {  	[sflag:s8] =	ssyncset.done $0x0  }
0x162: {  	s23 =	sadd.s32 $0x3000, s23;
	[sflag:s8] =	ssyncadd.s32 $0xFFFFC000  }
0x163: {  	[hbm4b:s23+s6] =	stream.linear.scatter [tilespmem:s25], [sflag:$0x3], $0x8000, $0x38;
	[tilespmem:$0x1C080] =	vst v63  }
0x164: {  	_ =	swait.ge [sflag:s14], $0x8000  }
0x165: {  	[sflag:s14] =	ssyncset.done $0x0  }
0x166: {  	[sflag:s14] =	ssyncadd.s32 $0xFFFF8000  }
0x167: {  	[spmem:s5] =	stream.indirect.scatter.add.f32 [tilespmem:s25], [sflag:$0x3], $0x80, s3, s28, $0xb8;
	[tilespmem:$0x1C080] =	vst v63  }
0x168: {  	_ =	swait.ge [sflag:s14], $0x4000  }
0x169: {  	p3 =	seq.s32 s10, $0x0;
	[sflag:s14] =	ssyncset.done $0x0  }
.Ltmp12:
0x16a: {  	[sflag:s14] =	ssyncadd.s32 $0xFFFFC000;
	(pc) =	sbr.rel @p3 .LBB2_19-.Ltmp12, $4  }
0x16b: {  	[spmem:s5] =	stream.indirect.scatter.add.f32 [tilespmem:s17], [sflag:$0x2], $0x80, s1, s28, $0xb8;
	[tilespmem:$0x1C080] =	vst v63  }
0x16c: {  	_ =	swait.ge [sflag:s26], $0x4000  }
0x16d: {  	[sflag:s26] =	ssyncset.done $0x0  }
0x16e: {  	[sflag:s26] =	ssyncadd.s32 $0xFFFFC000  }
.Ltmp13:
0x16f: {  	(pc) =	sbr.rel .LBB2_15-.Ltmp13, $2  }
0x170: {  	_ =	sdelay $0x2  }
0x171: {  	s9 =	sadd.s32 $0x1, s9  }
.LBB2_18:
0x172: {  	s9 =	stileid.u32;
	[bflag:$0x0] =	sbarrier.arrive $0xFFFF  }
0x173: {  	s9 =	sshll.u32 s9, $0x6;
	s19 =	rddreg [dreg:$0x9]  }
0x174: {  	s11 =	rddreg [dreg:$0x12];
	s9 =	sor.u32 $0x1C02, s9;
	s10 =	sshrl.u32 s19, $0x3  }
0x175: {  	[hbm:s11], [sflag:s9] =	dma.local [spmem:s10], $0x2700  }
.Ltmp14:
0x176: {  	_ = 	snop;
	(pc) =	sbr.rel @p2 .LBB2_20-.Ltmp14, $4  }
.Ltmp15:
0x177: {  	_ =	swait.ge [sflag:s26], $0x2700;
	(pc) =	sbr.rel @!p2 .LBB2_21-.Ltmp15, $4  }
0x178: {  	[sflag:s26] =	ssyncset.done $0x0  }
0x179: {  	s12 =	rddreg [dreg:$0x17];
	[sflag:s26] =	ssyncadd.s32 $0xFFFFD900  }
0x17a: {  	s10 =	rddreg [dreg:$0x3]  }
0x17b: {  	_ = 	snop  }
.LBB2_19:
0x17c: {  	s9 =	stileid.u32;
	[bflag:$0x0] =	sbarrier.arrive $0xFFFF  }
0x17d: {  	s9 =	sshll.u32 s9, $0x6;
	s19 =	rddreg [dreg:$0x9]  }
0x17e: {  	s11 =	rddreg [dreg:$0x11];
	s9 =	sor.u32 $0x1C02, s9;
	s10 =	sshrl.u32 s19, $0x3  }
0x17f: {  	[hbm:s11], [sflag:s9] =	dma.local [spmem:s10], $0x2700  }
.Ltmp16:
0x180: {  	_ = 	snop;
	(pc) =	sbr.rel @p0 .LBB2_21-.Ltmp16, $4  }
.Ltmp17:
0x181: {  	_ = 	snop;
	(pc) =	sbr.rel @!p0 .LBB2_20-.Ltmp17, $4  }
0x182: {  	_ =	swait.ge [sflag:s26], $0x2700  }
0x183: {  	[sflag:s26] =	ssyncset.done $0x0;
	s10 =	rddreg [dreg:$0x7]  }
0x184: {  	s12 =	rddreg [dreg:$0x17];
	[sflag:s26] =	ssyncadd.s32 $0xFFFFD900  }
0x185: {  	_ = 	snop  }
.LBB2_22:
0x186: {  	_ =	sfence.sel $0x180000  }
0x187: {  	[bflag:$0x0] =	sbarrier.arrive $0xFFFF  }
0x188: {  	_ =	strace $0x90000047  }
0x189: {  	s0 =	stileid.u32;
	[bflag:$0x2] =	sbarrier.arrive $0xFFFF  }
0x18a: {  	p0 =	sne.s32 s0, $0x0;
	s0 =	rddreg [dreg:$0x5]  }
0x18b: {  	s0 =	sadd.s32 @!p0 $0x100000, s0  }
0x18c: {  	[sflag:s0] =	ssyncadd.tile.s32 @!p0 $0x1;
	_ =	shalt  }
.Lfunc_end2:
_tile_overlayer_lowered:
.L_overlay_start_2:
0x18d: {  	(tag) =	ssettag $0x2  }
0x18e: {  	s0 =	rddreg [dreg:$0x0];
	s2 =	stileid.u32  }
0x18f: {  	s1 =	rddreg [dreg:$0x1];
	p0 =	sne.s32 s2, $0x0  }
0x190: {  	s3 =	rddreg [dreg:$0x2];
	[bflag:$0x3] =	sbarrier.arrive $0xFFFF;
	s2 =	simm.s32 @!p0 $0x1C02  }
0x191: {  	[timem:s3], [sflag:s2] =	dma.local @!p0 [hbm:s0], s1  }
0x192: {  	s0 =	simm.s32 @!p0 $0x2  }
0x193: {  	_ =	swait.ge @!p0 [sflag:s0], s1  }
0x194: {  	s1 =	ssub.s32 @!p0 $0x0, s1;
	[sflag:s0] =	ssyncset.done @!p0 $0x0  }
0x195: {  	[sflag:s0] =	ssyncadd.s32 @!p0 s1  }
0x196: {  	[bflag:$0x3] =	sbarrier.arrive $0xFFFF  }
0x197: {  	_ =	shalt  }

// kernel: kernel.13.cloned.1.call-start
scs
__scs_entry_jumppad:
0x0: {  	(pc) =	sbr.rel $0x88, $3  }
0x1: {  	(tag) =	ssettag $0x0;
	lr =	simm.s32 $0x1  }
0x2: {  	[smem:$0x3F92] =	sst lr;
	_ =	strace $0xD0000000  }
0x3: {  	_ = 	snop  }
0x4: {  	_ = 	snop  }
0x5: {  	_ = 	snop  }
0x6: {  	_ = 	snop  }
0x7: {  	_ = 	snop  }
__scs_overlays_trampoline_lowered:
0x8: {  	[smem:$0x3FA1] =	sst s0  }
0x9: {  	[smem:$0x3FA2] =	sst s1  }
0xa: {  	[smem:$0x3FA3] =	sst s2  }
0xb: {  	[smem:$0x3FA4] =	sst s3  }
0xc: {  	[smem:$0x3FA5] =	sst s4  }
0xd: {  	[smem:$0x3FA6] =	sst s5  }
0xe: {  	[smem:$0x3FA7] =	sst s6  }
0xf: {  	[smem:$0x3FA8] =	sst s7  }
0x10: {  	[smem:$0x3FA9] =	sst s8  }
0x11: {  	[smem:$0x3FAA] =	sst s9;
	s0 =	simm.s32 @!p0 $0x0  }
0x12: {  	s1 =	sld [smem:$0x3F90];
	s0 =	simm.s32 @p0 $0x1  }
0x13: {  	[smem:$0x3FAB] =	sst s0;
	s0 =	simm.s32 @!p1 $0x0  }
0x14: {  	s2 =	sld [smem:$0x3F8F];
	s0 =	simm.s32 @p1 $0x1  }
0x15: {  	[smem:$0x3FAC] =	sst s0;
	s0 =	simm.s32 @!p2 $0x0  }
0x16: {  	s3 =	sld [smem:$0x3FDB];
	s0 =	simm.s32 @p2 $0x1  }
0x17: {  	s4 =	simm.s32 $0x1BF5;
	[smem:$0x3FAE] =	sst s0  }
0x18: {  	s0 =	sld [smem:$0x3F91];
	_ =	swait.ge [sflag:s4], $0x0  }
0x19: {  	s7 =	sld [smem:$0x3F92]  }
0x1a: {  	s8 =	sadd.s32 $0xFFFFE003, lr  }
0x1b: {  	s9 =	sadd.s32 $0xFFFFFEF7, lr;
	s5 =	simm.s32 $0xFFFFFFFF;
	p2 =	slt.u32 s8, $0xFFFFF086  }
0x1c: {  	p1 =	slt.u32 s9, $0xF7A;
	s5 =	simm.s32 @!p2 $0x0  }
0x1d: {  	s5 =	simm.s32 @p1 $0x1;
	p0 =	seq.s32 s7, s2  }
0x1e: {  	s7 =	smul.u32 @!p0 $0xF7A, s2;
	p2 =	seq.s32 @!p0 s5, $0x0  }
0x1f: {  	s9 =	smul.u32 $0xF7A, s1;
	s8 =	simm.s32 @!p0 $0x1BF5;
	p2 =	por !p2, p0  }
0x20: {  	[sflag:s8] =	ssyncset.s32 @!p0 $0xFFFFF086;
	s6 =	sadd.s32 @!p0 s3, s7;
	s7 =	simm.s32 @!p0 $0x108  }
0x21: {  	s3 =	sadd.s32 s3, s9;
	s6 =	sadd.s32 @!p0 $0x88, s6;
	s7 =	simm.s32 @p2 $0x1082  }
0x22: {  	[simem:s7], [sflag:s8] =	dma.local @!p0 [hbm:s6], $0xF7A  }
0x23: {  	s9 =	sor.u32 $0xD0000000, s2;
	s6 =	simm.s32 $0x108;
	_ =	swait.ge @!p0 [sflag:s8], $0x0  }
0x24: {  	s3 =	sadd.s32 $0x88, s3;
	s6 =	simm.s32 @!p1 $0x1082;
	[sflag:s4] =	ssyncset.s32 $0xFFFFF086  }
0x25: {  	[simem:s6], [sflag:s4] =	dma.local [hbm:s3], $0xF7A  }
0x26: {  	[smem:$0x3F92] =	sst s1;
	(tag) =	ssettag s2;
	_ =	strace s9  }
0x27: {  	s1 =	sld [smem:$0x3FA2]  }
0x28: {  	s2 =	sld [smem:$0x3FA3]  }
0x29: {  	s4 =	sld [smem:$0x3FA5]  }
0x2a: {  	p0 =	seq.s32 s5, $0x0;
	s5 =	sld [smem:$0x3FA6]  }
0x2b: {  	s6 =	sld [smem:$0x3FA7]  }
0x2c: {  	s7 =	sld [smem:$0x3FA8]  }
0x2d: {  	s3 =	simm.s32 $0x108;
	s8 =	sld [smem:$0x3FA9]  }
0x2e: {  	s3 =	simm.s32 @!p0 $0x1082;
	s9 =	sld [smem:$0x3FAA]  }
0x2f: {  	lr =	sadd.s32 s0, s3;
	s0 =	sld [smem:$0x3FA1]  }
0x30: {  	s3 =	sld [smem:$0x3FA4]  }
0x31: {  	[smem:$0x3FAD] =	sst s10  }
0x32: {  	s10 =	sld [smem:$0x3FAB];
	_ =	sdelay $0x3  }
0x33: {  	p0 =	seq.s32 s10, $0x1;
	s10 =	sld [smem:$0x3FAD];
	_ =	sdelay $0x3  }
0x34: {  	[smem:$0x3FAD] =	sst s10  }
0x35: {  	s10 =	sld [smem:$0x3FAC];
	_ =	sdelay $0x3  }
0x36: {  	p1 =	seq.s32 s10, $0x1;
	s10 =	sld [smem:$0x3FAD];
	_ =	sdelay $0x3  }
0x37: {  	[smem:$0x3FAD] =	sst s10  }
0x38: {  	s10 =	sld [smem:$0x3FAE]  }
0x39: {  	_ = 	snop;
	(pc) =	sbr.ind lr, $3  }
0x3a: {  	_ = 	snop  }
0x3b: {  	_ = 	snop  }
0x3c: {  	p2 =	seq.s32 s10, $0x1;
	s10 =	sld [smem:$0x3FAD]  }
0x3d: {  	_ =	shalt  }
0x3e: {  	_ =	shalt  }
0x3f: {  	_ =	shalt  }
0x40: {  	_ =	shalt  }
0x41: {  	_ =	shalt  }
0x42: {  	_ =	shalt  }
0x43: {  	_ =	shalt  }
0x44: {  	_ =	shalt  }
0x45: {  	_ =	shalt  }
0x46: {  	_ =	shalt  }
0x47: {  	_ =	shalt  }
0x48: {  	_ =	shalt  }
0x49: {  	_ =	shalt  }
0x4a: {  	_ =	shalt  }
0x4b: {  	_ =	shalt  }
0x4c: {  	_ =	shalt  }
0x4d: {  	_ =	shalt  }
0x4e: {  	_ =	shalt  }
0x4f: {  	_ =	shalt  }
0x50: {  	_ =	shalt  }
0x51: {  	_ =	shalt  }
0x52: {  	_ =	shalt  }
0x53: {  	_ =	shalt  }
0x54: {  	_ =	shalt  }
0x55: {  	_ =	shalt  }
0x56: {  	_ =	shalt  }
0x57: {  	_ =	shalt  }
0x58: {  	_ =	shalt  }
0x59: {  	_ =	shalt  }
0x5a: {  	_ =	shalt  }
0x5b: {  	_ =	shalt  }
0x5c: {  	_ =	shalt  }
0x5d: {  	_ =	shalt  }
0x5e: {  	_ =	shalt  }
0x5f: {  	_ =	shalt  }
0x60: {  	_ =	shalt  }
0x61: {  	_ =	shalt  }
0x62: {  	_ =	shalt  }
0x63: {  	_ =	shalt  }
0x64: {  	_ =	shalt  }
0x65: {  	_ =	shalt  }
0x66: {  	_ =	shalt  }
0x67: {  	_ =	shalt  }
0x68: {  	_ =	shalt  }
0x69: {  	_ =	shalt  }
0x6a: {  	_ =	shalt  }
0x6b: {  	_ =	shalt  }
0x6c: {  	_ =	shalt  }
0x6d: {  	_ =	shalt  }
0x6e: {  	_ =	shalt  }
0x6f: {  	_ =	shalt  }
0x70: {  	_ =	shalt  }
0x71: {  	_ =	shalt  }
0x72: {  	_ =	shalt  }
0x73: {  	_ =	shalt  }
0x74: {  	_ =	shalt  }
0x75: {  	_ =	shalt  }
0x76: {  	_ =	shalt  }
0x77: {  	_ =	shalt  }
0x78: {  	_ =	shalt  }
0x79: {  	_ =	shalt  }
0x7a: {  	_ =	shalt  }
0x7b: {  	_ =	shalt  }
0x7c: {  	_ =	shalt  }
0x7d: {  	_ =	shalt  }
0x7e: {  	_ =	shalt  }
0x7f: {  	_ =	shalt  }
0x80: {  	_ =	shalt  }
0x81: {  	_ =	shalt  }
0x82: {  	_ =	shalt  }
0x83: {  	_ =	shalt  }
0x84: {  	_ =	shalt  }
0x85: {  	_ =	shalt  }
0x86: {  	_ =	shalt  }
0x87: {  	_ =	shalt  }
.Lfunc_end0:
.L_simem_size_0:
called_computation.1_lowered:
.L_overlay_start_0:
0x88: {  	s2 =	sld [smem:$0x3FD9]  }
0x89: {  	s3 =	sld [smem:$0x3FFE];
	_ =	sdelay $0x1  }
0x8a: {  	s1 =	srdreg.scid  }
0x8b: {  	s0 =	sand.u32 $0x1, s1  }
0x8c: {  	s14 =	sshll.u32 s0, $0xA;
	s2 =	sadd.s32 s3, s2  }
0x8d: {  	s2 =	sadd.s32 s2, s14  }
0x8e: {  	[smem:$0x3FB9] =	sst s2  }
0x8f: {  	_ = 	snop  }
0x90: {  	s2 =	sld [smem:$0x3FD0];
	_ =	sdelay $0x2  }
0x91: {  	s15 =	simm.s32 $0xA;
	s4 =	simm.s32 $0x10  }
0x92: {  	[smem:s4], [sflag:s15] =	dma.local [hbm:s2], $0x1  }
0x93: {  	_ =	swait.eq [sflag:s15], $0x1  }
0x94: {  	[sflag:s15] =	ssyncset.done $0x0  }
0x95: {  	[sflag:s15] =	ssyncadd.s32 $0xFFFFFFFF  }
0x96: {  	s16 =	sld [smem:$0x11];
	(tm) =	ssettm $0x1  }
0x97: {  	s17 =	sld [smem:$0x3FFB];
	_ =	sdelay $0x3  }
0x98: {  	_ =	strace s17  }
0x99: {  	s3 =	sld [smem:$0x3FFC];
	_ =	sdelay $0x3  }
0x9a: {  	_ =	strace s3  }
0x9b: {  	s3 =	sld [smem:$0x3FFD];
	_ =	sdelay $0x3  }
0x9c: {  	_ =	strace s3  }
0x9d: {  	_ =	strace $0x8FFFFFFF  }
0x9e: {  	s18 =	sld [smem:$0x3FDB];
	_ =	sdelay $0x1  }
0x9f: {  	s19 =	simm.s32 $_scs_section_size  }
0xa0: {  	s5 =	simm.s32 $_size__tile_overlayer_lowered;
	s6 =	simm.s32 $_tile_overlayer_lowered  }
0xa1: {  	s22 =	simm.s32 $0x1BFF;
	s21 =	sshll.u32 s6, $0x1;
	s3 =	sadd.s32 s19, s18  }
0xa2: {  	s7 =	simm.s32 $0x0;
	s20 =	sshll.u32 s5, $0x1;
	s5 =	sadd.s32 s21, s3  }
0xa3: {  	[timem:s7], [sflag:s22] =	dma.local [hbm:s5], s20  }
0xa4: {  	_ =	swait.ge [sflag:s22], s20  }
0xa5: {  	s4 =	ssub.s32 $0x0, s20;
	[sflag:s22] =	ssyncset.done $0x0  }
0xa6: {  	[sflag:s22] =	ssyncadd.s32 s4;
	_ =	sdelay $0x1  }
0xa7: {  	s23 =	simm.s32 $0x1B8B  }
0xa8: {  	_ =	swait.ge [sflag:s23], $0x1  }
0xa9: {  	[sflag:s23] =	ssyncset.done $0x0  }
0xaa: {  	s25 =	simm.s32 $0x1B8E;
	s24 =	sld [smem:$0x3FFE];
	[sflag:s23] =	ssyncadd.s32 $0xFFFFFFFF  }
0xab: {  	s26 =	simm.s32 $execute0_lowered;
	[smem:$0x3FD2] =	sst s25  }
0xac: {  	s5 =	sshll.u32 s26, $0x1;
	_ =	strace $0x80000049;
	[dreg:$0x1] =	wrdreg $0xFFFFFFFF  }
0xad: {  	s28 =	simm.s32 $_size_execute0_lowered;
	s3 =	sadd.s32 s3, s5;
	[dreg:$0x0] =	wrdreg $0x0  }
0xae: {  	s5 =	sshll.u32 s28, $0x1;
	[dreg:$0x2] =	wrdreg s3  }
0xaf: {  	[dreg:$0x3] =	wrdreg s5  }
0xb0: {  	[dreg:$0x4] =	wrdreg $0xC0  }
0xb1: {  	_ =	task [dreg:s7], $0x5FFFF  }
0xb2: {  	[dreg:$0x1] =	wrdreg $0xFFFFFFFF  }
0xb3: {  	[dreg:$0x0] =	wrdreg $0x60  }
0xb4: {  	[dreg:$0x2] =	wrdreg s24  }
0xb5: {  	[dreg:$0x3] =	wrdreg s16  }
0xb6: {  	[dreg:$0x4] =	wrdreg $0x9  }
0xb7: {  	_ =	task.clear_ibuf [dreg:s7], $0x5FFFF;
	_ =	strace $0x90000049  }
0xb8: {  	s29 =	simm.s32 $0x9;
	_ =	strace $0x8000004B  }
0xb9: {  	_ =	swait.ge [sflag:s29], $0x1  }
0xba: {  	[sflag:s29] =	ssyncadd.s32 $0xFFFFFFFF  }
0xbb: {  	_ =	strace $0x9000004B  }
0xbc: {  	_ =	sfence  }
0xbd: {  	s30 =	sld [smem:$0x0];
	_ =	sdelay $0x2  }
0xbe: {  	s31 =	sshll.u32 s1, $0xD;
	s1 =	sshrl.u32 s1, $0x2  }
0xbf: {  	s3 =	sand.u32 $0x4000, s31;
	s1 =	sadd.s32 s1, s30  }
0xc0: {  	s0 =	sor.u32 s3, s0;
	s1 =	sshll.u32 s1, $0x11  }
0xc1: {  	s0 =	sor.u32 s1, s0  }
0xc2: {  	s0 =	sadd.s32 $0x8F2B, s0  }
0xc3: {  	[sflag:s0] =	ssyncadd.remote.s32 $0x1  }
0xc4: {  	_ =	sfence.sel $0xFFFF  }
0xc5: {  	[dreg:$0x0] =	wrdreg $0xFFFFFFFF;
	(pc) =	sbr.abs _section_cstart, $3  }
0xc6: {  	[dreg:$0x1] =	wrdreg $0xFFFFFFFF  }
0xc7: {  	_ =	task.clear_ibuf [dreg:s7], $0x2FFFF;
	_ =	strace $0x9FFFFFFF  }
0xc8: {  	(tm) =	ssettm $0x7FFFFFFF  }
0xc9: {  	_ =	shalt  }
tec
execute0_lowered:
.L_overlay_start_1:
0x0: {  	(tag) =	ssettag $0x1  }
0x1: {  	s3 =	rddreg [dreg:$0x0]  }
0x2: {  	s5 =	rddreg [dreg:$0x1]  }
0x3: {  	s2 =	srdreg.scid;
	s0 =	rddreg [dreg:$0x2]  }
0x4: {  	s1 =	simm.s32 $0x0;
	s11 =	simm.s32 $0x4400;
	s12 =	simm.s32 $0x1  }
0x5: {  	s13 =	simm.s32 $0x100;
	s14 =	simm.s32 $0x180;
	s15 =	simm.s32 $0x200  }
0x6: {  	s16 =	simm.s32 $0x280;
	s17 =	simm.s32 $0x300;
	s18 =	simm.s32 $0x380  }
0x7: {  	s19 =	simm.s32 $0x0;
	s6 =	sand.u32 $0x1, s2;
	[smem:$0x7FF] =	sst s1  }
0x8: {  	s2 =	sshll.u32 s6, $0xB;
	_ =	strace $0x8000004A;
	s4 =	ssub.s32 $0x2, s6  }
0x9: {  	s8 =	sshll.u32 s6, $0x4;
	s6 =	sshll.u32 s6, $0x12;
	s7 =	sadd.s32 s2, s3  }
0xa: {  	s2 =	stileid.u32;
	s3 =	sadd.s32 $0xA3E600, s3;
	s9 =	sshrl.u32 s4, $0x1  }
0xb: {  	s31 =	sadd.s32 s6, s5;
	s8 =	sor.u32 s2, s8;
	s9 =	ssub.s32 s4, s9  }
0xc: {  	s4 =	simm.s32 $0xA00000;
	s30 =	sshll.u32 s2, $0x7;
	s10 =	sshll.u32 s2, $0xE  }
0xd: {  	p0 =	slt.u32 s8, $0x11;
	s7 =	sadd.s32 s30, s7;
	s5 =	smax.u32 s9, $0x1  }
0xe: {  	s8 =	simm.s32 $0x2;
	s9 =	simm.s32 $0x80;
	s4 =	simm.s32 @!p0 $0x980000  }
0xf: {  	s6 =	sadd.s32 $0x18800, s7;
	s7 =	sadd.s32 s10, s31;
	s10 =	simm.s32 $0x400  }
.LBB2_1:
0x10: {  	[tilespmem:s1], [sflag:$0x2] =	stream.linear.gather [hbm4b:s6+s1], $0x400, $0x38;
	[tilespmem:$0x8400] =	vst v63  }
0x11: {  	_ =	swait.ge [sflag:s8], $0x400  }
0x12: {  	[sflag:s8] =	ssyncset.done $0x0  }
0x13: {  	[sflag:s8] =	ssyncadd.s32 $0xFFFFFC00  }
0x14: {  	[tilespmem:s10], [sflag:$0x1] =	stream.indirect.gather [hbm4b:s3+s9], $0x80, s1, s9, $0xb8;
	[tilespmem:$0x8400] =	vst v63  }
0x15: {  	_ = 	snop  }
0x16: {  	[tilespmem:s11], [sflag:$0x1] =	stream.indirect.gather [hbm4b:s3+s9], $0x80, s9, s9, $0xb8;
	[tilespmem:$0x8400] =	vst v63  }
0x17: {  	_ =	swait.ge [sflag:s12], $0x4000  }
0x18: {  	[sflag:s12] =	ssyncset.done $0x0  }
0x19: {  	[sflag:s12] =	ssyncadd.s32 $0xFFFFC000  }
0x1a: {  	_ =	swait.ge [sflag:s12], $0x4000  }
0x1b: {  	[sflag:s12] =	ssyncset.done $0x0  }
0x1c: {  	s20 =	sadd.s32 $0x0, s7;
	[sflag:s12] =	ssyncadd.s32 $0xFFFFC000  }
0x1d: {  	[hbm4b:s20+s1] =	stream.linear.scatter [tilespmem:s10], [sflag:$0x2], $0x8000, $0x38;
	[tilespmem:$0x8400] =	vst v63  }
0x1e: {  	_ =	swait.ge [sflag:s8], $0x8000  }
0x1f: {  	[sflag:s8] =	ssyncset.done $0x0  }
0x20: {  	[sflag:s8] =	ssyncadd.s32 $0xFFFF8000  }
0x21: {  	[tilespmem:s10], [sflag:$0x1] =	stream.indirect.gather [hbm4b:s3+s9], $0x80, s13, s9, $0xb8;
	[tilespmem:$0x8400] =	vst v63  }
0x22: {  	_ = 	snop  }
0x23: {  	[tilespmem:s11], [sflag:$0x1] =	stream.indirect.gather [hbm4b:s3+s9], $0x80, s14, s9, $0xb8;
	[tilespmem:$0x8400] =	vst v63  }
0x24: {  	_ =	swait.ge [sflag:s12], $0x4000  }
0x25: {  	[sflag:s12] =	ssyncset.done $0x0  }
0x26: {  	[sflag:s12] =	ssyncadd.s32 $0xFFFFC000  }
0x27: {  	_ =	swait.ge [sflag:s12], $0x4000  }
0x28: {  	[sflag:s12] =	ssyncset.done $0x0  }
0x29: {  	s21 =	sadd.s32 $0x1000, s20;
	[sflag:s12] =	ssyncadd.s32 $0xFFFFC000  }
0x2a: {  	[hbm4b:s21+s1] =	stream.linear.scatter [tilespmem:s10], [sflag:$0x2], $0x8000, $0x38;
	[tilespmem:$0x8400] =	vst v63  }
0x2b: {  	_ =	swait.ge [sflag:s8], $0x8000  }
0x2c: {  	[sflag:s8] =	ssyncset.done $0x0  }
0x2d: {  	[sflag:s8] =	ssyncadd.s32 $0xFFFF8000  }
0x2e: {  	[tilespmem:s10], [sflag:$0x1] =	stream.indirect.gather [hbm4b:s3+s9], $0x80, s15, s9, $0xb8;
	[tilespmem:$0x8400] =	vst v63  }
0x2f: {  	_ = 	snop  }
0x30: {  	[tilespmem:s11], [sflag:$0x1] =	stream.indirect.gather [hbm4b:s3+s9], $0x80, s16, s9, $0xb8;
	[tilespmem:$0x8400] =	vst v63  }
0x31: {  	_ =	swait.ge [sflag:s12], $0x4000  }
0x32: {  	[sflag:s12] =	ssyncset.done $0x0  }
0x33: {  	[sflag:s12] =	ssyncadd.s32 $0xFFFFC000  }
0x34: {  	_ =	swait.ge [sflag:s12], $0x4000  }
0x35: {  	[sflag:s12] =	ssyncset.done $0x0  }
0x36: {  	s31 =	sadd.s32 $0x2000, s20;
	[sflag:s12] =	ssyncadd.s32 $0xFFFFC000  }
0x37: {  	[hbm4b:s31+s1] =	stream.linear.scatter [tilespmem:s10], [sflag:$0x2], $0x8000, $0x38;
	[tilespmem:$0x8400] =	vst v63  }
0x38: {  	_ =	swait.ge [sflag:s8], $0x8000  }
0x39: {  	[sflag:s8] =	ssyncset.done $0x0  }
0x3a: {  	[sflag:s8] =	ssyncadd.s32 $0xFFFF8000  }
0x3b: {  	[tilespmem:s10], [sflag:$0x1] =	stream.indirect.gather [hbm4b:s3+s9], $0x80, s17, s9, $0xb8;
	[tilespmem:$0x8400] =	vst v63  }
0x3c: {  	_ = 	snop  }
0x3d: {  	[tilespmem:s11], [sflag:$0x1] =	stream.indirect.gather [hbm4b:s3+s9], $0x80, s18, s9, $0xb8;
	[tilespmem:$0x8400] =	vst v63  }
0x3e: {  	_ =	swait.ge [sflag:s12], $0x4000  }
0x3f: {  	[sflag:s12] =	ssyncset.done $0x0  }
0x40: {  	[sflag:s12] =	ssyncadd.s32 $0xFFFFC000  }
0x41: {  	p0 =	sne.s32 s4, $0x80000;
	_ =	swait.ge [sflag:s12], $0x4000  }
.Ltmp0:
0x42: {  	[sflag:s12] =	ssyncset.done $0x0;
	(pc) =	sbr.rel @!p0 .LBB2_3-.Ltmp0, $4  }
0x43: {  	s20 =	sadd.s32 $0x3000, s20;
	[sflag:s12] =	ssyncadd.s32 $0xFFFFC000  }
0x44: {  	[hbm4b:s20+s1] =	stream.linear.scatter [tilespmem:s10], [sflag:$0x2], $0x8000, $0x38;
	[tilespmem:$0x8400] =	vst v63  }
0x45: {  	_ =	swait.ge [sflag:s8], $0x8000  }
0x46: {  	s21 =	smov.u32 s6;
	s20 =	simm.s32 $0x80000;
	[sflag:s8] =	ssyncset.done $0x0  }
.LBB2_2:
0x47: {  	[sflag:s8] =	ssyncadd.s32 $0xFFFF8000  }
0x48: {  	s21 =	sadd.s32 $0x1000, s21;
	s22 =	smov.u32 s20;
	s20 =	sadd.s32 $0x80000, s20  }
0x49: {  	[tilespmem:s1], [sflag:$0x2] =	stream.linear.gather [hbm4b:s21+s1], $0x400, $0x38;
	[tilespmem:$0x8400] =	vst v63  }
0x4a: {  	p0 =	sne.s32 s4, s20;
	_ =	swait.ge [sflag:s8], $0x400  }
0x4b: {  	[sflag:s8] =	ssyncset.done $0x0  }
0x4c: {  	[sflag:s8] =	ssyncadd.s32 $0xFFFFFC00  }
0x4d: {  	[tilespmem:s10], [sflag:$0x1] =	stream.indirect.gather [hbm4b:s3+s9], $0x80, s1, s9, $0xb8;
	[tilespmem:$0x8400] =	vst v63  }
0x4e: {  	_ = 	snop  }
0x4f: {  	[tilespmem:s11], [sflag:$0x1] =	stream.indirect.gather [hbm4b:s3+s9], $0x80, s9, s9, $0xb8;
	[tilespmem:$0x8400] =	vst v63  }
0x50: {  	_ =	swait.ge [sflag:s12], $0x4000  }
0x51: {  	[sflag:s12] =	ssyncset.done $0x0  }
0x52: {  	[sflag:s12] =	ssyncadd.s32 $0xFFFFC000  }
0x53: {  	_ =	swait.ge [sflag:s12], $0x4000  }
0x54: {  	[sflag:s12] =	ssyncset.done $0x0  }
0x55: {  	s22 =	sadd.s32 s22, s7;
	[sflag:s12] =	ssyncadd.s32 $0xFFFFC000  }
0x56: {  	[hbm4b:s22+s1] =	stream.linear.scatter [tilespmem:s10], [sflag:$0x2], $0x8000, $0x38;
	[tilespmem:$0x8400] =	vst v63  }
0x57: {  	_ =	swait.ge [sflag:s8], $0x8000  }
0x58: {  	[sflag:s8] =	ssyncset.done $0x0  }
0x59: {  	[sflag:s8] =	ssyncadd.s32 $0xFFFF8000  }
0x5a: {  	[tilespmem:s10], [sflag:$0x1] =	stream.indirect.gather [hbm4b:s3+s9], $0x80, s13, s9, $0xb8;
	[tilespmem:$0x8400] =	vst v63  }
0x5b: {  	_ = 	snop  }
0x5c: {  	[tilespmem:s11], [sflag:$0x1] =	stream.indirect.gather [hbm4b:s3+s9], $0x80, s14, s9, $0xb8;
	[tilespmem:$0x8400] =	vst v63  }
0x5d: {  	_ =	swait.ge [sflag:s12], $0x4000  }
0x5e: {  	[sflag:s12] =	ssyncset.done $0x0  }
0x5f: {  	[sflag:s12] =	ssyncadd.s32 $0xFFFFC000  }
0x60: {  	_ =	swait.ge [sflag:s12], $0x4000  }
0x61: {  	[sflag:s12] =	ssyncset.done $0x0  }
0x62: {  	s23 =	sadd.s32 $0x1000, s22;
	[sflag:s12] =	ssyncadd.s32 $0xFFFFC000  }
0x63: {  	[hbm4b:s23+s1] =	stream.linear.scatter [tilespmem:s10], [sflag:$0x2], $0x8000, $0x38;
	[tilespmem:$0x8400] =	vst v63  }
0x64: {  	_ =	swait.ge [sflag:s8], $0x8000  }
0x65: {  	[sflag:s8] =	ssyncset.done $0x0  }
0x66: {  	[sflag:s8] =	ssyncadd.s32 $0xFFFF8000  }
0x67: {  	[tilespmem:s10], [sflag:$0x1] =	stream.indirect.gather [hbm4b:s3+s9], $0x80, s15, s9, $0xb8;
	[tilespmem:$0x8400] =	vst v63  }
0x68: {  	_ = 	snop  }
0x69: {  	[tilespmem:s11], [sflag:$0x1] =	stream.indirect.gather [hbm4b:s3+s9], $0x80, s16, s9, $0xb8;
	[tilespmem:$0x8400] =	vst v63  }
0x6a: {  	_ =	swait.ge [sflag:s12], $0x4000  }
0x6b: {  	[sflag:s12] =	ssyncset.done $0x0  }
0x6c: {  	[sflag:s12] =	ssyncadd.s32 $0xFFFFC000  }
0x6d: {  	_ =	swait.ge [sflag:s12], $0x4000  }
0x6e: {  	[sflag:s12] =	ssyncset.done $0x0  }
0x6f: {  	s23 =	sadd.s32 $0x2000, s22;
	[sflag:s12] =	ssyncadd.s32 $0xFFFFC000  }
0x70: {  	[hbm4b:s23+s1] =	stream.linear.scatter [tilespmem:s10], [sflag:$0x2], $0x8000, $0x38;
	[tilespmem:$0x8400] =	vst v63  }
0x71: {  	_ =	swait.ge [sflag:s8], $0x8000  }
0x72: {  	[sflag:s8] =	ssyncset.done $0x0  }
0x73: {  	[sflag:s8] =	ssyncadd.s32 $0xFFFF8000  }
0x74: {  	[tilespmem:s10], [sflag:$0x1] =	stream.indirect.gather [hbm4b:s3+s9], $0x80, s17, s9, $0xb8;
	[tilespmem:$0x8400] =	vst v63  }
0x75: {  	_ = 	snop  }
0x76: {  	[tilespmem:s11], [sflag:$0x1] =	stream.indirect.gather [hbm4b:s3+s9], $0x80, s18, s9, $0xb8;
	[tilespmem:$0x8400] =	vst v63  }
0x77: {  	_ =	swait.ge [sflag:s12], $0x4000  }
0x78: {  	[sflag:s12] =	ssyncset.done $0x0  }
0x79: {  	[sflag:s12] =	ssyncadd.s32 $0xFFFFC000  }
0x7a: {  	_ =	swait.ge [sflag:s12], $0x4000  }
.Ltmp1:
0x7b: {  	[sflag:s12] =	ssyncset.done $0x0;
	(pc) =	sbr.rel @p0 .LBB2_2-.Ltmp1, $4  }
0x7c: {  	s22 =	sadd.s32 $0x3000, s22;
	[sflag:s12] =	ssyncadd.s32 $0xFFFFC000  }
0x7d: {  	[hbm4b:s22+s1] =	stream.linear.scatter [tilespmem:s10], [sflag:$0x2], $0x8000, $0x38;
	[tilespmem:$0x8400] =	vst v63  }
0x7e: {  	_ =	swait.ge [sflag:s8], $0x8000  }
0x7f: {  	[sflag:s8] =	ssyncset.done $0x0  }
.LBB2_3:
0x80: {  	s19 =	sadd.s32 $0x1, s19  }
0x81: {  	p0 =	sne.s32 s19, s5  }
.Ltmp2:
0x82: {  	_ = 	snop;
	(pc) =	sbr.rel @p0 .LBB2_1-.Ltmp2, $2  }
0x83: {  	_ =	sdelay $0x2  }
0x84: {  	[sflag:s8] =	ssyncadd.s32 $0xFFFF8000  }
0x85: {  	_ =	sfence.sel $0x180000  }
0x86: {  	[bflag:$0x0] =	sbarrier.arrive $0xFFFF  }
0x87: {  	p0 =	sne.s32 s2, $0x0;
	_ =	strace $0x9000004A  }
0x88: {  	s0 =	sadd.s32 @!p0 $0x100000, s0;
	[bflag:$0x2] =	sbarrier.arrive $0xFFFF  }
0x89: {  	[sflag:s0] =	ssyncadd.tile.s32 @!p0 $0x1;
	_ =	shalt  }
.Lfunc_end2:
_tile_overlayer_lowered:
.L_overlay_start_2:
0x8a: {  	(tag) =	ssettag $0x2  }
0x8b: {  	s0 =	rddreg [dreg:$0x0];
	s2 =	stileid.u32  }
0x8c: {  	s1 =	rddreg [dreg:$0x1];
	p0 =	sne.s32 s2, $0x0  }
0x8d: {  	s3 =	rddreg [dreg:$0x2];
	[bflag:$0x3] =	sbarrier.arrive $0xFFFF;
	s2 =	simm.s32 @!p0 $0x1C02  }
0x8e: {  	[timem:s3], [sflag:s2] =	dma.local @!p0 [hbm:s0], s1  }
0x8f: {  	s0 =	simm.s32 @!p0 $0x2  }
0x90: {  	_ =	swait.ge @!p0 [sflag:s0], s1  }
0x91: {  	s1 =	ssub.s32 @!p0 $0x0, s1;
	[sflag:s0] =	ssyncset.done @!p0 $0x0  }
0x92: {  	[sflag:s0] =	ssyncadd.s32 @!p0 s1  }
0x93: {  	[bflag:$0x3] =	sbarrier.arrive $0xFFFF  }
0x94: {  	_ =	shalt  }

</sc_bundles>
